<compile_context>
chip_gen: v7x
topology: tpu7x:2x2x1
jax: 0.10.2.dev20260603
libtpu: 0.0.44.dev20260713+nightly
codegen_flags: <defaults>
</compile_context>

<pallas_src>
import jax
import jax.numpy as jnp
from jax import lax
from jax.experimental import pallas as pl
from jax.experimental.pallas import tpu as pltpu
from jax.experimental.pallas import tpu_sc as plsc

N = 10000
E = 160000
D = 256
DE = 16

NC = 2
NS = 16
CG = 32
NP = 4
ET = E // NS
C = 400
NCHUNK = ET // C
NOWN = 10
RPT = N // NOWN
ZR = 200
AUXW = 16


def _tc1_body(x_ref, wi_ref, bi_ref, bh_ref, w_ref, asrc_ref, adst_ref,
              eat_ref, wet_ref, ae_ref, hp_ref, as_ref, ad_ref, ee_ref):
    v_row = jnp.dot(ae_ref[...], wet_ref[...],
                    preferred_element_type=jnp.float32)
    ee_ref[...] = jnp.dot(v_row, eat_ref[...],
                          preferred_element_type=jnp.float32)
    x = x_ref[...]
    g = jnp.dot(x, wi_ref[...], preferred_element_type=jnp.float32) + bi_ref[...]
    gr = g[:, :D]
    gz = g[:, D:2 * D]
    gn = g[:, 2 * D:]
    br = bh_ref[:, :D]
    bz = bh_ref[:, D:2 * D]
    bn = bh_ref[:, 2 * D:]
    r = jax.nn.sigmoid(gr + br)
    z = jax.nn.sigmoid(gz + bz)
    n = jnp.tanh(gn + r * bn)
    h = (1.0 - z) * n
    hp = jnp.dot(h, w_ref[...], preferred_element_type=jnp.float32)
    for j in range(8):
        hp_ref[j] = hp[:, j * CG:(j + 1) * CG]
    as_ref[...] = jnp.dot(hp, asrc_ref[...], preferred_element_type=jnp.float32)
    ad_ref[...] = jnp.dot(hp, adst_ref[...], preferred_element_type=jnp.float32)


def _tc1(x, Wi, bi, bh, W, a_src, a_dst, edge_attr, We, a_e):
    bn = 1000
    be = E // (N // bn)
    grid = (N // bn,)
    full = lambda shape: pl.BlockSpec(shape, lambda i: (0,) * len(shape))
    return pl.pallas_call(
        _tc1_body,
        grid=grid,
        in_specs=[
            pl.BlockSpec((bn, D), lambda i: (i, 0)),
            full((D, 3 * D)),
            full((1, 3 * D)),
            full((1, 3 * D)),
            full((D, D)),
            full((D, 1)),
            full((D, 1)),
            pl.BlockSpec((DE, be), lambda i: (0, i)),
            full((D, DE)),
            full((1, D)),
        ],
        out_specs=[
            pl.BlockSpec((8, bn, CG), lambda i: (0, i, 0)),
            pl.BlockSpec((bn, 1), lambda i: (i, 0)),
            pl.BlockSpec((bn, 1), lambda i: (i, 0)),
            pl.BlockSpec((1, be), lambda i: (0, i)),
        ],
        out_shape=[
            jax.ShapeDtypeStruct((8, N, CG), jnp.float32),
            jax.ShapeDtypeStruct((N, 1), jnp.float32),
            jax.ShapeDtypeStruct((N, 1), jnp.float32),
            jax.ShapeDtypeStruct((1, E), jnp.float32),
        ],
    )(x, Wi, bi.reshape(1, 3 * D), bh.reshape(1, 3 * D), W,
      a_src.reshape(D, 1), a_dst.reshape(D, 1), edge_attr.T, We.T,
      a_e.reshape(1, D))


def _sc_body(ei_hbm, ee_hbm, ea_hbm, hp_hbm, as_hbm, ad_hbm,
             u_out, aux_out,
             as_t, ad_t, src_t, dst_t, ee_t, wfull, eab, rows_a, rows_b,
             auxb, u_sh, aux_sh, sem_a, sem_b):
    c = lax.axis_index("c")
    s = lax.axis_index("s")
    zero16 = jnp.zeros((16,), jnp.float32)
    lane = lax.broadcasted_iota(jnp.int32, (16,), 0)
    lane0 = lane == 0
    base_t = s * ET

    def ld_body(k, carry):
        pltpu.async_copy(ei_hbm.at[0, pl.ds(base_t + k * C, C)],
                         src_t.at[k], sem_a)
        pltpu.async_copy(ei_hbm.at[1, pl.ds(base_t + k * C, C)],
                         dst_t.at[k], sem_a)
        return carry

    lax.fori_loop(0, NCHUNK, ld_body, 0)
    pltpu.async_copy(ee_hbm.at[pl.ds(base_t, ET)], ee_t, sem_a)
    pltpu.async_copy(as_hbm, as_t, sem_a)
    pltpu.async_copy(ad_hbm, ad_t, sem_a)

    def zero_u(zero_aux):
        @plsc.parallel_loop(0, C, unroll=8)
        def _(e):
            for j in range(CG // 16):
                rows_a[e, pl.ds(j * 16, 16)] = zero16

        if zero_aux:
            @plsc.parallel_loop(0, C, unroll=8)
            def _(e):
                auxb[e, pl.ds(0, 16)] = zero16

        @pl.when(s < NOWN)
        def _():
            def zcp_body(k, carry):
                off = s * RPT + k * ZR
                pltpu.async_copy(rows_a.at[pl.ds(0, ZR)],
                                 u_sh.at[pl.ds(off, ZR)], sem_b)
                if zero_aux:
                    pltpu.async_copy(auxb.at[pl.ds(0, ZR)],
                                     aux_sh.at[pl.ds(off, ZR)], sem_b)
                return carry

            lax.fori_loop(0, RPT // ZR, zcp_body, 0)

            def zcp_wait(k, carry):
                off = s * RPT + k * ZR
                pltpu.make_async_copy(rows_a.at[pl.ds(0, ZR)],
                                      u_sh.at[pl.ds(off, ZR)], sem_b).wait()
                if zero_aux:
                    pltpu.make_async_copy(auxb.at[pl.ds(0, ZR)],
                                          aux_sh.at[pl.ds(off, ZR)],
                                          sem_b).wait()
                return carry

            lax.fori_loop(0, RPT // ZR, zcp_wait, 0)

    zero_u(True)

    def ld_wait(k, carry):
        pltpu.make_async_copy(ei_hbm.at[0, pl.ds(base_t + k * C, C)],
                              src_t.at[k], sem_a).wait()
        pltpu.make_async_copy(ei_hbm.at[1, pl.ds(base_t + k * C, C)],
                              dst_t.at[k], sem_a).wait()
        return carry

    lax.fori_loop(0, NCHUNK, ld_wait, 0)
    pltpu.make_async_copy(ee_hbm.at[pl.ds(base_t, ET)], ee_t, sem_a).wait()
    pltpu.make_async_copy(as_hbm, as_t, sem_a).wait()
    pltpu.make_async_copy(ad_hbm, ad_t, sem_a).wait()

    def w_body(k, carry):
        for v in range(C // 16):
            sl = pl.ds(v * 16, 16)
            logit = (plsc.load_gather(as_t, [src_t[k, sl]]) +
                     plsc.load_gather(ad_t, [dst_t[k, sl]]) +
                     ee_t[pl.ds(k * C + v * 16, 16)])
            logit = jnp.where(logit >= 0.0, logit, 0.2 * logit)
            wfull[pl.ds(k * C + v * 16, 16)] = jnp.exp(logit)
        return carry

    lax.fori_loop(0, NCHUNK, w_body, 0)
    plsc.subcore_barrier()

    def gather_rows(p, k, rows, sem):
        pltpu.async_copy(hp_hbm.at[NP * c + p].at[src_t.at[k]], rows, sem)

    def wait_rows(p, k, rows, sem):
        pltpu.make_async_copy(hp_hbm.at[NP * c + p].at[src_t.at[k]], rows,
                              sem).wait()

    def scale_chunk(k, rows):
        @plsc.parallel_loop(0, C, unroll=8)
        def _(e):
            wsp = plsc.load_gather(wfull, [lax.broadcast(k * C + e, (16,))])
            for j in range(CG // 16):
                sl = pl.ds(j * 16, 16)
                rows[e, sl] = rows[e, sl] * wsp

    def aux_chunk(p, k):
        if p == 0:
            @pl.when(c == 0)
            def _():
                pltpu.sync_copy(ea_hbm.at[pl.ds(base_t + k * C, C)], eab)

                @plsc.parallel_loop(0, C, unroll=8)
                def _(e):
                    wsp = plsc.load_gather(
                        wfull, [lax.broadcast(k * C + e, (16,))])
                    auxb[e, pl.ds(0, 16)] = eab[e, pl.ds(0, 16)] * wsp

            @pl.when(c == 1)
            def _():
                @plsc.parallel_loop(0, C, unroll=8)
                def _(e):
                    wsp = plsc.load_gather(
                        wfull, [lax.broadcast(k * C + e, (16,))])
                    auxb[e, pl.ds(0, 16)] = jnp.where(lane0, wsp, 0.0)

            pltpu.sync_copy(auxb, aux_sh.at[dst_t.at[k]], add=True)

    def scatter_start(k, rows, sem):
        pltpu.async_copy(rows, u_sh.at[dst_t.at[k]], sem, add=True)

    def scatter_wait(k, rows, sem):
        pltpu.make_async_copy(rows, u_sh.at[dst_t.at[k]], sem).wait()

    for p in range(NP):
        gather_rows(p, 0, rows_a, sem_a)

        def pair_body(i, carry):
            k0 = 2 * i
            k1 = 2 * i + 1
            k2 = 2 * i + 2

            @pl.when(i > 0)
            def _():
                scatter_wait(k0 - 1, rows_b, sem_b)

            @pl.when(k1 < NCHUNK)
            def _():
                gather_rows(p, k1, rows_b, sem_b)

            wait_rows(p, k0, rows_a, sem_a)
            scale_chunk(k0, rows_a)
            scatter_start(k0, rows_a, sem_a)
            aux_chunk(p, k0)

            @pl.when(k1 < NCHUNK)
            def _():
                wait_rows(p, k1, rows_b, sem_b)
                scale_chunk(k1, rows_b)

            scatter_wait(k0, rows_a, sem_a)

            @pl.when(k2 < NCHUNK)
            def _():
                gather_rows(p, k2, rows_a, sem_a)

            @pl.when(k1 < NCHUNK)
            def _():
                scatter_start(k1, rows_b, sem_b)
                aux_chunk(p, k1)

            return carry

        lax.fori_loop(0, (NCHUNK + 1) // 2, pair_body, 0)
        plsc.subcore_barrier()

        @pl.when(s < NOWN)
        def _():
            off = s * RPT
            g = NP * c + p
            pltpu.sync_copy(u_sh.at[pl.ds(off, RPT)],
                            u_out.at[g, pl.ds(off, RPT)])
            if p == 0:
                pltpu.sync_copy(aux_sh.at[pl.ds(off, RPT)],
                                aux_out.at[c, pl.ds(off, RPT)])

        if p < NP - 1:
            plsc.subcore_barrier()
            zero_u(False)
            plsc.subcore_barrier()


def _sc_pass(edge_index, ee, edge_attr, hp8, as_n, ad_n):
    mesh = plsc.VectorSubcoreMesh(core_axis_name="c", subcore_axis_name="s")
    fn = pl.kernel(
        _sc_body,
        out_type=[
            jax.ShapeDtypeStruct((2 * NP, N, CG), jnp.float32),
            jax.ShapeDtypeStruct((NC, N, AUXW), jnp.float32),
        ],
        mesh=mesh,
        scratch_types=[
            pltpu.VMEM((N,), jnp.float32),
            pltpu.VMEM((N,), jnp.float32),
            pltpu.VMEM((NCHUNK, C), jnp.int32),
            pltpu.VMEM((NCHUNK, C), jnp.int32),
            pltpu.VMEM((ET,), jnp.float32),
            pltpu.VMEM((ET,), jnp.float32),
            pltpu.VMEM((C, DE), jnp.float32),
            pltpu.VMEM((C, CG), jnp.float32),
            pltpu.VMEM((C, CG), jnp.float32),
            pltpu.VMEM((C, AUXW), jnp.float32),
            pltpu.VMEM_SHARED((N, CG), jnp.float32),
            pltpu.VMEM_SHARED((N, AUXW), jnp.float32),
            pltpu.SemaphoreType.DMA,
            pltpu.SemaphoreType.DMA,
        ],
        compiler_params=pltpu.CompilerParams(needs_layout_passes=False,
                                             use_tc_tiling_on_sc=False),
    )
    return fn(edge_index, ee, edge_attr, hp8, as_n, ad_n)


def _tc3_body(u_ref, aux_ref, we_ref, wp_ref, bp_ref, out_ref,
              sum_acc, max_acc):
    i = pl.program_id(0)
    s16 = aux_ref[0]
    denom = aux_ref[1][:, 0:1]
    conv = jnp.concatenate([u_ref[j] for j in range(2 * NP)], axis=1)
    conv = conv + jnp.dot(s16, we_ref[...], preferred_element_type=jnp.float32)
    node = conv / (denom + 1e-9)
    act = jnp.where(node > 0.0, node, jnp.exp(node) - 1.0)

    @pl.when(i == 0)
    def _():
        sum_acc[...] = jnp.zeros_like(sum_acc)
        max_acc[...] = jnp.full_like(max_acc, -jnp.inf)

    sum_acc[...] += jnp.sum(act, axis=0, keepdims=True)
    max_acc[...] = jnp.maximum(max_acc[...], jnp.max(act, axis=0, keepdims=True))

    @pl.when(i == pl.num_programs(0) - 1)
    def _():
        pooled = jnp.concatenate([sum_acc[...] / N, max_acc[...]], axis=1)
        out_ref[...] = (jnp.dot(pooled, wp_ref[...],
                                preferred_element_type=jnp.float32) + bp_ref[...])


def _tc3(U8, aux2, We, Wp, bp):
    bn = 1000
    grid = (N // bn,)
    return pl.pallas_call(
        _tc3_body,
        grid=grid,
        in_specs=[
            pl.BlockSpec((2 * NP, bn, CG), lambda i: (0, i, 0)),
            pl.BlockSpec((NC, bn, AUXW), lambda i: (0, i, 0)),
            pl.BlockSpec((DE, D), lambda i: (0, 0)),
            pl.BlockSpec((2 * D, D), lambda i: (0, 0)),
            pl.BlockSpec((1, D), lambda i: (0, 0)),
        ],
        out_specs=pl.BlockSpec((1, D), lambda i: (0, 0)),
        out_shape=jax.ShapeDtypeStruct((1, D), jnp.float32),
        scratch_shapes=[
            pltpu.VMEM((1, D), jnp.float32),
            pltpu.VMEM((1, D), jnp.float32),
        ],
    )(U8, aux2, We, Wp, bp.reshape(1, D))


def kernel(x, edge_index, edge_attr, Wi, bi, bh, W, We, a_src, a_dst, a_e,
           Wp, bp):
    hp8, as2, ad2, ee2 = _tc1(x, Wi, bi, bh, W, a_src, a_dst,
                              edge_attr, We, a_e)
    U8, aux2 = _sc_pass(edge_index, ee2.reshape(E), edge_attr, hp8,
                        as2.reshape(N), ad2.reshape(N))
    out = _tc3(U8, aux2, We, Wp, bp)
    return out.reshape(D)

# --- scband reference (transcript-rebuilt; emitter-appended) ---
"""Pipeline reference for scband-word-graph-model-56985626083968 (READ-ONLY COPY).

The authoritative reference and input builder live on the scoring server;
editing this copy changes nothing except your own understanding.
"""

import jax, jax.numpy as jnp
import numpy as np

N = 10000
E = 160000
D = 256      # input_dim == hidden_dim == conv_dim
DE = 16      # edge feature dim
OUT = 256    # output_dim


def setup_inputs(seed: int = 0) -> dict:
    key = jax.random.key(seed)
    ks = jax.random.split(key, 14)
    s = 1.0 / np.sqrt(D)
    inp = {}
    inp["x"] = jax.random.normal(ks[0], (N, D), dtype=jnp.float32)
    inp["edge_index"] = jax.random.randint(ks[1], (2, E), 0, N, dtype=jnp.int32)
    inp["edge_attr"] = jax.random.normal(ks[2], (E, DE), dtype=jnp.float32)
    # GRUBlock params (single-step GRUCell, zero initial hidden state)
    inp["Wi"] = jax.random.normal(ks[3], (D, 3 * D), dtype=jnp.float32) * s
    inp["bi"] = jnp.zeros((3 * D,), dtype=jnp.float32)
    inp["bh"] = jnp.zeros((3 * D,), dtype=jnp.float32)
    # GraphAttentionBlock params (edge-featured GAT, single head)
    inp["W"] = jax.random.normal(ks[4], (D, D), dtype=jnp.float32) * s
    inp["We"] = jax.random.normal(ks[5], (DE, D), dtype=jnp.float32) * (1.0 / np.sqrt(DE))
    inp["a_src"] = jax.random.normal(ks[6], (D,), dtype=jnp.float32) * s
    inp["a_dst"] = jax.random.normal(ks[7], (D,), dtype=jnp.float32) * s
    inp["a_e"] = jax.random.normal(ks[8], (D,), dtype=jnp.float32) * s
    # proj: Linear(conv_dim * 2, output_dim)
    inp["Wp"] = jax.random.normal(ks[9], (2 * D, OUT), dtype=jnp.float32) * (1.0 / np.sqrt(2 * D))
    inp["bp"] = jnp.zeros((OUT,), dtype=jnp.float32)
    return inp


def reference(x, edge_index, edge_attr, Wi, bi, bh, W, We, a_src, a_dst, a_e, Wp, bp):
    # --- GRUBlock: single-step GRUCell with zero initial hidden state ---
    g = x @ Wi + bi                       # [N, 3D]
    gr, gz, gn = jnp.split(g, 3, axis=1)
    br, bz, bn = jnp.split(bh, 3)
    r = jax.nn.sigmoid(gr + br)
    z = jax.nn.sigmoid(gz + bz)
    n = jnp.tanh(gn + r * bn)
    h = (1.0 - z) * n                     # [N, D]
    # --- GraphAttentionBlock: GAT with edge features ---
    src = edge_index[0]
    dst = edge_index[1]
    hp = h @ W                            # [N, D]
    ep = edge_attr @ We                   # [E, D]
    logits = jax.nn.leaky_relu((hp @ a_src)[src] + (hp @ a_dst)[dst] + ep @ a_e, 0.2)  # [E]
    m = jax.ops.segment_max(logits, dst, num_segments=N)
    m = jnp.where(jnp.isfinite(m), m, 0.0)
    ex = jnp.exp(logits - m[dst])
    denom = jax.ops.segment_sum(ex, dst, num_segments=N)
    alpha = ex / (denom[dst] + 1e-9)      # [E]
    msg = alpha[:, None] * (hp[src] + ep) # [E, D]
    out = jax.ops.segment_sum(msg, dst, num_segments=N)  # [N, D]
    out = jax.nn.elu(out)
    # --- ReadoutLayer: mean + max global pooling -> [2D] ---
    pooled = jnp.concatenate([out.mean(axis=0), out.max(axis=0)], axis=0)
    # --- proj ---
    return pooled @ Wp + bp               # [OUT]

if __name__ == "__main__":
    import jax
    _d = setup_inputs()
    print(jax.jit(kernel)(*tuple(_d.values())))

</pallas_src>

<mosaic_0001>
#map = affine_map<(d0, d1) -> (0, 0)>
#map1 = affine_map<(d0, d1) -> (0)>
#map2 = affine_map<(d0, d1) -> (0, 0, 0)>
module attributes {stable_mosaic.version = 14 : i64} {
  func.func @_sc_body(%arg0: i32, %arg1: i32, %arg2: memref<2x160000xi32, #tpu.memory_space<hbm>>, %arg3: memref<160000xf32, #tpu.memory_space<hbm>>, %arg4: memref<160000x16xf32, #tpu.memory_space<hbm>>, %arg5: memref<8x10000x32xf32, #tpu.memory_space<hbm>>, %arg6: memref<10000xf32, #tpu.memory_space<hbm>>, %arg7: memref<10000xf32, #tpu.memory_space<hbm>>, %arg8: memref<8x10000x32xf32, #tpu.memory_space<hbm>>, %arg9: memref<2x10000x16xf32, #tpu.memory_space<hbm>>, %arg10: memref<10000xf32, #tpu.memory_space<vmem>>, %arg11: memref<10000xf32, #tpu.memory_space<vmem>>, %arg12: memref<25x400xi32, #tpu.memory_space<vmem>>, %arg13: memref<25x400xi32, #tpu.memory_space<vmem>>, %arg14: memref<10000xf32, #tpu.memory_space<vmem>>, %arg15: memref<10000xf32, #tpu.memory_space<vmem>>, %arg16: memref<400x16xf32, #tpu.memory_space<vmem>>, %arg17: memref<400x32xf32, #tpu.memory_space<vmem>>, %arg18: memref<400x32xf32, #tpu.memory_space<vmem>>, %arg19: memref<400x16xf32, #tpu.memory_space<vmem>>, %arg20: memref<10000x32xf32, #tpu.memory_space<vmem_shared>>, %arg21: memref<10000x16xf32, #tpu.memory_space<vmem_shared>>, %arg22: memref<!tpu.dma_semaphore, #tpu.memory_space<semaphore_mem>>, %arg23: memref<!tpu.dma_semaphore, #tpu.memory_space<semaphore_mem>>) attributes {dimension_semantics = [#tpu.dimension_semantics<core_parallel>, #tpu.dimension_semantics<subcore_parallel>], iteration_bounds = array<i64: 2, 16>, scalar_prefetch = 0 : i64, scratch_operands = 14 : i64, tpu.core_type = #tpu.core_type<sc_vector_subcore>, window_params = [{transform_indices = #map}, {transform_indices = #map1}, {transform_indices = #map}, {transform_indices = #map2}, {transform_indices = #map1}, {transform_indices = #map1}, {transform_indices = #map2}, {transform_indices = #map2}]} {
    %broadcast_in_dim3A = arith.constant 0.000000e+00 : f32
    %broadcast_in_dim3A_0 = vector.broadcast %broadcast_in_dim3A : f32 to vector<16xf32>
    %iota3A = tpu.iota {dimensions = array<i32: 0>} : vector<16xi32>
    %eq3A = arith.constant 0 : i32
    %eq3A_1 = vector.broadcast %eq3A : i32 to vector<16xi32>
    %eq3A_2 = arith.cmpi eq, %iota3A, %eq3A_1 : vector<16xi32>
    %mul3A = arith.constant 10000 : i32
    %mul3A_3 = arith.muli %arg1, %mul3A : i32
    %scan3A = arith.constant 0 : i32
    %scan3A_4 = arith.constant 0 : i32
    %scan3A_5 = arith.constant 25 : i32
    %scan3A_6 = arith.addi %scan3A_4, %scan3A_5 : i32
    %scan3A_7 = arith.constant 1 : i32
    scf.for %scan3A_167 = %scan3A_4 to %scan3A_6 step %scan3A_7  : i32 {
      %mul3A_168 = arith.constant 400 : i32
      %mul3A_169 = arith.muli %scan3A_167, %mul3A_168 : i32
      %add3A_170 = arith.addi %mul3A_3, %mul3A_169 : i32
      %dma_start3A_171 = arith.constant 0 : i32
      %dma_start3A_172 = arith.constant 0 : i32
      %dma_start3A_173 = tpu.memref_slice %arg12[%scan3A_167, %dma_start3A_172] : memref<25x400xi32, #tpu.memory_space<vmem>> -> memref<1x400xi32, #tpu.memory_space<vmem>>
      %dma_start3A_174 = tpu.memref_squeeze %dma_start3A_173 : memref<1x400xi32, #tpu.memory_space<vmem>> -> memref<400xi32, #tpu.memory_space<vmem>>
      %dma_start3A_175 = tpu.memref_slice %arg2[%dma_start3A_171, %add3A_170] : memref<2x160000xi32, #tpu.memory_space<hbm>> -> memref<1x400xi32, #tpu.memory_space<hbm>>
      %dma_start3A_176 = tpu.memref_squeeze %dma_start3A_175 : memref<1x400xi32, #tpu.memory_space<hbm>> -> memref<400xi32, #tpu.memory_space<hbm>>
      %dma_start3A_177 = arith.constant 0 : i32
      %dma_start3A_178 = tpu.memref_slice %arg12[%scan3A_167, %dma_start3A_177] : memref<25x400xi32, #tpu.memory_space<vmem>> -> memref<1x400xi32, #tpu.memory_space<vmem>>
      %dma_start3A_179 = tpu.memref_squeeze %dma_start3A_178 : memref<1x400xi32, #tpu.memory_space<vmem>> -> memref<400xi32, #tpu.memory_space<vmem>>
      %dma_start3A_180 = tpu.memref_slice %arg2[%dma_start3A_171, %add3A_170] : memref<2x160000xi32, #tpu.memory_space<hbm>> -> memref<1x400xi32, #tpu.memory_space<hbm>>
      %dma_start3A_181 = tpu.memref_squeeze %dma_start3A_180 : memref<1x400xi32, #tpu.memory_space<hbm>> -> memref<400xi32, #tpu.memory_space<hbm>>
      tpu.enqueue_dma source(%dma_start3A_181 : memref<400xi32, #tpu.memory_space<hbm>>) target(%dma_start3A_179 : memref<400xi32, #tpu.memory_space<vmem>>) target_semaphore(%arg22 : memref<!tpu.dma_semaphore, #tpu.memory_space<semaphore_mem>>)
      %mul3A_182 = arith.constant 400 : i32
      %mul3A_183 = arith.muli %scan3A_167, %mul3A_182 : i32
      %add3A_184 = arith.addi %mul3A_3, %mul3A_183 : i32
      %dma_start3A_185 = arith.constant 1 : i32
      %dma_start3A_186 = arith.constant 0 : i32
      %dma_start3A_187 = tpu.memref_slice %arg13[%scan3A_167, %dma_start3A_186] : memref<25x400xi32, #tpu.memory_space<vmem>> -> memref<1x400xi32, #tpu.memory_space<vmem>>
      %dma_start3A_188 = tpu.memref_squeeze %dma_start3A_187 : memref<1x400xi32, #tpu.memory_space<vmem>> -> memref<400xi32, #tpu.memory_space<vmem>>
      %dma_start3A_189 = tpu.memref_slice %arg2[%dma_start3A_185, %add3A_184] : memref<2x160000xi32, #tpu.memory_space<hbm>> -> memref<1x400xi32, #tpu.memory_space<hbm>>
      %dma_start3A_190 = tpu.memref_squeeze %dma_start3A_189 : memref<1x400xi32, #tpu.memory_space<hbm>> -> memref<400xi32, #tpu.memory_space<hbm>>
      %dma_start3A_191 = arith.constant 0 : i32
      %dma_start3A_192 = tpu.memref_slice %arg13[%scan3A_167, %dma_start3A_191] : memref<25x400xi32, #tpu.memory_space<vmem>> -> memref<1x400xi32, #tpu.memory_space<vmem>>
      %dma_start3A_193 = tpu.memref_squeeze %dma_start3A_192 : memref<1x400xi32, #tpu.memory_space<vmem>> -> memref<400xi32, #tpu.memory_space<vmem>>
      %dma_start3A_194 = tpu.memref_slice %arg2[%dma_start3A_185, %add3A_184] : memref<2x160000xi32, #tpu.memory_space<hbm>> -> memref<1x400xi32, #tpu.memory_space<hbm>>
      %dma_start3A_195 = tpu.memref_squeeze %dma_start3A_194 : memref<1x400xi32, #tpu.memory_space<hbm>> -> memref<400xi32, #tpu.memory_space<hbm>>
      tpu.enqueue_dma source(%dma_start3A_195 : memref<400xi32, #tpu.memory_space<hbm>>) target(%dma_start3A_193 : memref<400xi32, #tpu.memory_space<vmem>>) target_semaphore(%arg22 : memref<!tpu.dma_semaphore, #tpu.memory_space<semaphore_mem>>)
    }
    %scan3A_8 = arith.constant 25 : i32
    %dma_start3A = tpu.memref_slice %arg3[%mul3A_3] : memref<160000xf32, #tpu.memory_space<hbm>> -> memref<10000xf32, #tpu.memory_space<hbm>>
    %dma_start3A_9 = tpu.memref_slice %arg3[%mul3A_3] : memref<160000xf32, #tpu.memory_space<hbm>> -> memref<10000xf32, #tpu.memory_space<hbm>>
    tpu.enqueue_dma source(%dma_start3A_9 : memref<10000xf32, #tpu.memory_space<hbm>>) target(%arg14 : memref<10000xf32, #tpu.memory_space<vmem>>) target_semaphore(%arg22 : memref<!tpu.dma_semaphore, #tpu.memory_space<semaphore_mem>>)
    tpu.enqueue_dma source(%arg6 : memref<10000xf32, #tpu.memory_space<hbm>>) target(%arg10 : memref<10000xf32, #tpu.memory_space<vmem>>) target_semaphore(%arg22 : memref<!tpu.dma_semaphore, #tpu.memory_space<semaphore_mem>>)
    tpu.enqueue_dma source(%arg7 : memref<10000xf32, #tpu.memory_space<hbm>>) target(%arg11 : memref<10000xf32, #tpu.memory_space<vmem>>) target_semaphore(%arg22 : memref<!tpu.dma_semaphore, #tpu.memory_space<semaphore_mem>>)
    %parallel_loop3A = arith.constant 0 : i32
    %parallel_loop3A_10 = arith.constant 400 : i32
    %parallel_loop3A_11 = arith.constant 1 : i32
    scf.for %parallel_loop3A_167 = %parallel_loop3A to %parallel_loop3A_10 step %parallel_loop3A_11  : i32 {
      %parallel_loop3A_168 = arith.index_cast %parallel_loop3A_167 : i32 to index
      %parallel_loop3A_169 = arith.constant 0 : index
      %parallel_loop3A_170 = tpu.vector_load %arg17[%parallel_loop3A_168, %parallel_loop3A_169] {strides = array<i32>} : memref<400x32xf32, #tpu.memory_space<vmem>>, vector<16xf32>,
      tpu.vector_store %arg17[%parallel_loop3A_168, %parallel_loop3A_169], %broadcast_in_dim3A_0 {strides = array<i32>} : memref<400x32xf32, #tpu.memory_space<vmem>>, vector<16xf32>,
      %parallel_loop3A_171 = arith.index_cast %parallel_loop3A_167 : i32 to index
      %parallel_loop3A_172 = arith.constant 16 : index
      %parallel_loop3A_173 = tpu.vector_load %arg17[%parallel_loop3A_171, %parallel_loop3A_172] {strides = array<i32>} : memref<400x32xf32, #tpu.memory_space<vmem>>, vector<16xf32>,
      tpu.vector_store %arg17[%parallel_loop3A_171, %parallel_loop3A_172], %broadcast_in_dim3A_0 {strides = array<i32>} : memref<400x32xf32, #tpu.memory_space<vmem>>, vector<16xf32>,
    } {sc.loop_unroll_factor = 8 : i64, sc.parallel_access}
    %parallel_loop3A_12 = arith.constant 0 : i32
    %parallel_loop3A_13 = arith.constant 400 : i32
    %parallel_loop3A_14 = arith.constant 1 : i32
    scf.for %parallel_loop3A_167 = %parallel_loop3A_12 to %parallel_loop3A_13 step %parallel_loop3A_14  : i32 {
      %parallel_loop3A_168 = arith.index_cast %parallel_loop3A_167 : i32 to index
      %parallel_loop3A_169 = arith.constant 0 : index
      %parallel_loop3A_170 = tpu.vector_load %arg19[%parallel_loop3A_168, %parallel_loop3A_169] {strides = array<i32>} : memref<400x16xf32, #tpu.memory_space<vmem>>, vector<16xf32>,
      tpu.vector_store %arg19[%parallel_loop3A_168, %parallel_loop3A_169], %broadcast_in_dim3A_0 {strides = array<i32>} : memref<400x16xf32, #tpu.memory_space<vmem>>, vector<16xf32>,
    } {sc.loop_unroll_factor = 8 : i64, sc.parallel_access}
    %lt3A = arith.constant 10 : i32
    %lt3A_15 = arith.cmpi slt, %arg1, %lt3A : i32
    %convert_element_type3A = arith.extui %lt3A_15 : i1 to i32
    %cond3A = arith.constant 0 : i32
    %cond3A_16 = arith.cmpi ne, %convert_element_type3A, %cond3A : i32
    scf.if %cond3A_16 {
      %scan3A_167 = arith.constant 0 : i32
      %scan3A_168 = arith.constant 0 : i32
      %scan3A_169 = arith.constant 5 : i32
      %scan3A_170 = arith.addi %scan3A_168, %scan3A_169 : i32
      %scan3A_171 = arith.constant 1 : i32
      scf.for %scan3A_179 = %scan3A_168 to %scan3A_170 step %scan3A_171  : i32 {
        %mul3A_180 = arith.constant 1000 : i32
        %mul3A_181 = arith.muli %arg1, %mul3A_180 : i32
        %mul3A_182 = arith.constant 200 : i32
        %mul3A_183 = arith.muli %scan3A_179, %mul3A_182 : i32
        %add3A_184 = arith.addi %mul3A_181, %mul3A_183 : i32
        %dma_start3A_185 = arith.constant 0 : i32
        %dma_start3A_186 = arith.constant 0 : i32
        %dma_start3A_187 = tpu.memref_slice %arg17[%dma_start3A_185, %dma_start3A_186] : memref<400x32xf32, #tpu.memory_space<vmem>> -> memref<200x32xf32, #tpu.memory_space<vmem>>
        %dma_start3A_188 = arith.constant 0 : i32
        %dma_start3A_189 = tpu.memref_slice %arg20[%add3A_184, %dma_start3A_188] : memref<10000x32xf32, #tpu.memory_space<vmem_shared>> -> memref<200x32xf32, #tpu.memory_space<vmem_shared>>
        %dma_start3A_190 = arith.constant 0 : i32
        %dma_start3A_191 = tpu.memref_slice %arg20[%add3A_184, %dma_start3A_190] : memref<10000x32xf32, #tpu.memory_space<vmem_shared>> -> memref<200x32xf32, #tpu.memory_space<vmem_shared>>
        %dma_start3A_192 = arith.constant 0 : i32
        %dma_start3A_193 = arith.constant 0 : i32
        %dma_start3A_194 = tpu.memref_slice %arg17[%dma_start3A_192, %dma_start3A_193] : memref<400x32xf32, #tpu.memory_space<vmem>> -> memref<200x32xf32, #tpu.memory_space<vmem>>
        tpu.enqueue_dma source(%dma_start3A_194 : memref<200x32xf32, #tpu.memory_space<vmem>>) target(%dma_start3A_191 : memref<200x32xf32, #tpu.memory_space<vmem_shared>>) target_semaphore(%arg23 : memref<!tpu.dma_semaphore, #tpu.memory_space<semaphore_mem>>)
        %dma_start3A_195 = arith.constant 0 : i32
        %dma_start3A_196 = arith.constant 0 : i32
        %dma_start3A_197 = tpu.memref_slice %arg19[%dma_start3A_195, %dma_start3A_196] : memref<400x16xf32, #tpu.memory_space<vmem>> -> memref<200x16xf32, #tpu.memory_space<vmem>>
        %dma_start3A_198 = arith.constant 0 : i32
        %dma_start3A_199 = tpu.memref_slice %arg21[%add3A_184, %dma_start3A_198] : memref<10000x16xf32, #tpu.memory_space<vmem_shared>> -> memref<200x16xf32, #tpu.memory_space<vmem_shared>>
        %dma_start3A_200 = arith.constant 0 : i32
        %dma_start3A_201 = tpu.memref_slice %arg21[%add3A_184, %dma_start3A_200] : memref<10000x16xf32, #tpu.memory_space<vmem_shared>> -> memref<200x16xf32, #tpu.memory_space<vmem_shared>>
        %dma_start3A_202 = arith.constant 0 : i32
        %dma_start3A_203 = arith.constant 0 : i32
        %dma_start3A_204 = tpu.memref_slice %arg19[%dma_start3A_202, %dma_start3A_203] : memref<400x16xf32, #tpu.memory_space<vmem>> -> memref<200x16xf32, #tpu.memory_space<vmem>>
        tpu.enqueue_dma source(%dma_start3A_204 : memref<200x16xf32, #tpu.memory_space<vmem>>) target(%dma_start3A_201 : memref<200x16xf32, #tpu.memory_space<vmem_shared>>) target_semaphore(%arg23 : memref<!tpu.dma_semaphore, #tpu.memory_space<semaphore_mem>>)
      }
      %scan3A_172 = arith.constant 5 : i32
      %scan3A_173 = arith.constant 0 : i32
      %scan3A_174 = arith.constant 0 : i32
      %scan3A_175 = arith.constant 5 : i32
      %scan3A_176 = arith.addi %scan3A_174, %scan3A_175 : i32
      %scan3A_177 = arith.constant 1 : i32
      scf.for %scan3A_179 = %scan3A_174 to %scan3A_176 step %scan3A_177  : i32 {
        %mul3A_180 = arith.constant 1000 : i32
        %mul3A_181 = arith.muli %arg1, %mul3A_180 : i32
        %mul3A_182 = arith.constant 200 : i32
        %mul3A_183 = arith.muli %scan3A_179, %mul3A_182 : i32
        %add3A_184 = arith.addi %mul3A_181, %mul3A_183 : i32
        %dma_wait3A_185 = arith.constant 0 : i32
        %dma_wait3A_186 = arith.constant 0 : i32
        %dma_wait3A_187 = tpu.memref_slice %arg17[%dma_wait3A_185, %dma_wait3A_186] : memref<400x32xf32, #tpu.memory_space<vmem>> -> memref<200x32xf32, #tpu.memory_space<vmem>>
        %dma_wait3A_188 = arith.constant 0 : i32
        %dma_wait3A_189 = tpu.memref_slice %arg20[%add3A_184, %dma_wait3A_188] : memref<10000x32xf32, #tpu.memory_space<vmem_shared>> -> memref<200x32xf32, #tpu.memory_space<vmem_shared>>
        %dma_wait3A_190 = arith.constant 0 : i32
        %dma_wait3A_191 = tpu.memref_slice %arg20[%add3A_184, %dma_wait3A_190] : memref<10000x32xf32, #tpu.memory_space<vmem_shared>> -> memref<200x32xf32, #tpu.memory_space<vmem_shared>>
        %dma_wait3A_192 = arith.constant 0 : i32
        %dma_wait3A_193 = arith.constant 0 : i32
        %dma_wait3A_194 = tpu.memref_slice %arg17[%dma_wait3A_192, %dma_wait3A_193] : memref<400x32xf32, #tpu.memory_space<vmem>> -> memref<200x32xf32, #tpu.memory_space<vmem>>
        tpu.wait_dma2 semaphore(%arg23 : memref<!tpu.dma_semaphore, #tpu.memory_space<semaphore_mem>>) src(%dma_wait3A_194 : memref<200x32xf32, #tpu.memory_space<vmem>>) dst(%dma_wait3A_191 : memref<200x32xf32, #tpu.memory_space<vmem_shared>>)
        %dma_wait3A_195 = arith.constant 0 : i32
        %dma_wait3A_196 = arith.constant 0 : i32
        %dma_wait3A_197 = tpu.memref_slice %arg19[%dma_wait3A_195, %dma_wait3A_196] : memref<400x16xf32, #tpu.memory_space<vmem>> -> memref<200x16xf32, #tpu.memory_space<vmem>>
        %dma_wait3A_198 = arith.constant 0 : i32
        %dma_wait3A_199 = tpu.memref_slice %arg21[%add3A_184, %dma_wait3A_198] : memref<10000x16xf32, #tpu.memory_space<vmem_shared>> -> memref<200x16xf32, #tpu.memory_space<vmem_shared>>
        %dma_wait3A_200 = arith.constant 0 : i32
        %dma_wait3A_201 = tpu.memref_slice %arg21[%add3A_184, %dma_wait3A_200] : memref<10000x16xf32, #tpu.memory_space<vmem_shared>> -> memref<200x16xf32, #tpu.memory_space<vmem_shared>>
        %dma_wait3A_202 = arith.constant 0 : i32
        %dma_wait3A_203 = arith.constant 0 : i32
        %dma_wait3A_204 = tpu.memref_slice %arg19[%dma_wait3A_202, %dma_wait3A_203] : memref<400x16xf32, #tpu.memory_space<vmem>> -> memref<200x16xf32, #tpu.memory_space<vmem>>
        tpu.wait_dma2 semaphore(%arg23 : memref<!tpu.dma_semaphore, #tpu.memory_space<semaphore_mem>>) src(%dma_wait3A_204 : memref<200x16xf32, #tpu.memory_space<vmem>>) dst(%dma_wait3A_201 : memref<200x16xf32, #tpu.memory_space<vmem_shared>>)
      }
      %scan3A_178 = arith.constant 5 : i32
    } else {
    }
    %scan3A_17 = arith.constant 0 : i32
    %scan3A_18 = arith.constant 0 : i32
    %scan3A_19 = arith.constant 25 : i32
    %scan3A_20 = arith.addi %scan3A_18, %scan3A_19 : i32
    %scan3A_21 = arith.constant 1 : i32
    scf.for %scan3A_167 = %scan3A_18 to %scan3A_20 step %scan3A_21  : i32 {
      %mul3A_168 = arith.constant 400 : i32
      %mul3A_169 = arith.muli %scan3A_167, %mul3A_168 : i32
      %add3A_170 = arith.addi %mul3A_3, %mul3A_169 : i32
      %dma_wait3A_171 = arith.constant 0 : i32
      %dma_wait3A_172 = arith.constant 0 : i32
      %dma_wait3A_173 = tpu.memref_slice %arg12[%scan3A_167, %dma_wait3A_172] : memref<25x400xi32, #tpu.memory_space<vmem>> -> memref<1x400xi32, #tpu.memory_space<vmem>>
      %dma_wait3A_174 = tpu.memref_squeeze %dma_wait3A_173 : memref<1x400xi32, #tpu.memory_space<vmem>> -> memref<400xi32, #tpu.memory_space<vmem>>
      %dma_wait3A_175 = tpu.memref_slice %arg2[%dma_wait3A_171, %add3A_170] : memref<2x160000xi32, #tpu.memory_space<hbm>> -> memref<1x400xi32, #tpu.memory_space<hbm>>
      %dma_wait3A_176 = tpu.memref_squeeze %dma_wait3A_175 : memref<1x400xi32, #tpu.memory_space<hbm>> -> memref<400xi32, #tpu.memory_space<hbm>>
      %dma_wait3A_177 = arith.constant 0 : i32
      %dma_wait3A_178 = tpu.memref_slice %arg12[%scan3A_167, %dma_wait3A_177] : memref<25x400xi32, #tpu.memory_space<vmem>> -> memref<1x400xi32, #tpu.memory_space<vmem>>
      %dma_wait3A_179 = tpu.memref_squeeze %dma_wait3A_178 : memref<1x400xi32, #tpu.memory_space<vmem>> -> memref<400xi32, #tpu.memory_space<vmem>>
      %dma_wait3A_180 = tpu.memref_slice %arg2[%dma_wait3A_171, %add3A_170] : memref<2x160000xi32, #tpu.memory_space<hbm>> -> memref<1x400xi32, #tpu.memory_space<hbm>>
      %dma_wait3A_181 = tpu.memref_squeeze %dma_wait3A_180 : memref<1x400xi32, #tpu.memory_space<hbm>> -> memref<400xi32, #tpu.memory_space<hbm>>
      tpu.wait_dma2 semaphore(%arg22 : memref<!tpu.dma_semaphore, #tpu.memory_space<semaphore_mem>>) src(%dma_wait3A_181 : memref<400xi32, #tpu.memory_space<hbm>>) dst(%dma_wait3A_179 : memref<400xi32, #tpu.memory_space<vmem>>)
      %mul3A_182 = arith.constant 400 : i32
      %mul3A_183 = arith.muli %scan3A_167, %mul3A_182 : i32
      %add3A_184 = arith.addi %mul3A_3, %mul3A_183 : i32
      %dma_wait3A_185 = arith.constant 1 : i32
      %dma_wait3A_186 = arith.constant 0 : i32
      %dma_wait3A_187 = tpu.memref_slice %arg13[%scan3A_167, %dma_wait3A_186] : memref<25x400xi32, #tpu.memory_space<vmem>> -> memref<1x400xi32, #tpu.memory_space<vmem>>
      %dma_wait3A_188 = tpu.memref_squeeze %dma_wait3A_187 : memref<1x400xi32, #tpu.memory_space<vmem>> -> memref<400xi32, #tpu.memory_space<vmem>>
      %dma_wait3A_189 = tpu.memref_slice %arg2[%dma_wait3A_185, %add3A_184] : memref<2x160000xi32, #tpu.memory_space<hbm>> -> memref<1x400xi32, #tpu.memory_space<hbm>>
      %dma_wait3A_190 = tpu.memref_squeeze %dma_wait3A_189 : memref<1x400xi32, #tpu.memory_space<hbm>> -> memref<400xi32, #tpu.memory_space<hbm>>
      %dma_wait3A_191 = arith.constant 0 : i32
      %dma_wait3A_192 = tpu.memref_slice %arg13[%scan3A_167, %dma_wait3A_191] : memref<25x400xi32, #tpu.memory_space<vmem>> -> memref<1x400xi32, #tpu.memory_space<vmem>>
      %dma_wait3A_193 = tpu.memref_squeeze %dma_wait3A_192 : memref<1x400xi32, #tpu.memory_space<vmem>> -> memref<400xi32, #tpu.memory_space<vmem>>
      %dma_wait3A_194 = tpu.memref_slice %arg2[%dma_wait3A_185, %add3A_184] : memref<2x160000xi32, #tpu.memory_space<hbm>> -> memref<1x400xi32, #tpu.memory_space<hbm>>
      %dma_wait3A_195 = tpu.memref_squeeze %dma_wait3A_194 : memref<1x400xi32, #tpu.memory_space<hbm>> -> memref<400xi32, #tpu.memory_space<hbm>>
      tpu.wait_dma2 semaphore(%arg22 : memref<!tpu.dma_semaphore, #tpu.memory_space<semaphore_mem>>) src(%dma_wait3A_195 : memref<400xi32, #tpu.memory_space<hbm>>) dst(%dma_wait3A_193 : memref<400xi32, #tpu.memory_space<vmem>>)
    }
    %scan3A_22 = arith.constant 25 : i32
    %dma_wait3A = tpu.memref_slice %arg3[%mul3A_3] : memref<160000xf32, #tpu.memory_space<hbm>> -> memref<10000xf32, #tpu.memory_space<hbm>>
    %dma_wait3A_23 = tpu.memref_slice %arg3[%mul3A_3] : memref<160000xf32, #tpu.memory_space<hbm>> -> memref<10000xf32, #tpu.memory_space<hbm>>
    tpu.wait_dma2 semaphore(%arg22 : memref<!tpu.dma_semaphore, #tpu.memory_space<semaphore_mem>>) src(%dma_wait3A_23 : memref<10000xf32, #tpu.memory_space<hbm>>) dst(%arg14 : memref<10000xf32, #tpu.memory_space<vmem>>)
    tpu.wait_dma2 semaphore(%arg22 : memref<!tpu.dma_semaphore, #tpu.memory_space<semaphore_mem>>) src(%arg6 : memref<10000xf32, #tpu.memory_space<hbm>>) dst(%arg10 : memref<10000xf32, #tpu.memory_space<vmem>>)
    tpu.wait_dma2 semaphore(%arg22 : memref<!tpu.dma_semaphore, #tpu.memory_space<semaphore_mem>>) src(%arg7 : memref<10000xf32, #tpu.memory_space<hbm>>) dst(%arg11 : memref<10000xf32, #tpu.memory_space<vmem>>)
    %scan3A_24 = arith.constant 0 : i32
    %scan3A_25 = arith.constant 0 : i32
    %scan3A_26 = arith.constant 25 : i32
    %scan3A_27 = arith.addi %scan3A_25, %scan3A_26 : i32
    %scan3A_28 = arith.constant 1 : i32
    scf.for %scan3A_167 = %scan3A_25 to %scan3A_27 step %scan3A_28  : i32 {
      %get3A = arith.index_cast %scan3A_167 : i32 to index
      %get3A_168 = arith.constant 0 : index
      %get3A_169 = tpu.vector_load %arg12[%get3A, %get3A_168] {strides = array<i32>} : memref<25x400xi32, #tpu.memory_space<vmem>>, vector<16xi32>,
      %gather3A = tpu.vector_load_idx %arg10[%get3A_169] : memref<10000xf32, #tpu.memory_space<vmem>>[vector<16xi32>], vector<16xf32>,
      %get3A_170 = arith.index_cast %scan3A_167 : i32 to index
      %get3A_171 = arith.constant 0 : index
      %get3A_172 = tpu.vector_load %arg13[%get3A_170, %get3A_171] {strides = array<i32>} : memref<25x400xi32, #tpu.memory_space<vmem>>, vector<16xi32>,
      %gather3A_173 = tpu.vector_load_idx %arg11[%get3A_172] : memref<10000xf32, #tpu.memory_space<vmem>>[vector<16xi32>], vector<16xf32>,
      %add3A_174 = arith.addf %gather3A, %gather3A_173 : vector<16xf32>
      %mul3A_175 = arith.constant 400 : i32
      %mul3A_176 = arith.muli %scan3A_167, %mul3A_175 : i32
      %add3A_177 = arith.constant 0 : i32
      %add3A_178 = arith.addi %mul3A_176, %add3A_177 : i32
      %get3A_179 = arith.index_cast %add3A_178 : i32 to index
      %get3A_180 = tpu.vector_load %arg14[%get3A_179] {strides = array<i32>} : memref<10000xf32, #tpu.memory_space<vmem>>, vector<16xf32>,
      %add3A_181 = arith.addf %add3A_174, %get3A_180 : vector<16xf32>
      %ge3A = arith.constant 0.000000e+00 : f32
      %ge3A_182 = vector.broadcast %ge3A : f32 to vector<16xf32>
      %ge3A_183 = arith.cmpf oge, %add3A_181, %ge3A_182 : vector<16xf32>
      %mul3A_184 = arith.constant 2.000000e-01 : f32
      %mul3A_185 = vector.broadcast %mul3A_184 : f32 to vector<16xf32>
      %mul3A_186 = arith.mulf %mul3A_185, %add3A_181 : vector<16xf32>
      %select_n3A = arith.select %ge3A_183, %add3A_181, %mul3A_186 : vector<16xi1>, vector<16xf32>
      %exp3A = math.exp %select_n3A : vector<16xf32>
      %mul3A_187 = arith.constant 400 : i32
      %mul3A_188 = arith.muli %scan3A_167, %mul3A_187 : i32
      %add3A_189 = arith.constant 0 : i32
      %add3A_190 = arith.addi %mul3A_188, %add3A_189 : i32
      %swap3A = arith.index_cast %add3A_190 : i32 to index
      %swap3A_191 = tpu.vector_load %arg15[%swap3A] {strides = array<i32>} : memref<10000xf32, #tpu.memory_space<vmem>>, vector<16xf32>,
      tpu.vector_store %arg15[%swap3A], %exp3A {strides = array<i32>} : memref<10000xf32, #tpu.memory_space<vmem>>, vector<16xf32>,
      %get3A_192 = arith.index_cast %scan3A_167 : i32 to index
      %get3A_193 = arith.constant 16 : index
      %get3A_194 = tpu.vector_load %arg12[%get3A_192, %get3A_193] {strides = array<i32>} : memref<25x400xi32, #tpu.memory_space<vmem>>, vector<16xi32>,
      %gather3A_195 = tpu.vector_load_idx %arg10[%get3A_194] : memref<10000xf32, #tpu.memory_space<vmem>>[vector<16xi32>], vector<16xf32>,
      %get3A_196 = arith.index_cast %scan3A_167 : i32 to index
      %get3A_197 = arith.constant 16 : index
      %get3A_198 = tpu.vector_load %arg13[%get3A_196, %get3A_197] {strides = array<i32>} : memref<25x400xi32, #tpu.memory_space<vmem>>, vector<16xi32>,
      %gather3A_199 = tpu.vector_load_idx %arg11[%get3A_198] : memref<10000xf32, #tpu.memory_space<vmem>>[vector<16xi32>], vector<16xf32>,
      %add3A_200 = arith.addf %gather3A_195, %gather3A_199 : vector<16xf32>
      %mul3A_201 = arith.constant 400 : i32
      %mul3A_202 = arith.muli %scan3A_167, %mul3A_201 : i32
      %add3A_203 = arith.constant 16 : i32
      %add3A_204 = arith.addi %mul3A_202, %add3A_203 : i32
      %get3A_205 = arith.index_cast %add3A_204 : i32 to index
      %get3A_206 = tpu.vector_load %arg14[%get3A_205] {strides = array<i32>} : memref<10000xf32, #tpu.memory_space<vmem>>, vector<16xf32>,
      %add3A_207 = arith.addf %add3A_200, %get3A_206 : vector<16xf32>
      %ge3A_208 = arith.constant 0.000000e+00 : f32
      %ge3A_209 = vector.broadcast %ge3A_208 : f32 to vector<16xf32>
      %ge3A_210 = arith.cmpf oge, %add3A_207, %ge3A_209 : vector<16xf32>
      %mul3A_211 = arith.constant 2.000000e-01 : f32
      %mul3A_212 = vector.broadcast %mul3A_211 : f32 to vector<16xf32>
      %mul3A_213 = arith.mulf %mul3A_212, %add3A_207 : vector<16xf32>
      %select_n3A_214 = arith.select %ge3A_210, %add3A_207, %mul3A_213 : vector<16xi1>, vector<16xf32>
      %exp3A_215 = math.exp %select_n3A_214 : vector<16xf32>
      %mul3A_216 = arith.constant 400 : i32
      %mul3A_217 = arith.muli %scan3A_167, %mul3A_216 : i32
      %add3A_218 = arith.constant 16 : i32
      %add3A_219 = arith.addi %mul3A_217, %add3A_218 : i32
      %swap3A_220 = arith.index_cast %add3A_219 : i32 to index
      %swap3A_221 = tpu.vector_load %arg15[%swap3A_220] {strides = array<i32>} : memref<10000xf32, #tpu.memory_space<vmem>>, vector<16xf32>,
      tpu.vector_store %arg15[%swap3A_220], %exp3A_215 {strides = array<i32>} : memref<10000xf32, #tpu.memory_space<vmem>>, vector<16xf32>,
      %get3A_222 = arith.index_cast %scan3A_167 : i32 to index
      %get3A_223 = arith.constant 32 : index
      %get3A_224 = tpu.vector_load %arg12[%get3A_222, %get3A_223] {strides = array<i32>} : memref<25x400xi32, #tpu.memory_space<vmem>>, vector<16xi32>,
      %gather3A_225 = tpu.vector_load_idx %arg10[%get3A_224] : memref<10000xf32, #tpu.memory_space<vmem>>[vector<16xi32>], vector<16xf32>,
      %get3A_226 = arith.index_cast %scan3A_167 : i32 to index
      %get3A_227 = arith.constant 32 : index
      %get3A_228 = tpu.vector_load %arg13[%get3A_226, %get3A_227] {strides = array<i32>} : memref<25x400xi32, #tpu.memory_space<vmem>>, vector<16xi32>,
      %gather3A_229 = tpu.vector_load_idx %arg11[%get3A_228] : memref<10000xf32, #tpu.memory_space<vmem>>[vector<16xi32>], vector<16xf32>,
      %add3A_230 = arith.addf %gather3A_225, %gather3A_229 : vector<16xf32>
      %mul3A_231 = arith.constant 400 : i32
      %mul3A_232 = arith.muli %scan3A_167, %mul3A_231 : i32
      %add3A_233 = arith.constant 32 : i32
      %add3A_234 = arith.addi %mul3A_232, %add3A_233 : i32
      %get3A_235 = arith.index_cast %add3A_234 : i32 to index
      %get3A_236 = tpu.vector_load %arg14[%get3A_235] {strides = array<i32>} : memref<10000xf32, #tpu.memory_space<vmem>>, vector<16xf32>,
      %add3A_237 = arith.addf %add3A_230, %get3A_236 : vector<16xf32>
      %ge3A_238 = arith.constant 0.000000e+00 : f32
      %ge3A_239 = vector.broadcast %ge3A_238 : f32 to vector<16xf32>
      %ge3A_240 = arith.cmpf oge, %add3A_237, %ge3A_239 : vector<16xf32>
      %mul3A_241 = arith.constant 2.000000e-01 : f32
      %mul3A_242 = vector.broadcast %mul3A_241 : f32 to vector<16xf32>
      %mul3A_243 = arith.mulf %mul3A_242, %add3A_237 : vector<16xf32>
      %select_n3A_244 = arith.select %ge3A_240, %add3A_237, %mul3A_243 : vector<16xi1>, vector<16xf32>
      %exp3A_245 = math.exp %select_n3A_244 : vector<16xf32>
      %mul3A_246 = arith.constant 400 : i32
      %mul3A_247 = arith.muli %scan3A_167, %mul3A_246 : i32
      %add3A_248 = arith.constant 32 : i32
      %add3A_249 = arith.addi %mul3A_247, %add3A_248 : i32
      %swap3A_250 = arith.index_cast %add3A_249 : i32 to index
      %swap3A_251 = tpu.vector_load %arg15[%swap3A_250] {strides = array<i32>} : memref<10000xf32, #tpu.memory_space<vmem>>, vector<16xf32>,
      tpu.vector_store %arg15[%swap3A_250], %exp3A_245 {strides = array<i32>} : memref<10000xf32, #tpu.memory_space<vmem>>, vector<16xf32>,
      %get3A_252 = arith.index_cast %scan3A_167 : i32 to index
      %get3A_253 = arith.constant 48 : index
      %get3A_254 = tpu.vector_load %arg12[%get3A_252, %get3A_253] {strides = array<i32>} : memref<25x400xi32, #tpu.memory_space<vmem>>, vector<16xi32>,
      %gather3A_255 = tpu.vector_load_idx %arg10[%get3A_254] : memref<10000xf32, #tpu.memory_space<vmem>>[vector<16xi32>], vector<16xf32>,
      %get3A_256 = arith.index_cast %scan3A_167 : i32 to index
      %get3A_257 = arith.constant 48 : index
      %get3A_258 = tpu.vector_load %arg13[%get3A_256, %get3A_257] {strides = array<i32>} : memref<25x400xi32, #tpu.memory_space<vmem>>, vector<16xi32>,
      %gather3A_259 = tpu.vector_load_idx %arg11[%get3A_258] : memref<10000xf32, #tpu.memory_space<vmem>>[vector<16xi32>], vector<16xf32>,
      %add3A_260 = arith.addf %gather3A_255, %gather3A_259 : vector<16xf32>
      %mul3A_261 = arith.constant 400 : i32
      %mul3A_262 = arith.muli %scan3A_167, %mul3A_261 : i32
      %add3A_263 = arith.constant 48 : i32
      %add3A_264 = arith.addi %mul3A_262, %add3A_263 : i32
      %get3A_265 = arith.index_cast %add3A_264 : i32 to index
      %get3A_266 = tpu.vector_load %arg14[%get3A_265] {strides = array<i32>} : memref<10000xf32, #tpu.memory_space<vmem>>, vector<16xf32>,
      %add3A_267 = arith.addf %add3A_260, %get3A_266 : vector<16xf32>
      %ge3A_268 = arith.constant 0.000000e+00 : f32
      %ge3A_269 = vector.broadcast %ge3A_268 : f32 to vector<16xf32>
      %ge3A_270 = arith.cmpf oge, %add3A_267, %ge3A_269 : vector<16xf32>
      %mul3A_271 = arith.constant 2.000000e-01 : f32
      %mul3A_272 = vector.broadcast %mul3A_271 : f32 to vector<16xf32>
      %mul3A_273 = arith.mulf %mul3A_272, %add3A_267 : vector<16xf32>
      %select_n3A_274 = arith.select %ge3A_270, %add3A_267, %mul3A_273 : vector<16xi1>, vector<16xf32>
      %exp3A_275 = math.exp %select_n3A_274 : vector<16xf32>
      %mul3A_276 = arith.constant 400 : i32
      %mul3A_277 = arith.muli %scan3A_167, %mul3A_276 : i32
      %add3A_278 = arith.constant 48 : i32
      %add3A_279 = arith.addi %mul3A_277, %add3A_278 : i32
      %swap3A_280 = arith.index_cast %add3A_279 : i32 to index
      %swap3A_281 = tpu.vector_load %arg15[%swap3A_280] {strides = array<i32>} : memref<10000xf32, #tpu.memory_space<vmem>>, vector<16xf32>,
      tpu.vector_store %arg15[%swap3A_280], %exp3A_275 {strides = array<i32>} : memref<10000xf32, #tpu.memory_space<vmem>>, vector<16xf32>,
      %get3A_282 = arith.index_cast %scan3A_167 : i32 to index
      %get3A_283 = arith.constant 64 : index
      %get3A_284 = tpu.vector_load %arg12[%get3A_282, %get3A_283] {strides = array<i32>} : memref<25x400xi32, #tpu.memory_space<vmem>>, vector<16xi32>,
      %gather3A_285 = tpu.vector_load_idx %arg10[%get3A_284] : memref<10000xf32, #tpu.memory_space<vmem>>[vector<16xi32>], vector<16xf32>,
      %get3A_286 = arith.index_cast %scan3A_167 : i32 to index
      %get3A_287 = arith.constant 64 : index
      %get3A_288 = tpu.vector_load %arg13[%get3A_286, %get3A_287] {strides = array<i32>} : memref<25x400xi32, #tpu.memory_space<vmem>>, vector<16xi32>,
      %gather3A_289 = tpu.vector_load_idx %arg11[%get3A_288] : memref<10000xf32, #tpu.memory_space<vmem>>[vector<16xi32>], vector<16xf32>,
      %add3A_290 = arith.addf %gather3A_285, %gather3A_289 : vector<16xf32>
      %mul3A_291 = arith.constant 400 : i32
      %mul3A_292 = arith.muli %scan3A_167, %mul3A_291 : i32
      %add3A_293 = arith.constant 64 : i32
      %add3A_294 = arith.addi %mul3A_292, %add3A_293 : i32
      %get3A_295 = arith.index_cast %add3A_294 : i32 to index
      %get3A_296 = tpu.vector_load %arg14[%get3A_295] {strides = array<i32>} : memref<10000xf32, #tpu.memory_space<vmem>>, vector<16xf32>,
      %add3A_297 = arith.addf %add3A_290, %get3A_296 : vector<16xf32>
      %ge3A_298 = arith.constant 0.000000e+00 : f32
      %ge3A_299 = vector.broadcast %ge3A_298 : f32 to vector<16xf32>
      %ge3A_300 = arith.cmpf oge, %add3A_297, %ge3A_299 : vector<16xf32>
      %mul3A_301 = arith.constant 2.000000e-01 : f32
      %mul3A_302 = vector.broadcast %mul3A_301 : f32 to vector<16xf32>
      %mul3A_303 = arith.mulf %mul3A_302, %add3A_297 : vector<16xf32>
      %select_n3A_304 = arith.select %ge3A_300, %add3A_297, %mul3A_303 : vector<16xi1>, vector<16xf32>
      %exp3A_305 = math.exp %select_n3A_304 : vector<16xf32>
      %mul3A_306 = arith.constant 400 : i32
      %mul3A_307 = arith.muli %scan3A_167, %mul3A_306 : i32
      %add3A_308 = arith.constant 64 : i32
      %add3A_309 = arith.addi %mul3A_307, %add3A_308 : i32
      %swap3A_310 = arith.index_cast %add3A_309 : i32 to index
      %swap3A_311 = tpu.vector_load %arg15[%swap3A_310] {strides = array<i32>} : memref<10000xf32, #tpu.memory_space<vmem>>, vector<16xf32>,
      tpu.vector_store %arg15[%swap3A_310], %exp3A_305 {strides = array<i32>} : memref<10000xf32, #tpu.memory_space<vmem>>, vector<16xf32>,
      %get3A_312 = arith.index_cast %scan3A_167 : i32 to index
      %get3A_313 = arith.constant 80 : index
      %get3A_314 = tpu.vector_load %arg12[%get3A_312, %get3A_313] {strides = array<i32>} : memref<25x400xi32, #tpu.memory_space<vmem>>, vector<16xi32>,
      %gather3A_315 = tpu.vector_load_idx %arg10[%get3A_314] : memref<10000xf32, #tpu.memory_space<vmem>>[vector<16xi32>], vector<16xf32>,
      %get3A_316 = arith.index_cast %scan3A_167 : i32 to index
      %get3A_317 = arith.constant 80 : index
      %get3A_318 = tpu.vector_load %arg13[%get3A_316, %get3A_317] {strides = array<i32>} : memref<25x400xi32, #tpu.memory_space<vmem>>, vector<16xi32>,
      %gather3A_319 = tpu.vector_load_idx %arg11[%get3A_318] : memref<10000xf32, #tpu.memory_space<vmem>>[vector<16xi32>], vector<16xf32>,
      %add3A_320 = arith.addf %gather3A_315, %gather3A_319 : vector<16xf32>
      %mul3A_321 = arith.constant 400 : i32
      %mul3A_322 = arith.muli %scan3A_167, %mul3A_321 : i32
      %add3A_323 = arith.constant 80 : i32
      %add3A_324 = arith.addi %mul3A_322, %add3A_323 : i32
      %get3A_325 = arith.index_cast %add3A_324 : i32 to index
      %get3A_326 = tpu.vector_load %arg14[%get3A_325] {strides = array<i32>} : memref<10000xf32, #tpu.memory_space<vmem>>, vector<16xf32>,
      %add3A_327 = arith.addf %add3A_320, %get3A_326 : vector<16xf32>
      %ge3A_328 = arith.constant 0.000000e+00 : f32
      %ge3A_329 = vector.broadcast %ge3A_328 : f32 to vector<16xf32>
      %ge3A_330 = arith.cmpf oge, %add3A_327, %ge3A_329 : vector<16xf32>
      %mul3A_331 = arith.constant 2.000000e-01 : f32
      %mul3A_332 = vector.broadcast %mul3A_331 : f32 to vector<16xf32>
      %mul3A_333 = arith.mulf %mul3A_332, %add3A_327 : vector<16xf32>
      %select_n3A_334 = arith.select %ge3A_330, %add3A_327, %mul3A_333 : vector<16xi1>, vector<16xf32>
      %exp3A_335 = math.exp %select_n3A_334 : vector<16xf32>
      %mul3A_336 = arith.constant 400 : i32
      %mul3A_337 = arith.muli %scan3A_167, %mul3A_336 : i32
      %add3A_338 = arith.constant 80 : i32
      %add3A_339 = arith.addi %mul3A_337, %add3A_338 : i32
      %swap3A_340 = arith.index_cast %add3A_339 : i32 to index
      %swap3A_341 = tpu.vector_load %arg15[%swap3A_340] {strides = array<i32>} : memref<10000xf32, #tpu.memory_space<vmem>>, vector<16xf32>,
      tpu.vector_store %arg15[%swap3A_340], %exp3A_335 {strides = array<i32>} : memref<10000xf32, #tpu.memory_space<vmem>>, vector<16xf32>,
      %get3A_342 = arith.index_cast %scan3A_167 : i32 to index
      %get3A_343 = arith.constant 96 : index
      %get3A_344 = tpu.vector_load %arg12[%get3A_342, %get3A_343] {strides = array<i32>} : memref<25x400xi32, #tpu.memory_space<vmem>>, vector<16xi32>,
      %gather3A_345 = tpu.vector_load_idx %arg10[%get3A_344] : memref<10000xf32, #tpu.memory_space<vmem>>[vector<16xi32>], vector<16xf32>,
      %get3A_346 = arith.index_cast %scan3A_167 : i32 to index
      %get3A_347 = arith.constant 96 : index
      %get3A_348 = tpu.vector_load %arg13[%get3A_346, %get3A_347] {strides = array<i32>} : memref<25x400xi32, #tpu.memory_space<vmem>>, vector<16xi32>,
      %gather3A_349 = tpu.vector_load_idx %arg11[%get3A_348] : memref<10000xf32, #tpu.memory_space<vmem>>[vector<16xi32>], vector<16xf32>,
      %add3A_350 = arith.addf %gather3A_345, %gather3A_349 : vector<16xf32>
      %mul3A_351 = arith.constant 400 : i32
      %mul3A_352 = arith.muli %scan3A_167, %mul3A_351 : i32
      %add3A_353 = arith.constant 96 : i32
      %add3A_354 = arith.addi %mul3A_352, %add3A_353 : i32
      %get3A_355 = arith.index_cast %add3A_354 : i32 to index
      %get3A_356 = tpu.vector_load %arg14[%get3A_355] {strides = array<i32>} : memref<10000xf32, #tpu.memory_space<vmem>>, vector<16xf32>,
      %add3A_357 = arith.addf %add3A_350, %get3A_356 : vector<16xf32>
      %ge3A_358 = arith.constant 0.000000e+00 : f32
      %ge3A_359 = vector.broadcast %ge3A_358 : f32 to vector<16xf32>
      %ge3A_360 = arith.cmpf oge, %add3A_357, %ge3A_359 : vector<16xf32>
      %mul3A_361 = arith.constant 2.000000e-01 : f32
      %mul3A_362 = vector.broadcast %mul3A_361 : f32 to vector<16xf32>
      %mul3A_363 = arith.mulf %mul3A_362, %add3A_357 : vector<16xf32>
      %select_n3A_364 = arith.select %ge3A_360, %add3A_357, %mul3A_363 : vector<16xi1>, vector<16xf32>
      %exp3A_365 = math.exp %select_n3A_364 : vector<16xf32>
      %mul3A_366 = arith.constant 400 : i32
      %mul3A_367 = arith.muli %scan3A_167, %mul3A_366 : i32
      %add3A_368 = arith.constant 96 : i32
      %add3A_369 = arith.addi %mul3A_367, %add3A_368 : i32
      %swap3A_370 = arith.index_cast %add3A_369 : i32 to index
      %swap3A_371 = tpu.vector_load %arg15[%swap3A_370] {strides = array<i32>} : memref<10000xf32, #tpu.memory_space<vmem>>, vector<16xf32>,
      tpu.vector_store %arg15[%swap3A_370], %exp3A_365 {strides = array<i32>} : memref<10000xf32, #tpu.memory_space<vmem>>, vector<16xf32>,
      %get3A_372 = arith.index_cast %scan3A_167 : i32 to index
      %get3A_373 = arith.constant 112 : index
      %get3A_374 = tpu.vector_load %arg12[%get3A_372, %get3A_373] {strides = array<i32>} : memref<25x400xi32, #tpu.memory_space<vmem>>, vector<16xi32>,
      %gather3A_375 = tpu.vector_load_idx %arg10[%get3A_374] : memref<10000xf32, #tpu.memory_space<vmem>>[vector<16xi32>], vector<16xf32>,
      %get3A_376 = arith.index_cast %scan3A_167 : i32 to index
      %get3A_377 = arith.constant 112 : index
      %get3A_378 = tpu.vector_load %arg13[%get3A_376, %get3A_377] {strides = array<i32>} : memref<25x400xi32, #tpu.memory_space<vmem>>, vector<16xi32>,
      %gather3A_379 = tpu.vector_load_idx %arg11[%get3A_378] : memref<10000xf32, #tpu.memory_space<vmem>>[vector<16xi32>], vector<16xf32>,
      %add3A_380 = arith.addf %gather3A_375, %gather3A_379 : vector<16xf32>
      %mul3A_381 = arith.constant 400 : i32
      %mul3A_382 = arith.muli %scan3A_167, %mul3A_381 : i32
      %add3A_383 = arith.constant 112 : i32
      %add3A_384 = arith.addi %mul3A_382, %add3A_383 : i32
      %get3A_385 = arith.index_cast %add3A_384 : i32 to index
      %get3A_386 = tpu.vector_load %arg14[%get3A_385] {strides = array<i32>} : memref<10000xf32, #tpu.memory_space<vmem>>, vector<16xf32>,
      %add3A_387 = arith.addf %add3A_380, %get3A_386 : vector<16xf32>
      %ge3A_388 = arith.constant 0.000000e+00 : f32
      %ge3A_389 = vector.broadcast %ge3A_388 : f32 to vector<16xf32>
      %ge3A_390 = arith.cmpf oge, %add3A_387, %ge3A_389 : vector<16xf32>
      %mul3A_391 = arith.constant 2.000000e-01 : f32
      %mul3A_392 = vector.broadcast %mul3A_391 : f32 to vector<16xf32>
      %mul3A_393 = arith.mulf %mul3A_392, %add3A_387 : vector<16xf32>
      %select_n3A_394 = arith.select %ge3A_390, %add3A_387, %mul3A_393 : vector<16xi1>, vector<16xf32>
      %exp3A_395 = math.exp %select_n3A_394 : vector<16xf32>
      %mul3A_396 = arith.constant 400 : i32
      %mul3A_397 = arith.muli %scan3A_167, %mul3A_396 : i32
      %add3A_398 = arith.constant 112 : i32
      %add3A_399 = arith.addi %mul3A_397, %add3A_398 : i32
      %swap3A_400 = arith.index_cast %add3A_399 : i32 to index
      %swap3A_401 = tpu.vector_load %arg15[%swap3A_400] {strides = array<i32>} : memref<10000xf32, #tpu.memory_space<vmem>>, vector<16xf32>,
      tpu.vector_store %arg15[%swap3A_400], %exp3A_395 {strides = array<i32>} : memref<10000xf32, #tpu.memory_space<vmem>>, vector<16xf32>,
      %get3A_402 = arith.index_cast %scan3A_167 : i32 to index
      %get3A_403 = arith.constant 128 : index
      %get3A_404 = tpu.vector_load %arg12[%get3A_402, %get3A_403] {strides = array<i32>} : memref<25x400xi32, #tpu.memory_space<vmem>>, vector<16xi32>,
      %gather3A_405 = tpu.vector_load_idx %arg10[%get3A_404] : memref<10000xf32, #tpu.memory_space<vmem>>[vector<16xi32>], vector<16xf32>,
      %get3A_406 = arith.index_cast %scan3A_167 : i32 to index
      %get3A_407 = arith.constant 128 : index
      %get3A_408 = tpu.vector_load %arg13[%get3A_406, %get3A_407] {strides = array<i32>} : memref<25x400xi32, #tpu.memory_space<vmem>>, vector<16xi32>,
      %gather3A_409 = tpu.vector_load_idx %arg11[%get3A_408] : memref<10000xf32, #tpu.memory_space<vmem>>[vector<16xi32>], vector<16xf32>,
      %add3A_410 = arith.addf %gather3A_405, %gather3A_409 : vector<16xf32>
      %mul3A_411 = arith.constant 400 : i32
      %mul3A_412 = arith.muli %scan3A_167, %mul3A_411 : i32
      %add3A_413 = arith.constant 128 : i32
      %add3A_414 = arith.addi %mul3A_412, %add3A_413 : i32
      %get3A_415 = arith.index_cast %add3A_414 : i32 to index
      %get3A_416 = tpu.vector_load %arg14[%get3A_415] {strides = array<i32>} : memref<10000xf32, #tpu.memory_space<vmem>>, vector<16xf32>,
      %add3A_417 = arith.addf %add3A_410, %get3A_416 : vector<16xf32>
      %ge3A_418 = arith.constant 0.000000e+00 : f32
      %ge3A_419 = vector.broadcast %ge3A_418 : f32 to vector<16xf32>
      %ge3A_420 = arith.cmpf oge, %add3A_417, %ge3A_419 : vector<16xf32>
      %mul3A_421 = arith.constant 2.000000e-01 : f32
      %mul3A_422 = vector.broadcast %mul3A_421 : f32 to vector<16xf32>
      %mul3A_423 = arith.mulf %mul3A_422, %add3A_417 : vector<16xf32>
      %select_n3A_424 = arith.select %ge3A_420, %add3A_417, %mul3A_423 : vector<16xi1>, vector<16xf32>
      %exp3A_425 = math.exp %select_n3A_424 : vector<16xf32>
      %mul3A_426 = arith.constant 400 : i32
      %mul3A_427 = arith.muli %scan3A_167, %mul3A_426 : i32
      %add3A_428 = arith.constant 128 : i32
      %add3A_429 = arith.addi %mul3A_427, %add3A_428 : i32
      %swap3A_430 = arith.index_cast %add3A_429 : i32 to index
      %swap3A_431 = tpu.vector_load %arg15[%swap3A_430] {strides = array<i32>} : memref<10000xf32, #tpu.memory_space<vmem>>, vector<16xf32>,
      tpu.vector_store %arg15[%swap3A_430], %exp3A_425 {strides = array<i32>} : memref<10000xf32, #tpu.memory_space<vmem>>, vector<16xf32>,
      %get3A_432 = arith.index_cast %scan3A_167 : i32 to index
      %get3A_433 = arith.constant 144 : index
      %get3A_434 = tpu.vector_load %arg12[%get3A_432, %get3A_433] {strides = array<i32>} : memref<25x400xi32, #tpu.memory_space<vmem>>, vector<16xi32>,
      %gather3A_435 = tpu.vector_load_idx %arg10[%get3A_434] : memref<10000xf32, #tpu.memory_space<vmem>>[vector<16xi32>], vector<16xf32>,
      %get3A_436 = arith.index_cast %scan3A_167 : i32 to index
      %get3A_437 = arith.constant 144 : index
      %get3A_438 = tpu.vector_load %arg13[%get3A_436, %get3A_437] {strides = array<i32>} : memref<25x400xi32, #tpu.memory_space<vmem>>, vector<16xi32>,
      %gather3A_439 = tpu.vector_load_idx %arg11[%get3A_438] : memref<10000xf32, #tpu.memory_space<vmem>>[vector<16xi32>], vector<16xf32>,
      %add3A_440 = arith.addf %gather3A_435, %gather3A_439 : vector<16xf32>
      %mul3A_441 = arith.constant 400 : i32
      %mul3A_442 = arith.muli %scan3A_167, %mul3A_441 : i32
      %add3A_443 = arith.constant 144 : i32
      %add3A_444 = arith.addi %mul3A_442, %add3A_443 : i32
      %get3A_445 = arith.index_cast %add3A_444 : i32 to index
      %get3A_446 = tpu.vector_load %arg14[%get3A_445] {strides = array<i32>} : memref<10000xf32, #tpu.memory_space<vmem>>, vector<16xf32>,
      %add3A_447 = arith.addf %add3A_440, %get3A_446 : vector<16xf32>
      %ge3A_448 = arith.constant 0.000000e+00 : f32
      %ge3A_449 = vector.broadcast %ge3A_448 : f32 to vector<16xf32>
      %ge3A_450 = arith.cmpf oge, %add3A_447, %ge3A_449 : vector<16xf32>
      %mul3A_451 = arith.constant 2.000000e-01 : f32
      %mul3A_452 = vector.broadcast %mul3A_451 : f32 to vector<16xf32>
      %mul3A_453 = arith.mulf %mul3A_452, %add3A_447 : vector<16xf32>
      %select_n3A_454 = arith.select %ge3A_450, %add3A_447, %mul3A_453 : vector<16xi1>, vector<16xf32>
      %exp3A_455 = math.exp %select_n3A_454 : vector<16xf32>
      %mul3A_456 = arith.constant 400 : i32
      %mul3A_457 = arith.muli %scan3A_167, %mul3A_456 : i32
      %add3A_458 = arith.constant 144 : i32
      %add3A_459 = arith.addi %mul3A_457, %add3A_458 : i32
      %swap3A_460 = arith.index_cast %add3A_459 : i32 to index
      %swap3A_461 = tpu.vector_load %arg15[%swap3A_460] {strides = array<i32>} : memref<10000xf32, #tpu.memory_space<vmem>>, vector<16xf32>,
      tpu.vector_store %arg15[%swap3A_460], %exp3A_455 {strides = array<i32>} : memref<10000xf32, #tpu.memory_space<vmem>>, vector<16xf32>,
      %get3A_462 = arith.index_cast %scan3A_167 : i32 to index
      %get3A_463 = arith.constant 160 : index
      %get3A_464 = tpu.vector_load %arg12[%get3A_462, %get3A_463] {strides = array<i32>} : memref<25x400xi32, #tpu.memory_space<vmem>>, vector<16xi32>,
      %gather3A_465 = tpu.vector_load_idx %arg10[%get3A_464] : memref<10000xf32, #tpu.memory_space<vmem>>[vector<16xi32>], vector<16xf32>,
      %get3A_466 = arith.index_cast %scan3A_167 : i32 to index
      %get3A_467 = arith.constant 160 : index
      %get3A_468 = tpu.vector_load %arg13[%get3A_466, %get3A_467] {strides = array<i32>} : memref<25x400xi32, #tpu.memory_space<vmem>>, vector<16xi32>,
      %gather3A_469 = tpu.vector_load_idx %arg11[%get3A_468] : memref<10000xf32, #tpu.memory_space<vmem>>[vector<16xi32>], vector<16xf32>,
      %add3A_470 = arith.addf %gather3A_465, %gather3A_469 : vector<16xf32>
      %mul3A_471 = arith.constant 400 : i32
      %mul3A_472 = arith.muli %scan3A_167, %mul3A_471 : i32
      %add3A_473 = arith.constant 160 : i32
      %add3A_474 = arith.addi %mul3A_472, %add3A_473 : i32
      %get3A_475 = arith.index_cast %add3A_474 : i32 to index
      %get3A_476 = tpu.vector_load %arg14[%get3A_475] {strides = array<i32>} : memref<10000xf32, #tpu.memory_space<vmem>>, vector<16xf32>,
      %add3A_477 = arith.addf %add3A_470, %get3A_476 : vector<16xf32>
      %ge3A_478 = arith.constant 0.000000e+00 : f32
      %ge3A_479 = vector.broadcast %ge3A_478 : f32 to vector<16xf32>
      %ge3A_480 = arith.cmpf oge, %add3A_477, %ge3A_479 : vector<16xf32>
      %mul3A_481 = arith.constant 2.000000e-01 : f32
      %mul3A_482 = vector.broadcast %mul3A_481 : f32 to vector<16xf32>
      %mul3A_483 = arith.mulf %mul3A_482, %add3A_477 : vector<16xf32>
      %select_n3A_484 = arith.select %ge3A_480, %add3A_477, %mul3A_483 : vector<16xi1>, vector<16xf32>
      %exp3A_485 = math.exp %select_n3A_484 : vector<16xf32>
      %mul3A_486 = arith.constant 400 : i32
      %mul3A_487 = arith.muli %scan3A_167, %mul3A_486 : i32
      %add3A_488 = arith.constant 160 : i32
      %add3A_489 = arith.addi %mul3A_487, %add3A_488 : i32
      %swap3A_490 = arith.index_cast %add3A_489 : i32 to index
      %swap3A_491 = tpu.vector_load %arg15[%swap3A_490] {strides = array<i32>} : memref<10000xf32, #tpu.memory_space<vmem>>, vector<16xf32>,
      tpu.vector_store %arg15[%swap3A_490], %exp3A_485 {strides = array<i32>} : memref<10000xf32, #tpu.memory_space<vmem>>, vector<16xf32>,
      %get3A_492 = arith.index_cast %scan3A_167 : i32 to index
      %get3A_493 = arith.constant 176 : index
      %get3A_494 = tpu.vector_load %arg12[%get3A_492, %get3A_493] {strides = array<i32>} : memref<25x400xi32, #tpu.memory_space<vmem>>, vector<16xi32>,
      %gather3A_495 = tpu.vector_load_idx %arg10[%get3A_494] : memref<10000xf32, #tpu.memory_space<vmem>>[vector<16xi32>], vector<16xf32>,
      %get3A_496 = arith.index_cast %scan3A_167 : i32 to index
      %get3A_497 = arith.constant 176 : index
      %get3A_498 = tpu.vector_load %arg13[%get3A_496, %get3A_497] {strides = array<i32>} : memref<25x400xi32, #tpu.memory_space<vmem>>, vector<16xi32>,
      %gather3A_499 = tpu.vector_load_idx %arg11[%get3A_498] : memref<10000xf32, #tpu.memory_space<vmem>>[vector<16xi32>], vector<16xf32>,
      %add3A_500 = arith.addf %gather3A_495, %gather3A_499 : vector<16xf32>
      %mul3A_501 = arith.constant 400 : i32
      %mul3A_502 = arith.muli %scan3A_167, %mul3A_501 : i32
      %add3A_503 = arith.constant 176 : i32
      %add3A_504 = arith.addi %mul3A_502, %add3A_503 : i32
      %get3A_505 = arith.index_cast %add3A_504 : i32 to index
      %get3A_506 = tpu.vector_load %arg14[%get3A_505] {strides = array<i32>} : memref<10000xf32, #tpu.memory_space<vmem>>, vector<16xf32>,
      %add3A_507 = arith.addf %add3A_500, %get3A_506 : vector<16xf32>
      %ge3A_508 = arith.constant 0.000000e+00 : f32
      %ge3A_509 = vector.broadcast %ge3A_508 : f32 to vector<16xf32>
      %ge3A_510 = arith.cmpf oge, %add3A_507, %ge3A_509 : vector<16xf32>
      %mul3A_511 = arith.constant 2.000000e-01 : f32
      %mul3A_512 = vector.broadcast %mul3A_511 : f32 to vector<16xf32>
      %mul3A_513 = arith.mulf %mul3A_512, %add3A_507 : vector<16xf32>
      %select_n3A_514 = arith.select %ge3A_510, %add3A_507, %mul3A_513 : vector<16xi1>, vector<16xf32>
      %exp3A_515 = math.exp %select_n3A_514 : vector<16xf32>
      %mul3A_516 = arith.constant 400 : i32
      %mul3A_517 = arith.muli %scan3A_167, %mul3A_516 : i32
      %add3A_518 = arith.constant 176 : i32
      %add3A_519 = arith.addi %mul3A_517, %add3A_518 : i32
      %swap3A_520 = arith.index_cast %add3A_519 : i32 to index
      %swap3A_521 = tpu.vector_load %arg15[%swap3A_520] {strides = array<i32>} : memref<10000xf32, #tpu.memory_space<vmem>>, vector<16xf32>,
      tpu.vector_store %arg15[%swap3A_520], %exp3A_515 {strides = array<i32>} : memref<10000xf32, #tpu.memory_space<vmem>>, vector<16xf32>,
      %get3A_522 = arith.index_cast %scan3A_167 : i32 to index
      %get3A_523 = arith.constant 192 : index
      %get3A_524 = tpu.vector_load %arg12[%get3A_522, %get3A_523] {strides = array<i32>} : memref<25x400xi32, #tpu.memory_space<vmem>>, vector<16xi32>,
      %gather3A_525 = tpu.vector_load_idx %arg10[%get3A_524] : memref<10000xf32, #tpu.memory_space<vmem>>[vector<16xi32>], vector<16xf32>,
      %get3A_526 = arith.index_cast %scan3A_167 : i32 to index
      %get3A_527 = arith.constant 192 : index
      %get3A_528 = tpu.vector_load %arg13[%get3A_526, %get3A_527] {strides = array<i32>} : memref<25x400xi32, #tpu.memory_space<vmem>>, vector<16xi32>,
      %gather3A_529 = tpu.vector_load_idx %arg11[%get3A_528] : memref<10000xf32, #tpu.memory_space<vmem>>[vector<16xi32>], vector<16xf32>,
      %add3A_530 = arith.addf %gather3A_525, %gather3A_529 : vector<16xf32>
      %mul3A_531 = arith.constant 400 : i32
      %mul3A_532 = arith.muli %scan3A_167, %mul3A_531 : i32
      %add3A_533 = arith.constant 192 : i32
      %add3A_534 = arith.addi %mul3A_532, %add3A_533 : i32
      %get3A_535 = arith.index_cast %add3A_534 : i32 to index
      %get3A_536 = tpu.vector_load %arg14[%get3A_535] {strides = array<i32>} : memref<10000xf32, #tpu.memory_space<vmem>>, vector<16xf32>,
      %add3A_537 = arith.addf %add3A_530, %get3A_536 : vector<16xf32>
      %ge3A_538 = arith.constant 0.000000e+00 : f32
      %ge3A_539 = vector.broadcast %ge3A_538 : f32 to vector<16xf32>
      %ge3A_540 = arith.cmpf oge, %add3A_537, %ge3A_539 : vector<16xf32>
      %mul3A_541 = arith.constant 2.000000e-01 : f32
      %mul3A_542 = vector.broadcast %mul3A_541 : f32 to vector<16xf32>
      %mul3A_543 = arith.mulf %mul3A_542, %add3A_537 : vector<16xf32>
      %select_n3A_544 = arith.select %ge3A_540, %add3A_537, %mul3A_543 : vector<16xi1>, vector<16xf32>
      %exp3A_545 = math.exp %select_n3A_544 : vector<16xf32>
      %mul3A_546 = arith.constant 400 : i32
      %mul3A_547 = arith.muli %scan3A_167, %mul3A_546 : i32
      %add3A_548 = arith.constant 192 : i32
      %add3A_549 = arith.addi %mul3A_547, %add3A_548 : i32
      %swap3A_550 = arith.index_cast %add3A_549 : i32 to index
      %swap3A_551 = tpu.vector_load %arg15[%swap3A_550] {strides = array<i32>} : memref<10000xf32, #tpu.memory_space<vmem>>, vector<16xf32>,
      tpu.vector_store %arg15[%swap3A_550], %exp3A_545 {strides = array<i32>} : memref<10000xf32, #tpu.memory_space<vmem>>, vector<16xf32>,
      %get3A_552 = arith.index_cast %scan3A_167 : i32 to index
      %get3A_553 = arith.constant 208 : index
      %get3A_554 = tpu.vector_load %arg12[%get3A_552, %get3A_553] {strides = array<i32>} : memref<25x400xi32, #tpu.memory_space<vmem>>, vector<16xi32>,
      %gather3A_555 = tpu.vector_load_idx %arg10[%get3A_554] : memref<10000xf32, #tpu.memory_space<vmem>>[vector<16xi32>], vector<16xf32>,
      %get3A_556 = arith.index_cast %scan3A_167 : i32 to index
      %get3A_557 = arith.constant 208 : index
      %get3A_558 = tpu.vector_load %arg13[%get3A_556, %get3A_557] {strides = array<i32>} : memref<25x400xi32, #tpu.memory_space<vmem>>, vector<16xi32>,
      %gather3A_559 = tpu.vector_load_idx %arg11[%get3A_558] : memref<10000xf32, #tpu.memory_space<vmem>>[vector<16xi32>], vector<16xf32>,
      %add3A_560 = arith.addf %gather3A_555, %gather3A_559 : vector<16xf32>
      %mul3A_561 = arith.constant 400 : i32
      %mul3A_562 = arith.muli %scan3A_167, %mul3A_561 : i32
      %add3A_563 = arith.constant 208 : i32
      %add3A_564 = arith.addi %mul3A_562, %add3A_563 : i32
      %get3A_565 = arith.index_cast %add3A_564 : i32 to index
      %get3A_566 = tpu.vector_load %arg14[%get3A_565] {strides = array<i32>} : memref<10000xf32, #tpu.memory_space<vmem>>, vector<16xf32>,
      %add3A_567 = arith.addf %add3A_560, %get3A_566 : vector<16xf32>
      %ge3A_568 = arith.constant 0.000000e+00 : f32
      %ge3A_569 = vector.broadcast %ge3A_568 : f32 to vector<16xf32>
      %ge3A_570 = arith.cmpf oge, %add3A_567, %ge3A_569 : vector<16xf32>
      %mul3A_571 = arith.constant 2.000000e-01 : f32
      %mul3A_572 = vector.broadcast %mul3A_571 : f32 to vector<16xf32>
      %mul3A_573 = arith.mulf %mul3A_572, %add3A_567 : vector<16xf32>
      %select_n3A_574 = arith.select %ge3A_570, %add3A_567, %mul3A_573 : vector<16xi1>, vector<16xf32>
      %exp3A_575 = math.exp %select_n3A_574 : vector<16xf32>
      %mul3A_576 = arith.constant 400 : i32
      %mul3A_577 = arith.muli %scan3A_167, %mul3A_576 : i32
      %add3A_578 = arith.constant 208 : i32
      %add3A_579 = arith.addi %mul3A_577, %add3A_578 : i32
      %swap3A_580 = arith.index_cast %add3A_579 : i32 to index
      %swap3A_581 = tpu.vector_load %arg15[%swap3A_580] {strides = array<i32>} : memref<10000xf32, #tpu.memory_space<vmem>>, vector<16xf32>,
      tpu.vector_store %arg15[%swap3A_580], %exp3A_575 {strides = array<i32>} : memref<10000xf32, #tpu.memory_space<vmem>>, vector<16xf32>,
      %get3A_582 = arith.index_cast %scan3A_167 : i32 to index
      %get3A_583 = arith.constant 224 : index
      %get3A_584 = tpu.vector_load %arg12[%get3A_582, %get3A_583] {strides = array<i32>} : memref<25x400xi32, #tpu.memory_space<vmem>>, vector<16xi32>,
      %gather3A_585 = tpu.vector_load_idx %arg10[%get3A_584] : memref<10000xf32, #tpu.memory_space<vmem>>[vector<16xi32>], vector<16xf32>,
      %get3A_586 = arith.index_cast %scan3A_167 : i32 to index
      %get3A_587 = arith.constant 224 : index
      %get3A_588 = tpu.vector_load %arg13[%get3A_586, %get3A_587] {strides = array<i32>} : memref<25x400xi32, #tpu.memory_space<vmem>>, vector<16xi32>,
      %gather3A_589 = tpu.vector_load_idx %arg11[%get3A_588] : memref<10000xf32, #tpu.memory_space<vmem>>[vector<16xi32>], vector<16xf32>,
      %add3A_590 = arith.addf %gather3A_585, %gather3A_589 : vector<16xf32>
      %mul3A_591 = arith.constant 400 : i32
      %mul3A_592 = arith.muli %scan3A_167, %mul3A_591 : i32
      %add3A_593 = arith.constant 224 : i32
      %add3A_594 = arith.addi %mul3A_592, %add3A_593 : i32
      %get3A_595 = arith.index_cast %add3A_594 : i32 to index
      %get3A_596 = tpu.vector_load %arg14[%get3A_595] {strides = array<i32>} : memref<10000xf32, #tpu.memory_space<vmem>>, vector<16xf32>,
      %add3A_597 = arith.addf %add3A_590, %get3A_596 : vector<16xf32>
      %ge3A_598 = arith.constant 0.000000e+00 : f32
      %ge3A_599 = vector.broadcast %ge3A_598 : f32 to vector<16xf32>
      %ge3A_600 = arith.cmpf oge, %add3A_597, %ge3A_599 : vector<16xf32>
      %mul3A_601 = arith.constant 2.000000e-01 : f32
      %mul3A_602 = vector.broadcast %mul3A_601 : f32 to vector<16xf32>
      %mul3A_603 = arith.mulf %mul3A_602, %add3A_597 : vector<16xf32>
      %select_n3A_604 = arith.select %ge3A_600, %add3A_597, %mul3A_603 : vector<16xi1>, vector<16xf32>
      %exp3A_605 = math.exp %select_n3A_604 : vector<16xf32>
      %mul3A_606 = arith.constant 400 : i32
      %mul3A_607 = arith.muli %scan3A_167, %mul3A_606 : i32
      %add3A_608 = arith.constant 224 : i32
      %add3A_609 = arith.addi %mul3A_607, %add3A_608 : i32
      %swap3A_610 = arith.index_cast %add3A_609 : i32 to index
      %swap3A_611 = tpu.vector_load %arg15[%swap3A_610] {strides = array<i32>} : memref<10000xf32, #tpu.memory_space<vmem>>, vector<16xf32>,
      tpu.vector_store %arg15[%swap3A_610], %exp3A_605 {strides = array<i32>} : memref<10000xf32, #tpu.memory_space<vmem>>, vector<16xf32>,
      %get3A_612 = arith.index_cast %scan3A_167 : i32 to index
      %get3A_613 = arith.constant 240 : index
      %get3A_614 = tpu.vector_load %arg12[%get3A_612, %get3A_613] {strides = array<i32>} : memref<25x400xi32, #tpu.memory_space<vmem>>, vector<16xi32>,
      %gather3A_615 = tpu.vector_load_idx %arg10[%get3A_614] : memref<10000xf32, #tpu.memory_space<vmem>>[vector<16xi32>], vector<16xf32>,
      %get3A_616 = arith.index_cast %scan3A_167 : i32 to index
      %get3A_617 = arith.constant 240 : index
      %get3A_618 = tpu.vector_load %arg13[%get3A_616, %get3A_617] {strides = array<i32>} : memref<25x400xi32, #tpu.memory_space<vmem>>, vector<16xi32>,
      %gather3A_619 = tpu.vector_load_idx %arg11[%get3A_618] : memref<10000xf32, #tpu.memory_space<vmem>>[vector<16xi32>], vector<16xf32>,
      %add3A_620 = arith.addf %gather3A_615, %gather3A_619 : vector<16xf32>
      %mul3A_621 = arith.constant 400 : i32
      %mul3A_622 = arith.muli %scan3A_167, %mul3A_621 : i32
      %add3A_623 = arith.constant 240 : i32
      %add3A_624 = arith.addi %mul3A_622, %add3A_623 : i32
      %get3A_625 = arith.index_cast %add3A_624 : i32 to index
      %get3A_626 = tpu.vector_load %arg14[%get3A_625] {strides = array<i32>} : memref<10000xf32, #tpu.memory_space<vmem>>, vector<16xf32>,
      %add3A_627 = arith.addf %add3A_620, %get3A_626 : vector<16xf32>
      %ge3A_628 = arith.constant 0.000000e+00 : f32
      %ge3A_629 = vector.broadcast %ge3A_628 : f32 to vector<16xf32>
      %ge3A_630 = arith.cmpf oge, %add3A_627, %ge3A_629 : vector<16xf32>
      %mul3A_631 = arith.constant 2.000000e-01 : f32
      %mul3A_632 = vector.broadcast %mul3A_631 : f32 to vector<16xf32>
      %mul3A_633 = arith.mulf %mul3A_632, %add3A_627 : vector<16xf32>
      %select_n3A_634 = arith.select %ge3A_630, %add3A_627, %mul3A_633 : vector<16xi1>, vector<16xf32>
      %exp3A_635 = math.exp %select_n3A_634 : vector<16xf32>
      %mul3A_636 = arith.constant 400 : i32
      %mul3A_637 = arith.muli %scan3A_167, %mul3A_636 : i32
      %add3A_638 = arith.constant 240 : i32
      %add3A_639 = arith.addi %mul3A_637, %add3A_638 : i32
      %swap3A_640 = arith.index_cast %add3A_639 : i32 to index
      %swap3A_641 = tpu.vector_load %arg15[%swap3A_640] {strides = array<i32>} : memref<10000xf32, #tpu.memory_space<vmem>>, vector<16xf32>,
      tpu.vector_store %arg15[%swap3A_640], %exp3A_635 {strides = array<i32>} : memref<10000xf32, #tpu.memory_space<vmem>>, vector<16xf32>,
      %get3A_642 = arith.index_cast %scan3A_167 : i32 to index
      %get3A_643 = arith.constant 256 : index
      %get3A_644 = tpu.vector_load %arg12[%get3A_642, %get3A_643] {strides = array<i32>} : memref<25x400xi32, #tpu.memory_space<vmem>>, vector<16xi32>,
      %gather3A_645 = tpu.vector_load_idx %arg10[%get3A_644] : memref<10000xf32, #tpu.memory_space<vmem>>[vector<16xi32>], vector<16xf32>,
      %get3A_646 = arith.index_cast %scan3A_167 : i32 to index
      %get3A_647 = arith.constant 256 : index
      %get3A_648 = tpu.vector_load %arg13[%get3A_646, %get3A_647] {strides = array<i32>} : memref<25x400xi32, #tpu.memory_space<vmem>>, vector<16xi32>,
      %gather3A_649 = tpu.vector_load_idx %arg11[%get3A_648] : memref<10000xf32, #tpu.memory_space<vmem>>[vector<16xi32>], vector<16xf32>,
      %add3A_650 = arith.addf %gather3A_645, %gather3A_649 : vector<16xf32>
      %mul3A_651 = arith.constant 400 : i32
      %mul3A_652 = arith.muli %scan3A_167, %mul3A_651 : i32
      %add3A_653 = arith.constant 256 : i32
      %add3A_654 = arith.addi %mul3A_652, %add3A_653 : i32
      %get3A_655 = arith.index_cast %add3A_654 : i32 to index
      %get3A_656 = tpu.vector_load %arg14[%get3A_655] {strides = array<i32>} : memref<10000xf32, #tpu.memory_space<vmem>>, vector<16xf32>,
      %add3A_657 = arith.addf %add3A_650, %get3A_656 : vector<16xf32>
      %ge3A_658 = arith.constant 0.000000e+00 : f32
      %ge3A_659 = vector.broadcast %ge3A_658 : f32 to vector<16xf32>
      %ge3A_660 = arith.cmpf oge, %add3A_657, %ge3A_659 : vector<16xf32>
      %mul3A_661 = arith.constant 2.000000e-01 : f32
      %mul3A_662 = vector.broadcast %mul3A_661 : f32 to vector<16xf32>
      %mul3A_663 = arith.mulf %mul3A_662, %add3A_657 : vector<16xf32>
      %select_n3A_664 = arith.select %ge3A_660, %add3A_657, %mul3A_663 : vector<16xi1>, vector<16xf32>
      %exp3A_665 = math.exp %select_n3A_664 : vector<16xf32>
      %mul3A_666 = arith.constant 400 : i32
      %mul3A_667 = arith.muli %scan3A_167, %mul3A_666 : i32
      %add3A_668 = arith.constant 256 : i32
      %add3A_669 = arith.addi %mul3A_667, %add3A_668 : i32
      %swap3A_670 = arith.index_cast %add3A_669 : i32 to index
      %swap3A_671 = tpu.vector_load %arg15[%swap3A_670] {strides = array<i32>} : memref<10000xf32, #tpu.memory_space<vmem>>, vector<16xf32>,
      tpu.vector_store %arg15[%swap3A_670], %exp3A_665 {strides = array<i32>} : memref<10000xf32, #tpu.memory_space<vmem>>, vector<16xf32>,
      %get3A_672 = arith.index_cast %scan3A_167 : i32 to index
      %get3A_673 = arith.constant 272 : index
      %get3A_674 = tpu.vector_load %arg12[%get3A_672, %get3A_673] {strides = array<i32>} : memref<25x400xi32, #tpu.memory_space<vmem>>, vector<16xi32>,
      %gather3A_675 = tpu.vector_load_idx %arg10[%get3A_674] : memref<10000xf32, #tpu.memory_space<vmem>>[vector<16xi32>], vector<16xf32>,
      %get3A_676 = arith.index_cast %scan3A_167 : i32 to index
      %get3A_677 = arith.constant 272 : index
      %get3A_678 = tpu.vector_load %arg13[%get3A_676, %get3A_677] {strides = array<i32>} : memref<25x400xi32, #tpu.memory_space<vmem>>, vector<16xi32>,
      %gather3A_679 = tpu.vector_load_idx %arg11[%get3A_678] : memref<10000xf32, #tpu.memory_space<vmem>>[vector<16xi32>], vector<16xf32>,
      %add3A_680 = arith.addf %gather3A_675, %gather3A_679 : vector<16xf32>
      %mul3A_681 = arith.constant 400 : i32
      %mul3A_682 = arith.muli %scan3A_167, %mul3A_681 : i32
      %add3A_683 = arith.constant 272 : i32
      %add3A_684 = arith.addi %mul3A_682, %add3A_683 : i32
      %get3A_685 = arith.index_cast %add3A_684 : i32 to index
      %get3A_686 = tpu.vector_load %arg14[%get3A_685] {strides = array<i32>} : memref<10000xf32, #tpu.memory_space<vmem>>, vector<16xf32>,
      %add3A_687 = arith.addf %add3A_680, %get3A_686 : vector<16xf32>
      %ge3A_688 = arith.constant 0.000000e+00 : f32
      %ge3A_689 = vector.broadcast %ge3A_688 : f32 to vector<16xf32>
      %ge3A_690 = arith.cmpf oge, %add3A_687, %ge3A_689 : vector<16xf32>
      %mul3A_691 = arith.constant 2.000000e-01 : f32
      %mul3A_692 = vector.broadcast %mul3A_691 : f32 to vector<16xf32>
      %mul3A_693 = arith.mulf %mul3A_692, %add3A_687 : vector<16xf32>
      %select_n3A_694 = arith.select %ge3A_690, %add3A_687, %mul3A_693 : vector<16xi1>, vector<16xf32>
      %exp3A_695 = math.exp %select_n3A_694 : vector<16xf32>
      %mul3A_696 = arith.constant 400 : i32
      %mul3A_697 = arith.muli %scan3A_167, %mul3A_696 : i32
      %add3A_698 = arith.constant 272 : i32
      %add3A_699 = arith.addi %mul3A_697, %add3A_698 : i32
      %swap3A_700 = arith.index_cast %add3A_699 : i32 to index
      %swap3A_701 = tpu.vector_load %arg15[%swap3A_700] {strides = array<i32>} : memref<10000xf32, #tpu.memory_space<vmem>>, vector<16xf32>,
      tpu.vector_store %arg15[%swap3A_700], %exp3A_695 {strides = array<i32>} : memref<10000xf32, #tpu.memory_space<vmem>>, vector<16xf32>,
      %get3A_702 = arith.index_cast %scan3A_167 : i32 to index
      %get3A_703 = arith.constant 288 : index
      %get3A_704 = tpu.vector_load %arg12[%get3A_702, %get3A_703] {strides = array<i32>} : memref<25x400xi32, #tpu.memory_space<vmem>>, vector<16xi32>,
      %gather3A_705 = tpu.vector_load_idx %arg10[%get3A_704] : memref<10000xf32, #tpu.memory_space<vmem>>[vector<16xi32>], vector<16xf32>,
      %get3A_706 = arith.index_cast %scan3A_167 : i32 to index
      %get3A_707 = arith.constant 288 : index
      %get3A_708 = tpu.vector_load %arg13[%get3A_706, %get3A_707] {strides = array<i32>} : memref<25x400xi32, #tpu.memory_space<vmem>>, vector<16xi32>,
      %gather3A_709 = tpu.vector_load_idx %arg11[%get3A_708] : memref<10000xf32, #tpu.memory_space<vmem>>[vector<16xi32>], vector<16xf32>,
      %add3A_710 = arith.addf %gather3A_705, %gather3A_709 : vector<16xf32>
      %mul3A_711 = arith.constant 400 : i32
      %mul3A_712 = arith.muli %scan3A_167, %mul3A_711 : i32
      %add3A_713 = arith.constant 288 : i32
      %add3A_714 = arith.addi %mul3A_712, %add3A_713 : i32
      %get3A_715 = arith.index_cast %add3A_714 : i32 to index
      %get3A_716 = tpu.vector_load %arg14[%get3A_715] {strides = array<i32>} : memref<10000xf32, #tpu.memory_space<vmem>>, vector<16xf32>,
      %add3A_717 = arith.addf %add3A_710, %get3A_716 : vector<16xf32>
      %ge3A_718 = arith.constant 0.000000e+00 : f32
      %ge3A_719 = vector.broadcast %ge3A_718 : f32 to vector<16xf32>
      %ge3A_720 = arith.cmpf oge, %add3A_717, %ge3A_719 : vector<16xf32>
      %mul3A_721 = arith.constant 2.000000e-01 : f32
      %mul3A_722 = vector.broadcast %mul3A_721 : f32 to vector<16xf32>
      %mul3A_723 = arith.mulf %mul3A_722, %add3A_717 : vector<16xf32>
      %select_n3A_724 = arith.select %ge3A_720, %add3A_717, %mul3A_723 : vector<16xi1>, vector<16xf32>
      %exp3A_725 = math.exp %select_n3A_724 : vector<16xf32>
      %mul3A_726 = arith.constant 400 : i32
      %mul3A_727 = arith.muli %scan3A_167, %mul3A_726 : i32
      %add3A_728 = arith.constant 288 : i32
      %add3A_729 = arith.addi %mul3A_727, %add3A_728 : i32
      %swap3A_730 = arith.index_cast %add3A_729 : i32 to index
      %swap3A_731 = tpu.vector_load %arg15[%swap3A_730] {strides = array<i32>} : memref<10000xf32, #tpu.memory_space<vmem>>, vector<16xf32>,
      tpu.vector_store %arg15[%swap3A_730], %exp3A_725 {strides = array<i32>} : memref<10000xf32, #tpu.memory_space<vmem>>, vector<16xf32>,
      %get3A_732 = arith.index_cast %scan3A_167 : i32 to index
      %get3A_733 = arith.constant 304 : index
      %get3A_734 = tpu.vector_load %arg12[%get3A_732, %get3A_733] {strides = array<i32>} : memref<25x400xi32, #tpu.memory_space<vmem>>, vector<16xi32>,
      %gather3A_735 = tpu.vector_load_idx %arg10[%get3A_734] : memref<10000xf32, #tpu.memory_space<vmem>>[vector<16xi32>], vector<16xf32>,
      %get3A_736 = arith.index_cast %scan3A_167 : i32 to index
      %get3A_737 = arith.constant 304 : index
      %get3A_738 = tpu.vector_load %arg13[%get3A_736, %get3A_737] {strides = array<i32>} : memref<25x400xi32, #tpu.memory_space<vmem>>, vector<16xi32>,
      %gather3A_739 = tpu.vector_load_idx %arg11[%get3A_738] : memref<10000xf32, #tpu.memory_space<vmem>>[vector<16xi32>], vector<16xf32>,
      %add3A_740 = arith.addf %gather3A_735, %gather3A_739 : vector<16xf32>
      %mul3A_741 = arith.constant 400 : i32
      %mul3A_742 = arith.muli %scan3A_167, %mul3A_741 : i32
      %add3A_743 = arith.constant 304 : i32
      %add3A_744 = arith.addi %mul3A_742, %add3A_743 : i32
      %get3A_745 = arith.index_cast %add3A_744 : i32 to index
      %get3A_746 = tpu.vector_load %arg14[%get3A_745] {strides = array<i32>} : memref<10000xf32, #tpu.memory_space<vmem>>, vector<16xf32>,
      %add3A_747 = arith.addf %add3A_740, %get3A_746 : vector<16xf32>
      %ge3A_748 = arith.constant 0.000000e+00 : f32
      %ge3A_749 = vector.broadcast %ge3A_748 : f32 to vector<16xf32>
      %ge3A_750 = arith.cmpf oge, %add3A_747, %ge3A_749 : vector<16xf32>
      %mul3A_751 = arith.constant 2.000000e-01 : f32
      %mul3A_752 = vector.broadcast %mul3A_751 : f32 to vector<16xf32>
      %mul3A_753 = arith.mulf %mul3A_752, %add3A_747 : vector<16xf32>
      %select_n3A_754 = arith.select %ge3A_750, %add3A_747, %mul3A_753 : vector<16xi1>, vector<16xf32>
      %exp3A_755 = math.exp %select_n3A_754 : vector<16xf32>
      %mul3A_756 = arith.constant 400 : i32
      %mul3A_757 = arith.muli %scan3A_167, %mul3A_756 : i32
      %add3A_758 = arith.constant 304 : i32
      %add3A_759 = arith.addi %mul3A_757, %add3A_758 : i32
      %swap3A_760 = arith.index_cast %add3A_759 : i32 to index
      %swap3A_761 = tpu.vector_load %arg15[%swap3A_760] {strides = array<i32>} : memref<10000xf32, #tpu.memory_space<vmem>>, vector<16xf32>,
      tpu.vector_store %arg15[%swap3A_760], %exp3A_755 {strides = array<i32>} : memref<10000xf32, #tpu.memory_space<vmem>>, vector<16xf32>,
      %get3A_762 = arith.index_cast %scan3A_167 : i32 to index
      %get3A_763 = arith.constant 320 : index
      %get3A_764 = tpu.vector_load %arg12[%get3A_762, %get3A_763] {strides = array<i32>} : memref<25x400xi32, #tpu.memory_space<vmem>>, vector<16xi32>,
      %gather3A_765 = tpu.vector_load_idx %arg10[%get3A_764] : memref<10000xf32, #tpu.memory_space<vmem>>[vector<16xi32>], vector<16xf32>,
      %get3A_766 = arith.index_cast %scan3A_167 : i32 to index
      %get3A_767 = arith.constant 320 : index
      %get3A_768 = tpu.vector_load %arg13[%get3A_766, %get3A_767] {strides = array<i32>} : memref<25x400xi32, #tpu.memory_space<vmem>>, vector<16xi32>,
      %gather3A_769 = tpu.vector_load_idx %arg11[%get3A_768] : memref<10000xf32, #tpu.memory_space<vmem>>[vector<16xi32>], vector<16xf32>,
      %add3A_770 = arith.addf %gather3A_765, %gather3A_769 : vector<16xf32>
      %mul3A_771 = arith.constant 400 : i32
      %mul3A_772 = arith.muli %scan3A_167, %mul3A_771 : i32
      %add3A_773 = arith.constant 320 : i32
      %add3A_774 = arith.addi %mul3A_772, %add3A_773 : i32
      %get3A_775 = arith.index_cast %add3A_774 : i32 to index
      %get3A_776 = tpu.vector_load %arg14[%get3A_775] {strides = array<i32>} : memref<10000xf32, #tpu.memory_space<vmem>>, vector<16xf32>,
      %add3A_777 = arith.addf %add3A_770, %get3A_776 : vector<16xf32>
      %ge3A_778 = arith.constant 0.000000e+00 : f32
      %ge3A_779 = vector.broadcast %ge3A_778 : f32 to vector<16xf32>
      %ge3A_780 = arith.cmpf oge, %add3A_777, %ge3A_779 : vector<16xf32>
      %mul3A_781 = arith.constant 2.000000e-01 : f32
      %mul3A_782 = vector.broadcast %mul3A_781 : f32 to vector<16xf32>
      %mul3A_783 = arith.mulf %mul3A_782, %add3A_777 : vector<16xf32>
      %select_n3A_784 = arith.select %ge3A_780, %add3A_777, %mul3A_783 : vector<16xi1>, vector<16xf32>
      %exp3A_785 = math.exp %select_n3A_784 : vector<16xf32>
      %mul3A_786 = arith.constant 400 : i32
      %mul3A_787 = arith.muli %scan3A_167, %mul3A_786 : i32
      %add3A_788 = arith.constant 320 : i32
      %add3A_789 = arith.addi %mul3A_787, %add3A_788 : i32
      %swap3A_790 = arith.index_cast %add3A_789 : i32 to index
      %swap3A_791 = tpu.vector_load %arg15[%swap3A_790] {strides = array<i32>} : memref<10000xf32, #tpu.memory_space<vmem>>, vector<16xf32>,
      tpu.vector_store %arg15[%swap3A_790], %exp3A_785 {strides = array<i32>} : memref<10000xf32, #tpu.memory_space<vmem>>, vector<16xf32>,
      %get3A_792 = arith.index_cast %scan3A_167 : i32 to index
      %get3A_793 = arith.constant 336 : index
      %get3A_794 = tpu.vector_load %arg12[%get3A_792, %get3A_793] {strides = array<i32>} : memref<25x400xi32, #tpu.memory_space<vmem>>, vector<16xi32>,
      %gather3A_795 = tpu.vector_load_idx %arg10[%get3A_794] : memref<10000xf32, #tpu.memory_space<vmem>>[vector<16xi32>], vector<16xf32>,
      %get3A_796 = arith.index_cast %scan3A_167 : i32 to index
      %get3A_797 = arith.constant 336 : index
      %get3A_798 = tpu.vector_load %arg13[%get3A_796, %get3A_797] {strides = array<i32>} : memref<25x400xi32, #tpu.memory_space<vmem>>, vector<16xi32>,
      %gather3A_799 = tpu.vector_load_idx %arg11[%get3A_798] : memref<10000xf32, #tpu.memory_space<vmem>>[vector<16xi32>], vector<16xf32>,
      %add3A_800 = arith.addf %gather3A_795, %gather3A_799 : vector<16xf32>
      %mul3A_801 = arith.constant 400 : i32
      %mul3A_802 = arith.muli %scan3A_167, %mul3A_801 : i32
      %add3A_803 = arith.constant 336 : i32
      %add3A_804 = arith.addi %mul3A_802, %add3A_803 : i32
      %get3A_805 = arith.index_cast %add3A_804 : i32 to index
      %get3A_806 = tpu.vector_load %arg14[%get3A_805] {strides = array<i32>} : memref<10000xf32, #tpu.memory_space<vmem>>, vector<16xf32>,
      %add3A_807 = arith.addf %add3A_800, %get3A_806 : vector<16xf32>
      %ge3A_808 = arith.constant 0.000000e+00 : f32
      %ge3A_809 = vector.broadcast %ge3A_808 : f32 to vector<16xf32>
      %ge3A_810 = arith.cmpf oge, %add3A_807, %ge3A_809 : vector<16xf32>
      %mul3A_811 = arith.constant 2.000000e-01 : f32
      %mul3A_812 = vector.broadcast %mul3A_811 : f32 to vector<16xf32>
      %mul3A_813 = arith.mulf %mul3A_812, %add3A_807 : vector<16xf32>
      %select_n3A_814 = arith.select %ge3A_810, %add3A_807, %mul3A_813 : vector<16xi1>, vector<16xf32>
      %exp3A_815 = math.exp %select_n3A_814 : vector<16xf32>
      %mul3A_816 = arith.constant 400 : i32
      %mul3A_817 = arith.muli %scan3A_167, %mul3A_816 : i32
      %add3A_818 = arith.constant 336 : i32
      %add3A_819 = arith.addi %mul3A_817, %add3A_818 : i32
      %swap3A_820 = arith.index_cast %add3A_819 : i32 to index
      %swap3A_821 = tpu.vector_load %arg15[%swap3A_820] {strides = array<i32>} : memref<10000xf32, #tpu.memory_space<vmem>>, vector<16xf32>,
      tpu.vector_store %arg15[%swap3A_820], %exp3A_815 {strides = array<i32>} : memref<10000xf32, #tpu.memory_space<vmem>>, vector<16xf32>,
      %get3A_822 = arith.index_cast %scan3A_167 : i32 to index
      %get3A_823 = arith.constant 352 : index
      %get3A_824 = tpu.vector_load %arg12[%get3A_822, %get3A_823] {strides = array<i32>} : memref<25x400xi32, #tpu.memory_space<vmem>>, vector<16xi32>,
      %gather3A_825 = tpu.vector_load_idx %arg10[%get3A_824] : memref<10000xf32, #tpu.memory_space<vmem>>[vector<16xi32>], vector<16xf32>,
      %get3A_826 = arith.index_cast %scan3A_167 : i32 to index
      %get3A_827 = arith.constant 352 : index
      %get3A_828 = tpu.vector_load %arg13[%get3A_826, %get3A_827] {strides = array<i32>} : memref<25x400xi32, #tpu.memory_space<vmem>>, vector<16xi32>,
      %gather3A_829 = tpu.vector_load_idx %arg11[%get3A_828] : memref<10000xf32, #tpu.memory_space<vmem>>[vector<16xi32>], vector<16xf32>,
      %add3A_830 = arith.addf %gather3A_825, %gather3A_829 : vector<16xf32>
      %mul3A_831 = arith.constant 400 : i32
      %mul3A_832 = arith.muli %scan3A_167, %mul3A_831 : i32
      %add3A_833 = arith.constant 352 : i32
      %add3A_834 = arith.addi %mul3A_832, %add3A_833 : i32
      %get3A_835 = arith.index_cast %add3A_834 : i32 to index
      %get3A_836 = tpu.vector_load %arg14[%get3A_835] {strides = array<i32>} : memref<10000xf32, #tpu.memory_space<vmem>>, vector<16xf32>,
      %add3A_837 = arith.addf %add3A_830, %get3A_836 : vector<16xf32>
      %ge3A_838 = arith.constant 0.000000e+00 : f32
      %ge3A_839 = vector.broadcast %ge3A_838 : f32 to vector<16xf32>
      %ge3A_840 = arith.cmpf oge, %add3A_837, %ge3A_839 : vector<16xf32>
      %mul3A_841 = arith.constant 2.000000e-01 : f32
      %mul3A_842 = vector.broadcast %mul3A_841 : f32 to vector<16xf32>
      %mul3A_843 = arith.mulf %mul3A_842, %add3A_837 : vector<16xf32>
      %select_n3A_844 = arith.select %ge3A_840, %add3A_837, %mul3A_843 : vector<16xi1>, vector<16xf32>
      %exp3A_845 = math.exp %select_n3A_844 : vector<16xf32>
      %mul3A_846 = arith.constant 400 : i32
      %mul3A_847 = arith.muli %scan3A_167, %mul3A_846 : i32
      %add3A_848 = arith.constant 352 : i32
      %add3A_849 = arith.addi %mul3A_847, %add3A_848 : i32
      %swap3A_850 = arith.index_cast %add3A_849 : i32 to index
      %swap3A_851 = tpu.vector_load %arg15[%swap3A_850] {strides = array<i32>} : memref<10000xf32, #tpu.memory_space<vmem>>, vector<16xf32>,
      tpu.vector_store %arg15[%swap3A_850], %exp3A_845 {strides = array<i32>} : memref<10000xf32, #tpu.memory_space<vmem>>, vector<16xf32>,
      %get3A_852 = arith.index_cast %scan3A_167 : i32 to index
      %get3A_853 = arith.constant 368 : index
      %get3A_854 = tpu.vector_load %arg12[%get3A_852, %get3A_853] {strides = array<i32>} : memref<25x400xi32, #tpu.memory_space<vmem>>, vector<16xi32>,
      %gather3A_855 = tpu.vector_load_idx %arg10[%get3A_854] : memref<10000xf32, #tpu.memory_space<vmem>>[vector<16xi32>], vector<16xf32>,
      %get3A_856 = arith.index_cast %scan3A_167 : i32 to index
      %get3A_857 = arith.constant 368 : index
      %get3A_858 = tpu.vector_load %arg13[%get3A_856, %get3A_857] {strides = array<i32>} : memref<25x400xi32, #tpu.memory_space<vmem>>, vector<16xi32>,
      %gather3A_859 = tpu.vector_load_idx %arg11[%get3A_858] : memref<10000xf32, #tpu.memory_space<vmem>>[vector<16xi32>], vector<16xf32>,
      %add3A_860 = arith.addf %gather3A_855, %gather3A_859 : vector<16xf32>
      %mul3A_861 = arith.constant 400 : i32
      %mul3A_862 = arith.muli %scan3A_167, %mul3A_861 : i32
      %add3A_863 = arith.constant 368 : i32
      %add3A_864 = arith.addi %mul3A_862, %add3A_863 : i32
      %get3A_865 = arith.index_cast %add3A_864 : i32 to index
      %get3A_866 = tpu.vector_load %arg14[%get3A_865] {strides = array<i32>} : memref<10000xf32, #tpu.memory_space<vmem>>, vector<16xf32>,
      %add3A_867 = arith.addf %add3A_860, %get3A_866 : vector<16xf32>
      %ge3A_868 = arith.constant 0.000000e+00 : f32
      %ge3A_869 = vector.broadcast %ge3A_868 : f32 to vector<16xf32>
      %ge3A_870 = arith.cmpf oge, %add3A_867, %ge3A_869 : vector<16xf32>
      %mul3A_871 = arith.constant 2.000000e-01 : f32
      %mul3A_872 = vector.broadcast %mul3A_871 : f32 to vector<16xf32>
      %mul3A_873 = arith.mulf %mul3A_872, %add3A_867 : vector<16xf32>
      %select_n3A_874 = arith.select %ge3A_870, %add3A_867, %mul3A_873 : vector<16xi1>, vector<16xf32>
      %exp3A_875 = math.exp %select_n3A_874 : vector<16xf32>
      %mul3A_876 = arith.constant 400 : i32
      %mul3A_877 = arith.muli %scan3A_167, %mul3A_876 : i32
      %add3A_878 = arith.constant 368 : i32
      %add3A_879 = arith.addi %mul3A_877, %add3A_878 : i32
      %swap3A_880 = arith.index_cast %add3A_879 : i32 to index
      %swap3A_881 = tpu.vector_load %arg15[%swap3A_880] {strides = array<i32>} : memref<10000xf32, #tpu.memory_space<vmem>>, vector<16xf32>,
      tpu.vector_store %arg15[%swap3A_880], %exp3A_875 {strides = array<i32>} : memref<10000xf32, #tpu.memory_space<vmem>>, vector<16xf32>,
      %get3A_882 = arith.index_cast %scan3A_167 : i32 to index
      %get3A_883 = arith.constant 384 : index
      %get3A_884 = tpu.vector_load %arg12[%get3A_882, %get3A_883] {strides = array<i32>} : memref<25x400xi32, #tpu.memory_space<vmem>>, vector<16xi32>,
      %gather3A_885 = tpu.vector_load_idx %arg10[%get3A_884] : memref<10000xf32, #tpu.memory_space<vmem>>[vector<16xi32>], vector<16xf32>,
      %get3A_886 = arith.index_cast %scan3A_167 : i32 to index
      %get3A_887 = arith.constant 384 : index
      %get3A_888 = tpu.vector_load %arg13[%get3A_886, %get3A_887] {strides = array<i32>} : memref<25x400xi32, #tpu.memory_space<vmem>>, vector<16xi32>,
      %gather3A_889 = tpu.vector_load_idx %arg11[%get3A_888] : memref<10000xf32, #tpu.memory_space<vmem>>[vector<16xi32>], vector<16xf32>,
      %add3A_890 = arith.addf %gather3A_885, %gather3A_889 : vector<16xf32>
      %mul3A_891 = arith.constant 400 : i32
      %mul3A_892 = arith.muli %scan3A_167, %mul3A_891 : i32
      %add3A_893 = arith.constant 384 : i32
      %add3A_894 = arith.addi %mul3A_892, %add3A_893 : i32
      %get3A_895 = arith.index_cast %add3A_894 : i32 to index
      %get3A_896 = tpu.vector_load %arg14[%get3A_895] {strides = array<i32>} : memref<10000xf32, #tpu.memory_space<vmem>>, vector<16xf32>,
      %add3A_897 = arith.addf %add3A_890, %get3A_896 : vector<16xf32>
      %ge3A_898 = arith.constant 0.000000e+00 : f32
      %ge3A_899 = vector.broadcast %ge3A_898 : f32 to vector<16xf32>
      %ge3A_900 = arith.cmpf oge, %add3A_897, %ge3A_899 : vector<16xf32>
      %mul3A_901 = arith.constant 2.000000e-01 : f32
      %mul3A_902 = vector.broadcast %mul3A_901 : f32 to vector<16xf32>
      %mul3A_903 = arith.mulf %mul3A_902, %add3A_897 : vector<16xf32>
      %select_n3A_904 = arith.select %ge3A_900, %add3A_897, %mul3A_903 : vector<16xi1>, vector<16xf32>
      %exp3A_905 = math.exp %select_n3A_904 : vector<16xf32>
      %mul3A_906 = arith.constant 400 : i32
      %mul3A_907 = arith.muli %scan3A_167, %mul3A_906 : i32
      %add3A_908 = arith.constant 384 : i32
      %add3A_909 = arith.addi %mul3A_907, %add3A_908 : i32
      %swap3A_910 = arith.index_cast %add3A_909 : i32 to index
      %swap3A_911 = tpu.vector_load %arg15[%swap3A_910] {strides = array<i32>} : memref<10000xf32, #tpu.memory_space<vmem>>, vector<16xf32>,
      tpu.vector_store %arg15[%swap3A_910], %exp3A_905 {strides = array<i32>} : memref<10000xf32, #tpu.memory_space<vmem>>, vector<16xf32>,
    }
    %scan3A_29 = arith.constant 25 : i32
    %barrier3A = arith.constant 0 : index
    tpu.barrier barrier_id(%barrier3A)
    %mul3A_30 = arith.constant 4 : i32
    %mul3A_31 = arith.muli %mul3A_30, %arg0 : i32
    %add3A = arith.constant 0 : i32
    %add3A_32 = arith.addi %mul3A_31, %add3A : i32
    %dma_start3A_33 = arith.constant 0 : i32
    %dma_start3A_34 = arith.constant 0 : i32
    %dma_start3A_35 = tpu.memref_slice %arg12[%dma_start3A_33, %dma_start3A_34] : memref<25x400xi32, #tpu.memory_space<vmem>> -> memref<1x400xi32, #tpu.memory_space<vmem>>
    %dma_start3A_36 = tpu.memref_squeeze %dma_start3A_35 : memref<1x400xi32, #tpu.memory_space<vmem>> -> memref<400xi32, #tpu.memory_space<vmem>>
    %dma_start3A_37 = arith.constant 0 : i32
    %dma_start3A_38 = arith.constant 0 : i32
    %dma_start3A_39 = tpu.memref_slice %arg5[%add3A_32, %dma_start3A_37, %dma_start3A_38] : memref<8x10000x32xf32, #tpu.memory_space<hbm>> -> memref<1x10000x32xf32, #tpu.memory_space<hbm>>
    %dma_start3A_40 = tpu.memref_squeeze %dma_start3A_39 : memref<1x10000x32xf32, #tpu.memory_space<hbm>> -> memref<10000x32xf32, #tpu.memory_space<hbm>>
    %dma_start3A_41 = arith.constant 0 : i32
    %dma_start3A_42 = arith.constant 0 : i32
    %dma_start3A_43 = tpu.memref_slice %dma_start3A_40[%dma_start3A_41, %dma_start3A_42] : memref<10000x32xf32, #tpu.memory_space<hbm>> -> memref<10000x32xf32, #tpu.memory_space<hbm>>
    tpu.enqueue_indirect_dma source(%dma_start3A_43 : memref<10000x32xf32, #tpu.memory_space<hbm>>) target(%arg17 : memref<400x32xf32, #tpu.memory_space<vmem>>) offsets(%dma_start3A_36 : memref<400xi32, #tpu.memory_space<vmem>>) semaphore(%arg22 : memref<!tpu.dma_semaphore, #tpu.memory_space<semaphore_mem>>)
    %scan3A_44 = arith.constant 0 : i32
    %scan3A_45 = arith.constant 0 : i32
    %scan3A_46 = arith.constant 13 : i32
    %scan3A_47 = arith.addi %scan3A_45, %scan3A_46 : i32
    %scan3A_48 = arith.constant 1 : i32
    scf.for %scan3A_167 = %scan3A_45 to %scan3A_47 step %scan3A_48  : i32 {
      %mul3A_168 = arith.constant 2 : i32
      %mul3A_169 = arith.muli %mul3A_168, %scan3A_167 : i32
      %mul3A_170 = arith.constant 2 : i32
      %mul3A_171 = arith.muli %mul3A_170, %scan3A_167 : i32
      %add3A_172 = arith.constant 1 : i32
      %add3A_173 = arith.addi %mul3A_171, %add3A_172 : i32
      %mul3A_174 = arith.constant 2 : i32
      %mul3A_175 = arith.muli %mul3A_174, %scan3A_167 : i32
      %add3A_176 = arith.constant 2 : i32
      %add3A_177 = arith.addi %mul3A_175, %add3A_176 : i32
      %gt3A = arith.constant 0 : i32
      %gt3A_178 = arith.cmpi sgt, %scan3A_167, %gt3A : i32
      %convert_element_type3A_179 = arith.extui %gt3A_178 : i1 to i32
      %cond3A_180 = arith.constant 0 : i32
      %cond3A_181 = arith.cmpi ne, %convert_element_type3A_179, %cond3A_180 : i32
      scf.if %cond3A_181 {
        %sub3A = arith.constant 1 : i32
        %sub3A_241 = arith.subi %mul3A_169, %sub3A : i32
        %dma_wait3A_242 = arith.constant 0 : i32
        %dma_wait3A_243 = tpu.memref_slice %arg13[%sub3A_241, %dma_wait3A_242] : memref<25x400xi32, #tpu.memory_space<vmem>> -> memref<1x400xi32, #tpu.memory_space<vmem>>
        %dma_wait3A_244 = tpu.memref_squeeze %dma_wait3A_243 : memref<1x400xi32, #tpu.memory_space<vmem>> -> memref<400xi32, #tpu.memory_space<vmem>>
        %dma_wait3A_245 = arith.constant 0 : i32
        %dma_wait3A_246 = arith.constant 0 : i32
        %dma_wait3A_247 = tpu.memref_slice %arg20[%dma_wait3A_245, %dma_wait3A_246] : memref<10000x32xf32, #tpu.memory_space<vmem_shared>> -> memref<10000x32xf32, #tpu.memory_space<vmem_shared>>
        tpu.wait_indirect_dma semaphore(%arg23 : memref<!tpu.dma_semaphore, #tpu.memory_space<semaphore_mem>>) src(%arg18 : memref<400x32xf32, #tpu.memory_space<vmem>>) dst(%dma_wait3A_247 : memref<10000x32xf32, #tpu.memory_space<vmem_shared>>)
      } else {
      }
      %lt3A_182 = arith.constant 25 : i32
      %lt3A_183 = arith.cmpi slt, %add3A_173, %lt3A_182 : i32
      %convert_element_type3A_184 = arith.extui %lt3A_183 : i1 to i32
      %cond3A_185 = arith.constant 0 : i32
      %cond3A_186 = arith.cmpi ne, %convert_element_type3A_184, %cond3A_185 : i32
      scf.if %cond3A_186 {
        %mul3A_241 = arith.constant 4 : i32
        %mul3A_242 = arith.muli %mul3A_241, %arg0 : i32
        %add3A_243 = arith.constant 0 : i32
        %add3A_244 = arith.addi %mul3A_242, %add3A_243 : i32
        %dma_start3A_245 = arith.constant 0 : i32
        %dma_start3A_246 = tpu.memref_slice %arg12[%add3A_173, %dma_start3A_245] : memref<25x400xi32, #tpu.memory_space<vmem>> -> memref<1x400xi32, #tpu.memory_space<vmem>>
        %dma_start3A_247 = tpu.memref_squeeze %dma_start3A_246 : memref<1x400xi32, #tpu.memory_space<vmem>> -> memref<400xi32, #tpu.memory_space<vmem>>
        %dma_start3A_248 = arith.constant 0 : i32
        %dma_start3A_249 = arith.constant 0 : i32
        %dma_start3A_250 = tpu.memref_slice %arg5[%add3A_244, %dma_start3A_248, %dma_start3A_249] : memref<8x10000x32xf32, #tpu.memory_space<hbm>> -> memref<1x10000x32xf32, #tpu.memory_space<hbm>>
        %dma_start3A_251 = tpu.memref_squeeze %dma_start3A_250 : memref<1x10000x32xf32, #tpu.memory_space<hbm>> -> memref<10000x32xf32, #tpu.memory_space<hbm>>
        %dma_start3A_252 = arith.constant 0 : i32
        %dma_start3A_253 = arith.constant 0 : i32
        %dma_start3A_254 = tpu.memref_slice %dma_start3A_251[%dma_start3A_252, %dma_start3A_253] : memref<10000x32xf32, #tpu.memory_space<hbm>> -> memref<10000x32xf32, #tpu.memory_space<hbm>>
        tpu.enqueue_indirect_dma source(%dma_start3A_254 : memref<10000x32xf32, #tpu.memory_space<hbm>>) target(%arg18 : memref<400x32xf32, #tpu.memory_space<vmem>>) offsets(%dma_start3A_247 : memref<400xi32, #tpu.memory_space<vmem>>) semaphore(%arg23 : memref<!tpu.dma_semaphore, #tpu.memory_space<semaphore_mem>>)
      } else {
      }
      %mul3A_187 = arith.constant 4 : i32
      %mul3A_188 = arith.muli %mul3A_187, %arg0 : i32
      %add3A_189 = arith.constant 0 : i32
      %add3A_190 = arith.addi %mul3A_188, %add3A_189 : i32
      %dma_wait3A_191 = arith.constant 0 : i32
      %dma_wait3A_192 = tpu.memref_slice %arg12[%mul3A_169, %dma_wait3A_191] : memref<25x400xi32, #tpu.memory_space<vmem>> -> memref<1x400xi32, #tpu.memory_space<vmem>>
      %dma_wait3A_193 = tpu.memref_squeeze %dma_wait3A_192 : memref<1x400xi32, #tpu.memory_space<vmem>> -> memref<400xi32, #tpu.memory_space<vmem>>
      %dma_wait3A_194 = arith.constant 0 : i32
      %dma_wait3A_195 = arith.constant 0 : i32
      %dma_wait3A_196 = tpu.memref_slice %arg5[%add3A_190, %dma_wait3A_194, %dma_wait3A_195] : memref<8x10000x32xf32, #tpu.memory_space<hbm>> -> memref<1x10000x32xf32, #tpu.memory_space<hbm>>
      %dma_wait3A_197 = tpu.memref_squeeze %dma_wait3A_196 : memref<1x10000x32xf32, #tpu.memory_space<hbm>> -> memref<10000x32xf32, #tpu.memory_space<hbm>>
      %dma_wait3A_198 = arith.constant 0 : i32
      %dma_wait3A_199 = arith.constant 0 : i32
      %dma_wait3A_200 = tpu.memref_slice %dma_wait3A_197[%dma_wait3A_198, %dma_wait3A_199] : memref<10000x32xf32, #tpu.memory_space<hbm>> -> memref<10000x32xf32, #tpu.memory_space<hbm>>
      tpu.wait_indirect_dma semaphore(%arg22 : memref<!tpu.dma_semaphore, #tpu.memory_space<semaphore_mem>>) src(%dma_wait3A_200 : memref<10000x32xf32, #tpu.memory_space<hbm>>) dst(%arg17 : memref<400x32xf32, #tpu.memory_space<vmem>>)
      %parallel_loop3A_201 = arith.constant 0 : i32
      %parallel_loop3A_202 = arith.constant 400 : i32
      %parallel_loop3A_203 = arith.constant 1 : i32
      scf.for %parallel_loop3A_241 = %parallel_loop3A_201 to %parallel_loop3A_202 step %parallel_loop3A_203  : i32 {
        %parallel_loop3A_242 = arith.constant 400 : i32
        %parallel_loop3A_243 = arith.muli %mul3A_169, %parallel_loop3A_242 : i32
        %parallel_loop3A_244 = arith.addi %parallel_loop3A_243, %parallel_loop3A_241 : i32
        %parallel_loop3A_245 = vector.broadcast %parallel_loop3A_244 : i32 to vector<16xi32>
        %parallel_loop3A_246 = tpu.vector_load_idx %arg15[%parallel_loop3A_245] : memref<10000xf32, #tpu.memory_space<vmem>>[vector<16xi32>], vector<16xf32>,
        %parallel_loop3A_247 = arith.index_cast %parallel_loop3A_241 : i32 to index
        %parallel_loop3A_248 = arith.constant 0 : index
        %parallel_loop3A_249 = tpu.vector_load %arg17[%parallel_loop3A_247, %parallel_loop3A_248] {strides = array<i32>} : memref<400x32xf32, #tpu.memory_space<vmem>>, vector<16xf32>,
        %parallel_loop3A_250 = arith.mulf %parallel_loop3A_249, %parallel_loop3A_246 : vector<16xf32>
        %parallel_loop3A_251 = arith.index_cast %parallel_loop3A_241 : i32 to index
        %parallel_loop3A_252 = arith.constant 0 : index
        %parallel_loop3A_253 = tpu.vector_load %arg17[%parallel_loop3A_251, %parallel_loop3A_252] {strides = array<i32>} : memref<400x32xf32, #tpu.memory_space<vmem>>, vector<16xf32>,
        tpu.vector_store %arg17[%parallel_loop3A_251, %parallel_loop3A_252], %parallel_loop3A_250 {strides = array<i32>} : memref<400x32xf32, #tpu.memory_space<vmem>>, vector<16xf32>,
        %parallel_loop3A_254 = arith.index_cast %parallel_loop3A_241 : i32 to index
        %parallel_loop3A_255 = arith.constant 16 : index
        %parallel_loop3A_256 = tpu.vector_load %arg17[%parallel_loop3A_254, %parallel_loop3A_255] {strides = array<i32>} : memref<400x32xf32, #tpu.memory_space<vmem>>, vector<16xf32>,
        %parallel_loop3A_257 = arith.mulf %parallel_loop3A_256, %parallel_loop3A_246 : vector<16xf32>
        %parallel_loop3A_258 = arith.index_cast %parallel_loop3A_241 : i32 to index
        %parallel_loop3A_259 = arith.constant 16 : index
        %parallel_loop3A_260 = tpu.vector_load %arg17[%parallel_loop3A_258, %parallel_loop3A_259] {strides = array<i32>} : memref<400x32xf32, #tpu.memory_space<vmem>>, vector<16xf32>,
        tpu.vector_store %arg17[%parallel_loop3A_258, %parallel_loop3A_259], %parallel_loop3A_257 {strides = array<i32>} : memref<400x32xf32, #tpu.memory_space<vmem>>, vector<16xf32>,
      } {sc.loop_unroll_factor = 8 : i64, sc.parallel_access}
      %dma_start3A_204 = arith.constant 0 : i32
      %dma_start3A_205 = tpu.memref_slice %arg13[%mul3A_169, %dma_start3A_204] : memref<25x400xi32, #tpu.memory_space<vmem>> -> memref<1x400xi32, #tpu.memory_space<vmem>>
      %dma_start3A_206 = tpu.memref_squeeze %dma_start3A_205 : memref<1x400xi32, #tpu.memory_space<vmem>> -> memref<400xi32, #tpu.memory_space<vmem>>
      %dma_start3A_207 = arith.constant 0 : i32
      %dma_start3A_208 = arith.constant 0 : i32
      %dma_start3A_209 = tpu.memref_slice %arg20[%dma_start3A_207, %dma_start3A_208] : memref<10000x32xf32, #tpu.memory_space<vmem_shared>> -> memref<10000x32xf32, #tpu.memory_space<vmem_shared>>
      tpu.enqueue_indirect_dma source(%arg17 : memref<400x32xf32, #tpu.memory_space<vmem>>) target(%dma_start3A_209 : memref<10000x32xf32, #tpu.memory_space<vmem_shared>>) offsets(%dma_start3A_206 : memref<400xi32, #tpu.memory_space<vmem>>) semaphore(%arg22 : memref<!tpu.dma_semaphore, #tpu.memory_space<semaphore_mem>>) {add = true}
      %eq3A_210 = arith.constant 0 : i32
      %eq3A_211 = arith.cmpi eq, %arg0, %eq3A_210 : i32
      %convert_element_type3A_212 = arith.extui %eq3A_211 : i1 to i32
      %cond3A_213 = arith.constant 0 : i32
      %cond3A_214 = arith.cmpi ne, %convert_element_type3A_212, %cond3A_213 : i32
      scf.if %cond3A_214 {
        %mul3A_241 = arith.constant 400 : i32
        %mul3A_242 = arith.muli %mul3A_169, %mul3A_241 : i32
        %add3A_243 = arith.addi %mul3A_3, %mul3A_242 : i32
        "tpu.region"() ({
          %run_scoped3A = tpu.sem_alloc : memref<!tpu.dma_semaphore, #tpu.memory_space<semaphore_mem>>
          %dma_start3A_247 = arith.constant 0 : i32
          %dma_start3A_248 = tpu.memref_slice %arg4[%add3A_243, %dma_start3A_247] : memref<160000x16xf32, #tpu.memory_space<hbm>> -> memref<400x16xf32, #tpu.memory_space<hbm>>
          %dma_start3A_249 = arith.constant 0 : i32
          %dma_start3A_250 = tpu.memref_slice %arg4[%add3A_243, %dma_start3A_249] : memref<160000x16xf32, #tpu.memory_space<hbm>> -> memref<400x16xf32, #tpu.memory_space<hbm>>
          tpu.enqueue_dma source(%dma_start3A_250 : memref<400x16xf32, #tpu.memory_space<hbm>>) target(%arg16 : memref<400x16xf32, #tpu.memory_space<vmem>>) target_semaphore(%run_scoped3A : memref<!tpu.dma_semaphore, #tpu.memory_space<semaphore_mem>>)
          %dma_wait3A_251 = arith.constant 0 : i32
          %dma_wait3A_252 = tpu.memref_slice %arg4[%add3A_243, %dma_wait3A_251] : memref<160000x16xf32, #tpu.memory_space<hbm>> -> memref<400x16xf32, #tpu.memory_space<hbm>>
          %dma_wait3A_253 = arith.constant 0 : i32
          %dma_wait3A_254 = tpu.memref_slice %arg4[%add3A_243, %dma_wait3A_253] : memref<160000x16xf32, #tpu.memory_space<hbm>> -> memref<400x16xf32, #tpu.memory_space<hbm>>
          tpu.wait_dma2 semaphore(%run_scoped3A : memref<!tpu.dma_semaphore, #tpu.memory_space<semaphore_mem>>) src(%dma_wait3A_254 : memref<400x16xf32, #tpu.memory_space<hbm>>) dst(%arg16 : memref<400x16xf32, #tpu.memory_space<vmem>>)
          tpu.yield
        }) : () -> ()
        %parallel_loop3A_244 = arith.constant 0 : i32
        %parallel_loop3A_245 = arith.constant 400 : i32
        %parallel_loop3A_246 = arith.constant 1 : i32
        scf.for %parallel_loop3A_247 = %parallel_loop3A_244 to %parallel_loop3A_245 step %parallel_loop3A_246  : i32 {
          %parallel_loop3A_248 = arith.constant 400 : i32
          %parallel_loop3A_249 = arith.muli %mul3A_169, %parallel_loop3A_248 : i32
          %parallel_loop3A_250 = arith.addi %parallel_loop3A_249, %parallel_loop3A_247 : i32
          %parallel_loop3A_251 = vector.broadcast %parallel_loop3A_250 : i32 to vector<16xi32>
          %parallel_loop3A_252 = tpu.vector_load_idx %arg15[%parallel_loop3A_251] : memref<10000xf32, #tpu.memory_space<vmem>>[vector<16xi32>], vector<16xf32>,
          %parallel_loop3A_253 = arith.index_cast %parallel_loop3A_247 : i32 to index
          %parallel_loop3A_254 = arith.constant 0 : index
          %parallel_loop3A_255 = tpu.vector_load %arg16[%parallel_loop3A_253, %parallel_loop3A_254] {strides = array<i32>} : memref<400x16xf32, #tpu.memory_space<vmem>>, vector<16xf32>,
          %parallel_loop3A_256 = arith.mulf %parallel_loop3A_255, %parallel_loop3A_252 : vector<16xf32>
          %parallel_loop3A_257 = arith.index_cast %parallel_loop3A_247 : i32 to index
          %parallel_loop3A_258 = arith.constant 0 : index
          %parallel_loop3A_259 = tpu.vector_load %arg19[%parallel_loop3A_257, %parallel_loop3A_258] {strides = array<i32>} : memref<400x16xf32, #tpu.memory_space<vmem>>, vector<16xf32>,
          tpu.vector_store %arg19[%parallel_loop3A_257, %parallel_loop3A_258], %parallel_loop3A_256 {strides = array<i32>} : memref<400x16xf32, #tpu.memory_space<vmem>>, vector<16xf32>,
        } {sc.loop_unroll_factor = 8 : i64, sc.parallel_access}
      } else {
      }
      %eq3A_215 = arith.constant 1 : i32
      %eq3A_216 = arith.cmpi eq, %arg0, %eq3A_215 : i32
      %convert_element_type3A_217 = arith.extui %eq3A_216 : i1 to i32
      %cond3A_218 = arith.constant 0 : i32
      %cond3A_219 = arith.cmpi ne, %convert_element_type3A_217, %cond3A_218 : i32
      scf.if %cond3A_219 {
        %parallel_loop3A_241 = arith.constant 0 : i32
        %parallel_loop3A_242 = arith.constant 400 : i32
        %parallel_loop3A_243 = arith.constant 1 : i32
        scf.for %parallel_loop3A_244 = %parallel_loop3A_241 to %parallel_loop3A_242 step %parallel_loop3A_243  : i32 {
          %parallel_loop3A_245 = arith.constant 400 : i32
          %parallel_loop3A_246 = arith.muli %mul3A_169, %parallel_loop3A_245 : i32
          %parallel_loop3A_247 = arith.addi %parallel_loop3A_246, %parallel_loop3A_244 : i32
          %parallel_loop3A_248 = vector.broadcast %parallel_loop3A_247 : i32 to vector<16xi32>
          %parallel_loop3A_249 = tpu.vector_load_idx %arg15[%parallel_loop3A_248] : memref<10000xf32, #tpu.memory_space<vmem>>[vector<16xi32>], vector<16xf32>,
          %parallel_loop3A_250 = arith.constant 0.000000e+00 : f32
          %parallel_loop3A_251 = vector.broadcast %parallel_loop3A_250 : f32 to vector<16xf32>
          %parallel_loop3A_252 = arith.select %eq3A_2, %parallel_loop3A_249, %parallel_loop3A_251 : vector<16xi1>, vector<16xf32>
          %parallel_loop3A_253 = arith.index_cast %parallel_loop3A_244 : i32 to index
          %parallel_loop3A_254 = arith.constant 0 : index
          %parallel_loop3A_255 = tpu.vector_load %arg19[%parallel_loop3A_253, %parallel_loop3A_254] {strides = array<i32>} : memref<400x16xf32, #tpu.memory_space<vmem>>, vector<16xf32>,
          tpu.vector_store %arg19[%parallel_loop3A_253, %parallel_loop3A_254], %parallel_loop3A_252 {strides = array<i32>} : memref<400x16xf32, #tpu.memory_space<vmem>>, vector<16xf32>,
        } {sc.loop_unroll_factor = 8 : i64, sc.parallel_access}
      } else {
      }
      "tpu.region"() ({
        %run_scoped3A = tpu.sem_alloc : memref<!tpu.dma_semaphore, #tpu.memory_space<semaphore_mem>>
        %dma_start3A_241 = arith.constant 0 : i32
        %dma_start3A_242 = tpu.memref_slice %arg13[%mul3A_169, %dma_start3A_241] : memref<25x400xi32, #tpu.memory_space<vmem>> -> memref<1x400xi32, #tpu.memory_space<vmem>>
        %dma_start3A_243 = tpu.memref_squeeze %dma_start3A_242 : memref<1x400xi32, #tpu.memory_space<vmem>> -> memref<400xi32, #tpu.memory_space<vmem>>
        %dma_start3A_244 = arith.constant 0 : i32
        %dma_start3A_245 = arith.constant 0 : i32
        %dma_start3A_246 = tpu.memref_slice %arg21[%dma_start3A_244, %dma_start3A_245] : memref<10000x16xf32, #tpu.memory_space<vmem_shared>> -> memref<10000x16xf32, #tpu.memory_space<vmem_shared>>
        tpu.enqueue_indirect_dma source(%arg19 : memref<400x16xf32, #tpu.memory_space<vmem>>) target(%dma_start3A_246 : memref<10000x16xf32, #tpu.memory_space<vmem_shared>>) offsets(%dma_start3A_243 : memref<400xi32, #tpu.memory_space<vmem>>) semaphore(%run_scoped3A : memref<!tpu.dma_semaphore, #tpu.memory_space<semaphore_mem>>) {add = true}
        %dma_wait3A_247 = arith.constant 0 : i32
        %dma_wait3A_248 = tpu.memref_slice %arg13[%mul3A_169, %dma_wait3A_247] : memref<25x400xi32, #tpu.memory_space<vmem>> -> memref<1x400xi32, #tpu.memory_space<vmem>>
        %dma_wait3A_249 = tpu.memref_squeeze %dma_wait3A_248 : memref<1x400xi32, #tpu.memory_space<vmem>> -> memref<400xi32, #tpu.memory_space<vmem>>
        %dma_wait3A_250 = arith.constant 0 : i32
        %dma_wait3A_251 = arith.constant 0 : i32
        %dma_wait3A_252 = tpu.memref_slice %arg21[%dma_wait3A_250, %dma_wait3A_251] : memref<10000x16xf32, #tpu.memory_space<vmem_shared>> -> memref<10000x16xf32, #tpu.memory_space<vmem_shared>>
        tpu.wait_indirect_dma semaphore(%run_scoped3A : memref<!tpu.dma_semaphore, #tpu.memory_space<semaphore_mem>>) src(%arg19 : memref<400x16xf32, #tpu.memory_space<vmem>>) dst(%dma_wait3A_252 : memref<10000x16xf32, #tpu.memory_space<vmem_shared>>)
        tpu.yield
      }) : () -> ()
      %lt3A_220 = arith.constant 25 : i32
      %lt3A_221 = arith.cmpi slt, %add3A_173, %lt3A_220 : i32
      %convert_element_type3A_222 = arith.extui %lt3A_221 : i1 to i32
      %cond3A_223 = arith.constant 0 : i32
      %cond3A_224 = arith.cmpi ne, %convert_element_type3A_222, %cond3A_223 : i32
      scf.if %cond3A_224 {
        %mul3A_241 = arith.constant 4 : i32
        %mul3A_242 = arith.muli %mul3A_241, %arg0 : i32
        %add3A_243 = arith.constant 0 : i32
        %add3A_244 = arith.addi %mul3A_242, %add3A_243 : i32
        %dma_wait3A_245 = arith.constant 0 : i32
        %dma_wait3A_246 = tpu.memref_slice %arg12[%add3A_173, %dma_wait3A_245] : memref<25x400xi32, #tpu.memory_space<vmem>> -> memref<1x400xi32, #tpu.memory_space<vmem>>
        %dma_wait3A_247 = tpu.memref_squeeze %dma_wait3A_246 : memref<1x400xi32, #tpu.memory_space<vmem>> -> memref<400xi32, #tpu.memory_space<vmem>>
        %dma_wait3A_248 = arith.constant 0 : i32
        %dma_wait3A_249 = arith.constant 0 : i32
        %dma_wait3A_250 = tpu.memref_slice %arg5[%add3A_244, %dma_wait3A_248, %dma_wait3A_249] : memref<8x10000x32xf32, #tpu.memory_space<hbm>> -> memref<1x10000x32xf32, #tpu.memory_space<hbm>>
        %dma_wait3A_251 = tpu.memref_squeeze %dma_wait3A_250 : memref<1x10000x32xf32, #tpu.memory_space<hbm>> -> memref<10000x32xf32, #tpu.memory_space<hbm>>
        %dma_wait3A_252 = arith.constant 0 : i32
        %dma_wait3A_253 = arith.constant 0 : i32
        %dma_wait3A_254 = tpu.memref_slice %dma_wait3A_251[%dma_wait3A_252, %dma_wait3A_253] : memref<10000x32xf32, #tpu.memory_space<hbm>> -> memref<10000x32xf32, #tpu.memory_space<hbm>>
        tpu.wait_indirect_dma semaphore(%arg23 : memref<!tpu.dma_semaphore, #tpu.memory_space<semaphore_mem>>) src(%dma_wait3A_254 : memref<10000x32xf32, #tpu.memory_space<hbm>>) dst(%arg18 : memref<400x32xf32, #tpu.memory_space<vmem>>)
        %parallel_loop3A_255 = arith.constant 0 : i32
        %parallel_loop3A_256 = arith.constant 400 : i32
        %parallel_loop3A_257 = arith.constant 1 : i32
        scf.for %parallel_loop3A_258 = %parallel_loop3A_255 to %parallel_loop3A_256 step %parallel_loop3A_257  : i32 {
          %parallel_loop3A_259 = arith.constant 400 : i32
          %parallel_loop3A_260 = arith.muli %add3A_173, %parallel_loop3A_259 : i32
          %parallel_loop3A_261 = arith.addi %parallel_loop3A_260, %parallel_loop3A_258 : i32
          %parallel_loop3A_262 = vector.broadcast %parallel_loop3A_261 : i32 to vector<16xi32>
          %parallel_loop3A_263 = tpu.vector_load_idx %arg15[%parallel_loop3A_262] : memref<10000xf32, #tpu.memory_space<vmem>>[vector<16xi32>], vector<16xf32>,
          %parallel_loop3A_264 = arith.index_cast %parallel_loop3A_258 : i32 to index
          %parallel_loop3A_265 = arith.constant 0 : index
          %parallel_loop3A_266 = tpu.vector_load %arg18[%parallel_loop3A_264, %parallel_loop3A_265] {strides = array<i32>} : memref<400x32xf32, #tpu.memory_space<vmem>>, vector<16xf32>,
          %parallel_loop3A_267 = arith.mulf %parallel_loop3A_266, %parallel_loop3A_263 : vector<16xf32>
          %parallel_loop3A_268 = arith.index_cast %parallel_loop3A_258 : i32 to index
          %parallel_loop3A_269 = arith.constant 0 : index
          %parallel_loop3A_270 = tpu.vector_load %arg18[%parallel_loop3A_268, %parallel_loop3A_269] {strides = array<i32>} : memref<400x32xf32, #tpu.memory_space<vmem>>, vector<16xf32>,
          tpu.vector_store %arg18[%parallel_loop3A_268, %parallel_loop3A_269], %parallel_loop3A_267 {strides = array<i32>} : memref<400x32xf32, #tpu.memory_space<vmem>>, vector<16xf32>,
          %parallel_loop3A_271 = arith.index_cast %parallel_loop3A_258 : i32 to index
          %parallel_loop3A_272 = arith.constant 16 : index
          %parallel_loop3A_273 = tpu.vector_load %arg18[%parallel_loop3A_271, %parallel_loop3A_272] {strides = array<i32>} : memref<400x32xf32, #tpu.memory_space<vmem>>, vector<16xf32>,
          %parallel_loop3A_274 = arith.mulf %parallel_loop3A_273, %parallel_loop3A_263 : vector<16xf32>
          %parallel_loop3A_275 = arith.index_cast %parallel_loop3A_258 : i32 to index
          %parallel_loop3A_276 = arith.constant 16 : index
          %parallel_loop3A_277 = tpu.vector_load %arg18[%parallel_loop3A_275, %parallel_loop3A_276] {strides = array<i32>} : memref<400x32xf32, #tpu.memory_space<vmem>>, vector<16xf32>,
          tpu.vector_store %arg18[%parallel_loop3A_275, %parallel_loop3A_276], %parallel_loop3A_274 {strides = array<i32>} : memref<400x32xf32, #tpu.memory_space<vmem>>, vector<16xf32>,
        } {sc.loop_unroll_factor = 8 : i64, sc.parallel_access}
      } else {
      }
      %dma_wait3A_225 = arith.constant 0 : i32
      %dma_wait3A_226 = tpu.memref_slice %arg13[%mul3A_169, %dma_wait3A_225] : memref<25x400xi32, #tpu.memory_space<vmem>> -> memref<1x400xi32, #tpu.memory_space<vmem>>
      %dma_wait3A_227 = tpu.memref_squeeze %dma_wait3A_226 : memref<1x400xi32, #tpu.memory_space<vmem>> -> memref<400xi32, #tpu.memory_space<vmem>>
      %dma_wait3A_228 = arith.constant 0 : i32
      %dma_wait3A_229 = arith.constant 0 : i32
      %dma_wait3A_230 = tpu.memref_slice %arg20[%dma_wait3A_228, %dma_wait3A_229] : memref<10000x32xf32, #tpu.memory_space<vmem_shared>> -> memref<10000x32xf32, #tpu.memory_space<vmem_shared>>
      tpu.wait_indirect_dma semaphore(%arg22 : memref<!tpu.dma_semaphore, #tpu.memory_space<semaphore_mem>>) src(%arg17 : memref<400x32xf32, #tpu.memory_space<vmem>>) dst(%dma_wait3A_230 : memref<10000x32xf32, #tpu.memory_space<vmem_shared>>)
      %lt3A_231 = arith.constant 25 : i32
      %lt3A_232 = arith.cmpi slt, %add3A_177, %lt3A_231 : i32
      %convert_element_type3A_233 = arith.extui %lt3A_232 : i1 to i32
      %cond3A_234 = arith.constant 0 : i32
      %cond3A_235 = arith.cmpi ne, %convert_element_type3A_233, %cond3A_234 : i32
      scf.if %cond3A_235 {
        %mul3A_241 = arith.constant 4 : i32
        %mul3A_242 = arith.muli %mul3A_241, %arg0 : i32
        %add3A_243 = arith.constant 0 : i32
        %add3A_244 = arith.addi %mul3A_242, %add3A_243 : i32
        %dma_start3A_245 = arith.constant 0 : i32
        %dma_start3A_246 = tpu.memref_slice %arg12[%add3A_177, %dma_start3A_245] : memref<25x400xi32, #tpu.memory_space<vmem>> -> memref<1x400xi32, #tpu.memory_space<vmem>>
        %dma_start3A_247 = tpu.memref_squeeze %dma_start3A_246 : memref<1x400xi32, #tpu.memory_space<vmem>> -> memref<400xi32, #tpu.memory_space<vmem>>
        %dma_start3A_248 = arith.constant 0 : i32
        %dma_start3A_249 = arith.constant 0 : i32
        %dma_start3A_250 = tpu.memref_slice %arg5[%add3A_244, %dma_start3A_248, %dma_start3A_249] : memref<8x10000x32xf32, #tpu.memory_space<hbm>> -> memref<1x10000x32xf32, #tpu.memory_space<hbm>>
        %dma_start3A_251 = tpu.memref_squeeze %dma_start3A_250 : memref<1x10000x32xf32, #tpu.memory_space<hbm>> -> memref<10000x32xf32, #tpu.memory_space<hbm>>
        %dma_start3A_252 = arith.constant 0 : i32
        %dma_start3A_253 = arith.constant 0 : i32
        %dma_start3A_254 = tpu.memref_slice %dma_start3A_251[%dma_start3A_252, %dma_start3A_253] : memref<10000x32xf32, #tpu.memory_space<hbm>> -> memref<10000x32xf32, #tpu.memory_space<hbm>>
        tpu.enqueue_indirect_dma source(%dma_start3A_254 : memref<10000x32xf32, #tpu.memory_space<hbm>>) target(%arg17 : memref<400x32xf32, #tpu.memory_space<vmem>>) offsets(%dma_start3A_247 : memref<400xi32, #tpu.memory_space<vmem>>) semaphore(%arg22 : memref<!tpu.dma_semaphore, #tpu.memory_space<semaphore_mem>>)
      } else {
      }
      %lt3A_236 = arith.constant 25 : i32
      %lt3A_237 = arith.cmpi slt, %add3A_173, %lt3A_236 : i32
      %convert_element_type3A_238 = arith.extui %lt3A_237 : i1 to i32
      %cond3A_239 = arith.constant 0 : i32
      %cond3A_240 = arith.cmpi ne, %convert_element_type3A_238, %cond3A_239 : i32
      scf.if %cond3A_240 {
        %dma_start3A_241 = arith.constant 0 : i32
        %dma_start3A_242 = tpu.memref_slice %arg13[%add3A_173, %dma_start3A_241] : memref<25x400xi32, #tpu.memory_space<vmem>> -> memref<1x400xi32, #tpu.memory_space<vmem>>
        %dma_start3A_243 = tpu.memref_squeeze %dma_start3A_242 : memref<1x400xi32, #tpu.memory_space<vmem>> -> memref<400xi32, #tpu.memory_space<vmem>>
        %dma_start3A_244 = arith.constant 0 : i32
        %dma_start3A_245 = arith.constant 0 : i32
        %dma_start3A_246 = tpu.memref_slice %arg20[%dma_start3A_244, %dma_start3A_245] : memref<10000x32xf32, #tpu.memory_space<vmem_shared>> -> memref<10000x32xf32, #tpu.memory_space<vmem_shared>>
        tpu.enqueue_indirect_dma source(%arg18 : memref<400x32xf32, #tpu.memory_space<vmem>>) target(%dma_start3A_246 : memref<10000x32xf32, #tpu.memory_space<vmem_shared>>) offsets(%dma_start3A_243 : memref<400xi32, #tpu.memory_space<vmem>>) semaphore(%arg23 : memref<!tpu.dma_semaphore, #tpu.memory_space<semaphore_mem>>) {add = true}
        %eq3A_247 = arith.constant 0 : i32
        %eq3A_248 = arith.cmpi eq, %arg0, %eq3A_247 : i32
        %convert_element_type3A_249 = arith.extui %eq3A_248 : i1 to i32
        %cond3A_250 = arith.constant 0 : i32
        %cond3A_251 = arith.cmpi ne, %convert_element_type3A_249, %cond3A_250 : i32
        scf.if %cond3A_251 {
          %mul3A_257 = arith.constant 400 : i32
          %mul3A_258 = arith.muli %add3A_173, %mul3A_257 : i32
          %add3A_259 = arith.addi %mul3A_3, %mul3A_258 : i32
          "tpu.region"() ({
            %run_scoped3A = tpu.sem_alloc : memref<!tpu.dma_semaphore, #tpu.memory_space<semaphore_mem>>
            %dma_start3A_263 = arith.constant 0 : i32
            %dma_start3A_264 = tpu.memref_slice %arg4[%add3A_259, %dma_start3A_263] : memref<160000x16xf32, #tpu.memory_space<hbm>> -> memref<400x16xf32, #tpu.memory_space<hbm>>
            %dma_start3A_265 = arith.constant 0 : i32
            %dma_start3A_266 = tpu.memref_slice %arg4[%add3A_259, %dma_start3A_265] : memref<160000x16xf32, #tpu.memory_space<hbm>> -> memref<400x16xf32, #tpu.memory_space<hbm>>
            tpu.enqueue_dma source(%dma_start3A_266 : memref<400x16xf32, #tpu.memory_space<hbm>>) target(%arg16 : memref<400x16xf32, #tpu.memory_space<vmem>>) target_semaphore(%run_scoped3A : memref<!tpu.dma_semaphore, #tpu.memory_space<semaphore_mem>>)
            %dma_wait3A_267 = arith.constant 0 : i32
            %dma_wait3A_268 = tpu.memref_slice %arg4[%add3A_259, %dma_wait3A_267] : memref<160000x16xf32, #tpu.memory_space<hbm>> -> memref<400x16xf32, #tpu.memory_space<hbm>>
            %dma_wait3A_269 = arith.constant 0 : i32
            %dma_wait3A_270 = tpu.memref_slice %arg4[%add3A_259, %dma_wait3A_269] : memref<160000x16xf32, #tpu.memory_space<hbm>> -> memref<400x16xf32, #tpu.memory_space<hbm>>
            tpu.wait_dma2 semaphore(%run_scoped3A : memref<!tpu.dma_semaphore, #tpu.memory_space<semaphore_mem>>) src(%dma_wait3A_270 : memref<400x16xf32, #tpu.memory_space<hbm>>) dst(%arg16 : memref<400x16xf32, #tpu.memory_space<vmem>>)
            tpu.yield
          }) : () -> ()
          %parallel_loop3A_260 = arith.constant 0 : i32
          %parallel_loop3A_261 = arith.constant 400 : i32
          %parallel_loop3A_262 = arith.constant 1 : i32
          scf.for %parallel_loop3A_263 = %parallel_loop3A_260 to %parallel_loop3A_261 step %parallel_loop3A_262  : i32 {
            %parallel_loop3A_264 = arith.constant 400 : i32
            %parallel_loop3A_265 = arith.muli %add3A_173, %parallel_loop3A_264 : i32
            %parallel_loop3A_266 = arith.addi %parallel_loop3A_265, %parallel_loop3A_263 : i32
            %parallel_loop3A_267 = vector.broadcast %parallel_loop3A_266 : i32 to vector<16xi32>
            %parallel_loop3A_268 = tpu.vector_load_idx %arg15[%parallel_loop3A_267] : memref<10000xf32, #tpu.memory_space<vmem>>[vector<16xi32>], vector<16xf32>,
            %parallel_loop3A_269 = arith.index_cast %parallel_loop3A_263 : i32 to index
            %parallel_loop3A_270 = arith.constant 0 : index
            %parallel_loop3A_271 = tpu.vector_load %arg16[%parallel_loop3A_269, %parallel_loop3A_270] {strides = array<i32>} : memref<400x16xf32, #tpu.memory_space<vmem>>, vector<16xf32>,
            %parallel_loop3A_272 = arith.mulf %parallel_loop3A_271, %parallel_loop3A_268 : vector<16xf32>
            %parallel_loop3A_273 = arith.index_cast %parallel_loop3A_263 : i32 to index
            %parallel_loop3A_274 = arith.constant 0 : index
            %parallel_loop3A_275 = tpu.vector_load %arg19[%parallel_loop3A_273, %parallel_loop3A_274] {strides = array<i32>} : memref<400x16xf32, #tpu.memory_space<vmem>>, vector<16xf32>,
            tpu.vector_store %arg19[%parallel_loop3A_273, %parallel_loop3A_274], %parallel_loop3A_272 {strides = array<i32>} : memref<400x16xf32, #tpu.memory_space<vmem>>, vector<16xf32>,
          } {sc.loop_unroll_factor = 8 : i64, sc.parallel_access}
        } else {
        }
        %eq3A_252 = arith.constant 1 : i32
        %eq3A_253 = arith.cmpi eq, %arg0, %eq3A_252 : i32
        %convert_element_type3A_254 = arith.extui %eq3A_253 : i1 to i32
        %cond3A_255 = arith.constant 0 : i32
        %cond3A_256 = arith.cmpi ne, %convert_element_type3A_254, %cond3A_255 : i32
        scf.if %cond3A_256 {
          %parallel_loop3A_257 = arith.constant 0 : i32
          %parallel_loop3A_258 = arith.constant 400 : i32
          %parallel_loop3A_259 = arith.constant 1 : i32
          scf.for %parallel_loop3A_260 = %parallel_loop3A_257 to %parallel_loop3A_258 step %parallel_loop3A_259  : i32 {
            %parallel_loop3A_261 = arith.constant 400 : i32
            %parallel_loop3A_262 = arith.muli %add3A_173, %parallel_loop3A_261 : i32
            %parallel_loop3A_263 = arith.addi %parallel_loop3A_262, %parallel_loop3A_260 : i32
            %parallel_loop3A_264 = vector.broadcast %parallel_loop3A_263 : i32 to vector<16xi32>
            %parallel_loop3A_265 = tpu.vector_load_idx %arg15[%parallel_loop3A_264] : memref<10000xf32, #tpu.memory_space<vmem>>[vector<16xi32>], vector<16xf32>,
            %parallel_loop3A_266 = arith.constant 0.000000e+00 : f32
            %parallel_loop3A_267 = vector.broadcast %parallel_loop3A_266 : f32 to vector<16xf32>
            %parallel_loop3A_268 = arith.select %eq3A_2, %parallel_loop3A_265, %parallel_loop3A_267 : vector<16xi1>, vector<16xf32>
            %parallel_loop3A_269 = arith.index_cast %parallel_loop3A_260 : i32 to index
            %parallel_loop3A_270 = arith.constant 0 : index
            %parallel_loop3A_271 = tpu.vector_load %arg19[%parallel_loop3A_269, %parallel_loop3A_270] {strides = array<i32>} : memref<400x16xf32, #tpu.memory_space<vmem>>, vector<16xf32>,
            tpu.vector_store %arg19[%parallel_loop3A_269, %parallel_loop3A_270], %parallel_loop3A_268 {strides = array<i32>} : memref<400x16xf32, #tpu.memory_space<vmem>>, vector<16xf32>,
          } {sc.loop_unroll_factor = 8 : i64, sc.parallel_access}
        } else {
        }
        "tpu.region"() ({
          %run_scoped3A = tpu.sem_alloc : memref<!tpu.dma_semaphore, #tpu.memory_space<semaphore_mem>>
          %dma_start3A_257 = arith.constant 0 : i32
          %dma_start3A_258 = tpu.memref_slice %arg13[%add3A_173, %dma_start3A_257] : memref<25x400xi32, #tpu.memory_space<vmem>> -> memref<1x400xi32, #tpu.memory_space<vmem>>
          %dma_start3A_259 = tpu.memref_squeeze %dma_start3A_258 : memref<1x400xi32, #tpu.memory_space<vmem>> -> memref<400xi32, #tpu.memory_space<vmem>>
          %dma_start3A_260 = arith.constant 0 : i32
          %dma_start3A_261 = arith.constant 0 : i32
          %dma_start3A_262 = tpu.memref_slice %arg21[%dma_start3A_260, %dma_start3A_261] : memref<10000x16xf32, #tpu.memory_space<vmem_shared>> -> memref<10000x16xf32, #tpu.memory_space<vmem_shared>>
          tpu.enqueue_indirect_dma source(%arg19 : memref<400x16xf32, #tpu.memory_space<vmem>>) target(%dma_start3A_262 : memref<10000x16xf32, #tpu.memory_space<vmem_shared>>) offsets(%dma_start3A_259 : memref<400xi32, #tpu.memory_space<vmem>>) semaphore(%run_scoped3A : memref<!tpu.dma_semaphore, #tpu.memory_space<semaphore_mem>>) {add = true}
          %dma_wait3A_263 = arith.constant 0 : i32
          %dma_wait3A_264 = tpu.memref_slice %arg13[%add3A_173, %dma_wait3A_263] : memref<25x400xi32, #tpu.memory_space<vmem>> -> memref<1x400xi32, #tpu.memory_space<vmem>>
          %dma_wait3A_265 = tpu.memref_squeeze %dma_wait3A_264 : memref<1x400xi32, #tpu.memory_space<vmem>> -> memref<400xi32, #tpu.memory_space<vmem>>
          %dma_wait3A_266 = arith.constant 0 : i32
          %dma_wait3A_267 = arith.constant 0 : i32
          %dma_wait3A_268 = tpu.memref_slice %arg21[%dma_wait3A_266, %dma_wait3A_267] : memref<10000x16xf32, #tpu.memory_space<vmem_shared>> -> memref<10000x16xf32, #tpu.memory_space<vmem_shared>>
          tpu.wait_indirect_dma semaphore(%run_scoped3A : memref<!tpu.dma_semaphore, #tpu.memory_space<semaphore_mem>>) src(%arg19 : memref<400x16xf32, #tpu.memory_space<vmem>>) dst(%dma_wait3A_268 : memref<10000x16xf32, #tpu.memory_space<vmem_shared>>)
          tpu.yield
        }) : () -> ()
      } else {
      }
    }
    %scan3A_49 = arith.constant 13 : i32
    %barrier3A_50 = arith.constant 0 : index
    tpu.barrier barrier_id(%barrier3A_50)
    %lt3A_51 = arith.constant 10 : i32
    %lt3A_52 = arith.cmpi slt, %arg1, %lt3A_51 : i32
    %convert_element_type3A_53 = arith.extui %lt3A_52 : i1 to i32
    %cond3A_54 = arith.constant 0 : i32
    %cond3A_55 = arith.cmpi ne, %convert_element_type3A_53, %cond3A_54 : i32
    scf.if %cond3A_55 {
      %mul3A_167 = arith.constant 1000 : i32
      %mul3A_168 = arith.muli %arg1, %mul3A_167 : i32
      %mul3A_169 = arith.constant 4 : i32
      %mul3A_170 = arith.muli %mul3A_169, %arg0 : i32
      %add3A_171 = arith.constant 0 : i32
      %add3A_172 = arith.addi %mul3A_170, %add3A_171 : i32
      "tpu.region"() ({
        %run_scoped3A = tpu.sem_alloc : memref<!tpu.dma_semaphore, #tpu.memory_space<semaphore_mem>>
        %dma_start3A_173 = arith.constant 0 : i32
        %dma_start3A_174 = tpu.memref_slice %arg8[%add3A_172, %mul3A_168, %dma_start3A_173] : memref<8x10000x32xf32, #tpu.memory_space<hbm>> -> memref<1x1000x32xf32, #tpu.memory_space<hbm>>
        %dma_start3A_175 = tpu.memref_squeeze %dma_start3A_174 : memref<1x1000x32xf32, #tpu.memory_space<hbm>> -> memref<1000x32xf32, #tpu.memory_space<hbm>>
        %dma_start3A_176 = arith.constant 0 : i32
        %dma_start3A_177 = tpu.memref_slice %arg20[%mul3A_168, %dma_start3A_176] : memref<10000x32xf32, #tpu.memory_space<vmem_shared>> -> memref<1000x32xf32, #tpu.memory_space<vmem_shared>>
        tpu.enqueue_dma source(%dma_start3A_177 : memref<1000x32xf32, #tpu.memory_space<vmem_shared>>) target(%dma_start3A_175 : memref<1000x32xf32, #tpu.memory_space<hbm>>) target_semaphore(%run_scoped3A : memref<!tpu.dma_semaphore, #tpu.memory_space<semaphore_mem>>)
        %dma_wait3A_178 = arith.constant 0 : i32
        %dma_wait3A_179 = tpu.memref_slice %arg8[%add3A_172, %mul3A_168, %dma_wait3A_178] : memref<8x10000x32xf32, #tpu.memory_space<hbm>> -> memref<1x1000x32xf32, #tpu.memory_space<hbm>>
        %dma_wait3A_180 = tpu.memref_squeeze %dma_wait3A_179 : memref<1x1000x32xf32, #tpu.memory_space<hbm>> -> memref<1000x32xf32, #tpu.memory_space<hbm>>
        %dma_wait3A_181 = arith.constant 0 : i32
        %dma_wait3A_182 = tpu.memref_slice %arg20[%mul3A_168, %dma_wait3A_181] : memref<10000x32xf32, #tpu.memory_space<vmem_shared>> -> memref<1000x32xf32, #tpu.memory_space<vmem_shared>>
        tpu.wait_dma2 semaphore(%run_scoped3A : memref<!tpu.dma_semaphore, #tpu.memory_space<semaphore_mem>>) src(%dma_wait3A_182 : memref<1000x32xf32, #tpu.memory_space<vmem_shared>>) dst(%dma_wait3A_180 : memref<1000x32xf32, #tpu.memory_space<hbm>>)
        tpu.yield
      }) : () -> ()
      "tpu.region"() ({
        %run_scoped3A = tpu.sem_alloc : memref<!tpu.dma_semaphore, #tpu.memory_space<semaphore_mem>>
        %dma_start3A_173 = arith.constant 0 : i32
        %dma_start3A_174 = tpu.memref_slice %arg9[%arg0, %mul3A_168, %dma_start3A_173] : memref<2x10000x16xf32, #tpu.memory_space<hbm>> -> memref<1x1000x16xf32, #tpu.memory_space<hbm>>
        %dma_start3A_175 = tpu.memref_squeeze %dma_start3A_174 : memref<1x1000x16xf32, #tpu.memory_space<hbm>> -> memref<1000x16xf32, #tpu.memory_space<hbm>>
        %dma_start3A_176 = arith.constant 0 : i32
        %dma_start3A_177 = tpu.memref_slice %arg21[%mul3A_168, %dma_start3A_176] : memref<10000x16xf32, #tpu.memory_space<vmem_shared>> -> memref<1000x16xf32, #tpu.memory_space<vmem_shared>>
        tpu.enqueue_dma source(%dma_start3A_177 : memref<1000x16xf32, #tpu.memory_space<vmem_shared>>) target(%dma_start3A_175 : memref<1000x16xf32, #tpu.memory_space<hbm>>) target_semaphore(%run_scoped3A : memref<!tpu.dma_semaphore, #tpu.memory_space<semaphore_mem>>)
        %dma_wait3A_178 = arith.constant 0 : i32
        %dma_wait3A_179 = tpu.memref_slice %arg9[%arg0, %mul3A_168, %dma_wait3A_178] : memref<2x10000x16xf32, #tpu.memory_space<hbm>> -> memref<1x1000x16xf32, #tpu.memory_space<hbm>>
        %dma_wait3A_180 = tpu.memref_squeeze %dma_wait3A_179 : memref<1x1000x16xf32, #tpu.memory_space<hbm>> -> memref<1000x16xf32, #tpu.memory_space<hbm>>
        %dma_wait3A_181 = arith.constant 0 : i32
        %dma_wait3A_182 = tpu.memref_slice %arg21[%mul3A_168, %dma_wait3A_181] : memref<10000x16xf32, #tpu.memory_space<vmem_shared>> -> memref<1000x16xf32, #tpu.memory_space<vmem_shared>>
        tpu.wait_dma2 semaphore(%run_scoped3A : memref<!tpu.dma_semaphore, #tpu.memory_space<semaphore_mem>>) src(%dma_wait3A_182 : memref<1000x16xf32, #tpu.memory_space<vmem_shared>>) dst(%dma_wait3A_180 : memref<1000x16xf32, #tpu.memory_space<hbm>>)
        tpu.yield
      }) : () -> ()
    } else {
    }
    %barrier3A_56 = arith.constant 0 : index
    tpu.barrier barrier_id(%barrier3A_56)
    %parallel_loop3A_57 = arith.constant 0 : i32
    %parallel_loop3A_58 = arith.constant 400 : i32
    %parallel_loop3A_59 = arith.constant 1 : i32
    scf.for %parallel_loop3A_167 = %parallel_loop3A_57 to %parallel_loop3A_58 step %parallel_loop3A_59  : i32 {
      %parallel_loop3A_168 = arith.index_cast %parallel_loop3A_167 : i32 to index
      %parallel_loop3A_169 = arith.constant 0 : index
      %parallel_loop3A_170 = tpu.vector_load %arg17[%parallel_loop3A_168, %parallel_loop3A_169] {strides = array<i32>} : memref<400x32xf32, #tpu.memory_space<vmem>>, vector<16xf32>,
      tpu.vector_store %arg17[%parallel_loop3A_168, %parallel_loop3A_169], %broadcast_in_dim3A_0 {strides = array<i32>} : memref<400x32xf32, #tpu.memory_space<vmem>>, vector<16xf32>,
      %parallel_loop3A_171 = arith.index_cast %parallel_loop3A_167 : i32 to index
      %parallel_loop3A_172 = arith.constant 16 : index
      %parallel_loop3A_173 = tpu.vector_load %arg17[%parallel_loop3A_171, %parallel_loop3A_172] {strides = array<i32>} : memref<400x32xf32, #tpu.memory_space<vmem>>, vector<16xf32>,
      tpu.vector_store %arg17[%parallel_loop3A_171, %parallel_loop3A_172], %broadcast_in_dim3A_0 {strides = array<i32>} : memref<400x32xf32, #tpu.memory_space<vmem>>, vector<16xf32>,
    } {sc.loop_unroll_factor = 8 : i64, sc.parallel_access}
    %lt3A_60 = arith.constant 10 : i32
    %lt3A_61 = arith.cmpi slt, %arg1, %lt3A_60 : i32
    %convert_element_type3A_62 = arith.extui %lt3A_61 : i1 to i32
    %cond3A_63 = arith.constant 0 : i32
    %cond3A_64 = arith.cmpi ne, %convert_element_type3A_62, %cond3A_63 : i32
    scf.if %cond3A_64 {
      %scan3A_167 = arith.constant 0 : i32
      %scan3A_168 = arith.constant 0 : i32
      %scan3A_169 = arith.constant 5 : i32
      %scan3A_170 = arith.addi %scan3A_168, %scan3A_169 : i32
      %scan3A_171 = arith.constant 1 : i32
      scf.for %scan3A_179 = %scan3A_168 to %scan3A_170 step %scan3A_171  : i32 {
        %mul3A_180 = arith.constant 1000 : i32
        %mul3A_181 = arith.muli %arg1, %mul3A_180 : i32
        %mul3A_182 = arith.constant 200 : i32
        %mul3A_183 = arith.muli %scan3A_179, %mul3A_182 : i32
        %add3A_184 = arith.addi %mul3A_181, %mul3A_183 : i32
        %dma_start3A_185 = arith.constant 0 : i32
        %dma_start3A_186 = arith.constant 0 : i32
        %dma_start3A_187 = tpu.memref_slice %arg17[%dma_start3A_185, %dma_start3A_186] : memref<400x32xf32, #tpu.memory_space<vmem>> -> memref<200x32xf32, #tpu.memory_space<vmem>>
        %dma_start3A_188 = arith.constant 0 : i32
        %dma_start3A_189 = tpu.memref_slice %arg20[%add3A_184, %dma_start3A_188] : memref<10000x32xf32, #tpu.memory_space<vmem_shared>> -> memref<200x32xf32, #tpu.memory_space<vmem_shared>>
        %dma_start3A_190 = arith.constant 0 : i32
        %dma_start3A_191 = tpu.memref_slice %arg20[%add3A_184, %dma_start3A_190] : memref<10000x32xf32, #tpu.memory_space<vmem_shared>> -> memref<200x32xf32, #tpu.memory_space<vmem_shared>>
        %dma_start3A_192 = arith.constant 0 : i32
        %dma_start3A_193 = arith.constant 0 : i32
        %dma_start3A_194 = tpu.memref_slice %arg17[%dma_start3A_192, %dma_start3A_193] : memref<400x32xf32, #tpu.memory_space<vmem>> -> memref<200x32xf32, #tpu.memory_space<vmem>>
        tpu.enqueue_dma source(%dma_start3A_194 : memref<200x32xf32, #tpu.memory_space<vmem>>) target(%dma_start3A_191 : memref<200x32xf32, #tpu.memory_space<vmem_shared>>) target_semaphore(%arg23 : memref<!tpu.dma_semaphore, #tpu.memory_space<semaphore_mem>>)
      }
      %scan3A_172 = arith.constant 5 : i32
      %scan3A_173 = arith.constant 0 : i32
      %scan3A_174 = arith.constant 0 : i32
      %scan3A_175 = arith.constant 5 : i32
      %scan3A_176 = arith.addi %scan3A_174, %scan3A_175 : i32
      %scan3A_177 = arith.constant 1 : i32
      scf.for %scan3A_179 = %scan3A_174 to %scan3A_176 step %scan3A_177  : i32 {
        %mul3A_180 = arith.constant 1000 : i32
        %mul3A_181 = arith.muli %arg1, %mul3A_180 : i32
        %mul3A_182 = arith.constant 200 : i32
        %mul3A_183 = arith.muli %scan3A_179, %mul3A_182 : i32
        %add3A_184 = arith.addi %mul3A_181, %mul3A_183 : i32
        %dma_wait3A_185 = arith.constant 0 : i32
        %dma_wait3A_186 = arith.constant 0 : i32
        %dma_wait3A_187 = tpu.memref_slice %arg17[%dma_wait3A_185, %dma_wait3A_186] : memref<400x32xf32, #tpu.memory_space<vmem>> -> memref<200x32xf32, #tpu.memory_space<vmem>>
        %dma_wait3A_188 = arith.constant 0 : i32
        %dma_wait3A_189 = tpu.memref_slice %arg20[%add3A_184, %dma_wait3A_188] : memref<10000x32xf32, #tpu.memory_space<vmem_shared>> -> memref<200x32xf32, #tpu.memory_space<vmem_shared>>
        %dma_wait3A_190 = arith.constant 0 : i32
        %dma_wait3A_191 = tpu.memref_slice %arg20[%add3A_184, %dma_wait3A_190] : memref<10000x32xf32, #tpu.memory_space<vmem_shared>> -> memref<200x32xf32, #tpu.memory_space<vmem_shared>>
        %dma_wait3A_192 = arith.constant 0 : i32
        %dma_wait3A_193 = arith.constant 0 : i32
        %dma_wait3A_194 = tpu.memref_slice %arg17[%dma_wait3A_192, %dma_wait3A_193] : memref<400x32xf32, #tpu.memory_space<vmem>> -> memref<200x32xf32, #tpu.memory_space<vmem>>
        tpu.wait_dma2 semaphore(%arg23 : memref<!tpu.dma_semaphore, #tpu.memory_space<semaphore_mem>>) src(%dma_wait3A_194 : memref<200x32xf32, #tpu.memory_space<vmem>>) dst(%dma_wait3A_191 : memref<200x32xf32, #tpu.memory_space<vmem_shared>>)
      }
      %scan3A_178 = arith.constant 5 : i32
    } else {
    }
    %barrier3A_65 = arith.constant 0 : index
    tpu.barrier barrier_id(%barrier3A_65)
    %mul3A_66 = arith.constant 4 : i32
    %mul3A_67 = arith.muli %mul3A_66, %arg0 : i32
    %add3A_68 = arith.constant 1 : i32
    %add3A_69 = arith.addi %mul3A_67, %add3A_68 : i32
    %dma_start3A_70 = arith.constant 0 : i32
    %dma_start3A_71 = arith.constant 0 : i32
    %dma_start3A_72 = tpu.memref_slice %arg12[%dma_start3A_70, %dma_start3A_71] : memref<25x400xi32, #tpu.memory_space<vmem>> -> memref<1x400xi32, #tpu.memory_space<vmem>>
    %dma_start3A_73 = tpu.memref_squeeze %dma_start3A_72 : memref<1x400xi32, #tpu.memory_space<vmem>> -> memref<400xi32, #tpu.memory_space<vmem>>
    %dma_start3A_74 = arith.constant 0 : i32
    %dma_start3A_75 = arith.constant 0 : i32
    %dma_start3A_76 = tpu.memref_slice %arg5[%add3A_69, %dma_start3A_74, %dma_start3A_75] : memref<8x10000x32xf32, #tpu.memory_space<hbm>> -> memref<1x10000x32xf32, #tpu.memory_space<hbm>>
    %dma_start3A_77 = tpu.memref_squeeze %dma_start3A_76 : memref<1x10000x32xf32, #tpu.memory_space<hbm>> -> memref<10000x32xf32, #tpu.memory_space<hbm>>
    %dma_start3A_78 = arith.constant 0 : i32
    %dma_start3A_79 = arith.constant 0 : i32
    %dma_start3A_80 = tpu.memref_slice %dma_start3A_77[%dma_start3A_78, %dma_start3A_79] : memref<10000x32xf32, #tpu.memory_space<hbm>> -> memref<10000x32xf32, #tpu.memory_space<hbm>>
    tpu.enqueue_indirect_dma source(%dma_start3A_80 : memref<10000x32xf32, #tpu.memory_space<hbm>>) target(%arg17 : memref<400x32xf32, #tpu.memory_space<vmem>>) offsets(%dma_start3A_73 : memref<400xi32, #tpu.memory_space<vmem>>) semaphore(%arg22 : memref<!tpu.dma_semaphore, #tpu.memory_space<semaphore_mem>>)
    %scan3A_81 = arith.constant 0 : i32
    %scan3A_82 = arith.constant 0 : i32
    %scan3A_83 = arith.constant 13 : i32
    %scan3A_84 = arith.addi %scan3A_82, %scan3A_83 : i32
    %scan3A_85 = arith.constant 1 : i32
    scf.for %scan3A_167 = %scan3A_82 to %scan3A_84 step %scan3A_85  : i32 {
      %mul3A_168 = arith.constant 2 : i32
      %mul3A_169 = arith.muli %mul3A_168, %scan3A_167 : i32
      %mul3A_170 = arith.constant 2 : i32
      %mul3A_171 = arith.muli %mul3A_170, %scan3A_167 : i32
      %add3A_172 = arith.constant 1 : i32
      %add3A_173 = arith.addi %mul3A_171, %add3A_172 : i32
      %mul3A_174 = arith.constant 2 : i32
      %mul3A_175 = arith.muli %mul3A_174, %scan3A_167 : i32
      %add3A_176 = arith.constant 2 : i32
      %add3A_177 = arith.addi %mul3A_175, %add3A_176 : i32
      %gt3A = arith.constant 0 : i32
      %gt3A_178 = arith.cmpi sgt, %scan3A_167, %gt3A : i32
      %convert_element_type3A_179 = arith.extui %gt3A_178 : i1 to i32
      %cond3A_180 = arith.constant 0 : i32
      %cond3A_181 = arith.cmpi ne, %convert_element_type3A_179, %cond3A_180 : i32
      scf.if %cond3A_181 {
        %sub3A = arith.constant 1 : i32
        %sub3A_231 = arith.subi %mul3A_169, %sub3A : i32
        %dma_wait3A_232 = arith.constant 0 : i32
        %dma_wait3A_233 = tpu.memref_slice %arg13[%sub3A_231, %dma_wait3A_232] : memref<25x400xi32, #tpu.memory_space<vmem>> -> memref<1x400xi32, #tpu.memory_space<vmem>>
        %dma_wait3A_234 = tpu.memref_squeeze %dma_wait3A_233 : memref<1x400xi32, #tpu.memory_space<vmem>> -> memref<400xi32, #tpu.memory_space<vmem>>
        %dma_wait3A_235 = arith.constant 0 : i32
        %dma_wait3A_236 = arith.constant 0 : i32
        %dma_wait3A_237 = tpu.memref_slice %arg20[%dma_wait3A_235, %dma_wait3A_236] : memref<10000x32xf32, #tpu.memory_space<vmem_shared>> -> memref<10000x32xf32, #tpu.memory_space<vmem_shared>>
        tpu.wait_indirect_dma semaphore(%arg23 : memref<!tpu.dma_semaphore, #tpu.memory_space<semaphore_mem>>) src(%arg18 : memref<400x32xf32, #tpu.memory_space<vmem>>) dst(%dma_wait3A_237 : memref<10000x32xf32, #tpu.memory_space<vmem_shared>>)
      } else {
      }
      %lt3A_182 = arith.constant 25 : i32
      %lt3A_183 = arith.cmpi slt, %add3A_173, %lt3A_182 : i32
      %convert_element_type3A_184 = arith.extui %lt3A_183 : i1 to i32
      %cond3A_185 = arith.constant 0 : i32
      %cond3A_186 = arith.cmpi ne, %convert_element_type3A_184, %cond3A_185 : i32
      scf.if %cond3A_186 {
        %mul3A_231 = arith.constant 4 : i32
        %mul3A_232 = arith.muli %mul3A_231, %arg0 : i32
        %add3A_233 = arith.constant 1 : i32
        %add3A_234 = arith.addi %mul3A_232, %add3A_233 : i32
        %dma_start3A_235 = arith.constant 0 : i32
        %dma_start3A_236 = tpu.memref_slice %arg12[%add3A_173, %dma_start3A_235] : memref<25x400xi32, #tpu.memory_space<vmem>> -> memref<1x400xi32, #tpu.memory_space<vmem>>
        %dma_start3A_237 = tpu.memref_squeeze %dma_start3A_236 : memref<1x400xi32, #tpu.memory_space<vmem>> -> memref<400xi32, #tpu.memory_space<vmem>>
        %dma_start3A_238 = arith.constant 0 : i32
        %dma_start3A_239 = arith.constant 0 : i32
        %dma_start3A_240 = tpu.memref_slice %arg5[%add3A_234, %dma_start3A_238, %dma_start3A_239] : memref<8x10000x32xf32, #tpu.memory_space<hbm>> -> memref<1x10000x32xf32, #tpu.memory_space<hbm>>
        %dma_start3A_241 = tpu.memref_squeeze %dma_start3A_240 : memref<1x10000x32xf32, #tpu.memory_space<hbm>> -> memref<10000x32xf32, #tpu.memory_space<hbm>>
        %dma_start3A_242 = arith.constant 0 : i32
        %dma_start3A_243 = arith.constant 0 : i32
        %dma_start3A_244 = tpu.memref_slice %dma_start3A_241[%dma_start3A_242, %dma_start3A_243] : memref<10000x32xf32, #tpu.memory_space<hbm>> -> memref<10000x32xf32, #tpu.memory_space<hbm>>
        tpu.enqueue_indirect_dma source(%dma_start3A_244 : memref<10000x32xf32, #tpu.memory_space<hbm>>) target(%arg18 : memref<400x32xf32, #tpu.memory_space<vmem>>) offsets(%dma_start3A_237 : memref<400xi32, #tpu.memory_space<vmem>>) semaphore(%arg23 : memref<!tpu.dma_semaphore, #tpu.memory_space<semaphore_mem>>)
      } else {
      }
      %mul3A_187 = arith.constant 4 : i32
      %mul3A_188 = arith.muli %mul3A_187, %arg0 : i32
      %add3A_189 = arith.constant 1 : i32
      %add3A_190 = arith.addi %mul3A_188, %add3A_189 : i32
      %dma_wait3A_191 = arith.constant 0 : i32
      %dma_wait3A_192 = tpu.memref_slice %arg12[%mul3A_169, %dma_wait3A_191] : memref<25x400xi32, #tpu.memory_space<vmem>> -> memref<1x400xi32, #tpu.memory_space<vmem>>
      %dma_wait3A_193 = tpu.memref_squeeze %dma_wait3A_192 : memref<1x400xi32, #tpu.memory_space<vmem>> -> memref<400xi32, #tpu.memory_space<vmem>>
      %dma_wait3A_194 = arith.constant 0 : i32
      %dma_wait3A_195 = arith.constant 0 : i32
      %dma_wait3A_196 = tpu.memref_slice %arg5[%add3A_190, %dma_wait3A_194, %dma_wait3A_195] : memref<8x10000x32xf32, #tpu.memory_space<hbm>> -> memref<1x10000x32xf32, #tpu.memory_space<hbm>>
      %dma_wait3A_197 = tpu.memref_squeeze %dma_wait3A_196 : memref<1x10000x32xf32, #tpu.memory_space<hbm>> -> memref<10000x32xf32, #tpu.memory_space<hbm>>
      %dma_wait3A_198 = arith.constant 0 : i32
      %dma_wait3A_199 = arith.constant 0 : i32
      %dma_wait3A_200 = tpu.memref_slice %dma_wait3A_197[%dma_wait3A_198, %dma_wait3A_199] : memref<10000x32xf32, #tpu.memory_space<hbm>> -> memref<10000x32xf32, #tpu.memory_space<hbm>>
      tpu.wait_indirect_dma semaphore(%arg22 : memref<!tpu.dma_semaphore, #tpu.memory_space<semaphore_mem>>) src(%dma_wait3A_200 : memref<10000x32xf32, #tpu.memory_space<hbm>>) dst(%arg17 : memref<400x32xf32, #tpu.memory_space<vmem>>)
      %parallel_loop3A_201 = arith.constant 0 : i32
      %parallel_loop3A_202 = arith.constant 400 : i32
      %parallel_loop3A_203 = arith.constant 1 : i32
      scf.for %parallel_loop3A_231 = %parallel_loop3A_201 to %parallel_loop3A_202 step %parallel_loop3A_203  : i32 {
        %parallel_loop3A_232 = arith.constant 400 : i32
        %parallel_loop3A_233 = arith.muli %mul3A_169, %parallel_loop3A_232 : i32
        %parallel_loop3A_234 = arith.addi %parallel_loop3A_233, %parallel_loop3A_231 : i32
        %parallel_loop3A_235 = vector.broadcast %parallel_loop3A_234 : i32 to vector<16xi32>
        %parallel_loop3A_236 = tpu.vector_load_idx %arg15[%parallel_loop3A_235] : memref<10000xf32, #tpu.memory_space<vmem>>[vector<16xi32>], vector<16xf32>,
        %parallel_loop3A_237 = arith.index_cast %parallel_loop3A_231 : i32 to index
        %parallel_loop3A_238 = arith.constant 0 : index
        %parallel_loop3A_239 = tpu.vector_load %arg17[%parallel_loop3A_237, %parallel_loop3A_238] {strides = array<i32>} : memref<400x32xf32, #tpu.memory_space<vmem>>, vector<16xf32>,
        %parallel_loop3A_240 = arith.mulf %parallel_loop3A_239, %parallel_loop3A_236 : vector<16xf32>
        %parallel_loop3A_241 = arith.index_cast %parallel_loop3A_231 : i32 to index
        %parallel_loop3A_242 = arith.constant 0 : index
        %parallel_loop3A_243 = tpu.vector_load %arg17[%parallel_loop3A_241, %parallel_loop3A_242] {strides = array<i32>} : memref<400x32xf32, #tpu.memory_space<vmem>>, vector<16xf32>,
        tpu.vector_store %arg17[%parallel_loop3A_241, %parallel_loop3A_242], %parallel_loop3A_240 {strides = array<i32>} : memref<400x32xf32, #tpu.memory_space<vmem>>, vector<16xf32>,
        %parallel_loop3A_244 = arith.index_cast %parallel_loop3A_231 : i32 to index
        %parallel_loop3A_245 = arith.constant 16 : index
        %parallel_loop3A_246 = tpu.vector_load %arg17[%parallel_loop3A_244, %parallel_loop3A_245] {strides = array<i32>} : memref<400x32xf32, #tpu.memory_space<vmem>>, vector<16xf32>,
        %parallel_loop3A_247 = arith.mulf %parallel_loop3A_246, %parallel_loop3A_236 : vector<16xf32>
        %parallel_loop3A_248 = arith.index_cast %parallel_loop3A_231 : i32 to index
        %parallel_loop3A_249 = arith.constant 16 : index
        %parallel_loop3A_250 = tpu.vector_load %arg17[%parallel_loop3A_248, %parallel_loop3A_249] {strides = array<i32>} : memref<400x32xf32, #tpu.memory_space<vmem>>, vector<16xf32>,
        tpu.vector_store %arg17[%parallel_loop3A_248, %parallel_loop3A_249], %parallel_loop3A_247 {strides = array<i32>} : memref<400x32xf32, #tpu.memory_space<vmem>>, vector<16xf32>,
      } {sc.loop_unroll_factor = 8 : i64, sc.parallel_access}
      %dma_start3A_204 = arith.constant 0 : i32
      %dma_start3A_205 = tpu.memref_slice %arg13[%mul3A_169, %dma_start3A_204] : memref<25x400xi32, #tpu.memory_space<vmem>> -> memref<1x400xi32, #tpu.memory_space<vmem>>
      %dma_start3A_206 = tpu.memref_squeeze %dma_start3A_205 : memref<1x400xi32, #tpu.memory_space<vmem>> -> memref<400xi32, #tpu.memory_space<vmem>>
      %dma_start3A_207 = arith.constant 0 : i32
      %dma_start3A_208 = arith.constant 0 : i32
      %dma_start3A_209 = tpu.memref_slice %arg20[%dma_start3A_207, %dma_start3A_208] : memref<10000x32xf32, #tpu.memory_space<vmem_shared>> -> memref<10000x32xf32, #tpu.memory_space<vmem_shared>>
      tpu.enqueue_indirect_dma source(%arg17 : memref<400x32xf32, #tpu.memory_space<vmem>>) target(%dma_start3A_209 : memref<10000x32xf32, #tpu.memory_space<vmem_shared>>) offsets(%dma_start3A_206 : memref<400xi32, #tpu.memory_space<vmem>>) semaphore(%arg22 : memref<!tpu.dma_semaphore, #tpu.memory_space<semaphore_mem>>) {add = true}
      %lt3A_210 = arith.constant 25 : i32
      %lt3A_211 = arith.cmpi slt, %add3A_173, %lt3A_210 : i32
      %convert_element_type3A_212 = arith.extui %lt3A_211 : i1 to i32
      %cond3A_213 = arith.constant 0 : i32
      %cond3A_214 = arith.cmpi ne, %convert_element_type3A_212, %cond3A_213 : i32
      scf.if %cond3A_214 {
        %mul3A_231 = arith.constant 4 : i32
        %mul3A_232 = arith.muli %mul3A_231, %arg0 : i32
        %add3A_233 = arith.constant 1 : i32
        %add3A_234 = arith.addi %mul3A_232, %add3A_233 : i32
        %dma_wait3A_235 = arith.constant 0 : i32
        %dma_wait3A_236 = tpu.memref_slice %arg12[%add3A_173, %dma_wait3A_235] : memref<25x400xi32, #tpu.memory_space<vmem>> -> memref<1x400xi32, #tpu.memory_space<vmem>>
        %dma_wait3A_237 = tpu.memref_squeeze %dma_wait3A_236 : memref<1x400xi32, #tpu.memory_space<vmem>> -> memref<400xi32, #tpu.memory_space<vmem>>
        %dma_wait3A_238 = arith.constant 0 : i32
        %dma_wait3A_239 = arith.constant 0 : i32
        %dma_wait3A_240 = tpu.memref_slice %arg5[%add3A_234, %dma_wait3A_238, %dma_wait3A_239] : memref<8x10000x32xf32, #tpu.memory_space<hbm>> -> memref<1x10000x32xf32, #tpu.memory_space<hbm>>
        %dma_wait3A_241 = tpu.memref_squeeze %dma_wait3A_240 : memref<1x10000x32xf32, #tpu.memory_space<hbm>> -> memref<10000x32xf32, #tpu.memory_space<hbm>>
        %dma_wait3A_242 = arith.constant 0 : i32
        %dma_wait3A_243 = arith.constant 0 : i32
        %dma_wait3A_244 = tpu.memref_slice %dma_wait3A_241[%dma_wait3A_242, %dma_wait3A_243] : memref<10000x32xf32, #tpu.memory_space<hbm>> -> memref<10000x32xf32, #tpu.memory_space<hbm>>
        tpu.wait_indirect_dma semaphore(%arg23 : memref<!tpu.dma_semaphore, #tpu.memory_space<semaphore_mem>>) src(%dma_wait3A_244 : memref<10000x32xf32, #tpu.memory_space<hbm>>) dst(%arg18 : memref<400x32xf32, #tpu.memory_space<vmem>>)
        %parallel_loop3A_245 = arith.constant 0 : i32
        %parallel_loop3A_246 = arith.constant 400 : i32
        %parallel_loop3A_247 = arith.constant 1 : i32
        scf.for %parallel_loop3A_248 = %parallel_loop3A_245 to %parallel_loop3A_246 step %parallel_loop3A_247  : i32 {
          %parallel_loop3A_249 = arith.constant 400 : i32
          %parallel_loop3A_250 = arith.muli %add3A_173, %parallel_loop3A_249 : i32
          %parallel_loop3A_251 = arith.addi %parallel_loop3A_250, %parallel_loop3A_248 : i32
          %parallel_loop3A_252 = vector.broadcast %parallel_loop3A_251 : i32 to vector<16xi32>
          %parallel_loop3A_253 = tpu.vector_load_idx %arg15[%parallel_loop3A_252] : memref<10000xf32, #tpu.memory_space<vmem>>[vector<16xi32>], vector<16xf32>,
          %parallel_loop3A_254 = arith.index_cast %parallel_loop3A_248 : i32 to index
          %parallel_loop3A_255 = arith.constant 0 : index
          %parallel_loop3A_256 = tpu.vector_load %arg18[%parallel_loop3A_254, %parallel_loop3A_255] {strides = array<i32>} : memref<400x32xf32, #tpu.memory_space<vmem>>, vector<16xf32>,
          %parallel_loop3A_257 = arith.mulf %parallel_loop3A_256, %parallel_loop3A_253 : vector<16xf32>
          %parallel_loop3A_258 = arith.index_cast %parallel_loop3A_248 : i32 to index
          %parallel_loop3A_259 = arith.constant 0 : index
          %parallel_loop3A_260 = tpu.vector_load %arg18[%parallel_loop3A_258, %parallel_loop3A_259] {strides = array<i32>} : memref<400x32xf32, #tpu.memory_space<vmem>>, vector<16xf32>,
          tpu.vector_store %arg18[%parallel_loop3A_258, %parallel_loop3A_259], %parallel_loop3A_257 {strides = array<i32>} : memref<400x32xf32, #tpu.memory_space<vmem>>, vector<16xf32>,
          %parallel_loop3A_261 = arith.index_cast %parallel_loop3A_248 : i32 to index
          %parallel_loop3A_262 = arith.constant 16 : index
          %parallel_loop3A_263 = tpu.vector_load %arg18[%parallel_loop3A_261, %parallel_loop3A_262] {strides = array<i32>} : memref<400x32xf32, #tpu.memory_space<vmem>>, vector<16xf32>,
          %parallel_loop3A_264 = arith.mulf %parallel_loop3A_263, %parallel_loop3A_253 : vector<16xf32>
          %parallel_loop3A_265 = arith.index_cast %parallel_loop3A_248 : i32 to index
          %parallel_loop3A_266 = arith.constant 16 : index
          %parallel_loop3A_267 = tpu.vector_load %arg18[%parallel_loop3A_265, %parallel_loop3A_266] {strides = array<i32>} : memref<400x32xf32, #tpu.memory_space<vmem>>, vector<16xf32>,
          tpu.vector_store %arg18[%parallel_loop3A_265, %parallel_loop3A_266], %parallel_loop3A_264 {strides = array<i32>} : memref<400x32xf32, #tpu.memory_space<vmem>>, vector<16xf32>,
        } {sc.loop_unroll_factor = 8 : i64, sc.parallel_access}
      } else {
      }
      %dma_wait3A_215 = arith.constant 0 : i32
      %dma_wait3A_216 = tpu.memref_slice %arg13[%mul3A_169, %dma_wait3A_215] : memref<25x400xi32, #tpu.memory_space<vmem>> -> memref<1x400xi32, #tpu.memory_space<vmem>>
      %dma_wait3A_217 = tpu.memref_squeeze %dma_wait3A_216 : memref<1x400xi32, #tpu.memory_space<vmem>> -> memref<400xi32, #tpu.memory_space<vmem>>
      %dma_wait3A_218 = arith.constant 0 : i32
      %dma_wait3A_219 = arith.constant 0 : i32
      %dma_wait3A_220 = tpu.memref_slice %arg20[%dma_wait3A_218, %dma_wait3A_219] : memref<10000x32xf32, #tpu.memory_space<vmem_shared>> -> memref<10000x32xf32, #tpu.memory_space<vmem_shared>>
      tpu.wait_indirect_dma semaphore(%arg22 : memref<!tpu.dma_semaphore, #tpu.memory_space<semaphore_mem>>) src(%arg17 : memref<400x32xf32, #tpu.memory_space<vmem>>) dst(%dma_wait3A_220 : memref<10000x32xf32, #tpu.memory_space<vmem_shared>>)
      %lt3A_221 = arith.constant 25 : i32
      %lt3A_222 = arith.cmpi slt, %add3A_177, %lt3A_221 : i32
      %convert_element_type3A_223 = arith.extui %lt3A_222 : i1 to i32
      %cond3A_224 = arith.constant 0 : i32
      %cond3A_225 = arith.cmpi ne, %convert_element_type3A_223, %cond3A_224 : i32
      scf.if %cond3A_225 {
        %mul3A_231 = arith.constant 4 : i32
        %mul3A_232 = arith.muli %mul3A_231, %arg0 : i32
        %add3A_233 = arith.constant 1 : i32
        %add3A_234 = arith.addi %mul3A_232, %add3A_233 : i32
        %dma_start3A_235 = arith.constant 0 : i32
        %dma_start3A_236 = tpu.memref_slice %arg12[%add3A_177, %dma_start3A_235] : memref<25x400xi32, #tpu.memory_space<vmem>> -> memref<1x400xi32, #tpu.memory_space<vmem>>
        %dma_start3A_237 = tpu.memref_squeeze %dma_start3A_236 : memref<1x400xi32, #tpu.memory_space<vmem>> -> memref<400xi32, #tpu.memory_space<vmem>>
        %dma_start3A_238 = arith.constant 0 : i32
        %dma_start3A_239 = arith.constant 0 : i32
        %dma_start3A_240 = tpu.memref_slice %arg5[%add3A_234, %dma_start3A_238, %dma_start3A_239] : memref<8x10000x32xf32, #tpu.memory_space<hbm>> -> memref<1x10000x32xf32, #tpu.memory_space<hbm>>
        %dma_start3A_241 = tpu.memref_squeeze %dma_start3A_240 : memref<1x10000x32xf32, #tpu.memory_space<hbm>> -> memref<10000x32xf32, #tpu.memory_space<hbm>>
        %dma_start3A_242 = arith.constant 0 : i32
        %dma_start3A_243 = arith.constant 0 : i32
        %dma_start3A_244 = tpu.memref_slice %dma_start3A_241[%dma_start3A_242, %dma_start3A_243] : memref<10000x32xf32, #tpu.memory_space<hbm>> -> memref<10000x32xf32, #tpu.memory_space<hbm>>
        tpu.enqueue_indirect_dma source(%dma_start3A_244 : memref<10000x32xf32, #tpu.memory_space<hbm>>) target(%arg17 : memref<400x32xf32, #tpu.memory_space<vmem>>) offsets(%dma_start3A_237 : memref<400xi32, #tpu.memory_space<vmem>>) semaphore(%arg22 : memref<!tpu.dma_semaphore, #tpu.memory_space<semaphore_mem>>)
      } else {
      }
      %lt3A_226 = arith.constant 25 : i32
      %lt3A_227 = arith.cmpi slt, %add3A_173, %lt3A_226 : i32
      %convert_element_type3A_228 = arith.extui %lt3A_227 : i1 to i32
      %cond3A_229 = arith.constant 0 : i32
      %cond3A_230 = arith.cmpi ne, %convert_element_type3A_228, %cond3A_229 : i32
      scf.if %cond3A_230 {
        %dma_start3A_231 = arith.constant 0 : i32
        %dma_start3A_232 = tpu.memref_slice %arg13[%add3A_173, %dma_start3A_231] : memref<25x400xi32, #tpu.memory_space<vmem>> -> memref<1x400xi32, #tpu.memory_space<vmem>>
        %dma_start3A_233 = tpu.memref_squeeze %dma_start3A_232 : memref<1x400xi32, #tpu.memory_space<vmem>> -> memref<400xi32, #tpu.memory_space<vmem>>
        %dma_start3A_234 = arith.constant 0 : i32
        %dma_start3A_235 = arith.constant 0 : i32
        %dma_start3A_236 = tpu.memref_slice %arg20[%dma_start3A_234, %dma_start3A_235] : memref<10000x32xf32, #tpu.memory_space<vmem_shared>> -> memref<10000x32xf32, #tpu.memory_space<vmem_shared>>
        tpu.enqueue_indirect_dma source(%arg18 : memref<400x32xf32, #tpu.memory_space<vmem>>) target(%dma_start3A_236 : memref<10000x32xf32, #tpu.memory_space<vmem_shared>>) offsets(%dma_start3A_233 : memref<400xi32, #tpu.memory_space<vmem>>) semaphore(%arg23 : memref<!tpu.dma_semaphore, #tpu.memory_space<semaphore_mem>>) {add = true}
      } else {
      }
    }
    %scan3A_86 = arith.constant 13 : i32
    %barrier3A_87 = arith.constant 0 : index
    tpu.barrier barrier_id(%barrier3A_87)
    %lt3A_88 = arith.constant 10 : i32
    %lt3A_89 = arith.cmpi slt, %arg1, %lt3A_88 : i32
    %convert_element_type3A_90 = arith.extui %lt3A_89 : i1 to i32
    %cond3A_91 = arith.constant 0 : i32
    %cond3A_92 = arith.cmpi ne, %convert_element_type3A_90, %cond3A_91 : i32
    scf.if %cond3A_92 {
      %mul3A_167 = arith.constant 1000 : i32
      %mul3A_168 = arith.muli %arg1, %mul3A_167 : i32
      %mul3A_169 = arith.constant 4 : i32
      %mul3A_170 = arith.muli %mul3A_169, %arg0 : i32
      %add3A_171 = arith.constant 1 : i32
      %add3A_172 = arith.addi %mul3A_170, %add3A_171 : i32
      "tpu.region"() ({
        %run_scoped3A = tpu.sem_alloc : memref<!tpu.dma_semaphore, #tpu.memory_space<semaphore_mem>>
        %dma_start3A_173 = arith.constant 0 : i32
        %dma_start3A_174 = tpu.memref_slice %arg8[%add3A_172, %mul3A_168, %dma_start3A_173] : memref<8x10000x32xf32, #tpu.memory_space<hbm>> -> memref<1x1000x32xf32, #tpu.memory_space<hbm>>
        %dma_start3A_175 = tpu.memref_squeeze %dma_start3A_174 : memref<1x1000x32xf32, #tpu.memory_space<hbm>> -> memref<1000x32xf32, #tpu.memory_space<hbm>>
        %dma_start3A_176 = arith.constant 0 : i32
        %dma_start3A_177 = tpu.memref_slice %arg20[%mul3A_168, %dma_start3A_176] : memref<10000x32xf32, #tpu.memory_space<vmem_shared>> -> memref<1000x32xf32, #tpu.memory_space<vmem_shared>>
        tpu.enqueue_dma source(%dma_start3A_177 : memref<1000x32xf32, #tpu.memory_space<vmem_shared>>) target(%dma_start3A_175 : memref<1000x32xf32, #tpu.memory_space<hbm>>) target_semaphore(%run_scoped3A : memref<!tpu.dma_semaphore, #tpu.memory_space<semaphore_mem>>)
        %dma_wait3A_178 = arith.constant 0 : i32
        %dma_wait3A_179 = tpu.memref_slice %arg8[%add3A_172, %mul3A_168, %dma_wait3A_178] : memref<8x10000x32xf32, #tpu.memory_space<hbm>> -> memref<1x1000x32xf32, #tpu.memory_space<hbm>>
        %dma_wait3A_180 = tpu.memref_squeeze %dma_wait3A_179 : memref<1x1000x32xf32, #tpu.memory_space<hbm>> -> memref<1000x32xf32, #tpu.memory_space<hbm>>
        %dma_wait3A_181 = arith.constant 0 : i32
        %dma_wait3A_182 = tpu.memref_slice %arg20[%mul3A_168, %dma_wait3A_181] : memref<10000x32xf32, #tpu.memory_space<vmem_shared>> -> memref<1000x32xf32, #tpu.memory_space<vmem_shared>>
        tpu.wait_dma2 semaphore(%run_scoped3A : memref<!tpu.dma_semaphore, #tpu.memory_space<semaphore_mem>>) src(%dma_wait3A_182 : memref<1000x32xf32, #tpu.memory_space<vmem_shared>>) dst(%dma_wait3A_180 : memref<1000x32xf32, #tpu.memory_space<hbm>>)
        tpu.yield
      }) : () -> ()
    } else {
    }
    %barrier3A_93 = arith.constant 0 : index
    tpu.barrier barrier_id(%barrier3A_93)
    %parallel_loop3A_94 = arith.constant 0 : i32
    %parallel_loop3A_95 = arith.constant 400 : i32
    %parallel_loop3A_96 = arith.constant 1 : i32
    scf.for %parallel_loop3A_167 = %parallel_loop3A_94 to %parallel_loop3A_95 step %parallel_loop3A_96  : i32 {
      %parallel_loop3A_168 = arith.index_cast %parallel_loop3A_167 : i32 to index
      %parallel_loop3A_169 = arith.constant 0 : index
      %parallel_loop3A_170 = tpu.vector_load %arg17[%parallel_loop3A_168, %parallel_loop3A_169] {strides = array<i32>} : memref<400x32xf32, #tpu.memory_space<vmem>>, vector<16xf32>,
      tpu.vector_store %arg17[%parallel_loop3A_168, %parallel_loop3A_169], %broadcast_in_dim3A_0 {strides = array<i32>} : memref<400x32xf32, #tpu.memory_space<vmem>>, vector<16xf32>,
      %parallel_loop3A_171 = arith.index_cast %parallel_loop3A_167 : i32 to index
      %parallel_loop3A_172 = arith.constant 16 : index
      %parallel_loop3A_173 = tpu.vector_load %arg17[%parallel_loop3A_171, %parallel_loop3A_172] {strides = array<i32>} : memref<400x32xf32, #tpu.memory_space<vmem>>, vector<16xf32>,
      tpu.vector_store %arg17[%parallel_loop3A_171, %parallel_loop3A_172], %broadcast_in_dim3A_0 {strides = array<i32>} : memref<400x32xf32, #tpu.memory_space<vmem>>, vector<16xf32>,
    } {sc.loop_unroll_factor = 8 : i64, sc.parallel_access}
    %lt3A_97 = arith.constant 10 : i32
    %lt3A_98 = arith.cmpi slt, %arg1, %lt3A_97 : i32
    %convert_element_type3A_99 = arith.extui %lt3A_98 : i1 to i32
    %cond3A_100 = arith.constant 0 : i32
    %cond3A_101 = arith.cmpi ne, %convert_element_type3A_99, %cond3A_100 : i32
    scf.if %cond3A_101 {
      %scan3A_167 = arith.constant 0 : i32
      %scan3A_168 = arith.constant 0 : i32
      %scan3A_169 = arith.constant 5 : i32
      %scan3A_170 = arith.addi %scan3A_168, %scan3A_169 : i32
      %scan3A_171 = arith.constant 1 : i32
      scf.for %scan3A_179 = %scan3A_168 to %scan3A_170 step %scan3A_171  : i32 {
        %mul3A_180 = arith.constant 1000 : i32
        %mul3A_181 = arith.muli %arg1, %mul3A_180 : i32
        %mul3A_182 = arith.constant 200 : i32
        %mul3A_183 = arith.muli %scan3A_179, %mul3A_182 : i32
        %add3A_184 = arith.addi %mul3A_181, %mul3A_183 : i32
        %dma_start3A_185 = arith.constant 0 : i32
        %dma_start3A_186 = arith.constant 0 : i32
        %dma_start3A_187 = tpu.memref_slice %arg17[%dma_start3A_185, %dma_start3A_186] : memref<400x32xf32, #tpu.memory_space<vmem>> -> memref<200x32xf32, #tpu.memory_space<vmem>>
        %dma_start3A_188 = arith.constant 0 : i32
        %dma_start3A_189 = tpu.memref_slice %arg20[%add3A_184, %dma_start3A_188] : memref<10000x32xf32, #tpu.memory_space<vmem_shared>> -> memref<200x32xf32, #tpu.memory_space<vmem_shared>>
        %dma_start3A_190 = arith.constant 0 : i32
        %dma_start3A_191 = tpu.memref_slice %arg20[%add3A_184, %dma_start3A_190] : memref<10000x32xf32, #tpu.memory_space<vmem_shared>> -> memref<200x32xf32, #tpu.memory_space<vmem_shared>>
        %dma_start3A_192 = arith.constant 0 : i32
        %dma_start3A_193 = arith.constant 0 : i32
        %dma_start3A_194 = tpu.memref_slice %arg17[%dma_start3A_192, %dma_start3A_193] : memref<400x32xf32, #tpu.memory_space<vmem>> -> memref<200x32xf32, #tpu.memory_space<vmem>>
        tpu.enqueue_dma source(%dma_start3A_194 : memref<200x32xf32, #tpu.memory_space<vmem>>) target(%dma_start3A_191 : memref<200x32xf32, #tpu.memory_space<vmem_shared>>) target_semaphore(%arg23 : memref<!tpu.dma_semaphore, #tpu.memory_space<semaphore_mem>>)
      }
      %scan3A_172 = arith.constant 5 : i32
      %scan3A_173 = arith.constant 0 : i32
      %scan3A_174 = arith.constant 0 : i32
      %scan3A_175 = arith.constant 5 : i32
      %scan3A_176 = arith.addi %scan3A_174, %scan3A_175 : i32
      %scan3A_177 = arith.constant 1 : i32
      scf.for %scan3A_179 = %scan3A_174 to %scan3A_176 step %scan3A_177  : i32 {
        %mul3A_180 = arith.constant 1000 : i32
        %mul3A_181 = arith.muli %arg1, %mul3A_180 : i32
        %mul3A_182 = arith.constant 200 : i32
        %mul3A_183 = arith.muli %scan3A_179, %mul3A_182 : i32
        %add3A_184 = arith.addi %mul3A_181, %mul3A_183 : i32
        %dma_wait3A_185 = arith.constant 0 : i32
        %dma_wait3A_186 = arith.constant 0 : i32
        %dma_wait3A_187 = tpu.memref_slice %arg17[%dma_wait3A_185, %dma_wait3A_186] : memref<400x32xf32, #tpu.memory_space<vmem>> -> memref<200x32xf32, #tpu.memory_space<vmem>>
        %dma_wait3A_188 = arith.constant 0 : i32
        %dma_wait3A_189 = tpu.memref_slice %arg20[%add3A_184, %dma_wait3A_188] : memref<10000x32xf32, #tpu.memory_space<vmem_shared>> -> memref<200x32xf32, #tpu.memory_space<vmem_shared>>
        %dma_wait3A_190 = arith.constant 0 : i32
        %dma_wait3A_191 = tpu.memref_slice %arg20[%add3A_184, %dma_wait3A_190] : memref<10000x32xf32, #tpu.memory_space<vmem_shared>> -> memref<200x32xf32, #tpu.memory_space<vmem_shared>>
        %dma_wait3A_192 = arith.constant 0 : i32
        %dma_wait3A_193 = arith.constant 0 : i32
        %dma_wait3A_194 = tpu.memref_slice %arg17[%dma_wait3A_192, %dma_wait3A_193] : memref<400x32xf32, #tpu.memory_space<vmem>> -> memref<200x32xf32, #tpu.memory_space<vmem>>
        tpu.wait_dma2 semaphore(%arg23 : memref<!tpu.dma_semaphore, #tpu.memory_space<semaphore_mem>>) src(%dma_wait3A_194 : memref<200x32xf32, #tpu.memory_space<vmem>>) dst(%dma_wait3A_191 : memref<200x32xf32, #tpu.memory_space<vmem_shared>>)
      }
      %scan3A_178 = arith.constant 5 : i32
    } else {
    }
    %barrier3A_102 = arith.constant 0 : index
    tpu.barrier barrier_id(%barrier3A_102)
    %mul3A_103 = arith.constant 4 : i32
    %mul3A_104 = arith.muli %mul3A_103, %arg0 : i32
    %add3A_105 = arith.constant 2 : i32
    %add3A_106 = arith.addi %mul3A_104, %add3A_105 : i32
    %dma_start3A_107 = arith.constant 0 : i32
    %dma_start3A_108 = arith.constant 0 : i32
    %dma_start3A_109 = tpu.memref_slice %arg12[%dma_start3A_107, %dma_start3A_108] : memref<25x400xi32, #tpu.memory_space<vmem>> -> memref<1x400xi32, #tpu.memory_space<vmem>>
    %dma_start3A_110 = tpu.memref_squeeze %dma_start3A_109 : memref<1x400xi32, #tpu.memory_space<vmem>> -> memref<400xi32, #tpu.memory_space<vmem>>
    %dma_start3A_111 = arith.constant 0 : i32
    %dma_start3A_112 = arith.constant 0 : i32
    %dma_start3A_113 = tpu.memref_slice %arg5[%add3A_106, %dma_start3A_111, %dma_start3A_112] : memref<8x10000x32xf32, #tpu.memory_space<hbm>> -> memref<1x10000x32xf32, #tpu.memory_space<hbm>>
    %dma_start3A_114 = tpu.memref_squeeze %dma_start3A_113 : memref<1x10000x32xf32, #tpu.memory_space<hbm>> -> memref<10000x32xf32, #tpu.memory_space<hbm>>
    %dma_start3A_115 = arith.constant 0 : i32
    %dma_start3A_116 = arith.constant 0 : i32
    %dma_start3A_117 = tpu.memref_slice %dma_start3A_114[%dma_start3A_115, %dma_start3A_116] : memref<10000x32xf32, #tpu.memory_space<hbm>> -> memref<10000x32xf32, #tpu.memory_space<hbm>>
    tpu.enqueue_indirect_dma source(%dma_start3A_117 : memref<10000x32xf32, #tpu.memory_space<hbm>>) target(%arg17 : memref<400x32xf32, #tpu.memory_space<vmem>>) offsets(%dma_start3A_110 : memref<400xi32, #tpu.memory_space<vmem>>) semaphore(%arg22 : memref<!tpu.dma_semaphore, #tpu.memory_space<semaphore_mem>>)
    %scan3A_118 = arith.constant 0 : i32
    %scan3A_119 = arith.constant 0 : i32
    %scan3A_120 = arith.constant 13 : i32
    %scan3A_121 = arith.addi %scan3A_119, %scan3A_120 : i32
    %scan3A_122 = arith.constant 1 : i32
    scf.for %scan3A_167 = %scan3A_119 to %scan3A_121 step %scan3A_122  : i32 {
      %mul3A_168 = arith.constant 2 : i32
      %mul3A_169 = arith.muli %mul3A_168, %scan3A_167 : i32
      %mul3A_170 = arith.constant 2 : i32
      %mul3A_171 = arith.muli %mul3A_170, %scan3A_167 : i32
      %add3A_172 = arith.constant 1 : i32
      %add3A_173 = arith.addi %mul3A_171, %add3A_172 : i32
      %mul3A_174 = arith.constant 2 : i32
      %mul3A_175 = arith.muli %mul3A_174, %scan3A_167 : i32
      %add3A_176 = arith.constant 2 : i32
      %add3A_177 = arith.addi %mul3A_175, %add3A_176 : i32
      %gt3A = arith.constant 0 : i32
      %gt3A_178 = arith.cmpi sgt, %scan3A_167, %gt3A : i32
      %convert_element_type3A_179 = arith.extui %gt3A_178 : i1 to i32
      %cond3A_180 = arith.constant 0 : i32
      %cond3A_181 = arith.cmpi ne, %convert_element_type3A_179, %cond3A_180 : i32
      scf.if %cond3A_181 {
        %sub3A = arith.constant 1 : i32
        %sub3A_231 = arith.subi %mul3A_169, %sub3A : i32
        %dma_wait3A_232 = arith.constant 0 : i32
        %dma_wait3A_233 = tpu.memref_slice %arg13[%sub3A_231, %dma_wait3A_232] : memref<25x400xi32, #tpu.memory_space<vmem>> -> memref<1x400xi32, #tpu.memory_space<vmem>>
        %dma_wait3A_234 = tpu.memref_squeeze %dma_wait3A_233 : memref<1x400xi32, #tpu.memory_space<vmem>> -> memref<400xi32, #tpu.memory_space<vmem>>
        %dma_wait3A_235 = arith.constant 0 : i32
        %dma_wait3A_236 = arith.constant 0 : i32
        %dma_wait3A_237 = tpu.memref_slice %arg20[%dma_wait3A_235, %dma_wait3A_236] : memref<10000x32xf32, #tpu.memory_space<vmem_shared>> -> memref<10000x32xf32, #tpu.memory_space<vmem_shared>>
        tpu.wait_indirect_dma semaphore(%arg23 : memref<!tpu.dma_semaphore, #tpu.memory_space<semaphore_mem>>) src(%arg18 : memref<400x32xf32, #tpu.memory_space<vmem>>) dst(%dma_wait3A_237 : memref<10000x32xf32, #tpu.memory_space<vmem_shared>>)
      } else {
      }
      %lt3A_182 = arith.constant 25 : i32
      %lt3A_183 = arith.cmpi slt, %add3A_173, %lt3A_182 : i32
      %convert_element_type3A_184 = arith.extui %lt3A_183 : i1 to i32
      %cond3A_185 = arith.constant 0 : i32
      %cond3A_186 = arith.cmpi ne, %convert_element_type3A_184, %cond3A_185 : i32
      scf.if %cond3A_186 {
        %mul3A_231 = arith.constant 4 : i32
        %mul3A_232 = arith.muli %mul3A_231, %arg0 : i32
        %add3A_233 = arith.constant 2 : i32
        %add3A_234 = arith.addi %mul3A_232, %add3A_233 : i32
        %dma_start3A_235 = arith.constant 0 : i32
        %dma_start3A_236 = tpu.memref_slice %arg12[%add3A_173, %dma_start3A_235] : memref<25x400xi32, #tpu.memory_space<vmem>> -> memref<1x400xi32, #tpu.memory_space<vmem>>
        %dma_start3A_237 = tpu.memref_squeeze %dma_start3A_236 : memref<1x400xi32, #tpu.memory_space<vmem>> -> memref<400xi32, #tpu.memory_space<vmem>>
        %dma_start3A_238 = arith.constant 0 : i32
        %dma_start3A_239 = arith.constant 0 : i32
        %dma_start3A_240 = tpu.memref_slice %arg5[%add3A_234, %dma_start3A_238, %dma_start3A_239] : memref<8x10000x32xf32, #tpu.memory_space<hbm>> -> memref<1x10000x32xf32, #tpu.memory_space<hbm>>
        %dma_start3A_241 = tpu.memref_squeeze %dma_start3A_240 : memref<1x10000x32xf32, #tpu.memory_space<hbm>> -> memref<10000x32xf32, #tpu.memory_space<hbm>>
        %dma_start3A_242 = arith.constant 0 : i32
        %dma_start3A_243 = arith.constant 0 : i32
        %dma_start3A_244 = tpu.memref_slice %dma_start3A_241[%dma_start3A_242, %dma_start3A_243] : memref<10000x32xf32, #tpu.memory_space<hbm>> -> memref<10000x32xf32, #tpu.memory_space<hbm>>
        tpu.enqueue_indirect_dma source(%dma_start3A_244 : memref<10000x32xf32, #tpu.memory_space<hbm>>) target(%arg18 : memref<400x32xf32, #tpu.memory_space<vmem>>) offsets(%dma_start3A_237 : memref<400xi32, #tpu.memory_space<vmem>>) semaphore(%arg23 : memref<!tpu.dma_semaphore, #tpu.memory_space<semaphore_mem>>)
      } else {
      }
      %mul3A_187 = arith.constant 4 : i32
      %mul3A_188 = arith.muli %mul3A_187, %arg0 : i32
      %add3A_189 = arith.constant 2 : i32
      %add3A_190 = arith.addi %mul3A_188, %add3A_189 : i32
      %dma_wait3A_191 = arith.constant 0 : i32
      %dma_wait3A_192 = tpu.memref_slice %arg12[%mul3A_169, %dma_wait3A_191] : memref<25x400xi32, #tpu.memory_space<vmem>> -> memref<1x400xi32, #tpu.memory_space<vmem>>
      %dma_wait3A_193 = tpu.memref_squeeze %dma_wait3A_192 : memref<1x400xi32, #tpu.memory_space<vmem>> -> memref<400xi32, #tpu.memory_space<vmem>>
      %dma_wait3A_194 = arith.constant 0 : i32
      %dma_wait3A_195 = arith.constant 0 : i32
      %dma_wait3A_196 = tpu.memref_slice %arg5[%add3A_190, %dma_wait3A_194, %dma_wait3A_195] : memref<8x10000x32xf32, #tpu.memory_space<hbm>> -> memref<1x10000x32xf32, #tpu.memory_space<hbm>>
      %dma_wait3A_197 = tpu.memref_squeeze %dma_wait3A_196 : memref<1x10000x32xf32, #tpu.memory_space<hbm>> -> memref<10000x32xf32, #tpu.memory_space<hbm>>
      %dma_wait3A_198 = arith.constant 0 : i32
      %dma_wait3A_199 = arith.constant 0 : i32
      %dma_wait3A_200 = tpu.memref_slice %dma_wait3A_197[%dma_wait3A_198, %dma_wait3A_199] : memref<10000x32xf32, #tpu.memory_space<hbm>> -> memref<10000x32xf32, #tpu.memory_space<hbm>>
      tpu.wait_indirect_dma semaphore(%arg22 : memref<!tpu.dma_semaphore, #tpu.memory_space<semaphore_mem>>) src(%dma_wait3A_200 : memref<10000x32xf32, #tpu.memory_space<hbm>>) dst(%arg17 : memref<400x32xf32, #tpu.memory_space<vmem>>)
      %parallel_loop3A_201 = arith.constant 0 : i32
      %parallel_loop3A_202 = arith.constant 400 : i32
      %parallel_loop3A_203 = arith.constant 1 : i32
      scf.for %parallel_loop3A_231 = %parallel_loop3A_201 to %parallel_loop3A_202 step %parallel_loop3A_203  : i32 {
        %parallel_loop3A_232 = arith.constant 400 : i32
        %parallel_loop3A_233 = arith.muli %mul3A_169, %parallel_loop3A_232 : i32
        %parallel_loop3A_234 = arith.addi %parallel_loop3A_233, %parallel_loop3A_231 : i32
        %parallel_loop3A_235 = vector.broadcast %parallel_loop3A_234 : i32 to vector<16xi32>
        %parallel_loop3A_236 = tpu.vector_load_idx %arg15[%parallel_loop3A_235] : memref<10000xf32, #tpu.memory_space<vmem>>[vector<16xi32>], vector<16xf32>,
        %parallel_loop3A_237 = arith.index_cast %parallel_loop3A_231 : i32 to index
        %parallel_loop3A_238 = arith.constant 0 : index
        %parallel_loop3A_239 = tpu.vector_load %arg17[%parallel_loop3A_237, %parallel_loop3A_238] {strides = array<i32>} : memref<400x32xf32, #tpu.memory_space<vmem>>, vector<16xf32>,
        %parallel_loop3A_240 = arith.mulf %parallel_loop3A_239, %parallel_loop3A_236 : vector<16xf32>
        %parallel_loop3A_241 = arith.index_cast %parallel_loop3A_231 : i32 to index
        %parallel_loop3A_242 = arith.constant 0 : index
        %parallel_loop3A_243 = tpu.vector_load %arg17[%parallel_loop3A_241, %parallel_loop3A_242] {strides = array<i32>} : memref<400x32xf32, #tpu.memory_space<vmem>>, vector<16xf32>,
        tpu.vector_store %arg17[%parallel_loop3A_241, %parallel_loop3A_242], %parallel_loop3A_240 {strides = array<i32>} : memref<400x32xf32, #tpu.memory_space<vmem>>, vector<16xf32>,
        %parallel_loop3A_244 = arith.index_cast %parallel_loop3A_231 : i32 to index
        %parallel_loop3A_245 = arith.constant 16 : index
        %parallel_loop3A_246 = tpu.vector_load %arg17[%parallel_loop3A_244, %parallel_loop3A_245] {strides = array<i32>} : memref<400x32xf32, #tpu.memory_space<vmem>>, vector<16xf32>,
        %parallel_loop3A_247 = arith.mulf %parallel_loop3A_246, %parallel_loop3A_236 : vector<16xf32>
        %parallel_loop3A_248 = arith.index_cast %parallel_loop3A_231 : i32 to index
        %parallel_loop3A_249 = arith.constant 16 : index
        %parallel_loop3A_250 = tpu.vector_load %arg17[%parallel_loop3A_248, %parallel_loop3A_249] {strides = array<i32>} : memref<400x32xf32, #tpu.memory_space<vmem>>, vector<16xf32>,
        tpu.vector_store %arg17[%parallel_loop3A_248, %parallel_loop3A_249], %parallel_loop3A_247 {strides = array<i32>} : memref<400x32xf32, #tpu.memory_space<vmem>>, vector<16xf32>,
      } {sc.loop_unroll_factor = 8 : i64, sc.parallel_access}
      %dma_start3A_204 = arith.constant 0 : i32
      %dma_start3A_205 = tpu.memref_slice %arg13[%mul3A_169, %dma_start3A_204] : memref<25x400xi32, #tpu.memory_space<vmem>> -> memref<1x400xi32, #tpu.memory_space<vmem>>
      %dma_start3A_206 = tpu.memref_squeeze %dma_start3A_205 : memref<1x400xi32, #tpu.memory_space<vmem>> -> memref<400xi32, #tpu.memory_space<vmem>>
      %dma_start3A_207 = arith.constant 0 : i32
      %dma_start3A_208 = arith.constant 0 : i32
      %dma_start3A_209 = tpu.memref_slice %arg20[%dma_start3A_207, %dma_start3A_208] : memref<10000x32xf32, #tpu.memory_space<vmem_shared>> -> memref<10000x32xf32, #tpu.memory_space<vmem_shared>>
      tpu.enqueue_indirect_dma source(%arg17 : memref<400x32xf32, #tpu.memory_space<vmem>>) target(%dma_start3A_209 : memref<10000x32xf32, #tpu.memory_space<vmem_shared>>) offsets(%dma_start3A_206 : memref<400xi32, #tpu.memory_space<vmem>>) semaphore(%arg22 : memref<!tpu.dma_semaphore, #tpu.memory_space<semaphore_mem>>) {add = true}
      %lt3A_210 = arith.constant 25 : i32
      %lt3A_211 = arith.cmpi slt, %add3A_173, %lt3A_210 : i32
      %convert_element_type3A_212 = arith.extui %lt3A_211 : i1 to i32
      %cond3A_213 = arith.constant 0 : i32
      %cond3A_214 = arith.cmpi ne, %convert_element_type3A_212, %cond3A_213 : i32
      scf.if %cond3A_214 {
        %mul3A_231 = arith.constant 4 : i32
        %mul3A_232 = arith.muli %mul3A_231, %arg0 : i32
        %add3A_233 = arith.constant 2 : i32
        %add3A_234 = arith.addi %mul3A_232, %add3A_233 : i32
        %dma_wait3A_235 = arith.constant 0 : i32
        %dma_wait3A_236 = tpu.memref_slice %arg12[%add3A_173, %dma_wait3A_235] : memref<25x400xi32, #tpu.memory_space<vmem>> -> memref<1x400xi32, #tpu.memory_space<vmem>>
        %dma_wait3A_237 = tpu.memref_squeeze %dma_wait3A_236 : memref<1x400xi32, #tpu.memory_space<vmem>> -> memref<400xi32, #tpu.memory_space<vmem>>
        %dma_wait3A_238 = arith.constant 0 : i32
        %dma_wait3A_239 = arith.constant 0 : i32
        %dma_wait3A_240 = tpu.memref_slice %arg5[%add3A_234, %dma_wait3A_238, %dma_wait3A_239] : memref<8x10000x32xf32, #tpu.memory_space<hbm>> -> memref<1x10000x32xf32, #tpu.memory_space<hbm>>
        %dma_wait3A_241 = tpu.memref_squeeze %dma_wait3A_240 : memref<1x10000x32xf32, #tpu.memory_space<hbm>> -> memref<10000x32xf32, #tpu.memory_space<hbm>>
        %dma_wait3A_242 = arith.constant 0 : i32
        %dma_wait3A_243 = arith.constant 0 : i32
        %dma_wait3A_244 = tpu.memref_slice %dma_wait3A_241[%dma_wait3A_242, %dma_wait3A_243] : memref<10000x32xf32, #tpu.memory_space<hbm>> -> memref<10000x32xf32, #tpu.memory_space<hbm>>
        tpu.wait_indirect_dma semaphore(%arg23 : memref<!tpu.dma_semaphore, #tpu.memory_space<semaphore_mem>>) src(%dma_wait3A_244 : memref<10000x32xf32, #tpu.memory_space<hbm>>) dst(%arg18 : memref<400x32xf32, #tpu.memory_space<vmem>>)
        %parallel_loop3A_245 = arith.constant 0 : i32
        %parallel_loop3A_246 = arith.constant 400 : i32
        %parallel_loop3A_247 = arith.constant 1 : i32
        scf.for %parallel_loop3A_248 = %parallel_loop3A_245 to %parallel_loop3A_246 step %parallel_loop3A_247  : i32 {
          %parallel_loop3A_249 = arith.constant 400 : i32
          %parallel_loop3A_250 = arith.muli %add3A_173, %parallel_loop3A_249 : i32
          %parallel_loop3A_251 = arith.addi %parallel_loop3A_250, %parallel_loop3A_248 : i32
          %parallel_loop3A_252 = vector.broadcast %parallel_loop3A_251 : i32 to vector<16xi32>
          %parallel_loop3A_253 = tpu.vector_load_idx %arg15[%parallel_loop3A_252] : memref<10000xf32, #tpu.memory_space<vmem>>[vector<16xi32>], vector<16xf32>,
          %parallel_loop3A_254 = arith.index_cast %parallel_loop3A_248 : i32 to index
          %parallel_loop3A_255 = arith.constant 0 : index
          %parallel_loop3A_256 = tpu.vector_load %arg18[%parallel_loop3A_254, %parallel_loop3A_255] {strides = array<i32>} : memref<400x32xf32, #tpu.memory_space<vmem>>, vector<16xf32>,
          %parallel_loop3A_257 = arith.mulf %parallel_loop3A_256, %parallel_loop3A_253 : vector<16xf32>
          %parallel_loop3A_258 = arith.index_cast %parallel_loop3A_248 : i32 to index
          %parallel_loop3A_259 = arith.constant 0 : index
          %parallel_loop3A_260 = tpu.vector_load %arg18[%parallel_loop3A_258, %parallel_loop3A_259] {strides = array<i32>} : memref<400x32xf32, #tpu.memory_space<vmem>>, vector<16xf32>,
          tpu.vector_store %arg18[%parallel_loop3A_258, %parallel_loop3A_259], %parallel_loop3A_257 {strides = array<i32>} : memref<400x32xf32, #tpu.memory_space<vmem>>, vector<16xf32>,
          %parallel_loop3A_261 = arith.index_cast %parallel_loop3A_248 : i32 to index
          %parallel_loop3A_262 = arith.constant 16 : index
          %parallel_loop3A_263 = tpu.vector_load %arg18[%parallel_loop3A_261, %parallel_loop3A_262] {strides = array<i32>} : memref<400x32xf32, #tpu.memory_space<vmem>>, vector<16xf32>,
          %parallel_loop3A_264 = arith.mulf %parallel_loop3A_263, %parallel_loop3A_253 : vector<16xf32>
          %parallel_loop3A_265 = arith.index_cast %parallel_loop3A_248 : i32 to index
          %parallel_loop3A_266 = arith.constant 16 : index
          %parallel_loop3A_267 = tpu.vector_load %arg18[%parallel_loop3A_265, %parallel_loop3A_266] {strides = array<i32>} : memref<400x32xf32, #tpu.memory_space<vmem>>, vector<16xf32>,
          tpu.vector_store %arg18[%parallel_loop3A_265, %parallel_loop3A_266], %parallel_loop3A_264 {strides = array<i32>} : memref<400x32xf32, #tpu.memory_space<vmem>>, vector<16xf32>,
        } {sc.loop_unroll_factor = 8 : i64, sc.parallel_access}
      } else {
      }
      %dma_wait3A_215 = arith.constant 0 : i32
      %dma_wait3A_216 = tpu.memref_slice %arg13[%mul3A_169, %dma_wait3A_215] : memref<25x400xi32, #tpu.memory_space<vmem>> -> memref<1x400xi32, #tpu.memory_space<vmem>>
      %dma_wait3A_217 = tpu.memref_squeeze %dma_wait3A_216 : memref<1x400xi32, #tpu.memory_space<vmem>> -> memref<400xi32, #tpu.memory_space<vmem>>
      %dma_wait3A_218 = arith.constant 0 : i32
      %dma_wait3A_219 = arith.constant 0 : i32
      %dma_wait3A_220 = tpu.memref_slice %arg20[%dma_wait3A_218, %dma_wait3A_219] : memref<10000x32xf32, #tpu.memory_space<vmem_shared>> -> memref<10000x32xf32, #tpu.memory_space<vmem_shared>>
      tpu.wait_indirect_dma semaphore(%arg22 : memref<!tpu.dma_semaphore, #tpu.memory_space<semaphore_mem>>) src(%arg17 : memref<400x32xf32, #tpu.memory_space<vmem>>) dst(%dma_wait3A_220 : memref<10000x32xf32, #tpu.memory_space<vmem_shared>>)
      %lt3A_221 = arith.constant 25 : i32
      %lt3A_222 = arith.cmpi slt, %add3A_177, %lt3A_221 : i32
      %convert_element_type3A_223 = arith.extui %lt3A_222 : i1 to i32
      %cond3A_224 = arith.constant 0 : i32
      %cond3A_225 = arith.cmpi ne, %convert_element_type3A_223, %cond3A_224 : i32
      scf.if %cond3A_225 {
        %mul3A_231 = arith.constant 4 : i32
        %mul3A_232 = arith.muli %mul3A_231, %arg0 : i32
        %add3A_233 = arith.constant 2 : i32
        %add3A_234 = arith.addi %mul3A_232, %add3A_233 : i32
        %dma_start3A_235 = arith.constant 0 : i32
        %dma_start3A_236 = tpu.memref_slice %arg12[%add3A_177, %dma_start3A_235] : memref<25x400xi32, #tpu.memory_space<vmem>> -> memref<1x400xi32, #tpu.memory_space<vmem>>
        %dma_start3A_237 = tpu.memref_squeeze %dma_start3A_236 : memref<1x400xi32, #tpu.memory_space<vmem>> -> memref<400xi32, #tpu.memory_space<vmem>>
        %dma_start3A_238 = arith.constant 0 : i32
        %dma_start3A_239 = arith.constant 0 : i32
        %dma_start3A_240 = tpu.memref_slice %arg5[%add3A_234, %dma_start3A_238, %dma_start3A_239] : memref<8x10000x32xf32, #tpu.memory_space<hbm>> -> memref<1x10000x32xf32, #tpu.memory_space<hbm>>
        %dma_start3A_241 = tpu.memref_squeeze %dma_start3A_240 : memref<1x10000x32xf32, #tpu.memory_space<hbm>> -> memref<10000x32xf32, #tpu.memory_space<hbm>>
        %dma_start3A_242 = arith.constant 0 : i32
        %dma_start3A_243 = arith.constant 0 : i32
        %dma_start3A_244 = tpu.memref_slice %dma_start3A_241[%dma_start3A_242, %dma_start3A_243] : memref<10000x32xf32, #tpu.memory_space<hbm>> -> memref<10000x32xf32, #tpu.memory_space<hbm>>
        tpu.enqueue_indirect_dma source(%dma_start3A_244 : memref<10000x32xf32, #tpu.memory_space<hbm>>) target(%arg17 : memref<400x32xf32, #tpu.memory_space<vmem>>) offsets(%dma_start3A_237 : memref<400xi32, #tpu.memory_space<vmem>>) semaphore(%arg22 : memref<!tpu.dma_semaphore, #tpu.memory_space<semaphore_mem>>)
      } else {
      }
      %lt3A_226 = arith.constant 25 : i32
      %lt3A_227 = arith.cmpi slt, %add3A_173, %lt3A_226 : i32
      %convert_element_type3A_228 = arith.extui %lt3A_227 : i1 to i32
      %cond3A_229 = arith.constant 0 : i32
      %cond3A_230 = arith.cmpi ne, %convert_element_type3A_228, %cond3A_229 : i32
      scf.if %cond3A_230 {
        %dma_start3A_231 = arith.constant 0 : i32
        %dma_start3A_232 = tpu.memref_slice %arg13[%add3A_173, %dma_start3A_231] : memref<25x400xi32, #tpu.memory_space<vmem>> -> memref<1x400xi32, #tpu.memory_space<vmem>>
        %dma_start3A_233 = tpu.memref_squeeze %dma_start3A_232 : memref<1x400xi32, #tpu.memory_space<vmem>> -> memref<400xi32, #tpu.memory_space<vmem>>
        %dma_start3A_234 = arith.constant 0 : i32
        %dma_start3A_235 = arith.constant 0 : i32
        %dma_start3A_236 = tpu.memref_slice %arg20[%dma_start3A_234, %dma_start3A_235] : memref<10000x32xf32, #tpu.memory_space<vmem_shared>> -> memref<10000x32xf32, #tpu.memory_space<vmem_shared>>
        tpu.enqueue_indirect_dma source(%arg18 : memref<400x32xf32, #tpu.memory_space<vmem>>) target(%dma_start3A_236 : memref<10000x32xf32, #tpu.memory_space<vmem_shared>>) offsets(%dma_start3A_233 : memref<400xi32, #tpu.memory_space<vmem>>) semaphore(%arg23 : memref<!tpu.dma_semaphore, #tpu.memory_space<semaphore_mem>>) {add = true}
      } else {
      }
    }
    %scan3A_123 = arith.constant 13 : i32
    %barrier3A_124 = arith.constant 0 : index
    tpu.barrier barrier_id(%barrier3A_124)
    %lt3A_125 = arith.constant 10 : i32
    %lt3A_126 = arith.cmpi slt, %arg1, %lt3A_125 : i32
    %convert_element_type3A_127 = arith.extui %lt3A_126 : i1 to i32
    %cond3A_128 = arith.constant 0 : i32
    %cond3A_129 = arith.cmpi ne, %convert_element_type3A_127, %cond3A_128 : i32
    scf.if %cond3A_129 {
      %mul3A_167 = arith.constant 1000 : i32
      %mul3A_168 = arith.muli %arg1, %mul3A_167 : i32
      %mul3A_169 = arith.constant 4 : i32
      %mul3A_170 = arith.muli %mul3A_169, %arg0 : i32
      %add3A_171 = arith.constant 2 : i32
      %add3A_172 = arith.addi %mul3A_170, %add3A_171 : i32
      "tpu.region"() ({
        %run_scoped3A = tpu.sem_alloc : memref<!tpu.dma_semaphore, #tpu.memory_space<semaphore_mem>>
        %dma_start3A_173 = arith.constant 0 : i32
        %dma_start3A_174 = tpu.memref_slice %arg8[%add3A_172, %mul3A_168, %dma_start3A_173] : memref<8x10000x32xf32, #tpu.memory_space<hbm>> -> memref<1x1000x32xf32, #tpu.memory_space<hbm>>
        %dma_start3A_175 = tpu.memref_squeeze %dma_start3A_174 : memref<1x1000x32xf32, #tpu.memory_space<hbm>> -> memref<1000x32xf32, #tpu.memory_space<hbm>>
        %dma_start3A_176 = arith.constant 0 : i32
        %dma_start3A_177 = tpu.memref_slice %arg20[%mul3A_168, %dma_start3A_176] : memref<10000x32xf32, #tpu.memory_space<vmem_shared>> -> memref<1000x32xf32, #tpu.memory_space<vmem_shared>>
        tpu.enqueue_dma source(%dma_start3A_177 : memref<1000x32xf32, #tpu.memory_space<vmem_shared>>) target(%dma_start3A_175 : memref<1000x32xf32, #tpu.memory_space<hbm>>) target_semaphore(%run_scoped3A : memref<!tpu.dma_semaphore, #tpu.memory_space<semaphore_mem>>)
        %dma_wait3A_178 = arith.constant 0 : i32
        %dma_wait3A_179 = tpu.memref_slice %arg8[%add3A_172, %mul3A_168, %dma_wait3A_178] : memref<8x10000x32xf32, #tpu.memory_space<hbm>> -> memref<1x1000x32xf32, #tpu.memory_space<hbm>>
        %dma_wait3A_180 = tpu.memref_squeeze %dma_wait3A_179 : memref<1x1000x32xf32, #tpu.memory_space<hbm>> -> memref<1000x32xf32, #tpu.memory_space<hbm>>
        %dma_wait3A_181 = arith.constant 0 : i32
        %dma_wait3A_182 = tpu.memref_slice %arg20[%mul3A_168, %dma_wait3A_181] : memref<10000x32xf32, #tpu.memory_space<vmem_shared>> -> memref<1000x32xf32, #tpu.memory_space<vmem_shared>>
        tpu.wait_dma2 semaphore(%run_scoped3A : memref<!tpu.dma_semaphore, #tpu.memory_space<semaphore_mem>>) src(%dma_wait3A_182 : memref<1000x32xf32, #tpu.memory_space<vmem_shared>>) dst(%dma_wait3A_180 : memref<1000x32xf32, #tpu.memory_space<hbm>>)
        tpu.yield
      }) : () -> ()
    } else {
    }
    %barrier3A_130 = arith.constant 0 : index
    tpu.barrier barrier_id(%barrier3A_130)
    %parallel_loop3A_131 = arith.constant 0 : i32
    %parallel_loop3A_132 = arith.constant 400 : i32
    %parallel_loop3A_133 = arith.constant 1 : i32
    scf.for %parallel_loop3A_167 = %parallel_loop3A_131 to %parallel_loop3A_132 step %parallel_loop3A_133  : i32 {
      %parallel_loop3A_168 = arith.index_cast %parallel_loop3A_167 : i32 to index
      %parallel_loop3A_169 = arith.constant 0 : index
      %parallel_loop3A_170 = tpu.vector_load %arg17[%parallel_loop3A_168, %parallel_loop3A_169] {strides = array<i32>} : memref<400x32xf32, #tpu.memory_space<vmem>>, vector<16xf32>,
      tpu.vector_store %arg17[%parallel_loop3A_168, %parallel_loop3A_169], %broadcast_in_dim3A_0 {strides = array<i32>} : memref<400x32xf32, #tpu.memory_space<vmem>>, vector<16xf32>,
      %parallel_loop3A_171 = arith.index_cast %parallel_loop3A_167 : i32 to index
      %parallel_loop3A_172 = arith.constant 16 : index
      %parallel_loop3A_173 = tpu.vector_load %arg17[%parallel_loop3A_171, %parallel_loop3A_172] {strides = array<i32>} : memref<400x32xf32, #tpu.memory_space<vmem>>, vector<16xf32>,
      tpu.vector_store %arg17[%parallel_loop3A_171, %parallel_loop3A_172], %broadcast_in_dim3A_0 {strides = array<i32>} : memref<400x32xf32, #tpu.memory_space<vmem>>, vector<16xf32>,
    } {sc.loop_unroll_factor = 8 : i64, sc.parallel_access}
    %lt3A_134 = arith.constant 10 : i32
    %lt3A_135 = arith.cmpi slt, %arg1, %lt3A_134 : i32
    %convert_element_type3A_136 = arith.extui %lt3A_135 : i1 to i32
    %cond3A_137 = arith.constant 0 : i32
    %cond3A_138 = arith.cmpi ne, %convert_element_type3A_136, %cond3A_137 : i32
    scf.if %cond3A_138 {
      %scan3A_167 = arith.constant 0 : i32
      %scan3A_168 = arith.constant 0 : i32
      %scan3A_169 = arith.constant 5 : i32
      %scan3A_170 = arith.addi %scan3A_168, %scan3A_169 : i32
      %scan3A_171 = arith.constant 1 : i32
      scf.for %scan3A_179 = %scan3A_168 to %scan3A_170 step %scan3A_171  : i32 {
        %mul3A_180 = arith.constant 1000 : i32
        %mul3A_181 = arith.muli %arg1, %mul3A_180 : i32
        %mul3A_182 = arith.constant 200 : i32
        %mul3A_183 = arith.muli %scan3A_179, %mul3A_182 : i32
        %add3A_184 = arith.addi %mul3A_181, %mul3A_183 : i32
        %dma_start3A_185 = arith.constant 0 : i32
        %dma_start3A_186 = arith.constant 0 : i32
        %dma_start3A_187 = tpu.memref_slice %arg17[%dma_start3A_185, %dma_start3A_186] : memref<400x32xf32, #tpu.memory_space<vmem>> -> memref<200x32xf32, #tpu.memory_space<vmem>>
        %dma_start3A_188 = arith.constant 0 : i32
        %dma_start3A_189 = tpu.memref_slice %arg20[%add3A_184, %dma_start3A_188] : memref<10000x32xf32, #tpu.memory_space<vmem_shared>> -> memref<200x32xf32, #tpu.memory_space<vmem_shared>>
        %dma_start3A_190 = arith.constant 0 : i32
        %dma_start3A_191 = tpu.memref_slice %arg20[%add3A_184, %dma_start3A_190] : memref<10000x32xf32, #tpu.memory_space<vmem_shared>> -> memref<200x32xf32, #tpu.memory_space<vmem_shared>>
        %dma_start3A_192 = arith.constant 0 : i32
        %dma_start3A_193 = arith.constant 0 : i32
        %dma_start3A_194 = tpu.memref_slice %arg17[%dma_start3A_192, %dma_start3A_193] : memref<400x32xf32, #tpu.memory_space<vmem>> -> memref<200x32xf32, #tpu.memory_space<vmem>>
        tpu.enqueue_dma source(%dma_start3A_194 : memref<200x32xf32, #tpu.memory_space<vmem>>) target(%dma_start3A_191 : memref<200x32xf32, #tpu.memory_space<vmem_shared>>) target_semaphore(%arg23 : memref<!tpu.dma_semaphore, #tpu.memory_space<semaphore_mem>>)
      }
      %scan3A_172 = arith.constant 5 : i32
      %scan3A_173 = arith.constant 0 : i32
      %scan3A_174 = arith.constant 0 : i32
      %scan3A_175 = arith.constant 5 : i32
      %scan3A_176 = arith.addi %scan3A_174, %scan3A_175 : i32
      %scan3A_177 = arith.constant 1 : i32
      scf.for %scan3A_179 = %scan3A_174 to %scan3A_176 step %scan3A_177  : i32 {
        %mul3A_180 = arith.constant 1000 : i32
        %mul3A_181 = arith.muli %arg1, %mul3A_180 : i32
        %mul3A_182 = arith.constant 200 : i32
        %mul3A_183 = arith.muli %scan3A_179, %mul3A_182 : i32
        %add3A_184 = arith.addi %mul3A_181, %mul3A_183 : i32
        %dma_wait3A_185 = arith.constant 0 : i32
        %dma_wait3A_186 = arith.constant 0 : i32
        %dma_wait3A_187 = tpu.memref_slice %arg17[%dma_wait3A_185, %dma_wait3A_186] : memref<400x32xf32, #tpu.memory_space<vmem>> -> memref<200x32xf32, #tpu.memory_space<vmem>>
        %dma_wait3A_188 = arith.constant 0 : i32
        %dma_wait3A_189 = tpu.memref_slice %arg20[%add3A_184, %dma_wait3A_188] : memref<10000x32xf32, #tpu.memory_space<vmem_shared>> -> memref<200x32xf32, #tpu.memory_space<vmem_shared>>
        %dma_wait3A_190 = arith.constant 0 : i32
        %dma_wait3A_191 = tpu.memref_slice %arg20[%add3A_184, %dma_wait3A_190] : memref<10000x32xf32, #tpu.memory_space<vmem_shared>> -> memref<200x32xf32, #tpu.memory_space<vmem_shared>>
        %dma_wait3A_192 = arith.constant 0 : i32
        %dma_wait3A_193 = arith.constant 0 : i32
        %dma_wait3A_194 = tpu.memref_slice %arg17[%dma_wait3A_192, %dma_wait3A_193] : memref<400x32xf32, #tpu.memory_space<vmem>> -> memref<200x32xf32, #tpu.memory_space<vmem>>
        tpu.wait_dma2 semaphore(%arg23 : memref<!tpu.dma_semaphore, #tpu.memory_space<semaphore_mem>>) src(%dma_wait3A_194 : memref<200x32xf32, #tpu.memory_space<vmem>>) dst(%dma_wait3A_191 : memref<200x32xf32, #tpu.memory_space<vmem_shared>>)
      }
      %scan3A_178 = arith.constant 5 : i32
    } else {
    }
    %barrier3A_139 = arith.constant 0 : index
    tpu.barrier barrier_id(%barrier3A_139)
    %mul3A_140 = arith.constant 4 : i32
    %mul3A_141 = arith.muli %mul3A_140, %arg0 : i32
    %add3A_142 = arith.constant 3 : i32
    %add3A_143 = arith.addi %mul3A_141, %add3A_142 : i32
    %dma_start3A_144 = arith.constant 0 : i32
    %dma_start3A_145 = arith.constant 0 : i32
    %dma_start3A_146 = tpu.memref_slice %arg12[%dma_start3A_144, %dma_start3A_145] : memref<25x400xi32, #tpu.memory_space<vmem>> -> memref<1x400xi32, #tpu.memory_space<vmem>>
    %dma_start3A_147 = tpu.memref_squeeze %dma_start3A_146 : memref<1x400xi32, #tpu.memory_space<vmem>> -> memref<400xi32, #tpu.memory_space<vmem>>
    %dma_start3A_148 = arith.constant 0 : i32
    %dma_start3A_149 = arith.constant 0 : i32
    %dma_start3A_150 = tpu.memref_slice %arg5[%add3A_143, %dma_start3A_148, %dma_start3A_149] : memref<8x10000x32xf32, #tpu.memory_space<hbm>> -> memref<1x10000x32xf32, #tpu.memory_space<hbm>>
    %dma_start3A_151 = tpu.memref_squeeze %dma_start3A_150 : memref<1x10000x32xf32, #tpu.memory_space<hbm>> -> memref<10000x32xf32, #tpu.memory_space<hbm>>
    %dma_start3A_152 = arith.constant 0 : i32
    %dma_start3A_153 = arith.constant 0 : i32
    %dma_start3A_154 = tpu.memref_slice %dma_start3A_151[%dma_start3A_152, %dma_start3A_153] : memref<10000x32xf32, #tpu.memory_space<hbm>> -> memref<10000x32xf32, #tpu.memory_space<hbm>>
    tpu.enqueue_indirect_dma source(%dma_start3A_154 : memref<10000x32xf32, #tpu.memory_space<hbm>>) target(%arg17 : memref<400x32xf32, #tpu.memory_space<vmem>>) offsets(%dma_start3A_147 : memref<400xi32, #tpu.memory_space<vmem>>) semaphore(%arg22 : memref<!tpu.dma_semaphore, #tpu.memory_space<semaphore_mem>>)
    %scan3A_155 = arith.constant 0 : i32
    %scan3A_156 = arith.constant 0 : i32
    %scan3A_157 = arith.constant 13 : i32
    %scan3A_158 = arith.addi %scan3A_156, %scan3A_157 : i32
    %scan3A_159 = arith.constant 1 : i32
    scf.for %scan3A_167 = %scan3A_156 to %scan3A_158 step %scan3A_159  : i32 {
      %mul3A_168 = arith.constant 2 : i32
      %mul3A_169 = arith.muli %mul3A_168, %scan3A_167 : i32
      %mul3A_170 = arith.constant 2 : i32
      %mul3A_171 = arith.muli %mul3A_170, %scan3A_167 : i32
      %add3A_172 = arith.constant 1 : i32
      %add3A_173 = arith.addi %mul3A_171, %add3A_172 : i32
      %mul3A_174 = arith.constant 2 : i32
      %mul3A_175 = arith.muli %mul3A_174, %scan3A_167 : i32
      %add3A_176 = arith.constant 2 : i32
      %add3A_177 = arith.addi %mul3A_175, %add3A_176 : i32
      %gt3A = arith.constant 0 : i32
      %gt3A_178 = arith.cmpi sgt, %scan3A_167, %gt3A : i32
      %convert_element_type3A_179 = arith.extui %gt3A_178 : i1 to i32
      %cond3A_180 = arith.constant 0 : i32
      %cond3A_181 = arith.cmpi ne, %convert_element_type3A_179, %cond3A_180 : i32
      scf.if %cond3A_181 {
        %sub3A = arith.constant 1 : i32
        %sub3A_231 = arith.subi %mul3A_169, %sub3A : i32
        %dma_wait3A_232 = arith.constant 0 : i32
        %dma_wait3A_233 = tpu.memref_slice %arg13[%sub3A_231, %dma_wait3A_232] : memref<25x400xi32, #tpu.memory_space<vmem>> -> memref<1x400xi32, #tpu.memory_space<vmem>>
        %dma_wait3A_234 = tpu.memref_squeeze %dma_wait3A_233 : memref<1x400xi32, #tpu.memory_space<vmem>> -> memref<400xi32, #tpu.memory_space<vmem>>
        %dma_wait3A_235 = arith.constant 0 : i32
        %dma_wait3A_236 = arith.constant 0 : i32
        %dma_wait3A_237 = tpu.memref_slice %arg20[%dma_wait3A_235, %dma_wait3A_236] : memref<10000x32xf32, #tpu.memory_space<vmem_shared>> -> memref<10000x32xf32, #tpu.memory_space<vmem_shared>>
        tpu.wait_indirect_dma semaphore(%arg23 : memref<!tpu.dma_semaphore, #tpu.memory_space<semaphore_mem>>) src(%arg18 : memref<400x32xf32, #tpu.memory_space<vmem>>) dst(%dma_wait3A_237 : memref<10000x32xf32, #tpu.memory_space<vmem_shared>>)
      } else {
      }
      %lt3A_182 = arith.constant 25 : i32
      %lt3A_183 = arith.cmpi slt, %add3A_173, %lt3A_182 : i32
      %convert_element_type3A_184 = arith.extui %lt3A_183 : i1 to i32
      %cond3A_185 = arith.constant 0 : i32
      %cond3A_186 = arith.cmpi ne, %convert_element_type3A_184, %cond3A_185 : i32
      scf.if %cond3A_186 {
        %mul3A_231 = arith.constant 4 : i32
        %mul3A_232 = arith.muli %mul3A_231, %arg0 : i32
        %add3A_233 = arith.constant 3 : i32
        %add3A_234 = arith.addi %mul3A_232, %add3A_233 : i32
        %dma_start3A_235 = arith.constant 0 : i32
        %dma_start3A_236 = tpu.memref_slice %arg12[%add3A_173, %dma_start3A_235] : memref<25x400xi32, #tpu.memory_space<vmem>> -> memref<1x400xi32, #tpu.memory_space<vmem>>
        %dma_start3A_237 = tpu.memref_squeeze %dma_start3A_236 : memref<1x400xi32, #tpu.memory_space<vmem>> -> memref<400xi32, #tpu.memory_space<vmem>>
        %dma_start3A_238 = arith.constant 0 : i32
        %dma_start3A_239 = arith.constant 0 : i32
        %dma_start3A_240 = tpu.memref_slice %arg5[%add3A_234, %dma_start3A_238, %dma_start3A_239] : memref<8x10000x32xf32, #tpu.memory_space<hbm>> -> memref<1x10000x32xf32, #tpu.memory_space<hbm>>
        %dma_start3A_241 = tpu.memref_squeeze %dma_start3A_240 : memref<1x10000x32xf32, #tpu.memory_space<hbm>> -> memref<10000x32xf32, #tpu.memory_space<hbm>>
        %dma_start3A_242 = arith.constant 0 : i32
        %dma_start3A_243 = arith.constant 0 : i32
        %dma_start3A_244 = tpu.memref_slice %dma_start3A_241[%dma_start3A_242, %dma_start3A_243] : memref<10000x32xf32, #tpu.memory_space<hbm>> -> memref<10000x32xf32, #tpu.memory_space<hbm>>
        tpu.enqueue_indirect_dma source(%dma_start3A_244 : memref<10000x32xf32, #tpu.memory_space<hbm>>) target(%arg18 : memref<400x32xf32, #tpu.memory_space<vmem>>) offsets(%dma_start3A_237 : memref<400xi32, #tpu.memory_space<vmem>>) semaphore(%arg23 : memref<!tpu.dma_semaphore, #tpu.memory_space<semaphore_mem>>)
      } else {
      }
      %mul3A_187 = arith.constant 4 : i32
      %mul3A_188 = arith.muli %mul3A_187, %arg0 : i32
      %add3A_189 = arith.constant 3 : i32
      %add3A_190 = arith.addi %mul3A_188, %add3A_189 : i32
      %dma_wait3A_191 = arith.constant 0 : i32
      %dma_wait3A_192 = tpu.memref_slice %arg12[%mul3A_169, %dma_wait3A_191] : memref<25x400xi32, #tpu.memory_space<vmem>> -> memref<1x400xi32, #tpu.memory_space<vmem>>
      %dma_wait3A_193 = tpu.memref_squeeze %dma_wait3A_192 : memref<1x400xi32, #tpu.memory_space<vmem>> -> memref<400xi32, #tpu.memory_space<vmem>>
      %dma_wait3A_194 = arith.constant 0 : i32
      %dma_wait3A_195 = arith.constant 0 : i32
      %dma_wait3A_196 = tpu.memref_slice %arg5[%add3A_190, %dma_wait3A_194, %dma_wait3A_195] : memref<8x10000x32xf32, #tpu.memory_space<hbm>> -> memref<1x10000x32xf32, #tpu.memory_space<hbm>>
      %dma_wait3A_197 = tpu.memref_squeeze %dma_wait3A_196 : memref<1x10000x32xf32, #tpu.memory_space<hbm>> -> memref<10000x32xf32, #tpu.memory_space<hbm>>
      %dma_wait3A_198 = arith.constant 0 : i32
      %dma_wait3A_199 = arith.constant 0 : i32
      %dma_wait3A_200 = tpu.memref_slice %dma_wait3A_197[%dma_wait3A_198, %dma_wait3A_199] : memref<10000x32xf32, #tpu.memory_space<hbm>> -> memref<10000x32xf32, #tpu.memory_space<hbm>>
      tpu.wait_indirect_dma semaphore(%arg22 : memref<!tpu.dma_semaphore, #tpu.memory_space<semaphore_mem>>) src(%dma_wait3A_200 : memref<10000x32xf32, #tpu.memory_space<hbm>>) dst(%arg17 : memref<400x32xf32, #tpu.memory_space<vmem>>)
      %parallel_loop3A_201 = arith.constant 0 : i32
      %parallel_loop3A_202 = arith.constant 400 : i32
      %parallel_loop3A_203 = arith.constant 1 : i32
      scf.for %parallel_loop3A_231 = %parallel_loop3A_201 to %parallel_loop3A_202 step %parallel_loop3A_203  : i32 {
        %parallel_loop3A_232 = arith.constant 400 : i32
        %parallel_loop3A_233 = arith.muli %mul3A_169, %parallel_loop3A_232 : i32
        %parallel_loop3A_234 = arith.addi %parallel_loop3A_233, %parallel_loop3A_231 : i32
        %parallel_loop3A_235 = vector.broadcast %parallel_loop3A_234 : i32 to vector<16xi32>
        %parallel_loop3A_236 = tpu.vector_load_idx %arg15[%parallel_loop3A_235] : memref<10000xf32, #tpu.memory_space<vmem>>[vector<16xi32>], vector<16xf32>,
        %parallel_loop3A_237 = arith.index_cast %parallel_loop3A_231 : i32 to index
        %parallel_loop3A_238 = arith.constant 0 : index
        %parallel_loop3A_239 = tpu.vector_load %arg17[%parallel_loop3A_237, %parallel_loop3A_238] {strides = array<i32>} : memref<400x32xf32, #tpu.memory_space<vmem>>, vector<16xf32>,
        %parallel_loop3A_240 = arith.mulf %parallel_loop3A_239, %parallel_loop3A_236 : vector<16xf32>
        %parallel_loop3A_241 = arith.index_cast %parallel_loop3A_231 : i32 to index
        %parallel_loop3A_242 = arith.constant 0 : index
        %parallel_loop3A_243 = tpu.vector_load %arg17[%parallel_loop3A_241, %parallel_loop3A_242] {strides = array<i32>} : memref<400x32xf32, #tpu.memory_space<vmem>>, vector<16xf32>,
        tpu.vector_store %arg17[%parallel_loop3A_241, %parallel_loop3A_242], %parallel_loop3A_240 {strides = array<i32>} : memref<400x32xf32, #tpu.memory_space<vmem>>, vector<16xf32>,
        %parallel_loop3A_244 = arith.index_cast %parallel_loop3A_231 : i32 to index
        %parallel_loop3A_245 = arith.constant 16 : index
        %parallel_loop3A_246 = tpu.vector_load %arg17[%parallel_loop3A_244, %parallel_loop3A_245] {strides = array<i32>} : memref<400x32xf32, #tpu.memory_space<vmem>>, vector<16xf32>,
        %parallel_loop3A_247 = arith.mulf %parallel_loop3A_246, %parallel_loop3A_236 : vector<16xf32>
        %parallel_loop3A_248 = arith.index_cast %parallel_loop3A_231 : i32 to index
        %parallel_loop3A_249 = arith.constant 16 : index
        %parallel_loop3A_250 = tpu.vector_load %arg17[%parallel_loop3A_248, %parallel_loop3A_249] {strides = array<i32>} : memref<400x32xf32, #tpu.memory_space<vmem>>, vector<16xf32>,
        tpu.vector_store %arg17[%parallel_loop3A_248, %parallel_loop3A_249], %parallel_loop3A_247 {strides = array<i32>} : memref<400x32xf32, #tpu.memory_space<vmem>>, vector<16xf32>,
      } {sc.loop_unroll_factor = 8 : i64, sc.parallel_access}
      %dma_start3A_204 = arith.constant 0 : i32
      %dma_start3A_205 = tpu.memref_slice %arg13[%mul3A_169, %dma_start3A_204] : memref<25x400xi32, #tpu.memory_space<vmem>> -> memref<1x400xi32, #tpu.memory_space<vmem>>
      %dma_start3A_206 = tpu.memref_squeeze %dma_start3A_205 : memref<1x400xi32, #tpu.memory_space<vmem>> -> memref<400xi32, #tpu.memory_space<vmem>>
      %dma_start3A_207 = arith.constant 0 : i32
      %dma_start3A_208 = arith.constant 0 : i32
      %dma_start3A_209 = tpu.memref_slice %arg20[%dma_start3A_207, %dma_start3A_208] : memref<10000x32xf32, #tpu.memory_space<vmem_shared>> -> memref<10000x32xf32, #tpu.memory_space<vmem_shared>>
      tpu.enqueue_indirect_dma source(%arg17 : memref<400x32xf32, #tpu.memory_space<vmem>>) target(%dma_start3A_209 : memref<10000x32xf32, #tpu.memory_space<vmem_shared>>) offsets(%dma_start3A_206 : memref<400xi32, #tpu.memory_space<vmem>>) semaphore(%arg22 : memref<!tpu.dma_semaphore, #tpu.memory_space<semaphore_mem>>) {add = true}
      %lt3A_210 = arith.constant 25 : i32
      %lt3A_211 = arith.cmpi slt, %add3A_173, %lt3A_210 : i32
      %convert_element_type3A_212 = arith.extui %lt3A_211 : i1 to i32
      %cond3A_213 = arith.constant 0 : i32
      %cond3A_214 = arith.cmpi ne, %convert_element_type3A_212, %cond3A_213 : i32
      scf.if %cond3A_214 {
        %mul3A_231 = arith.constant 4 : i32
        %mul3A_232 = arith.muli %mul3A_231, %arg0 : i32
        %add3A_233 = arith.constant 3 : i32
        %add3A_234 = arith.addi %mul3A_232, %add3A_233 : i32
        %dma_wait3A_235 = arith.constant 0 : i32
        %dma_wait3A_236 = tpu.memref_slice %arg12[%add3A_173, %dma_wait3A_235] : memref<25x400xi32, #tpu.memory_space<vmem>> -> memref<1x400xi32, #tpu.memory_space<vmem>>
        %dma_wait3A_237 = tpu.memref_squeeze %dma_wait3A_236 : memref<1x400xi32, #tpu.memory_space<vmem>> -> memref<400xi32, #tpu.memory_space<vmem>>
        %dma_wait3A_238 = arith.constant 0 : i32
        %dma_wait3A_239 = arith.constant 0 : i32
        %dma_wait3A_240 = tpu.memref_slice %arg5[%add3A_234, %dma_wait3A_238, %dma_wait3A_239] : memref<8x10000x32xf32, #tpu.memory_space<hbm>> -> memref<1x10000x32xf32, #tpu.memory_space<hbm>>
        %dma_wait3A_241 = tpu.memref_squeeze %dma_wait3A_240 : memref<1x10000x32xf32, #tpu.memory_space<hbm>> -> memref<10000x32xf32, #tpu.memory_space<hbm>>
        %dma_wait3A_242 = arith.constant 0 : i32
        %dma_wait3A_243 = arith.constant 0 : i32
        %dma_wait3A_244 = tpu.memref_slice %dma_wait3A_241[%dma_wait3A_242, %dma_wait3A_243] : memref<10000x32xf32, #tpu.memory_space<hbm>> -> memref<10000x32xf32, #tpu.memory_space<hbm>>
        tpu.wait_indirect_dma semaphore(%arg23 : memref<!tpu.dma_semaphore, #tpu.memory_space<semaphore_mem>>) src(%dma_wait3A_244 : memref<10000x32xf32, #tpu.memory_space<hbm>>) dst(%arg18 : memref<400x32xf32, #tpu.memory_space<vmem>>)
        %parallel_loop3A_245 = arith.constant 0 : i32
        %parallel_loop3A_246 = arith.constant 400 : i32
        %parallel_loop3A_247 = arith.constant 1 : i32
        scf.for %parallel_loop3A_248 = %parallel_loop3A_245 to %parallel_loop3A_246 step %parallel_loop3A_247  : i32 {
          %parallel_loop3A_249 = arith.constant 400 : i32
          %parallel_loop3A_250 = arith.muli %add3A_173, %parallel_loop3A_249 : i32
          %parallel_loop3A_251 = arith.addi %parallel_loop3A_250, %parallel_loop3A_248 : i32
          %parallel_loop3A_252 = vector.broadcast %parallel_loop3A_251 : i32 to vector<16xi32>
          %parallel_loop3A_253 = tpu.vector_load_idx %arg15[%parallel_loop3A_252] : memref<10000xf32, #tpu.memory_space<vmem>>[vector<16xi32>], vector<16xf32>,
          %parallel_loop3A_254 = arith.index_cast %parallel_loop3A_248 : i32 to index
          %parallel_loop3A_255 = arith.constant 0 : index
          %parallel_loop3A_256 = tpu.vector_load %arg18[%parallel_loop3A_254, %parallel_loop3A_255] {strides = array<i32>} : memref<400x32xf32, #tpu.memory_space<vmem>>, vector<16xf32>,
          %parallel_loop3A_257 = arith.mulf %parallel_loop3A_256, %parallel_loop3A_253 : vector<16xf32>
          %parallel_loop3A_258 = arith.index_cast %parallel_loop3A_248 : i32 to index
          %parallel_loop3A_259 = arith.constant 0 : index
          %parallel_loop3A_260 = tpu.vector_load %arg18[%parallel_loop3A_258, %parallel_loop3A_259] {strides = array<i32>} : memref<400x32xf32, #tpu.memory_space<vmem>>, vector<16xf32>,
          tpu.vector_store %arg18[%parallel_loop3A_258, %parallel_loop3A_259], %parallel_loop3A_257 {strides = array<i32>} : memref<400x32xf32, #tpu.memory_space<vmem>>, vector<16xf32>,
          %parallel_loop3A_261 = arith.index_cast %parallel_loop3A_248 : i32 to index
          %parallel_loop3A_262 = arith.constant 16 : index
          %parallel_loop3A_263 = tpu.vector_load %arg18[%parallel_loop3A_261, %parallel_loop3A_262] {strides = array<i32>} : memref<400x32xf32, #tpu.memory_space<vmem>>, vector<16xf32>,
          %parallel_loop3A_264 = arith.mulf %parallel_loop3A_263, %parallel_loop3A_253 : vector<16xf32>
          %parallel_loop3A_265 = arith.index_cast %parallel_loop3A_248 : i32 to index
          %parallel_loop3A_266 = arith.constant 16 : index
          %parallel_loop3A_267 = tpu.vector_load %arg18[%parallel_loop3A_265, %parallel_loop3A_266] {strides = array<i32>} : memref<400x32xf32, #tpu.memory_space<vmem>>, vector<16xf32>,
          tpu.vector_store %arg18[%parallel_loop3A_265, %parallel_loop3A_266], %parallel_loop3A_264 {strides = array<i32>} : memref<400x32xf32, #tpu.memory_space<vmem>>, vector<16xf32>,
        } {sc.loop_unroll_factor = 8 : i64, sc.parallel_access}
      } else {
      }
      %dma_wait3A_215 = arith.constant 0 : i32
      %dma_wait3A_216 = tpu.memref_slice %arg13[%mul3A_169, %dma_wait3A_215] : memref<25x400xi32, #tpu.memory_space<vmem>> -> memref<1x400xi32, #tpu.memory_space<vmem>>
      %dma_wait3A_217 = tpu.memref_squeeze %dma_wait3A_216 : memref<1x400xi32, #tpu.memory_space<vmem>> -> memref<400xi32, #tpu.memory_space<vmem>>
      %dma_wait3A_218 = arith.constant 0 : i32
      %dma_wait3A_219 = arith.constant 0 : i32
      %dma_wait3A_220 = tpu.memref_slice %arg20[%dma_wait3A_218, %dma_wait3A_219] : memref<10000x32xf32, #tpu.memory_space<vmem_shared>> -> memref<10000x32xf32, #tpu.memory_space<vmem_shared>>
      tpu.wait_indirect_dma semaphore(%arg22 : memref<!tpu.dma_semaphore, #tpu.memory_space<semaphore_mem>>) src(%arg17 : memref<400x32xf32, #tpu.memory_space<vmem>>) dst(%dma_wait3A_220 : memref<10000x32xf32, #tpu.memory_space<vmem_shared>>)
      %lt3A_221 = arith.constant 25 : i32
      %lt3A_222 = arith.cmpi slt, %add3A_177, %lt3A_221 : i32
      %convert_element_type3A_223 = arith.extui %lt3A_222 : i1 to i32
      %cond3A_224 = arith.constant 0 : i32
      %cond3A_225 = arith.cmpi ne, %convert_element_type3A_223, %cond3A_224 : i32
      scf.if %cond3A_225 {
        %mul3A_231 = arith.constant 4 : i32
        %mul3A_232 = arith.muli %mul3A_231, %arg0 : i32
        %add3A_233 = arith.constant 3 : i32
        %add3A_234 = arith.addi %mul3A_232, %add3A_233 : i32
        %dma_start3A_235 = arith.constant 0 : i32
        %dma_start3A_236 = tpu.memref_slice %arg12[%add3A_177, %dma_start3A_235] : memref<25x400xi32, #tpu.memory_space<vmem>> -> memref<1x400xi32, #tpu.memory_space<vmem>>
        %dma_start3A_237 = tpu.memref_squeeze %dma_start3A_236 : memref<1x400xi32, #tpu.memory_space<vmem>> -> memref<400xi32, #tpu.memory_space<vmem>>
        %dma_start3A_238 = arith.constant 0 : i32
        %dma_start3A_239 = arith.constant 0 : i32
        %dma_start3A_240 = tpu.memref_slice %arg5[%add3A_234, %dma_start3A_238, %dma_start3A_239] : memref<8x10000x32xf32, #tpu.memory_space<hbm>> -> memref<1x10000x32xf32, #tpu.memory_space<hbm>>
        %dma_start3A_241 = tpu.memref_squeeze %dma_start3A_240 : memref<1x10000x32xf32, #tpu.memory_space<hbm>> -> memref<10000x32xf32, #tpu.memory_space<hbm>>
        %dma_start3A_242 = arith.constant 0 : i32
        %dma_start3A_243 = arith.constant 0 : i32
        %dma_start3A_244 = tpu.memref_slice %dma_start3A_241[%dma_start3A_242, %dma_start3A_243] : memref<10000x32xf32, #tpu.memory_space<hbm>> -> memref<10000x32xf32, #tpu.memory_space<hbm>>
        tpu.enqueue_indirect_dma source(%dma_start3A_244 : memref<10000x32xf32, #tpu.memory_space<hbm>>) target(%arg17 : memref<400x32xf32, #tpu.memory_space<vmem>>) offsets(%dma_start3A_237 : memref<400xi32, #tpu.memory_space<vmem>>) semaphore(%arg22 : memref<!tpu.dma_semaphore, #tpu.memory_space<semaphore_mem>>)
      } else {
      }
      %lt3A_226 = arith.constant 25 : i32
      %lt3A_227 = arith.cmpi slt, %add3A_173, %lt3A_226 : i32
      %convert_element_type3A_228 = arith.extui %lt3A_227 : i1 to i32
      %cond3A_229 = arith.constant 0 : i32
      %cond3A_230 = arith.cmpi ne, %convert_element_type3A_228, %cond3A_229 : i32
      scf.if %cond3A_230 {
        %dma_start3A_231 = arith.constant 0 : i32
        %dma_start3A_232 = tpu.memref_slice %arg13[%add3A_173, %dma_start3A_231] : memref<25x400xi32, #tpu.memory_space<vmem>> -> memref<1x400xi32, #tpu.memory_space<vmem>>
        %dma_start3A_233 = tpu.memref_squeeze %dma_start3A_232 : memref<1x400xi32, #tpu.memory_space<vmem>> -> memref<400xi32, #tpu.memory_space<vmem>>
        %dma_start3A_234 = arith.constant 0 : i32
        %dma_start3A_235 = arith.constant 0 : i32
        %dma_start3A_236 = tpu.memref_slice %arg20[%dma_start3A_234, %dma_start3A_235] : memref<10000x32xf32, #tpu.memory_space<vmem_shared>> -> memref<10000x32xf32, #tpu.memory_space<vmem_shared>>
        tpu.enqueue_indirect_dma source(%arg18 : memref<400x32xf32, #tpu.memory_space<vmem>>) target(%dma_start3A_236 : memref<10000x32xf32, #tpu.memory_space<vmem_shared>>) offsets(%dma_start3A_233 : memref<400xi32, #tpu.memory_space<vmem>>) semaphore(%arg23 : memref<!tpu.dma_semaphore, #tpu.memory_space<semaphore_mem>>) {add = true}
      } else {
      }
    }
    %scan3A_160 = arith.constant 13 : i32
    %barrier3A_161 = arith.constant 0 : index
    tpu.barrier barrier_id(%barrier3A_161)
    %lt3A_162 = arith.constant 10 : i32
    %lt3A_163 = arith.cmpi slt, %arg1, %lt3A_162 : i32
    %convert_element_type3A_164 = arith.extui %lt3A_163 : i1 to i32
    %cond3A_165 = arith.constant 0 : i32
    %cond3A_166 = arith.cmpi ne, %convert_element_type3A_164, %cond3A_165 : i32
    scf.if %cond3A_166 {
      %mul3A_167 = arith.constant 1000 : i32
      %mul3A_168 = arith.muli %arg1, %mul3A_167 : i32
      %mul3A_169 = arith.constant 4 : i32
      %mul3A_170 = arith.muli %mul3A_169, %arg0 : i32
      %add3A_171 = arith.constant 3 : i32
      %add3A_172 = arith.addi %mul3A_170, %add3A_171 : i32
      "tpu.region"() ({
        %run_scoped3A = tpu.sem_alloc : memref<!tpu.dma_semaphore, #tpu.memory_space<semaphore_mem>>
        %dma_start3A_173 = arith.constant 0 : i32
        %dma_start3A_174 = tpu.memref_slice %arg8[%add3A_172, %mul3A_168, %dma_start3A_173] : memref<8x10000x32xf32, #tpu.memory_space<hbm>> -> memref<1x1000x32xf32, #tpu.memory_space<hbm>>
        %dma_start3A_175 = tpu.memref_squeeze %dma_start3A_174 : memref<1x1000x32xf32, #tpu.memory_space<hbm>> -> memref<1000x32xf32, #tpu.memory_space<hbm>>
        %dma_start3A_176 = arith.constant 0 : i32
        %dma_start3A_177 = tpu.memref_slice %arg20[%mul3A_168, %dma_start3A_176] : memref<10000x32xf32, #tpu.memory_space<vmem_shared>> -> memref<1000x32xf32, #tpu.memory_space<vmem_shared>>
        tpu.enqueue_dma source(%dma_start3A_177 : memref<1000x32xf32, #tpu.memory_space<vmem_shared>>) target(%dma_start3A_175 : memref<1000x32xf32, #tpu.memory_space<hbm>>) target_semaphore(%run_scoped3A : memref<!tpu.dma_semaphore, #tpu.memory_space<semaphore_mem>>)
        %dma_wait3A_178 = arith.constant 0 : i32
        %dma_wait3A_179 = tpu.memref_slice %arg8[%add3A_172, %mul3A_168, %dma_wait3A_178] : memref<8x10000x32xf32, #tpu.memory_space<hbm>> -> memref<1x1000x32xf32, #tpu.memory_space<hbm>>
        %dma_wait3A_180 = tpu.memref_squeeze %dma_wait3A_179 : memref<1x1000x32xf32, #tpu.memory_space<hbm>> -> memref<1000x32xf32, #tpu.memory_space<hbm>>
        %dma_wait3A_181 = arith.constant 0 : i32
        %dma_wait3A_182 = tpu.memref_slice %arg20[%mul3A_168, %dma_wait3A_181] : memref<10000x32xf32, #tpu.memory_space<vmem_shared>> -> memref<1000x32xf32, #tpu.memory_space<vmem_shared>>
        tpu.wait_dma2 semaphore(%run_scoped3A : memref<!tpu.dma_semaphore, #tpu.memory_space<semaphore_mem>>) src(%dma_wait3A_182 : memref<1000x32xf32, #tpu.memory_space<vmem_shared>>) dst(%dma_wait3A_180 : memref<1000x32xf32, #tpu.memory_space<hbm>>)
        tpu.yield
      }) : () -> ()
    } else {
    }
    return
  }
}

module attributes {stable_mosaic.version = 14 : i64} {
  func.func @_tc1_body(%arg0: i32, %arg1: memref<1000x256xf32, #tpu.memory_space<vmem>>, %arg2: memref<256x768xf32, #tpu.memory_space<vmem>>, %arg3: memref<1x768xf32, #tpu.memory_space<vmem>>, %arg4: memref<1x768xf32, #tpu.memory_space<vmem>>, %arg5: memref<256x256xf32, #tpu.memory_space<vmem>>, %arg6: memref<256x1xf32, #tpu.memory_space<vmem>>, %arg7: memref<256x1xf32, #tpu.memory_space<vmem>>, %arg8: memref<16x16000xf32, #tpu.memory_space<vmem>>, %arg9: memref<256x16xf32, #tpu.memory_space<vmem>>, %arg10: memref<1x256xf32, #tpu.memory_space<vmem>>, %arg11: memref<8x1000x32xf32, #tpu.memory_space<vmem>>, %arg12: memref<1000x1xf32, #tpu.memory_space<vmem>>, %arg13: memref<1000x1xf32, #tpu.memory_space<vmem>>, %arg14: memref<1x16000xf32, #tpu.memory_space<vmem>>) attributes {dimension_semantics = [#tpu.dimension_semantics<arbitrary>], iteration_bounds = array<i64: 10>, scalar_prefetch = 0 : i64, scratch_operands = 0 : i64, tpu.core_type = #tpu.core_type<tc>, window_params = [{transform_indices = @transform_0, window_bounds = array<i64: 1000, 256>}, {pipeline_mode = #tpu.pipeline_mode<synchronous>, transform_indices = @transform_1, window_bounds = array<i64: 256, 768>}, {pipeline_mode = #tpu.pipeline_mode<synchronous>, transform_indices = @transform_2, window_bounds = array<i64: 1, 768>}, {pipeline_mode = #tpu.pipeline_mode<synchronous>, transform_indices = @transform_3, window_bounds = array<i64: 1, 768>}, {pipeline_mode = #tpu.pipeline_mode<synchronous>, transform_indices = @transform_4, window_bounds = array<i64: 256, 256>}, {pipeline_mode = #tpu.pipeline_mode<synchronous>, transform_indices = @transform_5, window_bounds = array<i64: 256, 1>}, {pipeline_mode = #tpu.pipeline_mode<synchronous>, transform_indices = @transform_6, window_bounds = array<i64: 256, 1>}, {transform_indices = @transform_7, window_bounds = array<i64: 16, 16000>}, {pipeline_mode = #tpu.pipeline_mode<synchronous>, transform_indices = @transform_8, window_bounds = array<i64: 256, 16>}, {pipeline_mode = #tpu.pipeline_mode<synchronous>, transform_indices = @transform_9, window_bounds = array<i64: 1, 256>}, {transform_indices = @transform_10, window_bounds = array<i64: 8, 1000, 32>}, {transform_indices = @transform_11, window_bounds = array<i64: 1000, 1>}, {transform_indices = @transform_12, window_bounds = array<i64: 1000, 1>}, {transform_indices = @transform_13, window_bounds = array<i64: 1, 16000>}]} {
    %get3A = arith.constant 0 : index
    %get3A_0 = arith.constant 0 : index
    %get3A_1 = vector.load %arg10[%get3A, %get3A_0] : memref<1x256xf32, #tpu.memory_space<vmem>>, vector<1x256xf32>
    %get3A_2 = arith.constant 0 : index
    %get3A_3 = arith.constant 0 : index
    %get3A_4 = vector.load %arg9[%get3A_2, %get3A_3] : memref<256x16xf32, #tpu.memory_space<vmem>>, vector<256x16xf32>
    %dot_general3A = arith.constant dense<0.000000e+00> : vector<1x16xf32>
    %dot_general3A_5 = tpu.matmul %get3A_1, %get3A_4, %dot_general3A {dimension_numbers = #tpu.dot_dimension_numbers<[1], [0], [0], [1], [0, 0, 1, 1], [], []>, transpose_lhs_hint = false} : vector<1x256xf32>, vector<256x16xf32>, vector<1x16xf32> -> vector<1x16xf32>
    %get3A_6 = arith.constant 0 : index
    %get3A_7 = arith.constant 0 : index
    %get3A_8 = vector.load %arg8[%get3A_6, %get3A_7] : memref<16x16000xf32, #tpu.memory_space<vmem>>, vector<16x16000xf32>
    %dot_general3A_9 = arith.constant dense<0.000000e+00> : vector<1x16000xf32>
    %dot_general3A_10 = tpu.matmul %dot_general3A_5, %get3A_8, %dot_general3A_9 {dimension_numbers = #tpu.dot_dimension_numbers<[1], [0], [0], [1], [0, 0, 1, 1], [], []>, transpose_lhs_hint = false} : vector<1x16xf32>, vector<16x16000xf32>, vector<1x16000xf32> -> vector<1x16000xf32>
    %swap3A = arith.constant 0 : index
    %swap3A_11 = arith.constant 0 : index
    %swap3A_12 = vector.load %arg14[%swap3A, %swap3A_11] : memref<1x16000xf32, #tpu.memory_space<vmem>>, vector<1x16000xf32>
    tpu.vector_store %arg14[%swap3A, %swap3A_11], %dot_general3A_10 {strides = array<i32>} : memref<1x16000xf32, #tpu.memory_space<vmem>>, vector<1x16000xf32>,
    %get3A_13 = arith.constant 0 : index
    %get3A_14 = arith.constant 0 : index
    %get3A_15 = vector.load %arg1[%get3A_13, %get3A_14] : memref<1000x256xf32, #tpu.memory_space<vmem>>, vector<1000x256xf32>
    %get3A_16 = arith.constant 0 : index
    %get3A_17 = arith.constant 0 : index
    %get3A_18 = vector.load %arg2[%get3A_16, %get3A_17] : memref<256x768xf32, #tpu.memory_space<vmem>>, vector<256x768xf32>
    %dot_general3A_19 = arith.constant dense<0.000000e+00> : vector<1000x768xf32>
    %dot_general3A_20 = tpu.matmul %get3A_15, %get3A_18, %dot_general3A_19 {dimension_numbers = #tpu.dot_dimension_numbers<[1], [0], [0], [1], [0, 0, 1, 1], [], []>, transpose_lhs_hint = false} : vector<1000x256xf32>, vector<256x768xf32>, vector<1000x768xf32> -> vector<1000x768xf32>
    %get3A_21 = arith.constant 0 : index
    %get3A_22 = arith.constant 0 : index
    %get3A_23 = vector.load %arg3[%get3A_21, %get3A_22] : memref<1x768xf32, #tpu.memory_space<vmem>>, vector<1x768xf32>
    %add3A = vector.broadcast %get3A_23 : vector<1x768xf32> to vector<1000x768xf32>
    %add3A_24 = arith.addf %dot_general3A_20, %add3A : vector<1000x768xf32>
    %slice3A = vector.extract_strided_slice %add3A_24 {offsets = [0, 0], sizes = [1000, 256], strides = [1, 1]} : vector<1000x768xf32> to vector<1000x256xf32>
    %slice3A_25 = vector.extract_strided_slice %add3A_24 {offsets = [0, 256], sizes = [1000, 256], strides = [1, 1]} : vector<1000x768xf32> to vector<1000x256xf32>
    %slice3A_26 = vector.extract_strided_slice %add3A_24 {offsets = [0, 512], sizes = [1000, 256], strides = [1, 1]} : vector<1000x768xf32> to vector<1000x256xf32>
    %get3A_27 = arith.constant 0 : index
    %get3A_28 = arith.constant 0 : index
    %get3A_29 = vector.load %arg4[%get3A_27, %get3A_28] : memref<1x768xf32, #tpu.memory_space<vmem>>, vector<1x256xf32>
    %get3A_30 = arith.constant 0 : index
    %get3A_31 = arith.constant 256 : index
    %get3A_32 = vector.load %arg4[%get3A_30, %get3A_31] : memref<1x768xf32, #tpu.memory_space<vmem>>, vector<1x256xf32>
    %get3A_33 = arith.constant 0 : index
    %get3A_34 = arith.constant 512 : index
    %get3A_35 = vector.load %arg4[%get3A_33, %get3A_34] : memref<1x768xf32, #tpu.memory_space<vmem>>, vector<1x256xf32>
    %add3A_36 = vector.broadcast %get3A_29 : vector<1x256xf32> to vector<1000x256xf32>
    %add3A_37 = arith.addf %slice3A, %add3A_36 : vector<1000x256xf32>
    %logistic3A = arith.negf %add3A_37 : vector<1000x256xf32>
    %logistic3A_38 = math.exp %logistic3A : vector<1000x256xf32>
    %logistic3A_39 = arith.constant 1.000000e+00 : f32
    %logistic3A_40 = vector.broadcast %logistic3A_39 : f32 to vector<1000x256xf32>
    %logistic3A_41 = arith.addf %logistic3A_40, %logistic3A_38 : vector<1000x256xf32>
    %logistic3A_42 = arith.divf %logistic3A_40, %logistic3A_41 : vector<1000x256xf32>
    %add3A_43 = vector.broadcast %get3A_32 : vector<1x256xf32> to vector<1000x256xf32>
    %add3A_44 = arith.addf %slice3A_25, %add3A_43 : vector<1000x256xf32>
    %logistic3A_45 = arith.negf %add3A_44 : vector<1000x256xf32>
    %logistic3A_46 = math.exp %logistic3A_45 : vector<1000x256xf32>
    %logistic3A_47 = arith.constant 1.000000e+00 : f32
    %logistic3A_48 = vector.broadcast %logistic3A_47 : f32 to vector<1000x256xf32>
    %logistic3A_49 = arith.addf %logistic3A_48, %logistic3A_46 : vector<1000x256xf32>
    %logistic3A_50 = arith.divf %logistic3A_48, %logistic3A_49 : vector<1000x256xf32>
    %mul3A = vector.broadcast %get3A_35 : vector<1x256xf32> to vector<1000x256xf32>
    %mul3A_51 = arith.mulf %logistic3A_42, %mul3A : vector<1000x256xf32>
    %add3A_52 = arith.addf %slice3A_26, %mul3A_51 : vector<1000x256xf32>
    %tanh3A = math.tanh %add3A_52 : vector<1000x256xf32>
    %sub3A = arith.constant 1.000000e+00 : f32
    %sub3A_53 = vector.broadcast %sub3A : f32 to vector<1000x256xf32>
    %sub3A_54 = arith.subf %sub3A_53, %logistic3A_50 : vector<1000x256xf32>
    %mul3A_55 = arith.mulf %sub3A_54, %tanh3A : vector<1000x256xf32>
    %get3A_56 = arith.constant 0 : index
    %get3A_57 = arith.constant 0 : index
    %get3A_58 = vector.load %arg5[%get3A_56, %get3A_57] : memref<256x256xf32, #tpu.memory_space<vmem>>, vector<256x256xf32>
    %dot_general3A_59 = arith.constant dense<0.000000e+00> : vector<1000x256xf32>
    %dot_general3A_60 = tpu.matmul %mul3A_55, %get3A_58, %dot_general3A_59 {dimension_numbers = #tpu.dot_dimension_numbers<[1], [0], [0], [1], [0, 0, 1, 1], [], []>, transpose_lhs_hint = false} : vector<1000x256xf32>, vector<256x256xf32>, vector<1000x256xf32> -> vector<1000x256xf32>
    %slice3A_61 = vector.extract_strided_slice %dot_general3A_60 {offsets = [0, 0], sizes = [1000, 32], strides = [1, 1]} : vector<1000x256xf32> to vector<1000x32xf32>
    %swap3A_62 = arith.constant 0 : index
    %swap3A_63 = arith.constant 0 : index
    %swap3A_64 = arith.constant 0 : index
    %swap3A_65 = vector.load %arg11[%swap3A_62, %swap3A_63, %swap3A_64] : memref<8x1000x32xf32, #tpu.memory_space<vmem>>, vector<1x1000x32xf32>
    %swap3A_66 = vector.shape_cast %swap3A_65 : vector<1x1000x32xf32> to vector<1000x32xf32>
    %swap3A_67 = vector.shape_cast %slice3A_61 : vector<1000x32xf32> to vector<1x1000x32xf32>
    tpu.vector_store %arg11[%swap3A_62, %swap3A_63, %swap3A_64], %swap3A_67 {strides = array<i32>} : memref<8x1000x32xf32, #tpu.memory_space<vmem>>, vector<1x1000x32xf32>,
    %slice3A_68 = vector.extract_strided_slice %dot_general3A_60 {offsets = [0, 32], sizes = [1000, 32], strides = [1, 1]} : vector<1000x256xf32> to vector<1000x32xf32>
    %swap3A_69 = arith.constant 1 : index
    %swap3A_70 = arith.constant 0 : index
    %swap3A_71 = arith.constant 0 : index
    %swap3A_72 = vector.load %arg11[%swap3A_69, %swap3A_70, %swap3A_71] : memref<8x1000x32xf32, #tpu.memory_space<vmem>>, vector<1x1000x32xf32>
    %swap3A_73 = vector.shape_cast %swap3A_72 : vector<1x1000x32xf32> to vector<1000x32xf32>
    %swap3A_74 = vector.shape_cast %slice3A_68 : vector<1000x32xf32> to vector<1x1000x32xf32>
    tpu.vector_store %arg11[%swap3A_69, %swap3A_70, %swap3A_71], %swap3A_74 {strides = array<i32>} : memref<8x1000x32xf32, #tpu.memory_space<vmem>>, vector<1x1000x32xf32>,
    %slice3A_75 = vector.extract_strided_slice %dot_general3A_60 {offsets = [0, 64], sizes = [1000, 32], strides = [1, 1]} : vector<1000x256xf32> to vector<1000x32xf32>
    %swap3A_76 = arith.constant 2 : index
    %swap3A_77 = arith.constant 0 : index
    %swap3A_78 = arith.constant 0 : index
    %swap3A_79 = vector.load %arg11[%swap3A_76, %swap3A_77, %swap3A_78] : memref<8x1000x32xf32, #tpu.memory_space<vmem>>, vector<1x1000x32xf32>
    %swap3A_80 = vector.shape_cast %swap3A_79 : vector<1x1000x32xf32> to vector<1000x32xf32>
    %swap3A_81 = vector.shape_cast %slice3A_75 : vector<1000x32xf32> to vector<1x1000x32xf32>
    tpu.vector_store %arg11[%swap3A_76, %swap3A_77, %swap3A_78], %swap3A_81 {strides = array<i32>} : memref<8x1000x32xf32, #tpu.memory_space<vmem>>, vector<1x1000x32xf32>,
    %slice3A_82 = vector.extract_strided_slice %dot_general3A_60 {offsets = [0, 96], sizes = [1000, 32], strides = [1, 1]} : vector<1000x256xf32> to vector<1000x32xf32>
    %swap3A_83 = arith.constant 3 : index
    %swap3A_84 = arith.constant 0 : index
    %swap3A_85 = arith.constant 0 : index
    %swap3A_86 = vector.load %arg11[%swap3A_83, %swap3A_84, %swap3A_85] : memref<8x1000x32xf32, #tpu.memory_space<vmem>>, vector<1x1000x32xf32>
    %swap3A_87 = vector.shape_cast %swap3A_86 : vector<1x1000x32xf32> to vector<1000x32xf32>
    %swap3A_88 = vector.shape_cast %slice3A_82 : vector<1000x32xf32> to vector<1x1000x32xf32>
    tpu.vector_store %arg11[%swap3A_83, %swap3A_84, %swap3A_85], %swap3A_88 {strides = array<i32>} : memref<8x1000x32xf32, #tpu.memory_space<vmem>>, vector<1x1000x32xf32>,
    %slice3A_89 = vector.extract_strided_slice %dot_general3A_60 {offsets = [0, 128], sizes = [1000, 32], strides = [1, 1]} : vector<1000x256xf32> to vector<1000x32xf32>
    %swap3A_90 = arith.constant 4 : index
    %swap3A_91 = arith.constant 0 : index
    %swap3A_92 = arith.constant 0 : index
    %swap3A_93 = vector.load %arg11[%swap3A_90, %swap3A_91, %swap3A_92] : memref<8x1000x32xf32, #tpu.memory_space<vmem>>, vector<1x1000x32xf32>
    %swap3A_94 = vector.shape_cast %swap3A_93 : vector<1x1000x32xf32> to vector<1000x32xf32>
    %swap3A_95 = vector.shape_cast %slice3A_89 : vector<1000x32xf32> to vector<1x1000x32xf32>
    tpu.vector_store %arg11[%swap3A_90, %swap3A_91, %swap3A_92], %swap3A_95 {strides = array<i32>} : memref<8x1000x32xf32, #tpu.memory_space<vmem>>, vector<1x1000x32xf32>,
    %slice3A_96 = vector.extract_strided_slice %dot_general3A_60 {offsets = [0, 160], sizes = [1000, 32], strides = [1, 1]} : vector<1000x256xf32> to vector<1000x32xf32>
    %swap3A_97 = arith.constant 5 : index
    %swap3A_98 = arith.constant 0 : index
    %swap3A_99 = arith.constant 0 : index
    %swap3A_100 = vector.load %arg11[%swap3A_97, %swap3A_98, %swap3A_99] : memref<8x1000x32xf32, #tpu.memory_space<vmem>>, vector<1x1000x32xf32>
    %swap3A_101 = vector.shape_cast %swap3A_100 : vector<1x1000x32xf32> to vector<1000x32xf32>
    %swap3A_102 = vector.shape_cast %slice3A_96 : vector<1000x32xf32> to vector<1x1000x32xf32>
    tpu.vector_store %arg11[%swap3A_97, %swap3A_98, %swap3A_99], %swap3A_102 {strides = array<i32>} : memref<8x1000x32xf32, #tpu.memory_space<vmem>>, vector<1x1000x32xf32>,
    %slice3A_103 = vector.extract_strided_slice %dot_general3A_60 {offsets = [0, 192], sizes = [1000, 32], strides = [1, 1]} : vector<1000x256xf32> to vector<1000x32xf32>
    %swap3A_104 = arith.constant 6 : index
    %swap3A_105 = arith.constant 0 : index
    %swap3A_106 = arith.constant 0 : index
    %swap3A_107 = vector.load %arg11[%swap3A_104, %swap3A_105, %swap3A_106] : memref<8x1000x32xf32, #tpu.memory_space<vmem>>, vector<1x1000x32xf32>
    %swap3A_108 = vector.shape_cast %swap3A_107 : vector<1x1000x32xf32> to vector<1000x32xf32>
    %swap3A_109 = vector.shape_cast %slice3A_103 : vector<1000x32xf32> to vector<1x1000x32xf32>
    tpu.vector_store %arg11[%swap3A_104, %swap3A_105, %swap3A_106], %swap3A_109 {strides = array<i32>} : memref<8x1000x32xf32, #tpu.memory_space<vmem>>, vector<1x1000x32xf32>,
    %slice3A_110 = vector.extract_strided_slice %dot_general3A_60 {offsets = [0, 224], sizes = [1000, 32], strides = [1, 1]} : vector<1000x256xf32> to vector<1000x32xf32>
    %swap3A_111 = arith.constant 7 : index
    %swap3A_112 = arith.constant 0 : index
    %swap3A_113 = arith.constant 0 : index
    %swap3A_114 = vector.load %arg11[%swap3A_111, %swap3A_112, %swap3A_113] : memref<8x1000x32xf32, #tpu.memory_space<vmem>>, vector<1x1000x32xf32>
    %swap3A_115 = vector.shape_cast %swap3A_114 : vector<1x1000x32xf32> to vector<1000x32xf32>
    %swap3A_116 = vector.shape_cast %slice3A_110 : vector<1000x32xf32> to vector<1x1000x32xf32>
    tpu.vector_store %arg11[%swap3A_111, %swap3A_112, %swap3A_113], %swap3A_116 {strides = array<i32>} : memref<8x1000x32xf32, #tpu.memory_space<vmem>>, vector<1x1000x32xf32>,
    %get3A_117 = arith.constant 0 : index
    %get3A_118 = arith.constant 0 : index
    %get3A_119 = vector.load %arg6[%get3A_117, %get3A_118] : memref<256x1xf32, #tpu.memory_space<vmem>>, vector<256x1xf32>
    %dot_general3A_120 = arith.constant dense<0.000000e+00> : vector<1000x1xf32>
    %dot_general3A_121 = tpu.matmul %dot_general3A_60, %get3A_119, %dot_general3A_120 {dimension_numbers = #tpu.dot_dimension_numbers<[1], [0], [0], [1], [0, 0, 1, 1], [], []>, transpose_lhs_hint = false} : vector<1000x256xf32>, vector<256x1xf32>, vector<1000x1xf32> -> vector<1000x1xf32>
    %swap3A_122 = arith.constant 0 : index
    %swap3A_123 = arith.constant 0 : index
    %swap3A_124 = vector.load %arg12[%swap3A_122, %swap3A_123] : memref<1000x1xf32, #tpu.memory_space<vmem>>, vector<1000x1xf32>
    tpu.vector_store %arg12[%swap3A_122, %swap3A_123], %dot_general3A_121 {strides = array<i32>} : memref<1000x1xf32, #tpu.memory_space<vmem>>, vector<1000x1xf32>,
    %get3A_125 = arith.constant 0 : index
    %get3A_126 = arith.constant 0 : index
    %get3A_127 = vector.load %arg7[%get3A_125, %get3A_126] : memref<256x1xf32, #tpu.memory_space<vmem>>, vector<256x1xf32>
    %dot_general3A_128 = arith.constant dense<0.000000e+00> : vector<1000x1xf32>
    %dot_general3A_129 = tpu.matmul %dot_general3A_60, %get3A_127, %dot_general3A_128 {dimension_numbers = #tpu.dot_dimension_numbers<[1], [0], [0], [1], [0, 0, 1, 1], [], []>, transpose_lhs_hint = false} : vector<1000x256xf32>, vector<256x1xf32>, vector<1000x1xf32> -> vector<1000x1xf32>
    %swap3A_130 = arith.constant 0 : index
    %swap3A_131 = arith.constant 0 : index
    %swap3A_132 = vector.load %arg13[%swap3A_130, %swap3A_131] : memref<1000x1xf32, #tpu.memory_space<vmem>>, vector<1000x1xf32>
    tpu.vector_store %arg13[%swap3A_130, %swap3A_131], %dot_general3A_129 {strides = array<i32>} : memref<1000x1xf32, #tpu.memory_space<vmem>>, vector<1000x1xf32>,
    return
  }
  func.func @transform_0(%arg0: i32) -> (i32, i32) {
    %c0_i32 = arith.constant 0 : i32
    %c0_i32_0 = arith.constant 0 : i32
    return %arg0, %c0_i32 : i32, i32
  }
  func.func @transform_1(%arg0: i32) -> (i32, i32) {
    %c0_i32 = arith.constant 0 : i32
    %c0_i32_0 = arith.constant 0 : i32
    %c0_i32_1 = arith.constant 0 : i32
    return %c0_i32, %c0_i32_0 : i32, i32
  }
  func.func @transform_2(%arg0: i32) -> (i32, i32) {
    %c0_i32 = arith.constant 0 : i32
    %c0_i32_0 = arith.constant 0 : i32
    %c0_i32_1 = arith.constant 0 : i32
    return %c0_i32, %c0_i32_0 : i32, i32
  }
  func.func @transform_3(%arg0: i32) -> (i32, i32) {
    %c0_i32 = arith.constant 0 : i32
    %c0_i32_0 = arith.constant 0 : i32
    %c0_i32_1 = arith.constant 0 : i32
    return %c0_i32, %c0_i32_0 : i32, i32
  }
  func.func @transform_4(%arg0: i32) -> (i32, i32) {
    %c0_i32 = arith.constant 0 : i32
    %c0_i32_0 = arith.constant 0 : i32
    %c0_i32_1 = arith.constant 0 : i32
    return %c0_i32, %c0_i32_0 : i32, i32
  }
  func.func @transform_5(%arg0: i32) -> (i32, i32) {
    %c0_i32 = arith.constant 0 : i32
    %c0_i32_0 = arith.constant 0 : i32
    %c0_i32_1 = arith.constant 0 : i32
    return %c0_i32, %c0_i32_0 : i32, i32
  }
  func.func @transform_6(%arg0: i32) -> (i32, i32) {
    %c0_i32 = arith.constant 0 : i32
    %c0_i32_0 = arith.constant 0 : i32
    %c0_i32_1 = arith.constant 0 : i32
    return %c0_i32, %c0_i32_0 : i32, i32
  }
  func.func @transform_7(%arg0: i32) -> (i32, i32) {
    %c0_i32 = arith.constant 0 : i32
    %c0_i32_0 = arith.constant 0 : i32
    return %c0_i32, %arg0 : i32, i32
  }
  func.func @transform_8(%arg0: i32) -> (i32, i32) {
    %c0_i32 = arith.constant 0 : i32
    %c0_i32_0 = arith.constant 0 : i32
    %c0_i32_1 = arith.constant 0 : i32
    return %c0_i32, %c0_i32_0 : i32, i32
  }
  func.func @transform_9(%arg0: i32) -> (i32, i32) {
    %c0_i32 = arith.constant 0 : i32
    %c0_i32_0 = arith.constant 0 : i32
    %c0_i32_1 = arith.constant 0 : i32
    return %c0_i32, %c0_i32_0 : i32, i32
  }
  func.func @transform_10(%arg0: i32) -> (i32, i32, i32) {
    %c0_i32 = arith.constant 0 : i32
    %c0_i32_0 = arith.constant 0 : i32
    %c0_i32_1 = arith.constant 0 : i32
    return %c0_i32, %arg0, %c0_i32_0 : i32, i32, i32
  }
  func.func @transform_11(%arg0: i32) -> (i32, i32) {
    %c0_i32 = arith.constant 0 : i32
    %c0_i32_0 = arith.constant 0 : i32
    return %arg0, %c0_i32 : i32, i32
  }
  func.func @transform_12(%arg0: i32) -> (i32, i32) {
    %c0_i32 = arith.constant 0 : i32
    %c0_i32_0 = arith.constant 0 : i32
    return %arg0, %c0_i32 : i32, i32
  }
  func.func @transform_13(%arg0: i32) -> (i32, i32) {
    %c0_i32 = arith.constant 0 : i32
    %c0_i32_0 = arith.constant 0 : i32
    return %c0_i32, %arg0 : i32, i32
  }
}

module attributes {stable_mosaic.version = 14 : i64} {
  func.func @_tc3_body(%arg0: i32, %arg1: memref<8x1000x32xf32, #tpu.memory_space<vmem>>, %arg2: memref<2x1000x16xf32, #tpu.memory_space<vmem>>, %arg3: memref<16x256xf32, #tpu.memory_space<vmem>>, %arg4: memref<512x256xf32, #tpu.memory_space<vmem>>, %arg5: memref<1x256xf32, #tpu.memory_space<vmem>>, %arg6: memref<1x256xf32, #tpu.memory_space<vmem>>, %arg7: memref<1x256xf32, #tpu.memory_space<vmem>>, %arg8: memref<1x256xf32, #tpu.memory_space<vmem>>) attributes {dimension_semantics = [#tpu.dimension_semantics<arbitrary>], iteration_bounds = array<i64: 10>, scalar_prefetch = 0 : i64, scratch_operands = 2 : i64, tpu.core_type = #tpu.core_type<tc>, window_params = [{transform_indices = @transform_0, window_bounds = array<i64: 8, 1000, 32>}, {transform_indices = @transform_1, window_bounds = array<i64: 2, 1000, 16>}, {pipeline_mode = #tpu.pipeline_mode<synchronous>, transform_indices = @transform_2, window_bounds = array<i64: 16, 256>}, {pipeline_mode = #tpu.pipeline_mode<synchronous>, transform_indices = @transform_3, window_bounds = array<i64: 512, 256>}, {pipeline_mode = #tpu.pipeline_mode<synchronous>, transform_indices = @transform_4, window_bounds = array<i64: 1, 256>}, {pipeline_mode = #tpu.pipeline_mode<synchronous>, transform_indices = @transform_5, window_bounds = array<i64: 1, 256>}]} {
    %get3A = arith.constant 0 : index
    %get3A_0 = arith.constant 0 : index
    %get3A_1 = arith.constant 0 : index
    %get3A_2 = vector.load %arg2[%get3A, %get3A_0, %get3A_1] : memref<2x1000x16xf32, #tpu.memory_space<vmem>>, vector<1x1000x16xf32>
    %get3A_3 = vector.shape_cast %get3A_2 : vector<1x1000x16xf32> to vector<1000x16xf32>
    %get3A_4 = arith.constant 1 : index
    %get3A_5 = arith.constant 0 : index
    %get3A_6 = arith.constant 0 : index
    %get3A_7 = vector.load %arg2[%get3A_4, %get3A_5, %get3A_6] : memref<2x1000x16xf32, #tpu.memory_space<vmem>>, vector<1x1000x16xf32>
    %get3A_8 = vector.shape_cast %get3A_7 : vector<1x1000x16xf32> to vector<1000x16xf32>
    %slice3A = vector.extract_strided_slice %get3A_8 {offsets = [0, 0], sizes = [1000, 1], strides = [1, 1]} : vector<1000x16xf32> to vector<1000x1xf32>
    %get3A_9 = arith.constant 0 : index
    %get3A_10 = arith.constant 0 : index
    %get3A_11 = arith.constant 0 : index
    %get3A_12 = vector.load %arg1[%get3A_9, %get3A_10, %get3A_11] : memref<8x1000x32xf32, #tpu.memory_space<vmem>>, vector<1x1000x32xf32>
    %get3A_13 = vector.shape_cast %get3A_12 : vector<1x1000x32xf32> to vector<1000x32xf32>
    %get3A_14 = arith.constant 1 : index
    %get3A_15 = arith.constant 0 : index
    %get3A_16 = arith.constant 0 : index
    %get3A_17 = vector.load %arg1[%get3A_14, %get3A_15, %get3A_16] : memref<8x1000x32xf32, #tpu.memory_space<vmem>>, vector<1x1000x32xf32>
    %get3A_18 = vector.shape_cast %get3A_17 : vector<1x1000x32xf32> to vector<1000x32xf32>
    %get3A_19 = arith.constant 2 : index
    %get3A_20 = arith.constant 0 : index
    %get3A_21 = arith.constant 0 : index
    %get3A_22 = vector.load %arg1[%get3A_19, %get3A_20, %get3A_21] : memref<8x1000x32xf32, #tpu.memory_space<vmem>>, vector<1x1000x32xf32>
    %get3A_23 = vector.shape_cast %get3A_22 : vector<1x1000x32xf32> to vector<1000x32xf32>
    %get3A_24 = arith.constant 3 : index
    %get3A_25 = arith.constant 0 : index
    %get3A_26 = arith.constant 0 : index
    %get3A_27 = vector.load %arg1[%get3A_24, %get3A_25, %get3A_26] : memref<8x1000x32xf32, #tpu.memory_space<vmem>>, vector<1x1000x32xf32>
    %get3A_28 = vector.shape_cast %get3A_27 : vector<1x1000x32xf32> to vector<1000x32xf32>
    %get3A_29 = arith.constant 4 : index
    %get3A_30 = arith.constant 0 : index
    %get3A_31 = arith.constant 0 : index
    %get3A_32 = vector.load %arg1[%get3A_29, %get3A_30, %get3A_31] : memref<8x1000x32xf32, #tpu.memory_space<vmem>>, vector<1x1000x32xf32>
    %get3A_33 = vector.shape_cast %get3A_32 : vector<1x1000x32xf32> to vector<1000x32xf32>
    %get3A_34 = arith.constant 5 : index
    %get3A_35 = arith.constant 0 : index
    %get3A_36 = arith.constant 0 : index
    %get3A_37 = vector.load %arg1[%get3A_34, %get3A_35, %get3A_36] : memref<8x1000x32xf32, #tpu.memory_space<vmem>>, vector<1x1000x32xf32>
    %get3A_38 = vector.shape_cast %get3A_37 : vector<1x1000x32xf32> to vector<1000x32xf32>
    %get3A_39 = arith.constant 6 : index
    %get3A_40 = arith.constant 0 : index
    %get3A_41 = arith.constant 0 : index
    %get3A_42 = vector.load %arg1[%get3A_39, %get3A_40, %get3A_41] : memref<8x1000x32xf32, #tpu.memory_space<vmem>>, vector<1x1000x32xf32>
    %get3A_43 = vector.shape_cast %get3A_42 : vector<1x1000x32xf32> to vector<1000x32xf32>
    %get3A_44 = arith.constant 7 : index
    %get3A_45 = arith.constant 0 : index
    %get3A_46 = arith.constant 0 : index
    %get3A_47 = vector.load %arg1[%get3A_44, %get3A_45, %get3A_46] : memref<8x1000x32xf32, #tpu.memory_space<vmem>>, vector<1x1000x32xf32>
    %get3A_48 = vector.shape_cast %get3A_47 : vector<1x1000x32xf32> to vector<1000x32xf32>
    %concatenate3A = tpu.concatenate %get3A_13, %get3A_18, %get3A_23, %get3A_28, %get3A_33, %get3A_38, %get3A_43, %get3A_48 in 1 : vector<1000x32xf32>, vector<1000x32xf32>, vector<1000x32xf32>, vector<1000x32xf32>, vector<1000x32xf32>, vector<1000x32xf32>, vector<1000x32xf32>, vector<1000x32xf32> -> vector<1000x256xf32>
    %get3A_49 = arith.constant 0 : index
    %get3A_50 = arith.constant 0 : index
    %get3A_51 = vector.load %arg3[%get3A_49, %get3A_50] : memref<16x256xf32, #tpu.memory_space<vmem>>, vector<16x256xf32>
    %dot_general3A = arith.constant dense<0.000000e+00> : vector<1000x256xf32>
    %dot_general3A_52 = tpu.matmul %get3A_3, %get3A_51, %dot_general3A {dimension_numbers = #tpu.dot_dimension_numbers<[1], [0], [0], [1], [0, 0, 1, 1], [], []>, transpose_lhs_hint = false} : vector<1000x16xf32>, vector<16x256xf32>, vector<1000x256xf32> -> vector<1000x256xf32>
    %add3A = arith.addf %concatenate3A, %dot_general3A_52 : vector<1000x256xf32>
    %add3A_53 = arith.constant 9.99999971E-10 : f32
    %add3A_54 = vector.broadcast %add3A_53 : f32 to vector<1000x1xf32>
    %add3A_55 = arith.addf %slice3A, %add3A_54 : vector<1000x1xf32>
    %div3A = vector.broadcast %add3A_55 : vector<1000x1xf32> to vector<1000x256xf32>
    %div3A_56 = arith.divf %add3A, %div3A : vector<1000x256xf32>
    %gt3A = arith.constant 0.000000e+00 : f32
    %gt3A_57 = vector.broadcast %gt3A : f32 to vector<1000x256xf32>
    %gt3A_58 = arith.cmpf ogt, %div3A_56, %gt3A_57 : vector<1000x256xf32>
    %exp3A = math.exp %div3A_56 : vector<1000x256xf32>
    %sub3A = arith.constant 1.000000e+00 : f32
    %sub3A_59 = vector.broadcast %sub3A : f32 to vector<1000x256xf32>
    %sub3A_60 = arith.subf %exp3A, %sub3A_59 : vector<1000x256xf32>
    %select_n3A = arith.select %gt3A_58, %div3A_56, %sub3A_60 : vector<1000x256xi1>, vector<1000x256xf32>
    %eq3A = arith.constant 0 : i32
    %eq3A_61 = arith.cmpi eq, %arg0, %eq3A : i32
    %convert_element_type3A = arith.extui %eq3A_61 : i1 to i32
    %cond3A = arith.constant 0 : i32
    %cond3A_62 = arith.cmpi ne, %convert_element_type3A, %cond3A : i32
    scf.if %cond3A_62 {
      %broadcast_in_dim3A_83 = arith.constant 0.000000e+00 : f32
      %broadcast_in_dim3A_84 = vector.broadcast %broadcast_in_dim3A_83 : f32 to vector<1x256xf32>
      %swap3A_85 = arith.constant 0 : index
      %swap3A_86 = arith.constant 0 : index
      %swap3A_87 = vector.load %arg7[%swap3A_85, %swap3A_86] : memref<1x256xf32, #tpu.memory_space<vmem>>, vector<1x256xf32>
      tpu.vector_store %arg7[%swap3A_85, %swap3A_86], %broadcast_in_dim3A_84 {strides = array<i32>} : memref<1x256xf32, #tpu.memory_space<vmem>>, vector<1x256xf32>,
      %broadcast_in_dim3A_88 = arith.constant 0xFF800000 : f32
      %broadcast_in_dim3A_89 = vector.broadcast %broadcast_in_dim3A_88 : f32 to vector<1x256xf32>
      %swap3A_90 = arith.constant 0 : index
      %swap3A_91 = arith.constant 0 : index
      %swap3A_92 = vector.load %arg8[%swap3A_90, %swap3A_91] : memref<1x256xf32, #tpu.memory_space<vmem>>, vector<1x256xf32>
      tpu.vector_store %arg8[%swap3A_90, %swap3A_91], %broadcast_in_dim3A_89 {strides = array<i32>} : memref<1x256xf32, #tpu.memory_space<vmem>>, vector<1x256xf32>,
    } else {
    }
    %get3A_63 = arith.constant 0 : index
    %get3A_64 = arith.constant 0 : index
    %get3A_65 = vector.load %arg7[%get3A_63, %get3A_64] : memref<1x256xf32, #tpu.memory_space<vmem>>, vector<1x256xf32>
    %reduce_sum3A = arith.constant dense<0.000000e+00> : vector<256xf32>
    %reduce_sum3A_66 = vector.multi_reduction <add>, %select_n3A, %reduce_sum3A [0] : vector<1000x256xf32> to vector<256xf32>
    %broadcast_in_dim3A = vector.shape_cast %reduce_sum3A_66 : vector<256xf32> to vector<1x256xf32>
    %add3A_67 = arith.addf %get3A_65, %broadcast_in_dim3A : vector<1x256xf32>
    %swap3A = arith.constant 0 : index
    %swap3A_68 = arith.constant 0 : index
    %swap3A_69 = vector.load %arg7[%swap3A, %swap3A_68] : memref<1x256xf32, #tpu.memory_space<vmem>>, vector<1x256xf32>
    tpu.vector_store %arg7[%swap3A, %swap3A_68], %add3A_67 {strides = array<i32>} : memref<1x256xf32, #tpu.memory_space<vmem>>, vector<1x256xf32>,
    %get3A_70 = arith.constant 0 : index
    %get3A_71 = arith.constant 0 : index
    %get3A_72 = vector.load %arg8[%get3A_70, %get3A_71] : memref<1x256xf32, #tpu.memory_space<vmem>>, vector<1x256xf32>
    %reduce_max3A = arith.constant dense<0xFF800000> : vector<256xf32>
    %reduce_max3A_73 = vector.multi_reduction <maximumf>, %select_n3A, %reduce_max3A [0] : vector<1000x256xf32> to vector<256xf32>
    %broadcast_in_dim3A_74 = vector.shape_cast %reduce_max3A_73 : vector<256xf32> to vector<1x256xf32>
    %max3A = arith.maximumf %get3A_72, %broadcast_in_dim3A_74 : vector<1x256xf32>
    %swap3A_75 = arith.constant 0 : index
    %swap3A_76 = arith.constant 0 : index
    %swap3A_77 = vector.load %arg8[%swap3A_75, %swap3A_76] : memref<1x256xf32, #tpu.memory_space<vmem>>, vector<1x256xf32>
    tpu.vector_store %arg8[%swap3A_75, %swap3A_76], %max3A {strides = array<i32>} : memref<1x256xf32, #tpu.memory_space<vmem>>, vector<1x256xf32>,
    %eq3A_78 = arith.constant 9 : i32
    %eq3A_79 = arith.cmpi eq, %arg0, %eq3A_78 : i32
    %convert_element_type3A_80 = arith.extui %eq3A_79 : i1 to i32
    %cond3A_81 = arith.constant 0 : i32
    %cond3A_82 = arith.cmpi ne, %convert_element_type3A_80, %cond3A_81 : i32
    scf.if %cond3A_82 {
      %get3A_83 = arith.constant 0 : index
      %get3A_84 = arith.constant 0 : index
      %get3A_85 = vector.load %arg7[%get3A_83, %get3A_84] : memref<1x256xf32, #tpu.memory_space<vmem>>, vector<1x256xf32>
      %div3A_86 = arith.constant 1.000000e+04 : f32
      %div3A_87 = vector.broadcast %div3A_86 : f32 to vector<1x256xf32>
      %div3A_88 = arith.divf %get3A_85, %div3A_87 : vector<1x256xf32>
      %get3A_89 = arith.constant 0 : index
      %get3A_90 = arith.constant 0 : index
      %get3A_91 = vector.load %arg8[%get3A_89, %get3A_90] : memref<1x256xf32, #tpu.memory_space<vmem>>, vector<1x256xf32>
      %concatenate3A_92 = tpu.concatenate %div3A_88, %get3A_91 in 1 : vector<1x256xf32>, vector<1x256xf32> -> vector<1x512xf32>
      %get3A_93 = arith.constant 0 : index
      %get3A_94 = arith.constant 0 : index
      %get3A_95 = vector.load %arg4[%get3A_93, %get3A_94] : memref<512x256xf32, #tpu.memory_space<vmem>>, vector<512x256xf32>
      %dot_general3A_96 = arith.constant dense<0.000000e+00> : vector<1x256xf32>
      %dot_general3A_97 = tpu.matmul %concatenate3A_92, %get3A_95, %dot_general3A_96 {dimension_numbers = #tpu.dot_dimension_numbers<[1], [0], [0], [1], [0, 0, 1, 1], [], []>, transpose_lhs_hint = false} : vector<1x512xf32>, vector<512x256xf32>, vector<1x256xf32> -> vector<1x256xf32>
      %get3A_98 = arith.constant 0 : index
      %get3A_99 = arith.constant 0 : index
      %get3A_100 = vector.load %arg5[%get3A_98, %get3A_99] : memref<1x256xf32, #tpu.memory_space<vmem>>, vector<1x256xf32>
      %add3A_101 = arith.addf %dot_general3A_97, %get3A_100 : vector<1x256xf32>
      %swap3A_102 = arith.constant 0 : index
      %swap3A_103 = arith.constant 0 : index
      %swap3A_104 = vector.load %arg6[%swap3A_102, %swap3A_103] : memref<1x256xf32, #tpu.memory_space<vmem>>, vector<1x256xf32>
      tpu.vector_store %arg6[%swap3A_102, %swap3A_103], %add3A_101 {strides = array<i32>} : memref<1x256xf32, #tpu.memory_space<vmem>>, vector<1x256xf32>,
    } else {
    }
    return
  }
  func.func @transform_0(%arg0: i32) -> (i32, i32, i32) {
    %c0_i32 = arith.constant 0 : i32
    %c0_i32_0 = arith.constant 0 : i32
    %c0_i32_1 = arith.constant 0 : i32
    return %c0_i32, %arg0, %c0_i32_0 : i32, i32, i32
  }
  func.func @transform_1(%arg0: i32) -> (i32, i32, i32) {
    %c0_i32 = arith.constant 0 : i32
    %c0_i32_0 = arith.constant 0 : i32
    %c0_i32_1 = arith.constant 0 : i32
    return %c0_i32, %arg0, %c0_i32_0 : i32, i32, i32
  }
  func.func @transform_2(%arg0: i32) -> (i32, i32) {
    %c0_i32 = arith.constant 0 : i32
    %c0_i32_0 = arith.constant 0 : i32
    %c0_i32_1 = arith.constant 0 : i32
    return %c0_i32, %c0_i32_0 : i32, i32
  }
  func.func @transform_3(%arg0: i32) -> (i32, i32) {
    %c0_i32 = arith.constant 0 : i32
    %c0_i32_0 = arith.constant 0 : i32
    %c0_i32_1 = arith.constant 0 : i32
    return %c0_i32, %c0_i32_0 : i32, i32
  }
  func.func @transform_4(%arg0: i32) -> (i32, i32) {
    %c0_i32 = arith.constant 0 : i32
    %c0_i32_0 = arith.constant 0 : i32
    %c0_i32_1 = arith.constant 0 : i32
    return %c0_i32, %c0_i32_0 : i32, i32
  }
  func.func @transform_5(%arg0: i32) -> (i32, i32) {
    %c0_i32 = arith.constant 0 : i32
    %c0_i32_0 = arith.constant 0 : i32
    %c0_i32_1 = arith.constant 0 : i32
    return %c0_i32, %c0_i32_0 : i32, i32
  }
}

</mosaic_0001>

<sc_bundles>
// kernel: kernel.5.cloned.1.call-start
scs
__scs_entry_jumppad:
0x0: {  	(pc) =	sbr.rel $0x88, $3  }
0x1: {  	(tag) =	ssettag $0x0;
	lr =	simm.s32 $0x1  }
0x2: {  	[smem:$0x3F94] =	sst lr;
	_ =	strace $0xD0000000  }
0x3: {  	_ = 	snop  }
0x4: {  	_ = 	snop  }
0x5: {  	_ = 	snop  }
0x6: {  	_ = 	snop  }
0x7: {  	_ = 	snop  }
__scs_overlays_trampoline_lowered:
0x8: {  	[smem:$0x3FA3] =	sst s0  }
0x9: {  	[smem:$0x3FA4] =	sst s1  }
0xa: {  	[smem:$0x3FA5] =	sst s2  }
0xb: {  	[smem:$0x3FA6] =	sst s3  }
0xc: {  	[smem:$0x3FA7] =	sst s4  }
0xd: {  	[smem:$0x3FA8] =	sst s5  }
0xe: {  	[smem:$0x3FA9] =	sst s6  }
0xf: {  	[smem:$0x3FAA] =	sst s7  }
0x10: {  	[smem:$0x3FAB] =	sst s8  }
0x11: {  	[smem:$0x3FAC] =	sst s9;
	s0 =	simm.s32 @!p0 $0x0  }
0x12: {  	s1 =	sld [smem:$0x3F92];
	s0 =	simm.s32 @p0 $0x1  }
0x13: {  	[smem:$0x3FAD] =	sst s0;
	s0 =	simm.s32 @!p1 $0x0  }
0x14: {  	s2 =	sld [smem:$0x3F91];
	s0 =	simm.s32 @p1 $0x1  }
0x15: {  	[smem:$0x3FAE] =	sst s0;
	s0 =	simm.s32 @!p2 $0x0  }
0x16: {  	s3 =	sld [smem:$0x3FDB];
	s0 =	simm.s32 @p2 $0x1  }
0x17: {  	s4 =	simm.s32 $0x1BF5;
	[smem:$0x3FB0] =	sst s0  }
0x18: {  	s0 =	sld [smem:$0x3F93];
	_ =	swait.ge [sflag:s4], $0x0  }
0x19: {  	s7 =	sld [smem:$0x3F94]  }
0x1a: {  	s8 =	sadd.s32 $0xFFFFE003, lr  }
0x1b: {  	s9 =	sadd.s32 $0xFFFFFEF7, lr;
	s5 =	simm.s32 $0xFFFFFFFF;
	p2 =	slt.u32 s8, $0xFFFFF086  }
0x1c: {  	p1 =	slt.u32 s9, $0xF7A;
	s5 =	simm.s32 @!p2 $0x0  }
0x1d: {  	s5 =	simm.s32 @p1 $0x1;
	p0 =	seq.s32 s7, s2  }
0x1e: {  	s7 =	smul.u32 @!p0 $0xF7A, s2;
	p2 =	seq.s32 @!p0 s5, $0x0  }
0x1f: {  	s9 =	smul.u32 $0xF7A, s1;
	s8 =	simm.s32 @!p0 $0x1BF5;
	p2 =	por !p2, p0  }
0x20: {  	[sflag:s8] =	ssyncset.s32 @!p0 $0xFFFFF086;
	s6 =	sadd.s32 @!p0 s3, s7;
	s7 =	simm.s32 @!p0 $0x108  }
0x21: {  	s3 =	sadd.s32 s3, s9;
	s6 =	sadd.s32 @!p0 $0x88, s6;
	s7 =	simm.s32 @p2 $0x1082  }
0x22: {  	[simem:s7], [sflag:s8] =	dma.local @!p0 [hbm:s6], $0xF7A  }
0x23: {  	s9 =	sor.u32 $0xD0000000, s2;
	s6 =	simm.s32 $0x108;
	_ =	swait.ge @!p0 [sflag:s8], $0x0  }
0x24: {  	s3 =	sadd.s32 $0x88, s3;
	s6 =	simm.s32 @!p1 $0x1082;
	[sflag:s4] =	ssyncset.s32 $0xFFFFF086  }
0x25: {  	[simem:s6], [sflag:s4] =	dma.local [hbm:s3], $0xF7A  }
0x26: {  	[smem:$0x3F94] =	sst s1;
	(tag) =	ssettag s2;
	_ =	strace s9  }
0x27: {  	s1 =	sld [smem:$0x3FA4]  }
0x28: {  	s2 =	sld [smem:$0x3FA5]  }
0x29: {  	s4 =	sld [smem:$0x3FA7]  }
0x2a: {  	p0 =	seq.s32 s5, $0x0;
	s5 =	sld [smem:$0x3FA8]  }
0x2b: {  	s6 =	sld [smem:$0x3FA9]  }
0x2c: {  	s7 =	sld [smem:$0x3FAA]  }
0x2d: {  	s3 =	simm.s32 $0x108;
	s8 =	sld [smem:$0x3FAB]  }
0x2e: {  	s3 =	simm.s32 @!p0 $0x1082;
	s9 =	sld [smem:$0x3FAC]  }
0x2f: {  	lr =	sadd.s32 s0, s3;
	s0 =	sld [smem:$0x3FA3]  }
0x30: {  	s3 =	sld [smem:$0x3FA6]  }
0x31: {  	[smem:$0x3FAF] =	sst s10  }
0x32: {  	s10 =	sld [smem:$0x3FAD];
	_ =	sdelay $0x3  }
0x33: {  	p0 =	seq.s32 s10, $0x1;
	s10 =	sld [smem:$0x3FAF];
	_ =	sdelay $0x3  }
0x34: {  	[smem:$0x3FAF] =	sst s10  }
0x35: {  	s10 =	sld [smem:$0x3FAE];
	_ =	sdelay $0x3  }
0x36: {  	p1 =	seq.s32 s10, $0x1;
	s10 =	sld [smem:$0x3FAF];
	_ =	sdelay $0x3  }
0x37: {  	[smem:$0x3FAF] =	sst s10  }
0x38: {  	s10 =	sld [smem:$0x3FB0]  }
0x39: {  	_ = 	snop;
	(pc) =	sbr.ind lr, $3  }
0x3a: {  	_ = 	snop  }
0x3b: {  	_ = 	snop  }
0x3c: {  	p2 =	seq.s32 s10, $0x1;
	s10 =	sld [smem:$0x3FAF]  }
0x3d: {  	_ =	shalt  }
0x3e: {  	_ =	shalt  }
0x3f: {  	_ =	shalt  }
0x40: {  	_ =	shalt  }
0x41: {  	_ =	shalt  }
0x42: {  	_ =	shalt  }
0x43: {  	_ =	shalt  }
0x44: {  	_ =	shalt  }
0x45: {  	_ =	shalt  }
0x46: {  	_ =	shalt  }
0x47: {  	_ =	shalt  }
0x48: {  	_ =	shalt  }
0x49: {  	_ =	shalt  }
0x4a: {  	_ =	shalt  }
0x4b: {  	_ =	shalt  }
0x4c: {  	_ =	shalt  }
0x4d: {  	_ =	shalt  }
0x4e: {  	_ =	shalt  }
0x4f: {  	_ =	shalt  }
0x50: {  	_ =	shalt  }
0x51: {  	_ =	shalt  }
0x52: {  	_ =	shalt  }
0x53: {  	_ =	shalt  }
0x54: {  	_ =	shalt  }
0x55: {  	_ =	shalt  }
0x56: {  	_ =	shalt  }
0x57: {  	_ =	shalt  }
0x58: {  	_ =	shalt  }
0x59: {  	_ =	shalt  }
0x5a: {  	_ =	shalt  }
0x5b: {  	_ =	shalt  }
0x5c: {  	_ =	shalt  }
0x5d: {  	_ =	shalt  }
0x5e: {  	_ =	shalt  }
0x5f: {  	_ =	shalt  }
0x60: {  	_ =	shalt  }
0x61: {  	_ =	shalt  }
0x62: {  	_ =	shalt  }
0x63: {  	_ =	shalt  }
0x64: {  	_ =	shalt  }
0x65: {  	_ =	shalt  }
0x66: {  	_ =	shalt  }
0x67: {  	_ =	shalt  }
0x68: {  	_ =	shalt  }
0x69: {  	_ =	shalt  }
0x6a: {  	_ =	shalt  }
0x6b: {  	_ =	shalt  }
0x6c: {  	_ =	shalt  }
0x6d: {  	_ =	shalt  }
0x6e: {  	_ =	shalt  }
0x6f: {  	_ =	shalt  }
0x70: {  	_ =	shalt  }
0x71: {  	_ =	shalt  }
0x72: {  	_ =	shalt  }
0x73: {  	_ =	shalt  }
0x74: {  	_ =	shalt  }
0x75: {  	_ =	shalt  }
0x76: {  	_ =	shalt  }
0x77: {  	_ =	shalt  }
0x78: {  	_ =	shalt  }
0x79: {  	_ =	shalt  }
0x7a: {  	_ =	shalt  }
0x7b: {  	_ =	shalt  }
0x7c: {  	_ =	shalt  }
0x7d: {  	_ =	shalt  }
0x7e: {  	_ =	shalt  }
0x7f: {  	_ =	shalt  }
0x80: {  	_ =	shalt  }
0x81: {  	_ =	shalt  }
0x82: {  	_ =	shalt  }
0x83: {  	_ =	shalt  }
0x84: {  	_ =	shalt  }
0x85: {  	_ =	shalt  }
0x86: {  	_ =	shalt  }
0x87: {  	_ =	shalt  }
.Lfunc_end0:
.L_simem_size_0:
called_computation_lowered:
.L_overlay_start_0:
0x88: {  	s2 =	sld [smem:$0x3FD9]  }
0x89: {  	s3 =	sld [smem:$0x3FFE];
	_ =	sdelay $0x1  }
0x8a: {  	s1 =	srdreg.scid  }
0x8b: {  	s0 =	sand.u32 $0x1, s1  }
0x8c: {  	s16 =	sshll.u32 s0, $0xA;
	s2 =	sadd.s32 s3, s2  }
0x8d: {  	s2 =	sadd.s32 s2, s16  }
0x8e: {  	[smem:$0x3FBB] =	sst s2  }
0x8f: {  	_ = 	snop  }
0x90: {  	(tm) =	ssettm $0x1  }
0x91: {  	s17 =	sld [smem:$0x3FFB];
	_ =	sdelay $0x3  }
0x92: {  	_ =	strace s17  }
0x93: {  	s2 =	sld [smem:$0x3FFC];
	_ =	sdelay $0x3  }
0x94: {  	_ =	strace s2  }
0x95: {  	s2 =	sld [smem:$0x3FFD];
	_ =	sdelay $0x3  }
0x96: {  	_ =	strace s2  }
0x97: {  	_ =	strace $0x8FFFFFFF  }
0x98: {  	s18 =	sld [smem:$0x3FDB];
	_ =	sdelay $0x1  }
0x99: {  	s19 =	simm.s32 $_scs_section_size  }
0x9a: {  	s4 =	simm.s32 $_size__tile_overlayer_lowered;
	s5 =	simm.s32 $_tile_overlayer_lowered  }
0x9b: {  	s22 =	simm.s32 $0x1BFF;
	s21 =	sshll.u32 s5, $0x1;
	s2 =	sadd.s32 s19, s18  }
0x9c: {  	s6 =	simm.s32 $0x0;
	s20 =	sshll.u32 s4, $0x1;
	s4 =	sadd.s32 s21, s2  }
0x9d: {  	[timem:s6], [sflag:s22] =	dma.local [hbm:s4], s20  }
0x9e: {  	_ =	swait.ge [sflag:s22], s20  }
0x9f: {  	s3 =	ssub.s32 $0x0, s20;
	[sflag:s22] =	ssyncset.done $0x0  }
0xa0: {  	[sflag:s22] =	ssyncadd.s32 s3;
	_ =	sdelay $0x1  }
0xa1: {  	s23 =	simm.s32 $0x1B8B  }
0xa2: {  	_ =	swait.ge [sflag:s23], $0x1  }
0xa3: {  	[sflag:s23] =	ssyncset.done $0x0  }
0xa4: {  	s25 =	simm.s32 $0x1B8E;
	s24 =	sld [smem:$0x3FFE];
	[sflag:s23] =	ssyncadd.s32 $0xFFFFFFFF  }
0xa5: {  	s26 =	simm.s32 $execute0_lowered;
	[smem:$0x3FD2] =	sst s25  }
0xa6: {  	s4 =	sshll.u32 s26, $0x1;
	_ =	strace $0x80000046;
	[dreg:$0x1] =	wrdreg $0xFFFFFFFF  }
0xa7: {  	s28 =	simm.s32 $_size_execute0_lowered;
	s2 =	sadd.s32 s2, s4;
	[dreg:$0x0] =	wrdreg $0x0  }
0xa8: {  	s4 =	sshll.u32 s28, $0x1;
	[dreg:$0x2] =	wrdreg s2  }
0xa9: {  	[dreg:$0x3] =	wrdreg s4  }
0xaa: {  	[dreg:$0x4] =	wrdreg $0xC0  }
0xab: {  	_ =	task [dreg:s6], $0x5FFFF  }
0xac: {  	[dreg:$0x1] =	wrdreg $0xFFFFFFFF  }
0xad: {  	[dreg:$0x0] =	wrdreg $0x60  }
0xae: {  	[dreg:$0x2] =	wrdreg s24  }
0xaf: {  	[dreg:$0x3] =	wrdreg $0x180600  }
0xb0: {  	[dreg:$0x4] =	wrdreg $0x1CE800  }
0xb1: {  	[dreg:$0x5] =	wrdreg $0x9  }
0xb2: {  	_ =	task.clear_ibuf [dreg:s6], $0x6FFFF;
	_ =	strace $0x90000046  }
0xb3: {  	s29 =	simm.s32 $0x9;
	_ =	strace $0x80000048  }
0xb4: {  	_ =	swait.ge [sflag:s29], $0x1  }
0xb5: {  	[sflag:s29] =	ssyncadd.s32 $0xFFFFFFFF  }
0xb6: {  	_ =	strace $0x90000048  }
0xb7: {  	_ =	sfence  }
0xb8: {  	s30 =	sld [smem:$0x0];
	_ =	sdelay $0x2  }
0xb9: {  	s31 =	sshll.u32 s1, $0xD;
	s1 =	sshrl.u32 s1, $0x2  }
0xba: {  	s3 =	sand.u32 $0x4000, s31;
	s1 =	sadd.s32 s1, s30  }
0xbb: {  	s0 =	sor.u32 s3, s0;
	s1 =	sshll.u32 s1, $0x11  }
0xbc: {  	s0 =	sor.u32 s1, s0  }
0xbd: {  	s0 =	sadd.s32 $0x8F2B, s0  }
0xbe: {  	[sflag:s0] =	ssyncadd.remote.s32 $0x1  }
0xbf: {  	_ =	sfence.sel $0xFFFF  }
0xc0: {  	[dreg:$0x0] =	wrdreg $0xFFFFFFFF;
	(pc) =	sbr.abs _section_cstart, $3  }
0xc1: {  	[dreg:$0x1] =	wrdreg $0xFFFFFFFF  }
0xc2: {  	_ =	task.clear_ibuf [dreg:s6], $0x2FFFF;
	_ =	strace $0x9FFFFFFF  }
0xc3: {  	(tm) =	ssettm $0x7FFFFFFF  }
tec
execute0_lowered:
.L_overlay_start_1:
0x0: {  	(tag) =	ssettag $0x1  }
0x1: {  	s1 =	rddreg [dreg:$0x0]  }
0x2: {  	s2 =	rddreg [dreg:$0x1];
	s5 =	stileid.u32  }
0x3: {  	s21 =	rddreg [dreg:$0x2];
	s4 =	simm.s32 $0x0;
	s0 =	smul.u32 $0x4E2, s5  }
0x4: {  	s6 =	srdreg.scid;
	s28 =	simm.s32 $0x3;
	s9 =	smul.u32 $0x2710, s5  }
0x5: {  	[smem:$0x7FF] =	sst s4;
	s3 =	sadd.s32 $0x277800, s1;
	s14 =	smul.u32 $0x3E80, s5  }
0x6: {  	s7 =	sand.u32 $0x1, s6;
	s13 =	sadd.s32 $0x3AA400, s1;
	s16 =	sadd.s32 $0x277200, s1  }
0x7: {  	s15 =	smul.u32 $0x7D00, s5;
	_ =	strace $0x80000047;
	[dreg:$0x5] =	wrdreg s3  }
0x8: {  	s17 =	sadd.s32 $0x276C00, s1;
	s8 =	smul.u32 $0x27100, s7;
	[dreg:$0x6] =	wrdreg s16  }
0x9: {  	p1 =	sgt.u32 s5, $0x9;
	[dreg:$0x7] =	wrdreg s17;
	s11 =	smul.u32 $0x138800, s7  }
0xa: {  	s10 =	ssub.s32 $0x2, s7;
	s16 =	sadd.s32 $0x2CF800, s1;
	p0 =	sne.s32 s7, $0x0  }
0xb: {  	s0 =	sadd.s32 s0, s1;
	[dreg:$0x4] =	wrdreg s9;
	s9 =	sshrl.u32 s9, $0x3  }
0xc: {  	s18 =	sshrl.u32 s10, $0x1;
	s9 =	sadd.s32 s9, s1;
	s8 =	sadd.s32 s14, s8  }
0xd: {  	s19 =	sshrl.u32 s11, $0x3;
	s12 =	sadd.s32 s15, s11;
	s17 =	sadd.s32 $0x4E200, s11  }
0xe: {  	s0 =	sadd.s32 $0x2C5A00, s0;
	s8 =	sshrl.u32 s8, $0x3;
	s20 =	sadd.s32 $0x271C00, s9  }
0xf: {  	s22 =	sshrl.u32 s12, $0x3;
	s23 =	sshrl.u32 s17, $0x3;
	s26 =	sadd.s32 s15, s17  }
0x10: {  	s17 =	smul.u32 $0x1F400, s5;
	[dreg:$0x1a] =	wrdreg s0;
	s1 =	sadd.s32 s8, s1  }
0x11: {  	s8 =	ssub.s32 s10, s18;
	[dreg:$0x8] =	wrdreg s20;
	s10 =	sadd.s32 s13, s19  }
0x12: {  	s18 =	sadd.s32 $0x9C400, s11;
	s19 =	sadd.s32 $0xEA600, s11;
	s11 =	sadd.s32 s13, s23  }
0x13: {  	s25 =	sadd.s32 s16, s22;
	s9 =	sshrl.u32 s26, $0x3;
	s24 =	sshrl.u32 s18, $0x3  }
0x14: {  	s20 =	sshrl.u32 s19, $0x3;
	[dreg:$0x9] =	wrdreg s25;
	s29 =	sadd.s32 s15, s18  }
0x15: {  	s30 =	sadd.s32 s15, s19;
	s31 =	sadd.s32 s16, s9;
	s18 =	sadd.s32 s15, s2  }
0x16: {  	s19 =	smul.u32 $0xFA00, s5;
	s1 =	sadd.s32 $0x31DA00, s1;
	s22 =	smax.u32 s8, $0x1  }
0x17: {  	s23 =	sshrl.u32 s17, $0x2;
	s12 =	sadd.s32 s13, s24;
	[dreg:$0xa] =	wrdreg s31  }
0x18: {  	s13 =	sadd.s32 s13, s20;
	s20 =	smul.u32 $0x3E8, s5;
	[dreg:$0xd] =	wrdreg s18  }
0x19: {  	s3 =	sshrl.u32 s29, $0x3;
	s6 =	sshrl.u32 s30, $0x3;
	[dreg:$0xe] =	wrdreg s1  }
0x1a: {  	s1 =	sadd.s32 s14, s21;
	[dreg:$0xf] =	wrdreg s22;
	s9 =	sadd.s32 s16, s3  }
0x1b: {  	s5 =	simm.s32 $0x0;
	s16 =	sadd.s32 s16, s6;
	[dreg:$0xb] =	wrdreg s9  }
0x1c: {  	s7 =	sshrl.u32 s19, $0x2;
	s0 =	sshrl.u32 @!p1 s1, $0x3;
	[dreg:$0xc] =	wrdreg s16  }
0x1d: {  	s6 =	sadd.s32 s23, s2;
	s3 =	smov.u32 s21;
	[dreg:$0x1b] =	wrdreg s0  }
0x1e: {  	s24 =	sadd.s32 $0xC8, s20;
	s25 =	sadd.s32 s7, s21;
	[dreg:$0x10] =	wrdreg s6  }
0x1f: {  	s31 =	sadd.s32 $0x190, s20;
	[dreg:$0x11] =	wrdreg s25;
	s26 =	sshll.u32 s24, $0x5  }
0x20: {  	s9 =	sshll.u32 s31, $0x5;
	s8 =	sshll.u32 s31, $0x4;
	s31 =	sadd.s32 $0x6400, s6  }
0x21: {  	s30 =	sshll.u32 s24, $0x4;
	s29 =	sadd.s32 s26, s2;
	[dreg:$0x1f] =	wrdreg s31  }
0x22: {  	s16 =	sadd.s32 $0x258, s20;
	s7 =	sadd.s32 s30, s21;
	[dreg:$0x12] =	wrdreg s29  }
0x23: {  	s18 =	sadd.s32 $0x320, s20;
	s14 =	sadd.s32 s9, s2;
	[dreg:$0x13] =	wrdreg s7  }
0x24: {  	s17 =	sshll.u32 s16, $0x5;
	s15 =	sadd.s32 s8, s21;
	[dreg:$0x14] =	wrdreg s14  }
0x25: {  	s22 =	sshll.u32 s18, $0x5;
	s19 =	sadd.s32 s17, s2;
	[dreg:$0x15] =	wrdreg s15  }
0x26: {  	s24 =	sshll.u32 s18, $0x4;
	s23 =	sadd.s32 s22, s2;
	[dreg:$0x16] =	wrdreg s19  }
0x27: {  	s25 =	sadd.s32 s24, s21;
	s26 =	sadd.s32 $0x1900, s6;
	[dreg:$0x18] =	wrdreg s23  }
0x28: {  	s30 =	sadd.s32 $0x4B00, s6;
	s17 =	simm.s32 $0x190;
	[dreg:$0x19] =	wrdreg s25  }
.Ltmp0:
0x29: {  	s24 =	simm.s32 $0x16760;
	[dreg:$0x1c] =	wrdreg s26;
	(pc) =	sbr.rel .LBB2_1-.Ltmp0, $4  }
0x2a: {  	s7 =	sshll.u32 s16, $0x4;
	s29 =	sadd.s32 $0x3200, s6;
	[dreg:$0x1e] =	wrdreg s30  }
0x2b: {  	s15 =	simm.s32 $0x2710;
	s16 =	simm.s32 $0x1;
	s19 =	simm.s32 $0x10360  }
0x2c: {  	v1 =	vimm.s32 $0x0;
	vm0 =	vcmask $0x300;
	s23 =	simm.s32 $0x4;
	s20 =	sadd.s32 s7, s21;
	[dreg:$0x1d] =	wrdreg s29  }
0x2d: {  	v0 =	vimm.f32 $0.0e+00;
	v1 =	vsel vm0, $0x3, v1;
	vm0 =	vmmov $0x1;
	s25 =	simm.s32 $0x2;
	[dreg:$0x17] =	wrdreg s20;
	s20 =	simm.s32 $0xC350  }
.LBB2_65:
0x2e: {  	[bflag:$0x0] =	sbarrier.arrive $0xFFFF  }
0x2f: {  	s0 =	rddreg [dreg:$0xc]  }
0x30: {  	[hbm:s0], [sflag:s30] =	dma.local @!p1 [spmem:s31], $0xFA0  }
0x31: {  	s0 =	simm.s32 @!p1 $0x3  }
0x32: {  	_ =	swait.ge @!p1 [sflag:s0], $0xFA0  }
0x33: {  	s5 =	sld [smem:$0x7FD];
	_ =	sdelay $0x2  }
0x34: {  	s1 =	rddreg [dreg:$0xf];
	s5 =	sadd.s32 $0x1, s5  }
0x35: {  	p2 =	sne.s32 s5, s1  }
.Ltmp1:
0x36: {  	_ = 	snop;
	(pc) =	sbr.rel @!p2 .LBB2_66-.Ltmp1, $3  }
0x37: {  	_ =	sdelay $0x1  }
0x38: {  	[sflag:s0] =	ssyncset.done @!p1 $0x0  }
0x39: {  	[sflag:s0] =	ssyncadd.s32 @!p1 $0xFFFFF060  }
.LBB2_1:
0x3a: {  	s0 =	simm.s32 $0x4E20;
	s30 =	rddreg [dreg:$0x1a]  }
0x3b: {  	[tilespmem:s0], [sflag:$0x1] =	stream.linear.gather [hbm4b:s30+s4], $0x190, $0x38;
	[tilespmem:$0x1F590] =	vst v63  }
0x3c: {  	s31 =	simm.s32 $0x7530;
	s1 =	sadd.s32 $0x4E20, s30  }
0x3d: {  	[tilespmem:s31], [sflag:$0x1] =	stream.linear.gather [hbm4b:s1+s4], $0x190, $0x38;
	[tilespmem:$0x1F590] =	vst v63  }
0x3e: {  	[smem:$0x7FD] =	sst s5;
	s0 =	simm.s32 $0x640;
	s1 =	smov.u32 s30  }
.LBB2_2:
0x3f: {  	p2 =	sne.s32 s0, $0x9600  }
.Ltmp2:
0x40: {  	s7 =	sshra.s32 s0, $0x2;
	s0 =	sadd.s32 $0x640, s0;
	(pc) =	sbr.rel @p2 .LBB2_2-.Ltmp2, $4  }
0x41: {  	s1 =	sadd.s32 $0x32, s1;
	s8 =	sadd.s32 $0x4E20, s7  }
0x42: {  	[tilespmem:s8], [sflag:$0x1] =	stream.linear.gather [hbm4b:s1+s4], $0x190, $0x38;
	[tilespmem:$0x1F590] =	vst v63  }
0x43: {  	s7 =	sadd.s32 $0x7530, s7;
	s8 =	sadd.s32 $0x4E20, s1  }
0x44: {  	[tilespmem:s7], [sflag:$0x1] =	stream.linear.gather [hbm4b:s8+s4], $0x190, $0x38;
	[tilespmem:$0x1F590] =	vst v63  }
0x45: {  	s0 =	rddreg [dreg:$0x8];
	s1 =	simm.s32 $0x9C40  }
0x46: {  	[tilespmem:s1], [sflag:$0x1] =	stream.linear.gather [hbm4b:s0+s4], $0x2710, $0x38;
	[tilespmem:$0x1F590] =	vst v63  }
0x47: {  	s30 =	rddreg [dreg:$0x6]  }
0x48: {  	[tilespmem:s4], [sflag:$0x1] =	stream.linear.gather [hbm4b:s30+s4], $0x2710, $0x38;
	[tilespmem:$0x1F590] =	vst v63  }
0x49: {  	s31 =	rddreg [dreg:$0x7];
	s1 =	simm.s32 $0x103E0  }
0x4a: {  	[tilespmem:s15], [sflag:$0x1] =	stream.linear.gather [hbm4b:s31+s4], $0x2710, $0x38;
	[tilespmem:$0x1F590] =	vst v63  }
0x4b: {  	[tilespmem:s1+$0xFFFFFF80] =	vst v0  }
0x4c: {  	[tilespmem:s1+$0x70] =	vst v0  }
0x4d: {  	[tilespmem:s1+$0x60] =	vst v0  }
0x4e: {  	[tilespmem:s1+$0x50] =	vst v0  }
0x4f: {  	[tilespmem:s1+$0x40] =	vst v0  }
0x50: {  	[tilespmem:s1+$0x30] =	vst v0  }
0x51: {  	[tilespmem:s1+$0x20] =	vst v0  }
0x52: {  	[tilespmem:s1+$0x10] =	vst v0  }
0x53: {  	[tilespmem:s1+$0x0] =	vst v0  }
0x54: {  	[tilespmem:s1+$0xFFFFFFF0] =	vst v0  }
0x55: {  	[tilespmem:s1+$0xFFFFFFE0] =	vst v0  }
0x56: {  	[tilespmem:s1+$0xFFFFFFD0] =	vst v0  }
0x57: {  	[tilespmem:s1+$0xFFFFFFC0] =	vst v0  }
0x58: {  	[tilespmem:s1+$0xFFFFFFB0] =	vst v0  }
0x59: {  	s7 =	simm.s32 $0x0;
	[tilespmem:s1+$0xFFFFFFA0] =	vst v0  }
.LBB2_4:
0x5a: {  	s7 =	sadd.s32 $0x8, s7;
	[tilespmem:s1+$0xFFFFFF90] =	vst v0;
	s1 =	sadd.s32 $0x100, s1;
	s0 =	simm.s32 $0x167A0  }
0x5b: {  	[tilespmem:s1+$0xFFFFFF80] =	vst v0;
	p2 =	slt.u32 s7, $0x188  }
0x5c: {  	[tilespmem:s1+$0x70] =	vst v0  }
0x5d: {  	[tilespmem:s1+$0x60] =	vst v0  }
0x5e: {  	[tilespmem:s1+$0x50] =	vst v0  }
0x5f: {  	[tilespmem:s1+$0x40] =	vst v0  }
0x60: {  	[tilespmem:s1+$0x30] =	vst v0  }
0x61: {  	[tilespmem:s1+$0x20] =	vst v0  }
0x62: {  	[tilespmem:s1+$0x10] =	vst v0  }
0x63: {  	[tilespmem:s1+$0x0] =	vst v0  }
0x64: {  	[tilespmem:s1+$0xFFFFFFF0] =	vst v0  }
.Ltmp3:
0x65: {  	[tilespmem:s1+$0xFFFFFFE0] =	vst v0;
	(pc) =	sbr.rel @p2 .LBB2_4-.Ltmp3, $4  }
0x66: {  	[tilespmem:s1+$0xFFFFFFD0] =	vst v0  }
0x67: {  	[tilespmem:s1+$0xFFFFFFC0] =	vst v0  }
0x68: {  	[tilespmem:s1+$0xFFFFFFB0] =	vst v0  }
0x69: {  	[tilespmem:s1+$0xFFFFFFA0] =	vst v0  }
0x6a: {  	[tilespmem:s1+$0xFFFFFF90] =	vst v0  }
0x6b: {  	[tilespmem:s0+$0xFFFFFFC0] =	vst v0  }
0x6c: {  	[tilespmem:s0+$0x30] =	vst v0  }
0x6d: {  	[tilespmem:s0+$0x20] =	vst v0  }
0x6e: {  	[tilespmem:s0+$0x10] =	vst v0  }
0x6f: {  	[tilespmem:s0+$0x0] =	vst v0  }
0x70: {  	[tilespmem:s0+$0xFFFFFFF0] =	vst v0  }
0x71: {  	s1 =	simm.s32 $0x0;
	[tilespmem:s0+$0xFFFFFFE0] =	vst v0  }
.LBB2_6:
0x72: {  	s1 =	sadd.s32 $0x8, s1;
	[tilespmem:s0+$0xFFFFFFD0] =	vst v0;
	s0 =	sadd.s32 $0x80, s0  }
0x73: {  	[tilespmem:s0+$0xFFFFFFC0] =	vst v0;
	p2 =	slt.u32 s1, $0x188  }
0x74: {  	[tilespmem:s0+$0x30] =	vst v0  }
.Ltmp4:
0x75: {  	[tilespmem:s0+$0x20] =	vst v0;
	(pc) =	sbr.rel @p2 .LBB2_6-.Ltmp4, $4  }
0x76: {  	[tilespmem:s0+$0x10] =	vst v0  }
0x77: {  	[tilespmem:s0+$0x0] =	vst v0  }
0x78: {  	[tilespmem:s0+$0xFFFFFFF0] =	vst v0  }
0x79: {  	[tilespmem:s0+$0xFFFFFFE0] =	vst v0  }
0x7a: {  	[tilespmem:s0+$0xFFFFFFD0] =	vst v0  }
0x7b: {  	s0 =	simm.s32 @!p1 $0x10360;
	s1 =	rddreg [dreg:$0x10]  }
0x7c: {  	[spmem:s1] =	stream.linear.scatter @!p1 [tilespmem:s0], [sflag:$0x2], $0x1900, $0x38;
	[tilespmem:$0x1F590] =	vst v63  }
0x7d: {  	s5 =	rddreg [dreg:$0x11];
	s1 =	simm.s32 @!p1 $0x16760  }
0x7e: {  	[spmem:s5] =	stream.linear.scatter @!p1 [tilespmem:s1], [sflag:$0x2], $0xC80, $0x38;
	[tilespmem:$0x1F590] =	vst v63  }
0x7f: {  	s5 =	rddreg [dreg:$0x12]  }
0x80: {  	[spmem:s5] =	stream.linear.scatter @!p1 [tilespmem:s0], [sflag:$0x2], $0x1900, $0x38;
	[tilespmem:$0x1F590] =	vst v63  }
0x81: {  	s5 =	rddreg [dreg:$0x13]  }
0x82: {  	[spmem:s5] =	stream.linear.scatter @!p1 [tilespmem:s1], [sflag:$0x2], $0xC80, $0x38;
	[tilespmem:$0x1F590] =	vst v63  }
0x83: {  	s5 =	rddreg [dreg:$0x14]  }
0x84: {  	[spmem:s5] =	stream.linear.scatter @!p1 [tilespmem:s0], [sflag:$0x2], $0x1900, $0x38;
	[tilespmem:$0x1F590] =	vst v63  }
0x85: {  	s5 =	rddreg [dreg:$0x15]  }
0x86: {  	[spmem:s5] =	stream.linear.scatter @!p1 [tilespmem:s1], [sflag:$0x2], $0xC80, $0x38;
	[tilespmem:$0x1F590] =	vst v63  }
0x87: {  	s5 =	rddreg [dreg:$0x16]  }
0x88: {  	[spmem:s5] =	stream.linear.scatter @!p1 [tilespmem:s0], [sflag:$0x2], $0x1900, $0x38;
	[tilespmem:$0x1F590] =	vst v63  }
0x89: {  	s5 =	rddreg [dreg:$0x17]  }
0x8a: {  	[spmem:s5] =	stream.linear.scatter @!p1 [tilespmem:s1], [sflag:$0x2], $0xC80, $0x38;
	[tilespmem:$0x1F590] =	vst v63  }
0x8b: {  	s5 =	rddreg [dreg:$0x18]  }
0x8c: {  	[spmem:s5] =	stream.linear.scatter @!p1 [tilespmem:s0], [sflag:$0x2], $0x1900, $0x38;
	[tilespmem:$0x1F590] =	vst v63  }
0x8d: {  	s0 =	rddreg [dreg:$0x19]  }
0x8e: {  	[spmem:s0] =	stream.linear.scatter @!p1 [tilespmem:s1], [sflag:$0x2], $0xC80, $0x38;
	[tilespmem:$0x1F590] =	vst v63  }
0x8f: {  	s0 =	simm.s32 @!p1 $0x2  }
0x90: {  	_ =	swait.ge @!p1 [sflag:s0], $0x1900  }
0x91: {  	[sflag:s0] =	ssyncset.done @!p1 $0x0  }
0x92: {  	[sflag:s0] =	ssyncadd.s32 @!p1 $0xFFFFE700  }
0x93: {  	_ =	swait.ge @!p1 [sflag:s0], $0xC80  }
0x94: {  	[sflag:s0] =	ssyncset.done @!p1 $0x0  }
0x95: {  	[sflag:s0] =	ssyncadd.s32 @!p1 $0xFFFFF380  }
0x96: {  	_ =	swait.ge @!p1 [sflag:s0], $0x1900  }
0x97: {  	[sflag:s0] =	ssyncset.done @!p1 $0x0  }
0x98: {  	[sflag:s0] =	ssyncadd.s32 @!p1 $0xFFFFE700  }
0x99: {  	_ =	swait.ge @!p1 [sflag:s0], $0xC80  }
0x9a: {  	[sflag:s0] =	ssyncset.done @!p1 $0x0  }
0x9b: {  	[sflag:s0] =	ssyncadd.s32 @!p1 $0xFFFFF380  }
0x9c: {  	_ =	swait.ge @!p1 [sflag:s0], $0x1900  }
0x9d: {  	[sflag:s0] =	ssyncset.done @!p1 $0x0  }
0x9e: {  	[sflag:s0] =	ssyncadd.s32 @!p1 $0xFFFFE700  }
0x9f: {  	_ =	swait.ge @!p1 [sflag:s0], $0xC80  }
0xa0: {  	[sflag:s0] =	ssyncset.done @!p1 $0x0  }
0xa1: {  	[sflag:s0] =	ssyncadd.s32 @!p1 $0xFFFFF380  }
0xa2: {  	_ =	swait.ge @!p1 [sflag:s0], $0x1900  }
0xa3: {  	[sflag:s0] =	ssyncset.done @!p1 $0x0  }
0xa4: {  	[sflag:s0] =	ssyncadd.s32 @!p1 $0xFFFFE700  }
0xa5: {  	_ =	swait.ge @!p1 [sflag:s0], $0xC80  }
0xa6: {  	[sflag:s0] =	ssyncset.done @!p1 $0x0  }
0xa7: {  	[sflag:s0] =	ssyncadd.s32 @!p1 $0xFFFFF380  }
0xa8: {  	_ =	swait.ge @!p1 [sflag:s0], $0x1900  }
0xa9: {  	[sflag:s0] =	ssyncset.done @!p1 $0x0  }
0xaa: {  	[sflag:s0] =	ssyncadd.s32 @!p1 $0xFFFFE700  }
0xab: {  	_ =	swait.ge @!p1 [sflag:s0], $0xC80  }
0xac: {  	[sflag:s0] =	ssyncset.done @!p1 $0x0  }
0xad: {  	[sflag:s0] =	ssyncadd.s32 @!p1 $0xFFFFF380  }
0xae: {  	_ =	swait.ge [sflag:s16], $0x190  }
0xaf: {  	[sflag:s16] =	ssyncset.done $0x0  }
0xb0: {  	[sflag:s16] =	ssyncadd.s32 $0xFFFFFE70  }
0xb1: {  	_ =	swait.ge [sflag:s16], $0x190  }
0xb2: {  	s0 =	simm.s32 $0x18;
	[sflag:s16] =	ssyncset.done $0x0  }
.LBB2_8:
0xb3: {  	p2 =	sne.s32 s0, $0x1;
	s0 =	sadd.s32 $0xFFFFFFFF, s0;
	[sflag:s16] =	ssyncadd.s32 $0xFFFFFE70  }
.Ltmp5:
0xb4: {  	_ =	swait.ge [sflag:s16], $0x190;
	(pc) =	sbr.rel @p2 .LBB2_8-.Ltmp5, $4  }
0xb5: {  	[sflag:s16] =	ssyncset.done $0x0  }
0xb6: {  	[sflag:s16] =	ssyncadd.s32 $0xFFFFFE70  }
0xb7: {  	_ =	swait.ge [sflag:s16], $0x190  }
0xb8: {  	[sflag:s16] =	ssyncset.done $0x0  }
0xb9: {  	[sflag:s16] =	ssyncadd.s32 $0xFFFFFE70  }
0xba: {  	_ =	swait.ge [sflag:s16], $0x2710  }
0xbb: {  	[sflag:s16] =	ssyncset.done $0x0  }
0xbc: {  	[sflag:s16] =	ssyncadd.s32 $0xFFFFD8F0  }
0xbd: {  	_ =	swait.ge [sflag:s16], $0x2710  }
0xbe: {  	[sflag:s16] =	ssyncset.done $0x0  }
0xbf: {  	[sflag:s16] =	ssyncadd.s32 $0xFFFFD8F0  }
0xc0: {  	_ =	swait.ge [sflag:s16], $0x2710  }
0xc1: {  	[sflag:s16] =	ssyncset.done $0x0  }
0xc2: {  	s1 =	simm.s32 $0x600;
	[sflag:s16] =	ssyncadd.s32 $0xFFFFD8F0  }
.LBB2_10:
0xc3: {  	s7 =	sshra.s32 s1, $0x2  }
0xc4: {  	v2 =	vld [tilespmem:s7+$0x4CA0]  }
0xc5: {  	v3 =	vld [tilespmem:s7+$0x73B0];
	_ =	sdelay $0x6  }
0xc6: {  	v2 =	vld.idx.msk [tilespmem:v2+s4+$0x0], $0xffff  }
0xc7: {  	v3 =	vld.idx.msk [tilespmem:v3+s15+$0x0], $0xffff;
	_ =	sdelay $0x1  }
0xc8: {  	v4 =	vld [tilespmem:s7+$0x9AC0];
	_ =	sdelay $0x2  }
0xc9: {  	v2 =	vadd.f32 v3, v2;
	_ =	sdelay $0x1  }
0xca: {  	v2 =	vadd.f32 v4, v2;
	_ =	sdelay $0x1  }
0xcb: {  	v3 =	vmul.f32 $2.000000030e-01, v2  }
0xcc: {  	vm1 =	vge.f32 v2, $0.0e+00  }
0xcd: {  	v2 =	vsel vm1, v2, v3  }
0xce: {  	v2 =	vmul.f32 $1.442695020e+00, v2;
	_ =	sdelay $0x1  }
0xcf: {  	(erf) = vpow2.f32 v2;
	_ =	sdelay $0x2  }
0xd0: {  	v2 =	vld [tilespmem:s7+$0x4CB0]  }
0xd1: {  	v3 =	vld [tilespmem:s7+$0x73C0];
	_ =	sdelay $0x4  }
0xd2: {  	v16 =	vpop (erf)  }
0xd3: {  	[tilespmem:s7+$0xC1D0] =	vst v16  }
0xd4: {  	v2 =	vld.idx.msk [tilespmem:v2+s4+$0x0], $0xffff  }
0xd5: {  	v3 =	vld.idx.msk [tilespmem:v3+s15+$0x0], $0xffff;
	_ =	sdelay $0x1  }
0xd6: {  	v17 =	vld [tilespmem:s7+$0x9AD0];
	_ =	sdelay $0x2  }
0xd7: {  	v2 =	vadd.f32 v3, v2;
	_ =	sdelay $0x1  }
0xd8: {  	v2 =	vadd.f32 v17, v2;
	_ =	sdelay $0x1  }
0xd9: {  	v3 =	vmul.f32 $2.000000030e-01, v2  }
0xda: {  	vm1 =	vge.f32 v2, $0.0e+00  }
0xdb: {  	v2 =	vsel vm1, v2, v3  }
0xdc: {  	v2 =	vmul.f32 $1.442695020e+00, v2;
	_ =	sdelay $0x1  }
0xdd: {  	(erf) = vpow2.f32 v2;
	_ =	sdelay $0x2  }
0xde: {  	v2 =	vld [tilespmem:s7+$0x4CC0]  }
0xdf: {  	v3 =	vld [tilespmem:s7+$0x73D0];
	_ =	sdelay $0x4  }
0xe0: {  	v18 =	vpop (erf)  }
0xe1: {  	[tilespmem:s7+$0xC1E0] =	vst v18  }
0xe2: {  	v2 =	vld.idx.msk [tilespmem:v2+s4+$0x0], $0xffff  }
0xe3: {  	v3 =	vld.idx.msk [tilespmem:v3+s15+$0x0], $0xffff;
	_ =	sdelay $0x1  }
0xe4: {  	v19 =	vld [tilespmem:s7+$0x9AE0];
	_ =	sdelay $0x2  }
0xe5: {  	v2 =	vadd.f32 v3, v2;
	_ =	sdelay $0x1  }
0xe6: {  	v2 =	vadd.f32 v19, v2;
	_ =	sdelay $0x1  }
0xe7: {  	v3 =	vmul.f32 $2.000000030e-01, v2  }
0xe8: {  	vm1 =	vge.f32 v2, $0.0e+00  }
0xe9: {  	v2 =	vsel vm1, v2, v3  }
0xea: {  	v2 =	vmul.f32 $1.442695020e+00, v2;
	_ =	sdelay $0x1  }
0xeb: {  	(erf) = vpow2.f32 v2;
	_ =	sdelay $0x2  }
0xec: {  	v2 =	vld [tilespmem:s7+$0x4CD0]  }
0xed: {  	v3 =	vld [tilespmem:s7+$0x73E0];
	_ =	sdelay $0x4  }
0xee: {  	v20 =	vpop (erf)  }
0xef: {  	[tilespmem:s7+$0xC1F0] =	vst v20  }
0xf0: {  	v2 =	vld.idx.msk [tilespmem:v2+s4+$0x0], $0xffff  }
0xf1: {  	v3 =	vld.idx.msk [tilespmem:v3+s15+$0x0], $0xffff;
	_ =	sdelay $0x1  }
0xf2: {  	v21 =	vld [tilespmem:s7+$0x9AF0];
	_ =	sdelay $0x2  }
0xf3: {  	v2 =	vadd.f32 v3, v2;
	_ =	sdelay $0x1  }
0xf4: {  	v2 =	vadd.f32 v21, v2;
	_ =	sdelay $0x1  }
0xf5: {  	v3 =	vmul.f32 $2.000000030e-01, v2  }
0xf6: {  	vm1 =	vge.f32 v2, $0.0e+00  }
0xf7: {  	v2 =	vsel vm1, v2, v3  }
0xf8: {  	v2 =	vmul.f32 $1.442695020e+00, v2;
	_ =	sdelay $0x1  }
0xf9: {  	(erf) = vpow2.f32 v2;
	_ =	sdelay $0x2  }
0xfa: {  	v2 =	vld [tilespmem:s7+$0x4CE0]  }
0xfb: {  	v3 =	vld [tilespmem:s7+$0x73F0];
	_ =	sdelay $0x4  }
0xfc: {  	v22 =	vpop (erf)  }
0xfd: {  	[tilespmem:s7+$0xC200] =	vst v22  }
0xfe: {  	v2 =	vld.idx.msk [tilespmem:v2+s4+$0x0], $0xffff  }
0xff: {  	v3 =	vld.idx.msk [tilespmem:v3+s15+$0x0], $0xffff;
	_ =	sdelay $0x1  }
0x100: {  	v23 =	vld [tilespmem:s7+$0x9B00];
	_ =	sdelay $0x2  }
0x101: {  	v2 =	vadd.f32 v3, v2;
	_ =	sdelay $0x1  }
0x102: {  	v2 =	vadd.f32 v23, v2;
	_ =	sdelay $0x1  }
0x103: {  	v3 =	vmul.f32 $2.000000030e-01, v2  }
0x104: {  	vm1 =	vge.f32 v2, $0.0e+00  }
0x105: {  	v2 =	vsel vm1, v2, v3  }
0x106: {  	v2 =	vmul.f32 $1.442695020e+00, v2;
	_ =	sdelay $0x1  }
0x107: {  	(erf) = vpow2.f32 v2;
	_ =	sdelay $0x2  }
0x108: {  	v2 =	vld [tilespmem:s7+$0x4CF0]  }
0x109: {  	v3 =	vld [tilespmem:s7+$0x7400];
	_ =	sdelay $0x4  }
0x10a: {  	v24 =	vpop (erf)  }
0x10b: {  	[tilespmem:s7+$0xC210] =	vst v24  }
0x10c: {  	v2 =	vld.idx.msk [tilespmem:v2+s4+$0x0], $0xffff  }
0x10d: {  	v3 =	vld.idx.msk [tilespmem:v3+s15+$0x0], $0xffff;
	_ =	sdelay $0x1  }
0x10e: {  	v25 =	vld [tilespmem:s7+$0x9B10];
	_ =	sdelay $0x2  }
0x10f: {  	v2 =	vadd.f32 v3, v2;
	_ =	sdelay $0x1  }
0x110: {  	v2 =	vadd.f32 v25, v2;
	_ =	sdelay $0x1  }
0x111: {  	v3 =	vmul.f32 $2.000000030e-01, v2  }
0x112: {  	vm1 =	vge.f32 v2, $0.0e+00  }
0x113: {  	v2 =	vsel vm1, v2, v3  }
0x114: {  	v2 =	vmul.f32 $1.442695020e+00, v2;
	_ =	sdelay $0x1  }
0x115: {  	(erf) = vpow2.f32 v2;
	_ =	sdelay $0x2  }
0x116: {  	v2 =	vld [tilespmem:s7+$0x4D00]  }
0x117: {  	v3 =	vld [tilespmem:s7+$0x7410];
	_ =	sdelay $0x4  }
0x118: {  	v26 =	vpop (erf)  }
0x119: {  	[tilespmem:s7+$0xC220] =	vst v26  }
0x11a: {  	v2 =	vld.idx.msk [tilespmem:v2+s4+$0x0], $0xffff  }
0x11b: {  	v3 =	vld.idx.msk [tilespmem:v3+s15+$0x0], $0xffff;
	_ =	sdelay $0x1  }
0x11c: {  	v27 =	vld [tilespmem:s7+$0x9B20];
	_ =	sdelay $0x2  }
0x11d: {  	v2 =	vadd.f32 v3, v2;
	_ =	sdelay $0x1  }
0x11e: {  	v2 =	vadd.f32 v27, v2;
	_ =	sdelay $0x1  }
0x11f: {  	v3 =	vmul.f32 $2.000000030e-01, v2  }
0x120: {  	vm1 =	vge.f32 v2, $0.0e+00  }
0x121: {  	v2 =	vsel vm1, v2, v3  }
0x122: {  	v2 =	vmul.f32 $1.442695020e+00, v2;
	_ =	sdelay $0x1  }
0x123: {  	(erf) = vpow2.f32 v2;
	_ =	sdelay $0x2  }
0x124: {  	v2 =	vld [tilespmem:s7+$0x4D10]  }
0x125: {  	v3 =	vld [tilespmem:s7+$0x7420];
	_ =	sdelay $0x4  }
0x126: {  	v28 =	vpop (erf)  }
0x127: {  	[tilespmem:s7+$0xC230] =	vst v28  }
0x128: {  	v2 =	vld.idx.msk [tilespmem:v2+s4+$0x0], $0xffff  }
0x129: {  	v3 =	vld.idx.msk [tilespmem:v3+s15+$0x0], $0xffff;
	_ =	sdelay $0x1  }
0x12a: {  	v29 =	vld [tilespmem:s7+$0x9B30];
	_ =	sdelay $0x2  }
0x12b: {  	v2 =	vadd.f32 v3, v2;
	_ =	sdelay $0x1  }
0x12c: {  	v2 =	vadd.f32 v29, v2;
	_ =	sdelay $0x1  }
0x12d: {  	v3 =	vmul.f32 $2.000000030e-01, v2  }
0x12e: {  	vm1 =	vge.f32 v2, $0.0e+00  }
0x12f: {  	v2 =	vsel vm1, v2, v3  }
0x130: {  	v2 =	vmul.f32 $1.442695020e+00, v2;
	_ =	sdelay $0x1  }
0x131: {  	(erf) = vpow2.f32 v2;
	_ =	sdelay $0x2  }
0x132: {  	v2 =	vld [tilespmem:s7+$0x4D20]  }
0x133: {  	v3 =	vld [tilespmem:s7+$0x7430];
	_ =	sdelay $0x4  }
0x134: {  	v30 =	vpop (erf)  }
0x135: {  	[tilespmem:s7+$0xC240] =	vst v30  }
0x136: {  	v2 =	vld.idx.msk [tilespmem:v2+s4+$0x0], $0xffff  }
0x137: {  	v3 =	vld.idx.msk [tilespmem:v3+s15+$0x0], $0xffff;
	_ =	sdelay $0x1  }
0x138: {  	v31 =	vld [tilespmem:s7+$0x9B40];
	_ =	sdelay $0x2  }
0x139: {  	v2 =	vadd.f32 v3, v2;
	_ =	sdelay $0x1  }
0x13a: {  	v2 =	vadd.f32 v31, v2;
	_ =	sdelay $0x1  }
0x13b: {  	v3 =	vmul.f32 $2.000000030e-01, v2  }
0x13c: {  	vm1 =	vge.f32 v2, $0.0e+00  }
0x13d: {  	v2 =	vsel vm1, v2, v3  }
0x13e: {  	v2 =	vmul.f32 $1.442695020e+00, v2;
	_ =	sdelay $0x1  }
0x13f: {  	(erf) = vpow2.f32 v2;
	_ =	sdelay $0x2  }
0x140: {  	v2 =	vld [tilespmem:s7+$0x4D30]  }
0x141: {  	v3 =	vld [tilespmem:s7+$0x7440];
	_ =	sdelay $0x4  }
0x142: {  	v32 =	vpop (erf)  }
0x143: {  	[tilespmem:s7+$0xC250] =	vst v32  }
0x144: {  	v2 =	vld.idx.msk [tilespmem:v2+s4+$0x0], $0xffff  }
0x145: {  	v3 =	vld.idx.msk [tilespmem:v3+s15+$0x0], $0xffff;
	_ =	sdelay $0x1  }
0x146: {  	v33 =	vld [tilespmem:s7+$0x9B50];
	_ =	sdelay $0x2  }
0x147: {  	v2 =	vadd.f32 v3, v2;
	_ =	sdelay $0x1  }
0x148: {  	v2 =	vadd.f32 v33, v2;
	_ =	sdelay $0x1  }
0x149: {  	v3 =	vmul.f32 $2.000000030e-01, v2  }
0x14a: {  	vm1 =	vge.f32 v2, $0.0e+00  }
0x14b: {  	v2 =	vsel vm1, v2, v3  }
0x14c: {  	v2 =	vmul.f32 $1.442695020e+00, v2;
	_ =	sdelay $0x1  }
0x14d: {  	(erf) = vpow2.f32 v2;
	_ =	sdelay $0x2  }
0x14e: {  	v2 =	vld [tilespmem:s7+$0x4D40]  }
0x14f: {  	v3 =	vld [tilespmem:s7+$0x7450];
	_ =	sdelay $0x4  }
0x150: {  	v34 =	vpop (erf)  }
0x151: {  	[tilespmem:s7+$0xC260] =	vst v34  }
0x152: {  	v2 =	vld.idx.msk [tilespmem:v2+s4+$0x0], $0xffff  }
0x153: {  	v3 =	vld.idx.msk [tilespmem:v3+s15+$0x0], $0xffff;
	_ =	sdelay $0x1  }
0x154: {  	v35 =	vld [tilespmem:s7+$0x9B60];
	_ =	sdelay $0x2  }
0x155: {  	v2 =	vadd.f32 v3, v2;
	_ =	sdelay $0x1  }
0x156: {  	v2 =	vadd.f32 v35, v2;
	_ =	sdelay $0x1  }
0x157: {  	v3 =	vmul.f32 $2.000000030e-01, v2  }
0x158: {  	vm1 =	vge.f32 v2, $0.0e+00  }
0x159: {  	v2 =	vsel vm1, v2, v3  }
0x15a: {  	v2 =	vmul.f32 $1.442695020e+00, v2;
	_ =	sdelay $0x1  }
0x15b: {  	(erf) = vpow2.f32 v2;
	_ =	sdelay $0x2  }
0x15c: {  	v2 =	vld [tilespmem:s7+$0x4D50]  }
0x15d: {  	v3 =	vld [tilespmem:s7+$0x7460];
	_ =	sdelay $0x4  }
0x15e: {  	v36 =	vpop (erf)  }
0x15f: {  	[tilespmem:s7+$0xC270] =	vst v36  }
0x160: {  	v2 =	vld.idx.msk [tilespmem:v2+s4+$0x0], $0xffff  }
0x161: {  	v3 =	vld.idx.msk [tilespmem:v3+s15+$0x0], $0xffff;
	_ =	sdelay $0x1  }
0x162: {  	v37 =	vld [tilespmem:s7+$0x9B70];
	_ =	sdelay $0x2  }
0x163: {  	v2 =	vadd.f32 v3, v2;
	_ =	sdelay $0x1  }
0x164: {  	v2 =	vadd.f32 v37, v2;
	_ =	sdelay $0x1  }
0x165: {  	v3 =	vmul.f32 $2.000000030e-01, v2  }
0x166: {  	vm1 =	vge.f32 v2, $0.0e+00  }
0x167: {  	v2 =	vsel vm1, v2, v3  }
0x168: {  	v2 =	vmul.f32 $1.442695020e+00, v2;
	_ =	sdelay $0x1  }
0x169: {  	(erf) = vpow2.f32 v2;
	_ =	sdelay $0x2  }
0x16a: {  	v2 =	vld [tilespmem:s7+$0x4D60]  }
0x16b: {  	v3 =	vld [tilespmem:s7+$0x7470];
	_ =	sdelay $0x4  }
0x16c: {  	v38 =	vpop (erf)  }
0x16d: {  	[tilespmem:s7+$0xC280] =	vst v38  }
0x16e: {  	v2 =	vld.idx.msk [tilespmem:v2+s4+$0x0], $0xffff  }
0x16f: {  	v3 =	vld.idx.msk [tilespmem:v3+s15+$0x0], $0xffff;
	_ =	sdelay $0x1  }
0x170: {  	v39 =	vld [tilespmem:s7+$0x9B80];
	_ =	sdelay $0x2  }
0x171: {  	v2 =	vadd.f32 v3, v2;
	_ =	sdelay $0x1  }
0x172: {  	v2 =	vadd.f32 v39, v2;
	_ =	sdelay $0x1  }
0x173: {  	v3 =	vmul.f32 $2.000000030e-01, v2  }
0x174: {  	vm1 =	vge.f32 v2, $0.0e+00  }
0x175: {  	v2 =	vsel vm1, v2, v3  }
0x176: {  	v2 =	vmul.f32 $1.442695020e+00, v2;
	_ =	sdelay $0x1  }
0x177: {  	(erf) = vpow2.f32 v2;
	_ =	sdelay $0x2  }
0x178: {  	v2 =	vld [tilespmem:s7+$0x4D70]  }
0x179: {  	v3 =	vld [tilespmem:s7+$0x7480];
	_ =	sdelay $0x4  }
0x17a: {  	v40 =	vpop (erf)  }
0x17b: {  	[tilespmem:s7+$0xC290] =	vst v40  }
0x17c: {  	v2 =	vld.idx.msk [tilespmem:v2+s4+$0x0], $0xffff  }
0x17d: {  	v3 =	vld.idx.msk [tilespmem:v3+s15+$0x0], $0xffff;
	_ =	sdelay $0x1  }
0x17e: {  	v41 =	vld [tilespmem:s7+$0x9B90];
	_ =	sdelay $0x2  }
0x17f: {  	v2 =	vadd.f32 v3, v2;
	_ =	sdelay $0x1  }
0x180: {  	v2 =	vadd.f32 v41, v2;
	_ =	sdelay $0x1  }
0x181: {  	v3 =	vmul.f32 $2.000000030e-01, v2  }
0x182: {  	vm1 =	vge.f32 v2, $0.0e+00  }
0x183: {  	v2 =	vsel vm1, v2, v3  }
0x184: {  	v2 =	vmul.f32 $1.442695020e+00, v2;
	_ =	sdelay $0x1  }
0x185: {  	(erf) = vpow2.f32 v2;
	_ =	sdelay $0x2  }
0x186: {  	v2 =	vld [tilespmem:s7+$0x4D80]  }
0x187: {  	v3 =	vld [tilespmem:s7+$0x7490];
	_ =	sdelay $0x4  }
0x188: {  	v42 =	vpop (erf)  }
0x189: {  	[tilespmem:s7+$0xC2A0] =	vst v42  }
0x18a: {  	v2 =	vld.idx.msk [tilespmem:v2+s4+$0x0], $0xffff  }
0x18b: {  	v3 =	vld.idx.msk [tilespmem:v3+s15+$0x0], $0xffff;
	_ =	sdelay $0x1  }
0x18c: {  	v43 =	vld [tilespmem:s7+$0x9BA0];
	_ =	sdelay $0x2  }
0x18d: {  	v2 =	vadd.f32 v3, v2;
	_ =	sdelay $0x1  }
0x18e: {  	v2 =	vadd.f32 v43, v2;
	_ =	sdelay $0x1  }
0x18f: {  	v3 =	vmul.f32 $2.000000030e-01, v2  }
0x190: {  	vm1 =	vge.f32 v2, $0.0e+00  }
0x191: {  	v2 =	vsel vm1, v2, v3  }
0x192: {  	v2 =	vmul.f32 $1.442695020e+00, v2;
	_ =	sdelay $0x1  }
0x193: {  	(erf) = vpow2.f32 v2;
	_ =	sdelay $0x2  }
0x194: {  	v2 =	vld [tilespmem:s7+$0x4D90]  }
0x195: {  	v3 =	vld [tilespmem:s7+$0x74A0];
	_ =	sdelay $0x4  }
0x196: {  	v44 =	vpop (erf)  }
0x197: {  	[tilespmem:s7+$0xC2B0] =	vst v44  }
0x198: {  	v2 =	vld.idx.msk [tilespmem:v2+s4+$0x0], $0xffff  }
0x199: {  	v3 =	vld.idx.msk [tilespmem:v3+s15+$0x0], $0xffff;
	_ =	sdelay $0x1  }
0x19a: {  	v45 =	vld [tilespmem:s7+$0x9BB0];
	_ =	sdelay $0x2  }
0x19b: {  	v2 =	vadd.f32 v3, v2;
	_ =	sdelay $0x1  }
0x19c: {  	v2 =	vadd.f32 v45, v2;
	_ =	sdelay $0x1  }
0x19d: {  	v3 =	vmul.f32 $2.000000030e-01, v2  }
0x19e: {  	vm1 =	vge.f32 v2, $0.0e+00  }
0x19f: {  	v2 =	vsel vm1, v2, v3  }
0x1a0: {  	v2 =	vmul.f32 $1.442695020e+00, v2;
	_ =	sdelay $0x1  }
0x1a1: {  	(erf) = vpow2.f32 v2;
	_ =	sdelay $0x2  }
0x1a2: {  	v2 =	vld [tilespmem:s7+$0x4DA0]  }
0x1a3: {  	v3 =	vld [tilespmem:s7+$0x74B0];
	_ =	sdelay $0x4  }
0x1a4: {  	v46 =	vpop (erf)  }
0x1a5: {  	[tilespmem:s7+$0xC2C0] =	vst v46  }
0x1a6: {  	v2 =	vld.idx.msk [tilespmem:v2+s4+$0x0], $0xffff  }
0x1a7: {  	v3 =	vld.idx.msk [tilespmem:v3+s15+$0x0], $0xffff;
	_ =	sdelay $0x1  }
0x1a8: {  	v47 =	vld [tilespmem:s7+$0x9BC0];
	_ =	sdelay $0x2  }
0x1a9: {  	v2 =	vadd.f32 v3, v2;
	_ =	sdelay $0x1  }
0x1aa: {  	v2 =	vadd.f32 v47, v2;
	_ =	sdelay $0x1  }
0x1ab: {  	v3 =	vmul.f32 $2.000000030e-01, v2  }
0x1ac: {  	vm1 =	vge.f32 v2, $0.0e+00  }
0x1ad: {  	v2 =	vsel vm1, v2, v3  }
0x1ae: {  	v2 =	vmul.f32 $1.442695020e+00, v2;
	_ =	sdelay $0x1  }
0x1af: {  	(erf) = vpow2.f32 v2;
	_ =	sdelay $0x2  }
0x1b0: {  	v2 =	vld [tilespmem:s7+$0x4DB0]  }
0x1b1: {  	v3 =	vld [tilespmem:s7+$0x74C0];
	_ =	sdelay $0x4  }
0x1b2: {  	v48 =	vpop (erf)  }
0x1b3: {  	[tilespmem:s7+$0xC2D0] =	vst v48  }
0x1b4: {  	v2 =	vld.idx.msk [tilespmem:v2+s4+$0x0], $0xffff  }
0x1b5: {  	v3 =	vld.idx.msk [tilespmem:v3+s15+$0x0], $0xffff;
	_ =	sdelay $0x1  }
0x1b6: {  	v49 =	vld [tilespmem:s7+$0x9BD0];
	_ =	sdelay $0x2  }
0x1b7: {  	v2 =	vadd.f32 v3, v2;
	_ =	sdelay $0x1  }
0x1b8: {  	v2 =	vadd.f32 v49, v2;
	_ =	sdelay $0x1  }
0x1b9: {  	v3 =	vmul.f32 $2.000000030e-01, v2  }
0x1ba: {  	vm1 =	vge.f32 v2, $0.0e+00  }
0x1bb: {  	v2 =	vsel vm1, v2, v3  }
0x1bc: {  	v2 =	vmul.f32 $1.442695020e+00, v2;
	_ =	sdelay $0x1  }
0x1bd: {  	(erf) = vpow2.f32 v2;
	_ =	sdelay $0x2  }
0x1be: {  	v2 =	vld [tilespmem:s7+$0x4DC0]  }
0x1bf: {  	v3 =	vld [tilespmem:s7+$0x74D0];
	_ =	sdelay $0x4  }
0x1c0: {  	v50 =	vpop (erf)  }
0x1c1: {  	[tilespmem:s7+$0xC2E0] =	vst v50  }
0x1c2: {  	v2 =	vld.idx.msk [tilespmem:v2+s4+$0x0], $0xffff  }
0x1c3: {  	v3 =	vld.idx.msk [tilespmem:v3+s15+$0x0], $0xffff;
	_ =	sdelay $0x1  }
0x1c4: {  	v51 =	vld [tilespmem:s7+$0x9BE0];
	_ =	sdelay $0x2  }
0x1c5: {  	v2 =	vadd.f32 v3, v2;
	_ =	sdelay $0x1  }
0x1c6: {  	v2 =	vadd.f32 v51, v2;
	_ =	sdelay $0x1  }
0x1c7: {  	v3 =	vmul.f32 $2.000000030e-01, v2  }
0x1c8: {  	vm1 =	vge.f32 v2, $0.0e+00  }
0x1c9: {  	v2 =	vsel vm1, v2, v3  }
0x1ca: {  	v2 =	vmul.f32 $1.442695020e+00, v2;
	_ =	sdelay $0x1  }
0x1cb: {  	(erf) = vpow2.f32 v2;
	_ =	sdelay $0x2  }
0x1cc: {  	v2 =	vld [tilespmem:s7+$0x4DD0]  }
0x1cd: {  	v3 =	vld [tilespmem:s7+$0x74E0];
	_ =	sdelay $0x4  }
0x1ce: {  	v52 =	vpop (erf)  }
0x1cf: {  	[tilespmem:s7+$0xC2F0] =	vst v52  }
0x1d0: {  	v2 =	vld.idx.msk [tilespmem:v2+s4+$0x0], $0xffff  }
0x1d1: {  	v3 =	vld.idx.msk [tilespmem:v3+s15+$0x0], $0xffff;
	_ =	sdelay $0x1  }
0x1d2: {  	v53 =	vld [tilespmem:s7+$0x9BF0];
	_ =	sdelay $0x2  }
0x1d3: {  	v2 =	vadd.f32 v3, v2;
	_ =	sdelay $0x1  }
0x1d4: {  	v2 =	vadd.f32 v53, v2;
	_ =	sdelay $0x1  }
0x1d5: {  	v3 =	vmul.f32 $2.000000030e-01, v2  }
0x1d6: {  	vm1 =	vge.f32 v2, $0.0e+00  }
0x1d7: {  	v2 =	vsel vm1, v2, v3  }
0x1d8: {  	v2 =	vmul.f32 $1.442695020e+00, v2;
	_ =	sdelay $0x1  }
0x1d9: {  	(erf) = vpow2.f32 v2;
	_ =	sdelay $0x2  }
0x1da: {  	v2 =	vld [tilespmem:s7+$0x4DE0]  }
0x1db: {  	v3 =	vld [tilespmem:s7+$0x74F0];
	_ =	sdelay $0x4  }
0x1dc: {  	v54 =	vpop (erf)  }
0x1dd: {  	[tilespmem:s7+$0xC300] =	vst v54  }
0x1de: {  	v2 =	vld.idx.msk [tilespmem:v2+s4+$0x0], $0xffff  }
0x1df: {  	v3 =	vld.idx.msk [tilespmem:v3+s15+$0x0], $0xffff;
	_ =	sdelay $0x1  }
0x1e0: {  	v55 =	vld [tilespmem:s7+$0x9C00];
	_ =	sdelay $0x2  }
0x1e1: {  	v2 =	vadd.f32 v3, v2;
	_ =	sdelay $0x1  }
0x1e2: {  	v2 =	vadd.f32 v55, v2;
	_ =	sdelay $0x1  }
0x1e3: {  	v3 =	vmul.f32 $2.000000030e-01, v2  }
0x1e4: {  	vm1 =	vge.f32 v2, $0.0e+00  }
0x1e5: {  	v2 =	vsel vm1, v2, v3  }
0x1e6: {  	v2 =	vmul.f32 $1.442695020e+00, v2;
	_ =	sdelay $0x1  }
0x1e7: {  	(erf) = vpow2.f32 v2;
	_ =	sdelay $0x2  }
0x1e8: {  	v2 =	vld [tilespmem:s7+$0x4DF0]  }
0x1e9: {  	v3 =	vld [tilespmem:s7+$0x7500];
	_ =	sdelay $0x4  }
0x1ea: {  	v56 =	vpop (erf)  }
0x1eb: {  	[tilespmem:s7+$0xC310] =	vst v56  }
0x1ec: {  	v2 =	vld.idx.msk [tilespmem:v2+s4+$0x0], $0xffff  }
0x1ed: {  	v3 =	vld.idx.msk [tilespmem:v3+s15+$0x0], $0xffff;
	_ =	sdelay $0x1  }
0x1ee: {  	v57 =	vld [tilespmem:s7+$0x9C10];
	_ =	sdelay $0x2  }
0x1ef: {  	v2 =	vadd.f32 v3, v2;
	_ =	sdelay $0x1  }
0x1f0: {  	v2 =	vadd.f32 v57, v2;
	_ =	sdelay $0x1  }
0x1f1: {  	v3 =	vmul.f32 $2.000000030e-01, v2  }
0x1f2: {  	vm1 =	vge.f32 v2, $0.0e+00  }
0x1f3: {  	v2 =	vsel vm1, v2, v3  }
0x1f4: {  	v2 =	vmul.f32 $1.442695020e+00, v2;
	_ =	sdelay $0x1  }
0x1f5: {  	(erf) = vpow2.f32 v2;
	_ =	sdelay $0x2  }
0x1f6: {  	v2 =	vld [tilespmem:s7+$0x4E00]  }
0x1f7: {  	v3 =	vld [tilespmem:s7+$0x7510];
	_ =	sdelay $0x4  }
0x1f8: {  	v58 =	vpop (erf)  }
0x1f9: {  	[tilespmem:s7+$0xC320] =	vst v58  }
0x1fa: {  	v2 =	vld.idx.msk [tilespmem:v2+s4+$0x0], $0xffff  }
0x1fb: {  	v3 =	vld.idx.msk [tilespmem:v3+s15+$0x0], $0xffff;
	_ =	sdelay $0x1  }
0x1fc: {  	v59 =	vld [tilespmem:s7+$0x9C20];
	_ =	sdelay $0x2  }
0x1fd: {  	v2 =	vadd.f32 v3, v2;
	_ =	sdelay $0x1  }
0x1fe: {  	v2 =	vadd.f32 v59, v2;
	_ =	sdelay $0x1  }
0x1ff: {  	v3 =	vmul.f32 $2.000000030e-01, v2  }
0x200: {  	vm1 =	vge.f32 v2, $0.0e+00  }
0x201: {  	v2 =	vsel vm1, v2, v3  }
0x202: {  	v2 =	vmul.f32 $1.442695020e+00, v2;
	_ =	sdelay $0x1  }
0x203: {  	(erf) = vpow2.f32 v2;
	_ =	sdelay $0x2  }
0x204: {  	v2 =	vld [tilespmem:s7+$0x4E10]  }
0x205: {  	v3 =	vld [tilespmem:s7+$0x7520];
	_ =	sdelay $0x4  }
0x206: {  	v60 =	vpop (erf)  }
0x207: {  	[tilespmem:s7+$0xC330] =	vst v60  }
0x208: {  	v2 =	vld.idx.msk [tilespmem:v2+s4+$0x0], $0xffff  }
0x209: {  	v3 =	vld.idx.msk [tilespmem:v3+s15+$0x0], $0xffff;
	_ =	sdelay $0x1  }
0x20a: {  	v61 =	vld [tilespmem:s7+$0x9C30];
	_ =	sdelay $0x2  }
0x20b: {  	v2 =	vadd.f32 v3, v2;
	_ =	sdelay $0x1  }
0x20c: {  	v2 =	vadd.f32 v61, v2;
	_ =	sdelay $0x1  }
0x20d: {  	v3 =	vmul.f32 $2.000000030e-01, v2  }
0x20e: {  	vm1 =	vge.f32 v2, $0.0e+00  }
0x20f: {  	v2 =	vsel vm1, v2, v3  }
0x210: {  	v2 =	vmul.f32 $1.442695020e+00, v2;
	_ =	sdelay $0x1  }
0x211: {  	(erf) = vpow2.f32 v2;
	_ =	sdelay $0x2  }
0x212: {  	v2 =	vld [tilespmem:s7+$0x4E20]  }
0x213: {  	v3 =	vld [tilespmem:s7+$0x7530];
	_ =	sdelay $0x4  }
0x214: {  	v62 =	vpop (erf)  }
0x215: {  	[tilespmem:s7+$0xC340] =	vst v62  }
0x216: {  	v2 =	vld.idx.msk [tilespmem:v2+s4+$0x0], $0xffff  }
0x217: {  	v3 =	vld.idx.msk [tilespmem:v3+s15+$0x0], $0xffff;
	_ =	sdelay $0x1  }
0x218: {  	v63 =	vld [tilespmem:s7+$0x9C40];
	_ =	sdelay $0x2  }
0x219: {  	v2 =	vadd.f32 v3, v2;
	_ =	sdelay $0x1  }
0x21a: {  	v2 =	vadd.f32 v63, v2;
	_ =	sdelay $0x1  }
0x21b: {  	v3 =	vmul.f32 $2.000000030e-01, v2  }
0x21c: {  	vm1 =	vge.f32 v2, $0.0e+00  }
0x21d: {  	v2 =	vsel vm1, v2, v3  }
0x21e: {  	v2 =	vmul.f32 $1.442695020e+00, v2;
	_ =	sdelay $0x1  }
0x21f: {  	(erf) = vpow2.f32 v2;
	_ =	sdelay $0x4  }
0x220: {  	p2 =	sne.s32 s1, $0x9C00  }
.Ltmp6:
0x221: {  	_ = 	snop;
	(pc) =	sbr.rel @p2 .LBB2_10-.Ltmp6, $3  }
0x222: {  	_ =	sdelay $0x1  }
0x223: {  	v2 =	vpop (erf)  }
0x224: {  	s1 =	sadd.s32 $0x640, s1;
	[tilespmem:s7+$0xC350] =	vst v2  }
.Ltmp7:
0x225: {  	(pc) =	sbr.rel .LBB2_12-.Ltmp7, $4  }
0x226: {  	_ = 	snop  }
0x227: {  	[bflag:$0x0] =	sbarrier.arrive $0xFFFF  }
0x228: {  	s0 =	simm.s32 $0x4E20;
	s30 =	simm.s32 $0x0;
	s31 =	simm.s32 $0x0  }
0x229: {  	[tilespmem:s19], [sflag:$0x1] =	stream.indirect.gather [hbm4b:s10+s17], $0x20, s0, s17, $0xb8;
	[tilespmem:$0x1F590] =	vst v63  }
.LBB2_33:
0x22a: {  	[spmem:s3] =	stream.indirect.scatter.add.f32 [tilespmem:s24], [sflag:$0x3], $0x10, s1, s17, $0xb8;
	[tilespmem:$0x1F590] =	vst v63  }
0x22b: {  	_ =	swait.ge [sflag:s28], $0x1900  }
0x22c: {  	[sflag:s28] =	ssyncset.done $0x0  }
0x22d: {  	[sflag:s28] =	ssyncadd.s32 $0xFFFFE700  }
.LBB2_34:
0x22e: {  	s31 =	sadd.s32 $0x1, s31  }
0x22f: {  	p2 =	sne.s32 s31, $0xD  }
.Ltmp8:
0x230: {  	_ = 	snop;
	(pc) =	sbr.rel @!p2 .LBB2_35-.Ltmp8, $2  }
0x231: {  	_ =	sdelay $0x2  }
0x232: {  	s30 =	sadd.s32 $0x320, s30  }
.LBB2_12:
0x233: {  	s1 =	sshllo.u32 s31, $0x1;
	p3 =	seq.s32 s31, $0x0  }
0x234: {  	s0 =	simm.s32 @!p3 $0x2;
	p2 =	sgt.u32 s1, $0x18  }
0x235: {  	s7 =	sadd.s32 $0xFFFFFFF8, s30;
	_ =	swait.ge @!p3 [sflag:s0], $0x3200;
	s8 =	smul.u32 @!p2 $0x640, s1  }
0x236: {  	s9 =	sadd.s32 $0xF, s7;
	s14 =	sadd.s32 $0x9, s7;
	[sflag:s0] =	ssyncset.done @!p3 $0x0  }
0x237: {  	s18 =	sadd.s32 $0xA, s7;
	[sflag:s0] =	ssyncadd.s32 @!p3 $0xFFFFCE00;
	s0 =	sshra.s32 @!p2 s8, $0x2  }
0x238: {  	v2 =	vmov s9;
	s9 =	simm.s32 @!p2 $0x13560;
	s8 =	simm.s32 @!p2 $0x190;
	s0 =	sadd.s32 @!p2 $0x4E20, s0  }
0x239: {  	[tilespmem:s9], [sflag:$0x2] =	stream.indirect.gather @!p2 [hbm4b:s10+s8], $0x20, s0, s8, $0xb8;
	[tilespmem:$0x1F590] =	vst v63  }
0x23a: {  	s21 =	sadd.s32 $0xB, s7;
	s22 =	sadd.s32 $0xC, s7;
	_ =	swait.ge [sflag:s16], $0x3200  }
0x23b: {  	s26 =	sadd.s32 $0xD, s7;
	s29 =	sadd.s32 $0xE, s7;
	[sflag:s16] =	ssyncset.done $0x0  }
0x23c: {  	s5 =	sadd.s32 $0x8, s7;
	s7 =	simm.s32 $0x103E0;
	[sflag:s16] =	ssyncadd.s32 $0xFFFFCE00  }
0x23d: {  	v12 =	vld [tilespmem:s7+$0xFFFFFF80]  }
0x23e: {  	v3 =	vmov s14;
	v2 =	vshrl.u32 v2, $0x3;
	v22 =	vld [tilespmem:s7+$0xFFFFFF90]  }
0x23f: {  	v4 =	vmov s18;
	v5 =	vmov s21;
	v2 =	vshll.u32 v2, v1;
	v11 =	vld [tilespmem:s7+$0xFFFFFFA0]  }
0x240: {  	v6 =	vmov s22;
	v9 =	vmov s5;
	v2 =	vadd.s32 $0x7, v2;
	v13 =	vld [tilespmem:s7+$0xFFFFFFB0]  }
0x241: {  	v7 =	vmov s26;
	v9 =	vshrl.u32 v9, $0x3;
	v2 =	vbroadcast v2, $0x0;
	v14 =	vld [tilespmem:s7+$0xFFFFFFC0]  }
0x242: {  	v8 =	vmov s29;
	v3 =	vshrl.u32 v3, $0x3;
	v9 =	vshll.u32 v9, v1;
	v20 =	vld [tilespmem:s7+$0x10]  }
0x243: {  	v4 =	vshrl.u32 v4, $0x3;
	v3 =	vshll.u32 v3, v1;
	v9 =	vbroadcast v9, $0x0;
	v26 =	vld [tilespmem:s7+$0x20]  }
0x244: {  	v5 =	vshrl.u32 v5, $0x3;
	v6 =	vshrl.u32 v6, $0x3;
	v3 =	vadd.s32 $0x1, v3;
	v28 =	vld [tilespmem:s7+$0x30]  }
0x245: {  	v7 =	vshrl.u32 v7, $0x3;
	v4 =	vshll.u32 v4, v1;
	v3 =	vbroadcast v3, $0x0;
	v29 =	vld [tilespmem:s7+$0x40]  }
0x246: {  	v8 =	vshrl.u32 v8, $0x3;
	v6 =	vshll.u32 v6, v1;
	v4 =	vadd.s32 $0x2, v4;
	v30 =	vld [tilespmem:s7+$0x50]  }
0x247: {  	v6 =	vadd.s32 $0x4, v6;
	v4 =	vbroadcast v4, $0x0;
	v10 =	vld.idx.msk [tilespmem:v2+s20+$0x0], $0xffff;
	v2 =	vshll.u32 v5, v1  }
0x248: {  	v7 =	vshll.u32 v7, v1;
	v6 =	vbroadcast v6, $0x0;
	v31 =	vld [tilespmem:s7+$0x60];
	v2 =	vadd.s32 $0x3, v2  }
0x249: {  	v8 =	vshll.u32 v8, v1;
	v7 =	vadd.s32 $0x5, v7;
	v24 =	vld.idx.msk [tilespmem:v9+s20+$0x0], $0xffff;
	v2 =	vbroadcast v2, $0x0  }
0x24a: {  	s6 =	sadd.s32 $0x0, s30;
	v8 =	vadd.s32 $0x6, v8;
	v7 =	vbroadcast v7, $0x0;
	v5 =	vld [tilespmem:s7+$0x70]  }
0x24b: {  	s22 =	sadd.s32 $0xB, s6;
	s26 =	sadd.s32 $0xD, s6;
	v8 =	vbroadcast v8, $0x0;
	s8 =	simm.s32 $0x104E0;
	v3 =	vld.idx.msk [tilespmem:v3+s20+$0x0], $0xffff  }
0x24c: {  	v17 =	vmov s22;
	v25 =	vmov s26;
	v34 =	vld [tilespmem:s8+$0x70]  }
0x24d: {  	s29 =	sadd.s32 $0xE, s6;
	v17 =	vshrl.u32 v17, $0x3;
	v25 =	vshrl.u32 v25, $0x3;
	v15 =	vld.idx.msk [tilespmem:v4+s20+$0x0], $0xffff  }
0x24e: {  	s14 =	sadd.s32 $0xF, s6;
	v27 =	vmov s29;
	v17 =	vshll.u32 v17, v1;
	v25 =	vshll.u32 v25, v1;
	s0 =	sadd.s32 $0x8, s6;
	v6 =	vld.idx.msk [tilespmem:v6+s20+$0x0], $0xffff  }
0x24f: {  	v59 =	vmov s0;
	v12 =	vmul.f32 v12, v24;
	v18 =	vld.idx.msk [tilespmem:v2+s20+$0x0], $0xffff;
	v2 =	vmov s14  }
0x250: {  	s18 =	sadd.s32 $0x9, s6;
	v19 =	vld.idx.msk [tilespmem:v7+s20+$0x0], $0xffff;
	v4 =	vmul.f32 v5, v10;
	v5 =	vmul.f32 v11, v3;
	v2 =	vshrl.u32 v2, $0x3  }
0x251: {  	s21 =	sadd.s32 $0xA, s6;
	v23 =	vld.idx.msk [tilespmem:v8+s20+$0x0], $0xffff;
	v9 =	vmul.f32 v13, v3;
	v3 =	vmov s18;
	v2 =	vshll.u32 v2, v1  }
0x252: {  	v7 =	vld [tilespmem:s7+$0xFFFFFFD0];
	v16 =	vmul.f32 v14, v15;
	v14 =	vmov s21;
	v2 =	vadd.s32 $0x7, v2  }
0x253: {  	v8 =	vld [tilespmem:s7+$0xFFFFFFE0];
	v3 =	vshrl.u32 v3, $0x3;
	v14 =	vshrl.u32 v14, $0x3;
	v2 =	vbroadcast v2, $0x0  }
0x254: {  	v11 =	vld [tilespmem:s7+$0xFFFFFFF0];
	[tilespmem:s7+$0x70] =	vst v4;
	v4 =	vshrl.u32 v27, $0x3;
	v3 =	vshll.u32 v3, v1;
	v14 =	vshll.u32 v14, v1  }
0x255: {  	v13 =	vld [tilespmem:s7+$0x0];
	[tilespmem:s7+$0xFFFFFFA0] =	vst v5;
	v5 =	vadd.s32 $0x5, v25;
	s14 =	sadd.s32 $0xC, s6;
	v3 =	vadd.s32 $0x1, v3;
	v32 =	vshll.u32 v4, v1  }
0x256: {  	[tilespmem:s7+$0xFFFFFFC0] =	vst v16;
	v16 =	vld [tilespmem:s8+$0xFFFFFFB0];
	v4 =	vadd.s32 $0x2, v14;
	v61 =	vbroadcast v5, $0x0;
	v21 =	vmov s14  }
0x257: {  	v5 =	vmul.f32 v7, v15;
	v15 =	vld [tilespmem:s8+$0xFFFFFFC0];
	v33 =	vbroadcast v3, $0x0;
	v21 =	vshrl.u32 v21, $0x3  }
0x258: {  	v14 =	vadd.s32 $0x3, v17;
	v35 =	vbroadcast v4, $0x0;
	v3 =	vld [tilespmem:s8+$0xFFFFFF80];
	v21 =	vshll.u32 v21, v1  }
0x259: {  	v63 =	vmul.f32 v20, v6;
	v60 =	vbroadcast v14, $0x0;
	v17 =	vadd.s32 $0x4, v21;
	v2 =	vld.idx.msk [tilespmem:v2+s20+$0x0], $0xffff  }
0x25a: {  	v27 =	vshrl.u32 v59, $0x3;
	[tilespmem:s7+$0xFFFFFFB0] =	vst v9;
	v4 =	vld [tilespmem:s8+$0xFFFFFF90];
	v9 =	vadd.s32 $0x6, v32;
	v36 =	vbroadcast v17, $0x0  }
0x25b: {  	[tilespmem:s7+$0x10] =	vst v63;
	v7 =	vshll.u32 v27, v1;
	v14 =	vld [tilespmem:s8+$0xFFFFFFA0];
	v62 =	vmul.f32 v13, v6;
	v17 =	vbroadcast v9, $0x0  }
0x25c: {  	[tilespmem:s7+$0xFFFFFFD0] =	vst v5;
	v8 =	vmul.f32 v8, v18;
	v9 =	vbroadcast v7, $0x0;
	v6 =	vld.idx.msk [tilespmem:v61+s20+$0x0], $0xffff  }
0x25d: {  	v20 =	vmul.f32 v28, v19;
	[tilespmem:s7+$0x0] =	vst v62;
	v11 =	vmul.f32 v11, v18;
	v18 =	vld.idx.msk [tilespmem:v33+s20+$0x0], $0xffff  }
0x25e: {  	v13 =	vmul.f32 v30, v23;
	[tilespmem:s7+$0xFFFFFFE0] =	vst v8;
	v7 =	vld.idx.msk [tilespmem:v35+s20+$0x0], $0xffff;
	v5 =	vmul.f32 v34, v2  }
0x25f: {  	v21 =	vmul.f32 v26, v19;
	v19 =	vmul.f32 v29, v23;
	v8 =	vld.idx.msk [tilespmem:v60+s20+$0x0], $0xffff;
	[tilespmem:s7+$0xFFFFFFF0] =	vst v11  }
0x260: {  	s9 =	smul.u32 $0x320, s31;
	s14 =	simm.s32 $0x8;
	v11 =	vmul.f32 v31, v10;
	v10 =	vmul.f32 v22, v24;
	[tilespmem:s8+$0x70] =	vst v5;
	v5 =	vld.idx.msk [tilespmem:v36+s20+$0x0], $0xffff  }
.LBB2_13:
0x261: {  	s0 =	sadd.s32 s14, s30;
	s14 =	sadd.s32 $0x8, s14;
	v22 =	vld.idx.msk [tilespmem:v17+s20+$0x0], $0xffff;
	[tilespmem:s7+$0x20] =	vst v21  }
0x262: {  	s18 =	sadd.s32 $0x9, s0;
	s21 =	sadd.s32 $0xF, s0;
	p3 =	slt.u32 s14, $0x188;
	v23 =	vld.idx.msk [tilespmem:v9+s20+$0x0], $0xffff;
	v9 =	vmul.f32 v14, v18;
	v14 =	vmul.f32 v16, v18;
	[tilespmem:s7+$0x30] =	vst v20  }
0x263: {  	s29 =	sadd.s32 $0xB, s0;
	s26 =	sadd.s32 $0xC, s0;
	v15 =	vmul.f32 v15, v7;
	v16 =	vmov s18;
	s18 =	sadd.s32 $0xA, s0;
	v17 =	vmov s21;
	v18 =	vld [tilespmem:s8+$0xFFFFFFD0];
	[tilespmem:s7+$0x40] =	vst v19  }
0x264: {  	s21 =	sadd.s32 $0x8, s0;
	v20 =	vmov s29;
	v19 =	vmov s18;
	s18 =	sadd.s32 $0xD, s0;
	s0 =	sadd.s32 $0xE, s0;
	v17 =	vshrl.u32 v17, $0x3;
	[tilespmem:s8+$0xFFFFFFA0] =	vst v9;
	v21 =	vld [tilespmem:s8+$0xFFFFFFE0]  }
0x265: {  	v9 =	vmov s26;
	v24 =	vmov s18;
	v17 =	vshll.u32 v17, v1;
	[tilespmem:s8+$0xFFFFFFB0] =	vst v14;
	v25 =	vld [tilespmem:s8+$0xFFFFFFF0]  }
0x266: {  	v14 =	vshrl.u32 v16, $0x3;
	v16 =	vmov s0;
	v17 =	vadd.s32 $0x7, v17;
	[tilespmem:s8+$0xFFFFFFC0] =	vst v15;
	v26 =	vld [tilespmem:s8+$0x0]  }
0x267: {  	v15 =	vshrl.u32 v19, $0x3;
	v19 =	vshrl.u32 v20, $0x3;
	v17 =	vbroadcast v17, $0x0;
	v20 =	vld [tilespmem:s8+$0x10];
	[tilespmem:s7+$0x50] =	vst v13  }
0x268: {  	v9 =	vshrl.u32 v9, $0x3;
	v16 =	vshrl.u32 v16, $0x3;
	v13 =	vshrl.u32 v24, $0x3;
	v24 =	vld [tilespmem:s8+$0x20];
	[tilespmem:s7+$0x60] =	vst v11  }
0x269: {  	v14 =	vshll.u32 v14, v1;
	v15 =	vshll.u32 v15, v1;
	v11 =	vmov s21;
	v27 =	vld [tilespmem:s8+$0x30];
	[tilespmem:s7+$0xFFFFFF80] =	vst v12  }
0x26a: {  	v9 =	vshll.u32 v9, v1;
	v13 =	vshll.u32 v13, v1;
	v12 =	vshll.u32 v19, v1;
	v19 =	vld [tilespmem:s8+$0x40];
	[tilespmem:s7+$0xFFFFFF90] =	vst v10;
	s7 =	smov.u32 s8  }
0x26b: {  	v10 =	vshrl.u32 v11, $0x3;
	v11 =	vadd.s32 $0x1, v14;
	v14 =	vshll.u32 v16, v1;
	v28 =	vld [tilespmem:s8+$0x50]  }
0x26c: {  	v9 =	vadd.s32 $0x4, v9;
	v15 =	vadd.s32 $0x2, v15;
	v12 =	vadd.s32 $0x3, v12;
	v29 =	vld [tilespmem:s8+$0x60]  }
0x26d: {  	v13 =	vadd.s32 $0x5, v13;
	v10 =	vshll.u32 v10, v1;
	v14 =	vadd.s32 $0x6, v14;
	s8 =	sadd.s32 $0x100, s8;
	v30 =	vld.idx.msk [tilespmem:v17+s20+$0x0], $0xffff  }
0x26e: {  	v31 =	vbroadcast v15, $0x0;
	v11 =	vbroadcast v11, $0x0;
	v32 =	vld [tilespmem:s8+$0x70]  }
0x26f: {  	v34 =	vbroadcast v9, $0x0;
	v12 =	vbroadcast v12, $0x0;
	v33 =	vld [tilespmem:s8+$0xFFFFFF80]  }
0x270: {  	v36 =	vbroadcast v13, $0x0;
	v17 =	vbroadcast v14, $0x0;
	v35 =	vld [tilespmem:s8+$0xFFFFFF90]  }
0x271: {  	v7 =	vmul.f32 v18, v7;
	v9 =	vbroadcast v10, $0x0;
	v14 =	vld [tilespmem:s8+$0xFFFFFFA0]  }
0x272: {  	v13 =	vmul.f32 v25, v8;
	v10 =	vmul.f32 v21, v8;
	v16 =	vld [tilespmem:s8+$0xFFFFFFB0]  }
0x273: {  	v25 =	vmul.f32 v26, v5;
	v15 =	vld [tilespmem:s8+$0xFFFFFFC0];
	v8 =	vmul.f32 v32, v30;
	[tilespmem:s7+$0xFFFFFFD0] =	vst v7  }
.Ltmp9:
0x274: {  	v26 =	vmul.f32 v20, v5;
	v21 =	vmul.f32 v24, v6;
	v18 =	vld.idx.msk [tilespmem:v11+s20+$0x0], $0xffff;
	[tilespmem:s7+$0xFFFFFFE0] =	vst v10;
	(pc) =	sbr.rel @p3 .LBB2_13-.Ltmp9, $4  }
0x275: {  	v20 =	vmul.f32 v27, v6;
	v19 =	vmul.f32 v19, v22;
	v7 =	vld.idx.msk [tilespmem:v31+s20+$0x0], $0xffff;
	[tilespmem:s8+$0x70] =	vst v8  }
0x276: {  	v11 =	vmul.f32 v29, v2;
	v2 =	vmov v30;
	v8 =	vld.idx.msk [tilespmem:v12+s20+$0x0], $0xffff;
	[tilespmem:s7+$0xFFFFFFF0] =	vst v13;
	v13 =	vmul.f32 v28, v22  }
0x277: {  	v10 =	vmul.f32 v4, v23;
	v12 =	vmul.f32 v3, v23;
	v3 =	vmov v33;
	v5 =	vld.idx.msk [tilespmem:v34+s20+$0x0], $0xffff;
	[tilespmem:s7+$0x0] =	vst v25  }
0x278: {  	v4 =	vmov v35;
	v6 =	vld.idx.msk [tilespmem:v36+s20+$0x0], $0xffff;
	[tilespmem:s7+$0x10] =	vst v26  }
0x279: {  	_ =	sdelay $0x1  }
0x27a: {  	[tilespmem:s7+$0x20] =	vst v21  }
0x27b: {  	[tilespmem:s7+$0x30] =	vst v20  }
0x27c: {  	v17 =	vld.idx.msk [tilespmem:v17+s20+$0x0], $0xffff;
	[tilespmem:s7+$0x40] =	vst v19  }
0x27d: {  	v46 =	vld [tilespmem:s8+$0xFFFFFFD0];
	[tilespmem:s7+$0x50] =	vst v13  }
0x27e: {  	v47 =	vld [tilespmem:s8+$0xFFFFFFE0];
	[tilespmem:s7+$0x60] =	vst v11  }
0x27f: {  	v14 =	vmul.f32 v14, v18;
	v48 =	vld [tilespmem:s8+$0xFFFFFFF0];
	[tilespmem:s7+$0xFFFFFF80] =	vst v12  }
0x280: {  	v16 =	vmul.f32 v16, v18;
	v49 =	vld [tilespmem:s8+$0x0];
	[tilespmem:s7+$0xFFFFFF90] =	vst v10  }
0x281: {  	v50 =	vld [tilespmem:s8+$0x10];
	v15 =	vmul.f32 v15, v7;
	[tilespmem:s8+$0xFFFFFFA0] =	vst v14  }
0x282: {  	v51 =	vld [tilespmem:s8+$0x20];
	[tilespmem:s8+$0xFFFFFFB0] =	vst v16;
	v52 =	vmul.f32 v46, v7  }
0x283: {  	v53 =	vld [tilespmem:s8+$0x30];
	[tilespmem:s8+$0xFFFFFFC0] =	vst v15;
	v54 =	vmul.f32 v47, v8  }
0x284: {  	v55 =	vld [tilespmem:s8+$0x40];
	v56 =	vmul.f32 v48, v8;
	[tilespmem:s8+$0xFFFFFFD0] =	vst v52  }
0x285: {  	v57 =	vld [tilespmem:s8+$0x50];
	v15 =	vmul.f32 v49, v5;
	[tilespmem:s8+$0xFFFFFFE0] =	vst v54  }
0x286: {  	v58 =	vld [tilespmem:s8+$0x60];
	v59 =	vmul.f32 v50, v5;
	[tilespmem:s8+$0xFFFFFFF0] =	vst v56  }
0x287: {  	v60 =	vld.idx.msk [tilespmem:v9+s20+$0x0], $0xffff;
	v61 =	vmul.f32 v51, v6;
	[tilespmem:s8+$0x0] =	vst v15  }
0x288: {  	v62 =	vmul.f32 v53, v6;
	[tilespmem:s8+$0x10] =	vst v59  }
0x289: {  	v63 =	vmul.f32 v55, v17;
	[tilespmem:s8+$0x20] =	vst v61  }
0x28a: {  	v7 =	vmul.f32 v57, v17;
	[tilespmem:s8+$0x30] =	vst v62  }
0x28b: {  	s18 =	smul.u32 $0xC80, s31;
	v2 =	vmul.f32 v58, v2;
	[tilespmem:s8+$0x40] =	vst v63  }
.Ltmp10:
0x28c: {  	v3 =	vmul.f32 v3, v60;
	[tilespmem:s8+$0x50] =	vst v7;
	(pc) =	sbr.rel @p0 .LBB2_15-.Ltmp10, $4  }
0x28d: {  	v4 =	vmul.f32 v4, v60;
	[tilespmem:s8+$0x60] =	vst v2  }
0x28e: {  	s0 =	sshra.s32 s18, $0x2;
	[tilespmem:s8+$0xFFFFFF80] =	vst v3  }
0x28f: {  	s7 =	sadd.s32 $0x7530, s0;
	[tilespmem:s8+$0xFFFFFF90] =	vst v4  }
0x290: {  	[spmem:s2] =	stream.indirect.scatter.add.f32 [tilespmem:s19], [sflag:$0x1], $0x20, s7, s17, $0xb8;
	[tilespmem:$0x1F590] =	vst v63  }
0x291: {  	s0 =	rddreg [dreg:$0x4]  }
0x292: {  	s8 =	sadd.s32 $0xFFFFFFF8, s30;
	s5 =	rddreg [dreg:$0x5]  }
0x293: {  	s29 =	simm.s32 $0xEA60;
	s0 =	sadd.s32 s0, s9;
	s26 =	sadd.s32 $0x8, s8  }
0x294: {  	s6 =	sadd.s32 $0xA, s8;
	s14 =	sadd.s32 $0xB, s8;
	s0 =	sshll.u32 s0, $0x1  }
0x295: {  	s21 =	sadd.s32 $0xC, s8;
	s22 =	sadd.s32 $0xD, s8;
	s0 =	sadd.s32 s5, s0  }
0x296: {  	v2 =	vmov s26;
	v4 =	vmov s6;
	[tilespmem:s29], [sflag:$0x4] =	stream.linear.gather [hbm4b:s0+s4], $0x1900, $0x38;
	[tilespmem:$0x1F590] =	vst v63  }
0x297: {  	v5 =	vmov s14;
	s26 =	sadd.s32 $0xE, s8;
	v6 =	vmov s21;
	v8 =	vmov s22;
	_ =	swait.ge [sflag:s23], $0x1900  }
0x298: {  	s9 =	sadd.s32 $0x0, s30;
	v2 =	vshrl.u32 v2, $0x3;
	v9 =	vmov s26;
	v8 =	vshrl.u32 v8, $0x3;
	[sflag:s23] =	ssyncset.done $0x0  }
0x299: {  	s5 =	sadd.s32 $0x9, s8;
	v6 =	vshrl.u32 v6, $0x3;
	v5 =	vshrl.u32 v5, $0x3;
	v2 =	vshll.u32 v2, v1;
	s0 =	simm.s32 $0xEAA0;
	[sflag:s23] =	ssyncadd.s32 $0xFFFFE700  }
0x29a: {  	s21 =	sadd.s32 $0xA, s9;
	s6 =	sadd.s32 $0xD, s9;
	v4 =	vshrl.u32 v4, $0x3;
	v3 =	vmov s5;
	v7 =	vbroadcast v2, $0x0;
	v2 =	vld [tilespmem:s0+$0xFFFFFFD0]  }
0x29b: {  	s22 =	sadd.s32 $0xE, s9;
	s8 =	sadd.s32 $0xF, s8;
	v21 =	vmov s21;
	v23 =	vmov s6;
	v11 =	vshrl.u32 v3, $0x3;
	v3 =	vld [tilespmem:s0+$0xFFFFFFE0]  }
0x29c: {  	v24 =	vmov s22;
	v10 =	vmov s8;
	v8 =	vshll.u32 v8, v1;
	v18 =	vld [tilespmem:s0+$0x10]  }
0x29d: {  	v9 =	vshrl.u32 v9, $0x3;
	v6 =	vshll.u32 v6, v1;
	v5 =	vshll.u32 v5, v1;
	v17 =	vld [tilespmem:s0+$0x0]  }
0x29e: {  	v12 =	vshll.u32 v4, v1;
	v10 =	vshrl.u32 v10, $0x3;
	v6 =	vadd.s32 $0x4, v6;
	v19 =	vld [tilespmem:s0+$0xFFFFFFC0]  }
0x29f: {  	s26 =	sadd.s32 $0xB, s9;
	v8 =	vadd.s32 $0x5, v8;
	v10 =	vshll.u32 v10, v1;
	v6 =	vbroadcast v6, $0x0;
	v20 =	vld [tilespmem:s0+$0xFFFFFFF0]  }
0x2a0: {  	s8 =	simm.s32 $0xEB20;
	v22 =	vmov s26;
	v8 =	vbroadcast v8, $0x0;
	v10 =	vadd.s32 $0x7, v10;
	v14 =	vld [tilespmem:s0+$0x30]  }
0x2a1: {  	v5 =	vadd.s32 $0x3, v5;
	v11 =	vshll.u32 v11, v1;
	v10 =	vbroadcast v10, $0x0;
	v4 =	vld [tilespmem:s8+$0xFFFFFFD0]  }
0x2a2: {  	v9 =	vshll.u32 v9, v1;
	v13 =	vbroadcast v5, $0x0;
	v11 =	vadd.s32 $0x1, v11;
	v5 =	vld [tilespmem:s8+$0xFFFFFFE0]  }
0x2a3: {  	s29 =	sadd.s32 $0x9, s9;
	v23 =	vshrl.u32 v23, $0x3;
	v9 =	vadd.s32 $0x6, v9;
	v11 =	vbroadcast v11, $0x0;
	v63 =	vld [tilespmem:s0+$0x20]  }
0x2a4: {  	v12 =	vadd.s32 $0x2, v12;
	v15 =	vmov s29;
	s29 =	sadd.s32 $0x8, s9;
	v9 =	vbroadcast v9, $0x0;
	v7 =	vld.idx.msk [tilespmem:v7+s20+$0x0], $0xffff  }
0x2a5: {  	s5 =	sadd.s32 $0xC, s9;
	s9 =	sadd.s32 $0xF, s9;
	v22 =	vshrl.u32 v22, $0x3;
	v25 =	vmov s29;
	v12 =	vbroadcast v12, $0x0;
	v27 =	vld.idx.msk [tilespmem:v6+s20+$0x0], $0xffff  }
0x2a6: {  	v26 =	vmov s9;
	v15 =	vshrl.u32 v15, $0x3;
	v6 =	vshrl.u32 v25, $0x3;
	v61 =	vld.idx.msk [tilespmem:v8+s20+$0x0], $0xffff  }
0x2a7: {  	v22 =	vshll.u32 v22, v1;
	v6 =	vshll.u32 v6, v1;
	v16 =	vld.idx.msk [tilespmem:v10+s20+$0x0], $0xffff;
	v10 =	vmov s5  }
0x2a8: {  	v6 =	vbroadcast v6, $0x0;
	v8 =	vshrl.u32 v10, $0x3;
	v10 =	vshll.u32 v23, v1;
	v23 =	vld.idx.msk [tilespmem:v13+s20+$0x0], $0xffff  }
0x2a9: {  	v13 =	vshrl.u32 v24, $0x3;
	v28 =	vadd.s32 $0x5, v10;
	v10 =	vld.idx.msk [tilespmem:v11+s20+$0x0], $0xffff;
	v11 =	vshll.u32 v15, v1  }
0x2aa: {  	v9 =	vld.idx.msk [tilespmem:v9+s20+$0x0], $0xffff;
	v13 =	vshll.u32 v13, v1;
	v15 =	vshrl.u32 v26, $0x3;
	v62 =	vshll.u32 v8, v1  }
0x2ab: {  	v8 =	vadd.s32 $0x6, v13;
	v13 =	vshll.u32 v15, v1;
	v15 =	vld.idx.msk [tilespmem:v12+s20+$0x0], $0xffff;
	v18 =	vmul.f32 v18, v61  }
0x2ac: {  	v12 =	vld [tilespmem:s8+$0x10];
	v13 =	vadd.s32 $0x7, v13;
	v29 =	vmul.f32 v14, v16;
	v16 =	vadd.s32 $0x1, v11  }
0x2ad: {  	s9 =	simm.s32 $0x167A0;
	v11 =	vadd.s32 $0x4, v62;
	v14 =	vbroadcast v13, $0x0;
	v13 =	vld [tilespmem:s8+$0x0];
	v20 =	vmul.f32 v20, v23  }
0x2ae: {  	v22 =	vadd.s32 $0x3, v22;
	v11 =	vbroadcast v11, $0x0;
	v6 =	vld.idx.msk [tilespmem:v6+s20+$0x0], $0xffff;
	v23 =	vmul.f32 v19, v7;
	[tilespmem:s9+$0x30] =	vst v29  }
0x2af: {  	v19 =	vmul.f32 v17, v27;
	v7 =	vld [tilespmem:s8+$0xFFFFFFC0];
	v17 =	vshrl.u32 v21, $0x3;
	[tilespmem:s9+$0xFFFFFFF0] =	vst v20;
	v20 =	vmul.f32 v63, v9  }
0x2b0: {  	s14 =	simm.s32 $0x16820;
	s21 =	simm.s32 $0xEB20;
	s0 =	simm.s32 $0x8;
	v8 =	vbroadcast v8, $0x0;
	v21 =	vshll.u32 v17, v1;
	v17 =	vbroadcast v28, $0x0;
	v9 =	vld [tilespmem:s8+$0xFFFFFFF0];
	[tilespmem:s9+$0xFFFFFFC0] =	vst v23  }
.LBB2_19:
0x2b1: {  	s26 =	sadd.s32 s0, s30;
	s0 =	sadd.s32 $0x8, s0;
	v22 =	vbroadcast v22, $0x0;
	v23 =	vld [tilespmem:s8+$0x30];
	s21 =	sadd.s32 $0x80, s21;
	v15 =	vmul.f32 v3, v15;
	[tilespmem:s9+$0x20] =	vst v20;
	v3 =	vmovc v5;
	v24 =	vmov v12  }
0x2b2: {  	v12 =	vbroadcast v16, $0x0;
	v16 =	vadd.s32 $0x2, v21;
	v10 =	vmul.f32 v2, v10;
	v2 =	vmovc v4;
	s29 =	sadd.s32 $0x9, s26;
	s22 =	sadd.s32 $0xA, s26;
	s6 =	sadd.s32 $0xB, s26;
	[tilespmem:s9+$0x0] =	vst v19;
	v4 =	vld [tilespmem:s21+$0xFFFFFFD0];
	v19 =	vmovc v13  }
0x2b3: {  	v13 =	vmov s29;
	v20 =	vmov s22;
	v21 =	vmov s6;
	s6 =	sadd.s32 $0xC, s26;
	s22 =	sadd.s32 $0xD, s26;
	s29 =	sadd.s32 $0xE, s26;
	v14 =	vld.idx.msk [tilespmem:v14+s20+$0x0], $0xffff  }
0x2b4: {  	s5 =	sadd.s32 $0x8, s26;
	p3 =	slt.u32 s0, $0x188;
	v5 =	vld [tilespmem:s21+$0xFFFFFFE0];
	v25 =	vmov s6;
	v26 =	vmov s22;
	v27 =	vmov s29;
	s6 =	sadd.s32 $0xF, s26  }
0x2b5: {  	v16 =	vbroadcast v16, $0x0;
	v28 =	vmov s5;
	v29 =	vmov s6;
	v30 =	vld.idx.msk [tilespmem:v11+s20+$0x0], $0xffff;
	[tilespmem:s9+$0x10] =	vst v18  }
0x2b6: {  	v13 =	vshrl.u32 v13, $0x3;
	v11 =	vshrl.u32 v28, $0x3;
	v18 =	vshrl.u32 v26, $0x3;
	v26 =	vld.idx.msk [tilespmem:v17+s20+$0x0], $0xffff;
	[tilespmem:s9+$0xFFFFFFE0] =	vst v15  }
0x2b7: {  	v11 =	vshll.u32 v11, v1;
	v15 =	vshrl.u32 v25, $0x3;
	v17 =	vshll.u32 v18, v1;
	v18 =	vld.idx.msk [tilespmem:v22+s20+$0x0], $0xffff;
	[tilespmem:s9+$0xFFFFFFD0] =	vst v10;
	s9 =	smov.u32 s14  }
0x2b8: {  	v22 =	vbroadcast v11, $0x0;
	v17 =	vadd.s32 $0x5, v17;
	v11 =	vshrl.u32 v27, $0x3;
	v10 =	vld.idx.msk [tilespmem:v12+s20+$0x0], $0xffff  }
0x2b9: {  	v12 =	vshll.u32 v13, v1;
	v11 =	vshll.u32 v11, v1;
	v13 =	vshrl.u32 v29, $0x3;
	v25 =	vld.idx.msk [tilespmem:v8+s20+$0x0], $0xffff  }
0x2ba: {  	v27 =	vshll.u32 v15, v1;
	v8 =	vadd.s32 $0x6, v11;
	v11 =	vshll.u32 v13, v1;
	v28 =	vld [tilespmem:s8+$0x20];
	s8 =	smov.u32 s21  }
0x2bb: {  	v23 =	vmul.f32 v23, v14;
	v8 =	vbroadcast v8, $0x0;
	v11 =	vadd.s32 $0x7, v11;
	v15 =	vld.idx.msk [tilespmem:v16+s20+$0x0], $0xffff  }
.Ltmp11:
0x2bc: {  	v13 =	vadd.s32 $0x4, v27;
	v16 =	vadd.s32 $0x1, v12;
	v14 =	vbroadcast v11, $0x0;
	v12 =	vld [tilespmem:s21+$0x10];
	(pc) =	sbr.rel @p3 .LBB2_19-.Ltmp11, $4  }
0x2bd: {  	v21 =	vshrl.u32 v21, $0x3;
	v11 =	vbroadcast v13, $0x0;
	v9 =	vmul.f32 v9, v18;
	v13 =	vld [tilespmem:s21+$0x0];
	[tilespmem:s14+$0x30] =	vst v23  }
0x2be: {  	v19 =	vmul.f32 v19, v30;
	v18 =	vshll.u32 v21, v1;
	v23 =	vmul.f32 v7, v6;
	v6 =	vld.idx.msk [tilespmem:v22+s20+$0x0], $0xffff  }
0x2bf: {  	v21 =	vshrl.u32 v20, $0x3;
	v22 =	vadd.s32 $0x3, v18;
	v7 =	vld [tilespmem:s21+$0xFFFFFFC0];
	[tilespmem:s14+$0xFFFFFFF0] =	vst v9;
	v20 =	vmul.f32 v28, v25  }
0x2c0: {  	v17 =	vbroadcast v17, $0x0;
	v21 =	vshll.u32 v21, v1;
	v18 =	vmul.f32 v24, v26;
	s14 =	sadd.s32 $0x80, s14;
	v9 =	vld [tilespmem:s21+$0xFFFFFFF0];
	[tilespmem:s9+$0xFFFFFFC0] =	vst v23  }
0x2c1: {  	_ =	sdelay $0x2  }
0x2c2: {  	v23 =	vld [tilespmem:s8+$0x30]  }
0x2c3: {  	v22 =	vbroadcast v22, $0x0;
	v14 =	vld.idx.msk [tilespmem:v14+s20+$0x0], $0xffff  }
0x2c4: {  	v21 =	vadd.s32 $0x2, v21;
	v16 =	vbroadcast v16, $0x0;
	v8 =	vld.idx.msk [tilespmem:v8+s20+$0x0], $0xffff  }
0x2c5: {  	v58 =	vld [tilespmem:s8+$0x20];
	v21 =	vbroadcast v21, $0x0  }
0x2c6: {  	[tilespmem:s9+$0x20] =	vst v20  }
0x2c7: {  	v3 =	vmul.f32 v3, v15;
	[tilespmem:s9+$0x0] =	vst v19;
	v59 =	vld.idx.msk [tilespmem:v11+s20+$0x0], $0xffff  }
0x2c8: {  	v2 =	vmul.f32 v2, v10;
	[tilespmem:s9+$0x10] =	vst v18;
	v60 =	vld.idx.msk [tilespmem:v17+s20+$0x0], $0xffff  }
0x2c9: {  	[tilespmem:s9+$0xFFFFFFE0] =	vst v3;
	v3 =	vmul.f32 v23, v14;
	v22 =	vld.idx.msk [tilespmem:v22+s20+$0x0], $0xffff  }
0x2ca: {  	[tilespmem:s9+$0xFFFFFFD0] =	vst v2;
	v62 =	vmul.f32 v58, v8;
	v61 =	vld.idx.msk [tilespmem:v16+s20+$0x0], $0xffff  }
0x2cb: {  	v2 =	vld.idx.msk [tilespmem:v21+s20+$0x0], $0xffff;
	[tilespmem:s14+$0x30] =	vst v3;
	v3 =	vmul.f32 v7, v6  }
0x2cc: {  	v63 =	vmul.f32 v13, v59;
	[tilespmem:s14+$0x20] =	vst v62  }
0x2cd: {  	[tilespmem:s14+$0xFFFFFFC0] =	vst v3;
	v3 =	vmul.f32 v12, v60  }
.Ltmp12:
0x2ce: {  	[tilespmem:s14+$0x0] =	vst v63;
	v9 =	vmul.f32 v9, v22;
	(pc) =	sbr.rel .LBB2_21-.Ltmp12, $4  }
0x2cf: {  	v4 =	vmul.f32 v4, v61;
	[tilespmem:s14+$0x10] =	vst v3  }
0x2d0: {  	v2 =	vmul.f32 v5, v2;
	[tilespmem:s14+$0xFFFFFFF0] =	vst v9  }
0x2d1: {  	[tilespmem:s14+$0xFFFFFFD0] =	vst v4  }
0x2d2: {  	[tilespmem:s14+$0xFFFFFFE0] =	vst v2  }
.LBB2_15:
0x2d3: {  	s0 =	sadd.s32 $0xFFFFFFF8, s30  }
0x2d4: {  	s5 =	sadd.s32 $0xF, s0;
	s21 =	sadd.s32 $0x9, s0;
	s22 =	sadd.s32 $0xA, s0  }
0x2d5: {  	s6 =	sadd.s32 $0xB, s0;
	s26 =	sadd.s32 $0xC, s0;
	s29 =	sadd.s32 $0xD, s0;
	v2 =	vmov s5;
	v3 =	vmov s21;
	v4 =	vmov s22  }
0x2d6: {  	s9 =	sadd.s32 $0xE, s0;
	s0 =	sadd.s32 $0x8, s0;
	v5 =	vmov s6;
	v6 =	vmov s26;
	v7 =	vmov s29  }
0x2d7: {  	v8 =	vmov s9;
	v9 =	vmov s0;
	v2 =	vshrl.u32 v2, $0x3  }
0x2d8: {  	v3 =	vshrl.u32 v3, $0x3;
	v4 =	vshrl.u32 v4, $0x3;
	v5 =	vshrl.u32 v5, $0x3  }
0x2d9: {  	v6 =	vshrl.u32 v6, $0x3;
	v7 =	vshrl.u32 v7, $0x3;
	v8 =	vshrl.u32 v8, $0x3  }
0x2da: {  	v9 =	vshrl.u32 v9, $0x3;
	v2 =	vshll.u32 v2, v1;
	v3 =	vshll.u32 v3, v1  }
0x2db: {  	s0 =	sadd.s32 $0x0, s30;
	v4 =	vshll.u32 v4, v1;
	v5 =	vshll.u32 v5, v1;
	v6 =	vshll.u32 v6, v1  }
0x2dc: {  	s14 =	sadd.s32 $0xA, s0;
	s21 =	sadd.s32 $0xB, s0;
	s22 =	sadd.s32 $0xC, s0;
	v7 =	vshll.u32 v7, v1;
	v8 =	vshll.u32 v8, v1;
	v9 =	vshll.u32 v9, v1  }
0x2dd: {  	s26 =	sadd.s32 $0xD, s0;
	s29 =	sadd.s32 $0xE, s0;
	v11 =	vmov s14;
	v13 =	vmov s21;
	v14 =	vmov s22  }
0x2de: {  	s6 =	sadd.s32 $0x9, s0;
	s9 =	sadd.s32 $0xF, s0;
	s0 =	sadd.s32 $0x8, s0;
	v15 =	vmov s26;
	v16 =	vmov s29;
	v2 =	vadd.s32 $0x7, v2  }
0x2df: {  	v62 =	vmov s0;
	v3 =	vadd.s32 $0x1, v3;
	v2 =	vbroadcast v2, $0x0  }
0x2e0: {  	v4 =	vadd.s32 $0x2, v4;
	v5 =	vadd.s32 $0x3, v5;
	v3 =	vbroadcast v3, $0x0  }
0x2e1: {  	v6 =	vadd.s32 $0x4, v6;
	v7 =	vadd.s32 $0x5, v7;
	v4 =	vbroadcast v4, $0x0  }
0x2e2: {  	v8 =	vadd.s32 $0x6, v8;
	v12 =	vbroadcast v9, $0x0;
	v5 =	vbroadcast v5, $0x0  }
0x2e3: {  	v9 =	vmov s9;
	v11 =	vshrl.u32 v11, $0x3;
	v6 =	vbroadcast v6, $0x0  }
0x2e4: {  	v13 =	vshrl.u32 v13, $0x3;
	v7 =	vbroadcast v7, $0x0;
	v9 =	vshrl.u32 v9, $0x3  }
0x2e5: {  	v10 =	vbroadcast v8, $0x0;
	v8 =	vmov s6;
	v9 =	vshll.u32 v9, v1;
	v2 =	vld.idx.msk [tilespmem:v2+s20+$0x0], $0xffff  }
0x2e6: {  	v11 =	vshll.u32 v11, v1;
	v13 =	vshll.u32 v13, v1;
	v9 =	vadd.s32 $0x7, v9;
	v3 =	vld.idx.msk [tilespmem:v3+s20+$0x0], $0xffff  }
0x2e7: {  	v8 =	vshrl.u32 v8, $0x3;
	v20 =	vadd.s32 $0x2, v11;
	v17 =	vbroadcast v9, $0x0;
	v4 =	vld.idx.msk [tilespmem:v4+s20+$0x0], $0xffff  }
0x2e8: {  	v21 =	vadd.s32 $0x3, v13;
	v8 =	vshll.u32 v8, v1;
	v9 =	vshrl.u32 v14, $0x3;
	v18 =	vld.idx.msk [tilespmem:v5+s20+$0x0], $0xffff  }
0x2e9: {  	v14 =	vshrl.u32 v15, $0x3;
	v15 =	vshrl.u32 v16, $0x3;
	v16 =	vshrl.u32 v62, $0x3;
	v5 =	vld.idx.msk [tilespmem:v6+s20+$0x0], $0xffff  }
0x2ea: {  	v19 =	vadd.s32 $0x1, v8;
	v9 =	vshll.u32 v9, v1;
	v14 =	vshll.u32 v14, v1;
	v8 =	vld.idx.msk [tilespmem:v7+s20+$0x0], $0xffff  }
0x2eb: {  	v15 =	vshll.u32 v15, v1;
	v13 =	vshll.u32 v16, v1;
	v11 =	vbroadcast v19, $0x0;
	v6 =	vld.idx.msk [tilespmem:v10+s20+$0x0], $0xffff  }
0x2ec: {  	s8 =	simm.s32 $0x167A0;
	v22 =	vadd.s32 $0x4, v9;
	v14 =	vadd.s32 $0x5, v14;
	v10 =	vld.idx.msk [tilespmem:v12+s20+$0x0], $0xffff;
	v2 =	vnsel vm0, $0x0, v2  }
0x2ed: {  	v15 =	vadd.s32 $0x6, v15;
	v9 =	vbroadcast v20, $0x0;
	v12 =	vld.idx.msk [tilespmem:v17+s20+$0x0], $0xffff;
	v63 =	vnsel vm0, $0x0, v4;
	[tilespmem:s8+$0x30] =	vst v2  }
0x2ee: {  	v7 =	vbroadcast v21, $0x0;
	v4 =	vbroadcast v14, $0x0;
	v2 =	vnsel vm0, $0x0, v3;
	[tilespmem:s8+$0xFFFFFFE0] =	vst v63  }
0x2ef: {  	s0 =	simm.s32 $0x167A0;
	s9 =	simm.s32 $0x8;
	v14 =	vnsel vm0, $0x0, v18;
	v3 =	vbroadcast v22, $0x0;
	[tilespmem:s8+$0xFFFFFFD0] =	vst v2;
	v2 =	vbroadcast v15, $0x0  }
.LBB2_16:
0x2f0: {  	s5 =	sadd.s32 s9, s30;
	s9 =	sadd.s32 $0x8, s9;
	v13 =	vbroadcast v13, $0x0;
	[tilespmem:s8+$0xFFFFFFF0] =	vst v14;
	v5 =	vnsel vm0, $0x0, v5;
	v8 =	vnsel vm0, $0x0, v8  }
0x2f1: {  	v10 =	vnsel vm0, $0x0, v10;
	s6 =	sadd.s32 $0x9, s5;
	s14 =	sadd.s32 $0xF, s5;
	p3 =	slt.u32 s9, $0x188;
	[tilespmem:s8+$0x0] =	vst v5;
	v5 =	vnsel vm0, $0x0, v6  }
0x2f2: {  	s21 =	sadd.s32 $0xB, s5;
	v12 =	vnsel vm0, $0x0, v12;
	s8 =	sadd.s32 $0x80, s8;
	v6 =	vmov s6;
	s6 =	sadd.s32 $0xA, s5;
	v14 =	vmov s14;
	[tilespmem:s0+$0x10] =	vst v8  }
0x2f3: {  	v15 =	vmov s21;
	s14 =	sadd.s32 $0xD, s5;
	s21 =	sadd.s32 $0xE, s5;
	v8 =	vmov s6;
	s6 =	sadd.s32 $0xC, s5;
	v14 =	vshrl.u32 v14, $0x3;
	v16 =	vld.idx.msk [tilespmem:v11+s20+$0x0], $0xffff;
	[tilespmem:s8+$0x30] =	vst v12  }
0x2f4: {  	s5 =	sadd.s32 $0x8, s5;
	v12 =	vmov s14;
	v11 =	vmov s6;
	v14 =	vshll.u32 v14, v1;
	v17 =	vld.idx.msk [tilespmem:v9+s20+$0x0], $0xffff;
	[tilespmem:s0+$0x20] =	vst v5  }
0x2f5: {  	v6 =	vshrl.u32 v6, $0x3;
	v9 =	vmov s21;
	v5 =	vadd.s32 $0x7, v14;
	v14 =	vld.idx.msk [tilespmem:v7+s20+$0x0], $0xffff;
	[tilespmem:s0+$0xFFFFFFC0] =	vst v10;
	s0 =	smov.u32 s8  }
0x2f6: {  	v7 =	vshrl.u32 v8, $0x3;
	v10 =	vshrl.u32 v15, $0x3;
	v15 =	vbroadcast v5, $0x0;
	v5 =	vld.idx.msk [tilespmem:v3+s20+$0x0], $0xffff  }
0x2f7: {  	v9 =	vshrl.u32 v9, $0x3;
	v3 =	vshrl.u32 v11, $0x3;
	v11 =	vshrl.u32 v12, $0x3;
	v8 =	vld.idx.msk [tilespmem:v4+s20+$0x0], $0xffff  }
0x2f8: {  	v12 =	vshll.u32 v6, v1;
	v7 =	vshll.u32 v7, v1;
	v4 =	vmov s5;
	v6 =	vld.idx.msk [tilespmem:v2+s20+$0x0], $0xffff  }
0x2f9: {  	v3 =	vshll.u32 v3, v1;
	v11 =	vshll.u32 v11, v1;
	v2 =	vshll.u32 v10, v1;
	v10 =	vld.idx.msk [tilespmem:v13+s20+$0x0], $0xffff  }
0x2fa: {  	v9 =	vshll.u32 v9, v1;
	v18 =	vadd.s32 $0x1, v12;
	v4 =	vshrl.u32 v4, $0x3  }
.Ltmp13:
0x2fb: {  	v7 =	vadd.s32 $0x2, v7;
	v3 =	vadd.s32 $0x4, v3;
	v2 =	vadd.s32 $0x3, v2;
	(pc) =	sbr.rel @p3 .LBB2_16-.Ltmp13, $4  }
0x2fc: {  	v19 =	vadd.s32 $0x6, v9;
	v13 =	vshll.u32 v4, v1;
	v4 =	vadd.s32 $0x5, v11;
	v12 =	vld.idx.msk [tilespmem:v15+s20+$0x0], $0xffff  }
0x2fd: {  	v9 =	vbroadcast v7, $0x0;
	v11 =	vbroadcast v18, $0x0;
	v15 =	vnsel vm0, $0x0, v16  }
0x2fe: {  	v3 =	vbroadcast v3, $0x0;
	v7 =	vbroadcast v2, $0x0;
	[tilespmem:s8+$0xFFFFFFD0] =	vst v15;
	v15 =	vnsel vm0, $0x0, v17  }
0x2ff: {  	v4 =	vbroadcast v4, $0x0;
	v2 =	vbroadcast v19, $0x0;
	v14 =	vnsel vm0, $0x0, v14;
	[tilespmem:s8+$0xFFFFFFE0] =	vst v15  }
0x300: {  	_ =	sdelay $0x3  }
0x301: {  	v13 =	vbroadcast v13, $0x0;
	[tilespmem:s8+$0xFFFFFFF0] =	vst v14;
	v5 =	vnsel vm0, $0x0, v5;
	v11 =	vld.idx.msk [tilespmem:v11+s20+$0x0], $0xffff  }
0x302: {  	v8 =	vnsel vm0, $0x0, v8;
	v58 =	vld.idx.msk [tilespmem:v9+s20+$0x0], $0xffff;
	[tilespmem:s8+$0x0] =	vst v5  }
0x303: {  	v7 =	vld.idx.msk [tilespmem:v7+s20+$0x0], $0xffff;
	v6 =	vnsel vm0, $0x0, v6;
	[tilespmem:s0+$0x10] =	vst v8  }
0x304: {  	v3 =	vld.idx.msk [tilespmem:v3+s20+$0x0], $0xffff;
	v60 =	vnsel vm0, $0x0, v10;
	[tilespmem:s0+$0x20] =	vst v6  }
0x305: {  	s5 =	sadd.s32 $0x80, s8;
	v59 =	vnsel vm0, $0x0, v12;
	v4 =	vld.idx.msk [tilespmem:v4+s20+$0x0], $0xffff;
	[tilespmem:s0+$0xFFFFFFC0] =	vst v60  }
0x306: {  	v2 =	vld.idx.msk [tilespmem:v2+s20+$0x0], $0xffff;
	[tilespmem:s5+$0x30] =	vst v59;
	v61 =	vnsel vm0, $0x0, v11  }
0x307: {  	v5 =	vnsel vm0, $0x0, v58;
	v62 =	vld.idx.msk [tilespmem:v13+s20+$0x0], $0xffff;
	[tilespmem:s5+$0xFFFFFFD0] =	vst v61  }
0x308: {  	v63 =	vnsel vm0, $0x0, v7;
	[tilespmem:s5+$0xFFFFFFE0] =	vst v5  }
0x309: {  	v3 =	vnsel vm0, $0x0, v3;
	[tilespmem:s5+$0xFFFFFFF0] =	vst v63  }
0x30a: {  	v4 =	vnsel vm0, $0x0, v4;
	[tilespmem:s5+$0x0] =	vst v3  }
0x30b: {  	v2 =	vnsel vm0, $0x0, v2;
	[tilespmem:s5+$0x10] =	vst v4  }
0x30c: {  	[tilespmem:s5+$0x20] =	vst v2;
	v3 =	vnsel vm0, $0x0, v62  }
0x30d: {  	[tilespmem:s5+$0xFFFFFFC0] =	vst v3  }
.LBB2_21:
.Ltmp14:
0x30e: {  	(pc) =	sbr.rel @p2 .LBB2_25-.Ltmp14, $4  }
0x30f: {  	[spmem:s3] =	stream.indirect.scatter.add.f32 [tilespmem:s24], [sflag:$0x4], $0x10, s7, s17, $0xb8;
	[tilespmem:$0x1F590] =	vst v63  }
0x310: {  	_ =	swait.ge [sflag:s23], $0x1900  }
0x311: {  	[sflag:s23] =	ssyncset.done $0x0  }
0x312: {  	[sflag:s23] =	ssyncadd.s32 $0xFFFFE700  }
0x313: {  	s0 =	sadd.s32 $0xFFFFFFF8, s30;
	_ =	swait.ge [sflag:s25], $0x3200  }
0x314: {  	s7 =	sadd.s32 $0x19C, s0;
	[sflag:s25] =	ssyncset.done $0x0  }
0x315: {  	s5 =	sadd.s32 $0x19F, s0;
	v6 =	vmov s7;
	[sflag:s25] =	ssyncadd.s32 $0xFFFFCE00;
	s7 =	simm.s32 $0x135E0  }
0x316: {  	s26 =	sadd.s32 $0x199, s0;
	v2 =	vmov s5;
	v12 =	vld [tilespmem:s7+$0xFFFFFF80]  }
0x317: {  	s29 =	sadd.s32 $0x19A, s0;
	s6 =	sadd.s32 $0x19B, s0;
	v3 =	vmov s26;
	v2 =	vshrl.u32 v2, $0x3;
	v22 =	vld [tilespmem:s7+$0xFFFFFF90]  }
0x318: {  	s8 =	sadd.s32 $0x19E, s0;
	v4 =	vmov s29;
	v5 =	vmov s6;
	s6 =	sadd.s32 $0x19D, s0;
	v11 =	vld [tilespmem:s7+$0xFFFFFFA0];
	v2 =	vshll.u32 v2, v1  }
0x319: {  	v8 =	vmov s8;
	v7 =	vmov s6;
	v13 =	vld [tilespmem:s7+$0xFFFFFFB0];
	v2 =	vadd.s32 $0x7, v2  }
0x31a: {  	v3 =	vshrl.u32 v3, $0x3;
	v4 =	vshrl.u32 v4, $0x3;
	v14 =	vld [tilespmem:s7+$0xFFFFFFC0];
	v2 =	vbroadcast v2, $0x0  }
0x31b: {  	s0 =	sadd.s32 $0x198, s0;
	v5 =	vshrl.u32 v5, $0x3;
	v6 =	vshrl.u32 v6, $0x3;
	v8 =	vshrl.u32 v8, $0x3;
	v20 =	vld [tilespmem:s7+$0x10]  }
0x31c: {  	v9 =	vmov s0;
	v26 =	vld [tilespmem:s7+$0x20];
	v7 =	vshrl.u32 v7, $0x3;
	v3 =	vshll.u32 v3, v1  }
0x31d: {  	v28 =	vld [tilespmem:s7+$0x30];
	v4 =	vshll.u32 v4, v1;
	v6 =	vshll.u32 v6, v1;
	v3 =	vadd.s32 $0x1, v3  }
0x31e: {  	v29 =	vld [tilespmem:s7+$0x40];
	v8 =	vshll.u32 v8, v1;
	v4 =	vadd.s32 $0x2, v4;
	v3 =	vbroadcast v3, $0x0  }
0x31f: {  	s0 =	sadd.s32 $0x0, s30;
	v30 =	vld [tilespmem:s7+$0x50];
	v9 =	vshrl.u32 v9, $0x3;
	v6 =	vadd.s32 $0x4, v6;
	v4 =	vbroadcast v4, $0x0  }
0x320: {  	s8 =	sadd.s32 $0x19C, s0;
	v8 =	vadd.s32 $0x6, v8;
	v6 =	vbroadcast v6, $0x0;
	v10 =	vld.idx.msk [tilespmem:v2+s20+$0x0], $0xffff;
	v2 =	vshll.u32 v5, v1  }
0x321: {  	v31 =	vld [tilespmem:s7+$0x60];
	v21 =	vmov s8;
	s8 =	simm.s32 $0x136E0;
	v8 =	vbroadcast v8, $0x0;
	v2 =	vadd.s32 $0x3, v2  }
0x322: {  	v7 =	vshll.u32 v7, v1;
	v9 =	vshll.u32 v9, v1;
	v34 =	vld [tilespmem:s8+$0x70];
	v2 =	vbroadcast v2, $0x0  }
0x323: {  	v7 =	vadd.s32 $0x5, v7;
	v9 =	vbroadcast v9, $0x0;
	v5 =	vld [tilespmem:s7+$0x70]  }
0x324: {  	s9 =	sadd.s32 $0x19F, s0;
	v7 =	vbroadcast v7, $0x0;
	v3 =	vld.idx.msk [tilespmem:v3+s20+$0x0], $0xffff  }
0x325: {  	s22 =	sadd.s32 $0x19B, s0;
	s26 =	sadd.s32 $0x19D, s0;
	s29 =	sadd.s32 $0x19E, s0;
	v15 =	vld.idx.msk [tilespmem:v4+s20+$0x0], $0xffff  }
0x326: {  	s14 =	sadd.s32 $0x199, s0;
	s21 =	sadd.s32 $0x19A, s0;
	s0 =	sadd.s32 $0x198, s0;
	v17 =	vmov s22;
	v25 =	vmov s26;
	v27 =	vmov s29;
	v6 =	vld.idx.msk [tilespmem:v6+s20+$0x0], $0xffff  }
0x327: {  	v59 =	vmov s0;
	v17 =	vshrl.u32 v17, $0x3;
	v21 =	vshrl.u32 v21, $0x3;
	v23 =	vld.idx.msk [tilespmem:v8+s20+$0x0], $0xffff  }
0x328: {  	v25 =	vshrl.u32 v25, $0x3;
	v17 =	vshll.u32 v17, v1;
	v18 =	vld.idx.msk [tilespmem:v2+s20+$0x0], $0xffff;
	v2 =	vmov s9  }
0x329: {  	v21 =	vshll.u32 v21, v1;
	v25 =	vshll.u32 v25, v1;
	v24 =	vld.idx.msk [tilespmem:v9+s20+$0x0], $0xffff;
	v2 =	vshrl.u32 v2, $0x3  }
0x32a: {  	v19 =	vld.idx.msk [tilespmem:v7+s20+$0x0], $0xffff;
	v4 =	vmul.f32 v5, v10;
	v5 =	vmul.f32 v11, v3;
	v2 =	vshll.u32 v2, v1  }
0x32b: {  	v7 =	vld [tilespmem:s7+$0xFFFFFFD0];
	v9 =	vmul.f32 v13, v3;
	v3 =	vmov s14;
	v2 =	vadd.s32 $0x7, v2  }
0x32c: {  	v8 =	vld [tilespmem:s7+$0xFFFFFFE0];
	v16 =	vmul.f32 v14, v15;
	v14 =	vmov s21;
	v2 =	vbroadcast v2, $0x0  }
0x32d: {  	v11 =	vld [tilespmem:s7+$0xFFFFFFF0];
	v3 =	vshrl.u32 v3, $0x3;
	v14 =	vshrl.u32 v14, $0x3;
	[tilespmem:s7+$0x70] =	vst v4;
	v4 =	vshrl.u32 v27, $0x3  }
0x32e: {  	v13 =	vld [tilespmem:s7+$0x0];
	v3 =	vshll.u32 v3, v1;
	v14 =	vshll.u32 v14, v1;
	[tilespmem:s7+$0xFFFFFFA0] =	vst v5;
	v5 =	vadd.s32 $0x5, v25  }
0x32f: {  	[tilespmem:s7+$0xFFFFFFC0] =	vst v16;
	v16 =	vld [tilespmem:s8+$0xFFFFFFB0];
	v3 =	vadd.s32 $0x1, v3;
	v32 =	vshll.u32 v4, v1;
	v61 =	vbroadcast v5, $0x0  }
0x330: {  	v4 =	vadd.s32 $0x2, v14;
	v5 =	vmul.f32 v7, v15;
	v15 =	vld [tilespmem:s8+$0xFFFFFFC0];
	v33 =	vbroadcast v3, $0x0  }
0x331: {  	v63 =	vmul.f32 v20, v6;
	v14 =	vadd.s32 $0x3, v17;
	v35 =	vbroadcast v4, $0x0;
	v3 =	vld [tilespmem:s8+$0xFFFFFF80]  }
0x332: {  	v12 =	vmul.f32 v12, v24;
	v17 =	vadd.s32 $0x4, v21;
	v60 =	vbroadcast v14, $0x0;
	v2 =	vld.idx.msk [tilespmem:v2+s20+$0x0], $0xffff  }
0x333: {  	v27 =	vshrl.u32 v59, $0x3;
	[tilespmem:s7+$0xFFFFFFB0] =	vst v9;
	v36 =	vbroadcast v17, $0x0;
	v4 =	vld [tilespmem:s8+$0xFFFFFF90];
	v9 =	vadd.s32 $0x6, v32  }
0x334: {  	[tilespmem:s7+$0x10] =	vst v63;
	v7 =	vshll.u32 v27, v1;
	v14 =	vld [tilespmem:s8+$0xFFFFFFA0];
	v17 =	vbroadcast v9, $0x0;
	v62 =	vmul.f32 v13, v6  }
0x335: {  	v9 =	vbroadcast v7, $0x0;
	[tilespmem:s7+$0xFFFFFFD0] =	vst v5;
	v8 =	vmul.f32 v8, v18;
	v6 =	vld.idx.msk [tilespmem:v61+s20+$0x0], $0xffff  }
0x336: {  	v20 =	vmul.f32 v28, v19;
	[tilespmem:s7+$0x0] =	vst v62;
	v11 =	vmul.f32 v11, v18;
	v18 =	vld.idx.msk [tilespmem:v33+s20+$0x0], $0xffff  }
0x337: {  	v21 =	vmul.f32 v26, v19;
	[tilespmem:s7+$0xFFFFFFE0] =	vst v8;
	v7 =	vld.idx.msk [tilespmem:v35+s20+$0x0], $0xffff;
	v5 =	vmul.f32 v34, v2  }
0x338: {  	v19 =	vmul.f32 v29, v23;
	v13 =	vmul.f32 v30, v23;
	v8 =	vld.idx.msk [tilespmem:v60+s20+$0x0], $0xffff;
	[tilespmem:s7+$0xFFFFFFF0] =	vst v11  }
0x339: {  	s9 =	simm.s32 $0x8;
	v11 =	vmul.f32 v31, v10;
	v10 =	vmul.f32 v22, v24;
	[tilespmem:s8+$0x70] =	vst v5;
	v5 =	vld.idx.msk [tilespmem:v36+s20+$0x0], $0xffff  }
.LBB2_23:
0x33a: {  	s0 =	sadd.s32 s9, s30;
	s9 =	sadd.s32 $0x8, s9;
	v22 =	vld.idx.msk [tilespmem:v17+s20+$0x0], $0xffff;
	[tilespmem:s7+$0x20] =	vst v21  }
0x33b: {  	s5 =	sadd.s32 $0x199, s0;
	s6 =	sadd.s32 $0x19F, s0;
	p3 =	slt.u32 s9, $0x188;
	v23 =	vld.idx.msk [tilespmem:v9+s20+$0x0], $0xffff;
	v9 =	vmul.f32 v14, v18;
	v14 =	vmul.f32 v16, v18;
	[tilespmem:s7+$0x30] =	vst v20  }
0x33c: {  	s14 =	sadd.s32 $0x19B, s0;
	s21 =	sadd.s32 $0x19C, s0;
	v15 =	vmul.f32 v15, v7;
	v16 =	vmov s5;
	s5 =	sadd.s32 $0x19A, s0;
	v17 =	vmov s6;
	v18 =	vld [tilespmem:s8+$0xFFFFFFD0];
	[tilespmem:s7+$0x40] =	vst v19  }
0x33d: {  	s6 =	sadd.s32 $0x198, s0;
	v20 =	vmov s14;
	v19 =	vmov s5;
	s5 =	sadd.s32 $0x19D, s0;
	s0 =	sadd.s32 $0x19E, s0;
	v17 =	vshrl.u32 v17, $0x3;
	[tilespmem:s8+$0xFFFFFFA0] =	vst v9;
	v21 =	vld [tilespmem:s8+$0xFFFFFFE0]  }
0x33e: {  	v9 =	vmov s21;
	v24 =	vmov s5;
	v17 =	vshll.u32 v17, v1;
	[tilespmem:s8+$0xFFFFFFB0] =	vst v14;
	v25 =	vld [tilespmem:s8+$0xFFFFFFF0]  }
0x33f: {  	v14 =	vshrl.u32 v16, $0x3;
	v16 =	vmov s0;
	v17 =	vadd.s32 $0x7, v17;
	[tilespmem:s8+$0xFFFFFFC0] =	vst v15;
	v26 =	vld [tilespmem:s8+$0x0]  }
0x340: {  	v15 =	vshrl.u32 v19, $0x3;
	v19 =	vshrl.u32 v20, $0x3;
	v17 =	vbroadcast v17, $0x0;
	v20 =	vld [tilespmem:s8+$0x10];
	[tilespmem:s7+$0x50] =	vst v13  }
0x341: {  	v9 =	vshrl.u32 v9, $0x3;
	v16 =	vshrl.u32 v16, $0x3;
	v13 =	vshrl.u32 v24, $0x3;
	v24 =	vld [tilespmem:s8+$0x20];
	[tilespmem:s7+$0x60] =	vst v11  }
0x342: {  	v14 =	vshll.u32 v14, v1;
	v15 =	vshll.u32 v15, v1;
	v11 =	vmov s6;
	v27 =	vld [tilespmem:s8+$0x30];
	[tilespmem:s7+$0xFFFFFF80] =	vst v12  }
0x343: {  	v9 =	vshll.u32 v9, v1;
	v13 =	vshll.u32 v13, v1;
	v12 =	vshll.u32 v19, v1;
	v19 =	vld [tilespmem:s8+$0x40];
	[tilespmem:s7+$0xFFFFFF90] =	vst v10;
	s7 =	smov.u32 s8  }
0x344: {  	v10 =	vshrl.u32 v11, $0x3;
	v11 =	vadd.s32 $0x1, v14;
	v14 =	vshll.u32 v16, v1;
	v28 =	vld [tilespmem:s8+$0x50]  }
0x345: {  	v9 =	vadd.s32 $0x4, v9;
	v15 =	vadd.s32 $0x2, v15;
	v12 =	vadd.s32 $0x3, v12;
	v29 =	vld [tilespmem:s8+$0x60]  }
0x346: {  	v13 =	vadd.s32 $0x5, v13;
	v10 =	vshll.u32 v10, v1;
	v14 =	vadd.s32 $0x6, v14;
	s8 =	sadd.s32 $0x100, s8;
	v30 =	vld.idx.msk [tilespmem:v17+s20+$0x0], $0xffff  }
0x347: {  	v31 =	vbroadcast v15, $0x0;
	v11 =	vbroadcast v11, $0x0;
	v32 =	vld [tilespmem:s8+$0x70]  }
0x348: {  	v34 =	vbroadcast v9, $0x0;
	v12 =	vbroadcast v12, $0x0;
	v33 =	vld [tilespmem:s8+$0xFFFFFF80]  }
0x349: {  	v36 =	vbroadcast v13, $0x0;
	v17 =	vbroadcast v14, $0x0;
	v35 =	vld [tilespmem:s8+$0xFFFFFF90]  }
0x34a: {  	v7 =	vmul.f32 v18, v7;
	v9 =	vbroadcast v10, $0x0;
	v14 =	vld [tilespmem:s8+$0xFFFFFFA0]  }
0x34b: {  	v13 =	vmul.f32 v25, v8;
	v10 =	vmul.f32 v21, v8;
	v16 =	vld [tilespmem:s8+$0xFFFFFFB0]  }
0x34c: {  	v25 =	vmul.f32 v26, v5;
	v15 =	vld [tilespmem:s8+$0xFFFFFFC0];
	v8 =	vmul.f32 v32, v30;
	[tilespmem:s7+$0xFFFFFFD0] =	vst v7  }
.Ltmp15:
0x34d: {  	v26 =	vmul.f32 v20, v5;
	v21 =	vmul.f32 v24, v6;
	v18 =	vld.idx.msk [tilespmem:v11+s20+$0x0], $0xffff;
	[tilespmem:s7+$0xFFFFFFE0] =	vst v10;
	(pc) =	sbr.rel @p3 .LBB2_23-.Ltmp15, $4  }
0x34e: {  	v20 =	vmul.f32 v27, v6;
	v19 =	vmul.f32 v19, v22;
	v7 =	vld.idx.msk [tilespmem:v31+s20+$0x0], $0xffff;
	[tilespmem:s8+$0x70] =	vst v8  }
0x34f: {  	v11 =	vmul.f32 v29, v2;
	v2 =	vmov v30;
	v8 =	vld.idx.msk [tilespmem:v12+s20+$0x0], $0xffff;
	[tilespmem:s7+$0xFFFFFFF0] =	vst v13;
	v13 =	vmul.f32 v28, v22  }
0x350: {  	v10 =	vmul.f32 v4, v23;
	v12 =	vmul.f32 v3, v23;
	v3 =	vmov v33;
	v5 =	vld.idx.msk [tilespmem:v34+s20+$0x0], $0xffff;
	[tilespmem:s7+$0x0] =	vst v25  }
0x351: {  	v4 =	vmov v35;
	v6 =	vld.idx.msk [tilespmem:v36+s20+$0x0], $0xffff;
	[tilespmem:s7+$0x10] =	vst v26  }
0x352: {  	_ =	sdelay $0x1  }
0x353: {  	[tilespmem:s7+$0x20] =	vst v21  }
0x354: {  	[tilespmem:s7+$0x30] =	vst v20  }
0x355: {  	v17 =	vld.idx.msk [tilespmem:v17+s20+$0x0], $0xffff;
	[tilespmem:s7+$0x40] =	vst v19  }
0x356: {  	v46 =	vld [tilespmem:s8+$0xFFFFFFD0];
	[tilespmem:s7+$0x50] =	vst v13  }
0x357: {  	v47 =	vld [tilespmem:s8+$0xFFFFFFE0];
	[tilespmem:s7+$0x60] =	vst v11  }
0x358: {  	v14 =	vmul.f32 v14, v18;
	v48 =	vld [tilespmem:s8+$0xFFFFFFF0];
	[tilespmem:s7+$0xFFFFFF80] =	vst v12  }
0x359: {  	v16 =	vmul.f32 v16, v18;
	v49 =	vld [tilespmem:s8+$0x0];
	[tilespmem:s7+$0xFFFFFF90] =	vst v10  }
0x35a: {  	v50 =	vld [tilespmem:s8+$0x10];
	v15 =	vmul.f32 v15, v7;
	[tilespmem:s8+$0xFFFFFFA0] =	vst v14  }
0x35b: {  	v51 =	vld [tilespmem:s8+$0x20];
	[tilespmem:s8+$0xFFFFFFB0] =	vst v16;
	v52 =	vmul.f32 v46, v7  }
0x35c: {  	v53 =	vld [tilespmem:s8+$0x30];
	[tilespmem:s8+$0xFFFFFFC0] =	vst v15;
	v54 =	vmul.f32 v47, v8  }
0x35d: {  	v55 =	vld [tilespmem:s8+$0x40];
	v56 =	vmul.f32 v48, v8;
	[tilespmem:s8+$0xFFFFFFD0] =	vst v52  }
0x35e: {  	v57 =	vld [tilespmem:s8+$0x50];
	v15 =	vmul.f32 v49, v5;
	[tilespmem:s8+$0xFFFFFFE0] =	vst v54  }
0x35f: {  	v58 =	vld [tilespmem:s8+$0x60];
	v59 =	vmul.f32 v50, v5;
	[tilespmem:s8+$0xFFFFFFF0] =	vst v56  }
0x360: {  	v60 =	vld.idx.msk [tilespmem:v9+s20+$0x0], $0xffff;
	v61 =	vmul.f32 v51, v6;
	[tilespmem:s8+$0x0] =	vst v15  }
0x361: {  	v62 =	vmul.f32 v53, v6;
	[tilespmem:s8+$0x10] =	vst v59  }
0x362: {  	v63 =	vmul.f32 v55, v17;
	[tilespmem:s8+$0x20] =	vst v61  }
0x363: {  	v7 =	vmul.f32 v57, v17;
	[tilespmem:s8+$0x30] =	vst v62  }
0x364: {  	v2 =	vmul.f32 v58, v2;
	[tilespmem:s8+$0x40] =	vst v63  }
0x365: {  	v3 =	vmul.f32 v3, v60;
	[tilespmem:s8+$0x50] =	vst v7  }
0x366: {  	v4 =	vmul.f32 v4, v60;
	[tilespmem:s8+$0x60] =	vst v2  }
0x367: {  	[tilespmem:s8+$0xFFFFFF80] =	vst v3  }
0x368: {  	[tilespmem:s8+$0xFFFFFF90] =	vst v4  }
.LBB2_25:
.Ltmp16:
0x369: {  	(pc) =	sbr.rel @p2 .LBB2_34-.Ltmp16, $4  }
0x36a: {  	_ =	swait.ge [sflag:s16], $0x3200;
	p3 =	seq.s32 s31, $0xC  }
0x36b: {  	[sflag:s16] =	ssyncset.done $0x0;
	s0 =	sshra.s32 @!p3 s18, $0x2;
	s5 =	simm.s32 @!p3 $0x190  }
0x36c: {  	s6 =	simm.s32 @!p3 $0x10360;
	[sflag:s16] =	ssyncadd.s32 $0xFFFFCE00;
	s0 =	sadd.s32 @!p3 $0x5140, s0  }
0x36d: {  	[tilespmem:s6], [sflag:$0x1] =	stream.indirect.gather @!p3 [hbm4b:s10+s5], $0x20, s0, s5, $0xb8;
	[tilespmem:$0x1F590] =	vst v63  }
.Ltmp17:
0x36e: {  	(pc) =	sbr.rel @p0 .LBB2_27-.Ltmp17, $3  }
0x36f: {  	s0 =	smul.u32 $0x190, s1;
	_ =	sdelay $0x1  }
0x370: {  	s5 =	simm.s32 $0x13560;
	s1 =	sadd.s32 $0x7530, s0  }
0x371: {  	[spmem:s2] =	stream.indirect.scatter.add.f32 [tilespmem:s5], [sflag:$0x2], $0x20, s1, s17, $0xb8;
	[tilespmem:$0x1F590] =	vst v63  }
0x372: {  	s5 =	rddreg [dreg:$0x4]  }
0x373: {  	s18 =	sadd.s32 $0xFFFFFFF8, s30;
	s6 =	rddreg [dreg:$0x5]  }
0x374: {  	s7 =	simm.s32 $0xEA60;
	s0 =	sadd.s32 s5, s0;
	s21 =	sadd.s32 $0x198, s18  }
0x375: {  	s22 =	sadd.s32 $0x199, s18;
	s26 =	sadd.s32 $0x19A, s18;
	s0 =	sshll.u32 s0, $0x1  }
0x376: {  	s29 =	sadd.s32 $0x19B, s18;
	s8 =	sadd.s32 $0x19C, s18;
	s0 =	sadd.s32 s6, s0  }
0x377: {  	v2 =	vmov s21;
	v3 =	vmov s22;
	[tilespmem:s7], [sflag:$0x4] =	stream.linear.gather [hbm4b:s0+s4], $0x1900, $0x38;
	[tilespmem:$0x1F590] =	vst v63  }
0x378: {  	s9 =	sadd.s32 $0x19D, s18;
	s14 =	sadd.s32 $0x19E, s18;
	v4 =	vmov s26;
	v5 =	vmov s29;
	v6 =	vmov s8;
	_ =	swait.ge [sflag:s23], $0x1900  }
0x379: {  	s5 =	sadd.s32 $0x19F, s18;
	v8 =	vmov s9;
	v9 =	vmov s14;
	v2 =	vshrl.u32 v2, $0x3;
	[sflag:s23] =	ssyncset.done $0x0  }
0x37a: {  	v10 =	vmov s5;
	v11 =	vshrl.u32 v3, $0x3;
	v2 =	vshll.u32 v2, v1;
	s0 =	simm.s32 $0xEAA0;
	[sflag:s23] =	ssyncadd.s32 $0xFFFFE700  }
0x37b: {  	s18 =	sadd.s32 $0x0, s30;
	v8 =	vshrl.u32 v8, $0x3;
	v10 =	vshrl.u32 v10, $0x3;
	v7 =	vbroadcast v2, $0x0;
	v2 =	vld [tilespmem:s0+$0xFFFFFFD0]  }
0x37c: {  	s21 =	sadd.s32 $0x199, s18;
	s8 =	sadd.s32 $0x19A, s18;
	v6 =	vshrl.u32 v6, $0x3;
	v9 =	vshrl.u32 v9, $0x3;
	v5 =	vshrl.u32 v5, $0x3;
	v3 =	vld [tilespmem:s0+$0xFFFFFFE0]  }
0x37d: {  	s9 =	sadd.s32 $0x19B, s18;
	s26 =	sadd.s32 $0x19D, s18;
	v4 =	vshrl.u32 v4, $0x3;
	v15 =	vmov s21;
	v21 =	vmov s8;
	v18 =	vld [tilespmem:s0+$0x10]  }
0x37e: {  	v22 =	vmov s9;
	v23 =	vmov s26;
	v10 =	vshll.u32 v10, v1;
	v17 =	vld [tilespmem:s0+$0x0]  }
0x37f: {  	v8 =	vshll.u32 v8, v1;
	v6 =	vshll.u32 v6, v1;
	v10 =	vadd.s32 $0x7, v10;
	v19 =	vld [tilespmem:s0+$0xFFFFFFC0]  }
0x380: {  	v11 =	vshll.u32 v11, v1;
	v6 =	vadd.s32 $0x4, v6;
	v10 =	vbroadcast v10, $0x0;
	v20 =	vld [tilespmem:s0+$0xFFFFFFF0]  }
0x381: {  	v5 =	vshll.u32 v5, v1;
	s7 =	simm.s32 $0xEB20;
	v8 =	vadd.s32 $0x5, v8;
	v6 =	vbroadcast v6, $0x0;
	v14 =	vld [tilespmem:s0+$0x30]  }
0x382: {  	v12 =	vshll.u32 v4, v1;
	v5 =	vadd.s32 $0x3, v5;
	v8 =	vbroadcast v8, $0x0;
	v4 =	vld [tilespmem:s7+$0xFFFFFFD0]  }
0x383: {  	s29 =	sadd.s32 $0x19E, s18;
	v9 =	vshll.u32 v9, v1;
	v11 =	vadd.s32 $0x1, v11;
	v13 =	vbroadcast v5, $0x0;
	v5 =	vld [tilespmem:s7+$0xFFFFFFE0]  }
0x384: {  	s14 =	sadd.s32 $0x198, s18;
	v24 =	vmov s29;
	v9 =	vadd.s32 $0x6, v9;
	v11 =	vbroadcast v11, $0x0;
	v63 =	vld [tilespmem:s0+$0x20]  }
0x385: {  	s5 =	sadd.s32 $0x19F, s18;
	v25 =	vmov s14;
	v12 =	vadd.s32 $0x2, v12;
	v9 =	vbroadcast v9, $0x0;
	v7 =	vld.idx.msk [tilespmem:v7+s20+$0x0], $0xffff  }
0x386: {  	s22 =	sadd.s32 $0x19C, s18;
	v26 =	vmov s5;
	v15 =	vshrl.u32 v15, $0x3;
	v12 =	vbroadcast v12, $0x0;
	v16 =	vld.idx.msk [tilespmem:v10+s20+$0x0], $0xffff  }
0x387: {  	v23 =	vshrl.u32 v23, $0x3;
	v10 =	vmov s22;
	v27 =	vld.idx.msk [tilespmem:v6+s20+$0x0], $0xffff;
	v6 =	vshrl.u32 v25, $0x3  }
0x388: {  	v22 =	vshrl.u32 v22, $0x3;
	v61 =	vld.idx.msk [tilespmem:v8+s20+$0x0], $0xffff;
	v6 =	vshll.u32 v6, v1;
	v8 =	vshrl.u32 v10, $0x3  }
0x389: {  	v10 =	vshll.u32 v23, v1;
	v23 =	vld.idx.msk [tilespmem:v13+s20+$0x0], $0xffff;
	v13 =	vshrl.u32 v24, $0x3;
	v6 =	vbroadcast v6, $0x0  }
0x38a: {  	v28 =	vadd.s32 $0x5, v10;
	v10 =	vld.idx.msk [tilespmem:v11+s20+$0x0], $0xffff;
	v11 =	vshll.u32 v15, v1;
	v13 =	vshll.u32 v13, v1  }
0x38b: {  	v9 =	vld.idx.msk [tilespmem:v9+s20+$0x0], $0xffff;
	v15 =	vshrl.u32 v26, $0x3;
	v62 =	vshll.u32 v8, v1;
	v8 =	vadd.s32 $0x6, v13  }
0x38c: {  	v22 =	vshll.u32 v22, v1;
	v13 =	vshll.u32 v15, v1;
	v15 =	vld.idx.msk [tilespmem:v12+s20+$0x0], $0xffff;
	v8 =	vbroadcast v8, $0x0  }
0x38d: {  	v12 =	vld [tilespmem:s7+$0x10];
	v13 =	vadd.s32 $0x7, v13;
	v29 =	vmul.f32 v14, v16;
	v16 =	vadd.s32 $0x1, v11  }
0x38e: {  	s8 =	simm.s32 $0x167A0;
	v11 =	vadd.s32 $0x4, v62;
	v14 =	vbroadcast v13, $0x0;
	v13 =	vld [tilespmem:s7+$0x0];
	v20 =	vmul.f32 v20, v23  }
0x38f: {  	v22 =	vadd.s32 $0x3, v22;
	v11 =	vbroadcast v11, $0x0;
	v23 =	vmul.f32 v19, v7;
	v7 =	vld [tilespmem:s7+$0xFFFFFFC0];
	[tilespmem:s8+$0x30] =	vst v29  }
0x390: {  	v19 =	vmul.f32 v17, v27;
	v17 =	vshrl.u32 v21, $0x3;
	v6 =	vld.idx.msk [tilespmem:v6+s20+$0x0], $0xffff;
	[tilespmem:s8+$0xFFFFFFF0] =	vst v20;
	v20 =	vmul.f32 v63, v9  }
0x391: {  	s9 =	simm.s32 $0x16820;
	s14 =	simm.s32 $0xEB20;
	s0 =	simm.s32 $0x8;
	v18 =	vmul.f32 v18, v61;
	v21 =	vshll.u32 v17, v1;
	v17 =	vbroadcast v28, $0x0;
	v9 =	vld [tilespmem:s7+$0xFFFFFFF0];
	[tilespmem:s8+$0xFFFFFFC0] =	vst v23  }
.LBB2_31:
0x392: {  	s5 =	sadd.s32 s0, s30;
	s0 =	sadd.s32 $0x8, s0;
	v22 =	vbroadcast v22, $0x0;
	v23 =	vld [tilespmem:s7+$0x30];
	s14 =	sadd.s32 $0x80, s14;
	v15 =	vmul.f32 v3, v15;
	[tilespmem:s8+$0x20] =	vst v20;
	v3 =	vmovc v5;
	v24 =	vmov v12  }
0x393: {  	v12 =	vbroadcast v16, $0x0;
	v16 =	vadd.s32 $0x2, v21;
	v10 =	vmul.f32 v2, v10;
	v2 =	vmovc v4;
	s6 =	sadd.s32 $0x199, s5;
	s18 =	sadd.s32 $0x19A, s5;
	s21 =	sadd.s32 $0x19B, s5;
	[tilespmem:s8+$0x0] =	vst v19;
	v4 =	vld [tilespmem:s14+$0xFFFFFFD0];
	v19 =	vmovc v13  }
0x394: {  	v13 =	vmov s6;
	v20 =	vmov s18;
	v21 =	vmov s21;
	s6 =	sadd.s32 $0x19C, s5;
	s18 =	sadd.s32 $0x19D, s5;
	s21 =	sadd.s32 $0x19E, s5;
	v14 =	vld.idx.msk [tilespmem:v14+s20+$0x0], $0xffff  }
0x395: {  	s22 =	sadd.s32 $0x198, s5;
	p2 =	slt.u32 s0, $0x188;
	s5 =	sadd.s32 $0x19F, s5;
	v5 =	vld [tilespmem:s14+$0xFFFFFFE0];
	v25 =	vmov s6;
	v26 =	vmov s18;
	v27 =	vmov s21  }
0x396: {  	v16 =	vbroadcast v16, $0x0;
	v28 =	vmov s22;
	v29 =	vmov s5;
	v30 =	vld.idx.msk [tilespmem:v11+s20+$0x0], $0xffff;
	[tilespmem:s8+$0x10] =	vst v18  }
0x397: {  	v13 =	vshrl.u32 v13, $0x3;
	v11 =	vshrl.u32 v28, $0x3;
	v18 =	vshrl.u32 v26, $0x3;
	v26 =	vld.idx.msk [tilespmem:v17+s20+$0x0], $0xffff;
	[tilespmem:s8+$0xFFFFFFE0] =	vst v15  }
0x398: {  	v11 =	vshll.u32 v11, v1;
	v15 =	vshrl.u32 v25, $0x3;
	v17 =	vshll.u32 v18, v1;
	v18 =	vld.idx.msk [tilespmem:v22+s20+$0x0], $0xffff;
	[tilespmem:s8+$0xFFFFFFD0] =	vst v10;
	s8 =	smov.u32 s9  }
0x399: {  	v22 =	vbroadcast v11, $0x0;
	v17 =	vadd.s32 $0x5, v17;
	v11 =	vshrl.u32 v27, $0x3;
	v10 =	vld.idx.msk [tilespmem:v12+s20+$0x0], $0xffff  }
0x39a: {  	v12 =	vshll.u32 v13, v1;
	v11 =	vshll.u32 v11, v1;
	v13 =	vshrl.u32 v29, $0x3;
	v25 =	vld.idx.msk [tilespmem:v8+s20+$0x0], $0xffff  }
0x39b: {  	v27 =	vshll.u32 v15, v1;
	v8 =	vadd.s32 $0x6, v11;
	v11 =	vshll.u32 v13, v1;
	v28 =	vld [tilespmem:s7+$0x20];
	s7 =	smov.u32 s14  }
0x39c: {  	v23 =	vmul.f32 v23, v14;
	v8 =	vbroadcast v8, $0x0;
	v11 =	vadd.s32 $0x7, v11;
	v15 =	vld.idx.msk [tilespmem:v16+s20+$0x0], $0xffff  }
.Ltmp18:
0x39d: {  	v13 =	vadd.s32 $0x4, v27;
	v16 =	vadd.s32 $0x1, v12;
	v14 =	vbroadcast v11, $0x0;
	v12 =	vld [tilespmem:s14+$0x10];
	(pc) =	sbr.rel @p2 .LBB2_31-.Ltmp18, $4  }
0x39e: {  	v21 =	vshrl.u32 v21, $0x3;
	v11 =	vbroadcast v13, $0x0;
	v9 =	vmul.f32 v9, v18;
	v13 =	vld [tilespmem:s14+$0x0];
	[tilespmem:s9+$0x30] =	vst v23  }
0x39f: {  	v19 =	vmul.f32 v19, v30;
	v18 =	vshll.u32 v21, v1;
	v23 =	vmul.f32 v7, v6;
	v6 =	vld.idx.msk [tilespmem:v22+s20+$0x0], $0xffff  }
0x3a0: {  	v21 =	vshrl.u32 v20, $0x3;
	v22 =	vadd.s32 $0x3, v18;
	v7 =	vld [tilespmem:s14+$0xFFFFFFC0];
	[tilespmem:s9+$0xFFFFFFF0] =	vst v9;
	v20 =	vmul.f32 v28, v25  }
0x3a1: {  	v17 =	vbroadcast v17, $0x0;
	v21 =	vshll.u32 v21, v1;
	v18 =	vmul.f32 v24, v26;
	s9 =	sadd.s32 $0x80, s9;
	v9 =	vld [tilespmem:s14+$0xFFFFFFF0];
	[tilespmem:s8+$0xFFFFFFC0] =	vst v23  }
0x3a2: {  	_ =	sdelay $0x2  }
0x3a3: {  	v23 =	vld [tilespmem:s7+$0x30]  }
0x3a4: {  	v22 =	vbroadcast v22, $0x0;
	v14 =	vld.idx.msk [tilespmem:v14+s20+$0x0], $0xffff  }
0x3a5: {  	v21 =	vadd.s32 $0x2, v21;
	v16 =	vbroadcast v16, $0x0;
	v8 =	vld.idx.msk [tilespmem:v8+s20+$0x0], $0xffff  }
0x3a6: {  	v58 =	vld [tilespmem:s7+$0x20];
	v21 =	vbroadcast v21, $0x0  }
0x3a7: {  	[tilespmem:s8+$0x20] =	vst v20  }
0x3a8: {  	v3 =	vmul.f32 v3, v15;
	[tilespmem:s8+$0x0] =	vst v19;
	v59 =	vld.idx.msk [tilespmem:v11+s20+$0x0], $0xffff  }
0x3a9: {  	v2 =	vmul.f32 v2, v10;
	[tilespmem:s8+$0x10] =	vst v18;
	v60 =	vld.idx.msk [tilespmem:v17+s20+$0x0], $0xffff  }
0x3aa: {  	[tilespmem:s8+$0xFFFFFFE0] =	vst v3;
	v3 =	vmul.f32 v23, v14;
	v22 =	vld.idx.msk [tilespmem:v22+s20+$0x0], $0xffff  }
0x3ab: {  	[tilespmem:s8+$0xFFFFFFD0] =	vst v2;
	v62 =	vmul.f32 v58, v8;
	v61 =	vld.idx.msk [tilespmem:v16+s20+$0x0], $0xffff  }
0x3ac: {  	v2 =	vld.idx.msk [tilespmem:v21+s20+$0x0], $0xffff;
	[tilespmem:s9+$0x30] =	vst v3;
	v3 =	vmul.f32 v7, v6  }
0x3ad: {  	v63 =	vmul.f32 v13, v59;
	[tilespmem:s9+$0x20] =	vst v62  }
0x3ae: {  	[tilespmem:s9+$0xFFFFFFC0] =	vst v3;
	v3 =	vmul.f32 v12, v60  }
.Ltmp19:
0x3af: {  	[tilespmem:s9+$0x0] =	vst v63;
	v9 =	vmul.f32 v9, v22;
	(pc) =	sbr.rel .LBB2_33-.Ltmp19, $4  }
0x3b0: {  	v4 =	vmul.f32 v4, v61;
	[tilespmem:s9+$0x10] =	vst v3  }
0x3b1: {  	v2 =	vmul.f32 v5, v2;
	[tilespmem:s9+$0xFFFFFFF0] =	vst v9  }
0x3b2: {  	[tilespmem:s9+$0xFFFFFFD0] =	vst v4  }
0x3b3: {  	[tilespmem:s9+$0xFFFFFFE0] =	vst v2  }
.LBB2_27:
0x3b4: {  	s0 =	sadd.s32 $0xFFFFFFF8, s30  }
0x3b5: {  	s5 =	sadd.s32 $0x19F, s0;
	s21 =	sadd.s32 $0x199, s0;
	s22 =	sadd.s32 $0x19A, s0  }
0x3b6: {  	s6 =	sadd.s32 $0x19B, s0;
	s26 =	sadd.s32 $0x19C, s0;
	s29 =	sadd.s32 $0x19D, s0;
	v2 =	vmov s5;
	v3 =	vmov s21;
	v4 =	vmov s22  }
0x3b7: {  	s8 =	sadd.s32 $0x19E, s0;
	s0 =	sadd.s32 $0x198, s0;
	v5 =	vmov s6;
	v6 =	vmov s26;
	v7 =	vmov s29  }
0x3b8: {  	v8 =	vmov s8;
	v9 =	vmov s0;
	v2 =	vshrl.u32 v2, $0x3  }
0x3b9: {  	v3 =	vshrl.u32 v3, $0x3;
	v4 =	vshrl.u32 v4, $0x3;
	v5 =	vshrl.u32 v5, $0x3  }
0x3ba: {  	v6 =	vshrl.u32 v6, $0x3;
	v7 =	vshrl.u32 v7, $0x3;
	v8 =	vshrl.u32 v8, $0x3  }
0x3bb: {  	v9 =	vshrl.u32 v9, $0x3;
	v2 =	vshll.u32 v2, v1;
	v3 =	vshll.u32 v3, v1  }
0x3bc: {  	s0 =	sadd.s32 $0x0, s30;
	v4 =	vshll.u32 v4, v1;
	v5 =	vshll.u32 v5, v1;
	v6 =	vshll.u32 v6, v1  }
0x3bd: {  	s18 =	sadd.s32 $0x19A, s0;
	s21 =	sadd.s32 $0x19B, s0;
	s22 =	sadd.s32 $0x19C, s0;
	v7 =	vshll.u32 v7, v1;
	v8 =	vshll.u32 v8, v1;
	v9 =	vshll.u32 v9, v1  }
0x3be: {  	s26 =	sadd.s32 $0x19D, s0;
	s29 =	sadd.s32 $0x19E, s0;
	v11 =	vmov s18;
	v13 =	vmov s21;
	v14 =	vmov s22  }
0x3bf: {  	s9 =	sadd.s32 $0x199, s0;
	s14 =	sadd.s32 $0x19F, s0;
	s0 =	sadd.s32 $0x198, s0;
	v15 =	vmov s26;
	v16 =	vmov s29;
	v2 =	vadd.s32 $0x7, v2  }
0x3c0: {  	v62 =	vmov s0;
	v3 =	vadd.s32 $0x1, v3;
	v2 =	vbroadcast v2, $0x0  }
0x3c1: {  	v4 =	vadd.s32 $0x2, v4;
	v5 =	vadd.s32 $0x3, v5;
	v3 =	vbroadcast v3, $0x0  }
0x3c2: {  	v6 =	vadd.s32 $0x4, v6;
	v7 =	vadd.s32 $0x5, v7;
	v4 =	vbroadcast v4, $0x0  }
0x3c3: {  	v8 =	vadd.s32 $0x6, v8;
	v12 =	vbroadcast v9, $0x0;
	v5 =	vbroadcast v5, $0x0  }
0x3c4: {  	v9 =	vmov s14;
	v11 =	vshrl.u32 v11, $0x3;
	v6 =	vbroadcast v6, $0x0  }
0x3c5: {  	v13 =	vshrl.u32 v13, $0x3;
	v7 =	vbroadcast v7, $0x0;
	v9 =	vshrl.u32 v9, $0x3  }
0x3c6: {  	v10 =	vbroadcast v8, $0x0;
	v8 =	vmov s9;
	v9 =	vshll.u32 v9, v1;
	v2 =	vld.idx.msk [tilespmem:v2+s20+$0x0], $0xffff  }
0x3c7: {  	v11 =	vshll.u32 v11, v1;
	v13 =	vshll.u32 v13, v1;
	v9 =	vadd.s32 $0x7, v9;
	v3 =	vld.idx.msk [tilespmem:v3+s20+$0x0], $0xffff  }
0x3c8: {  	v8 =	vshrl.u32 v8, $0x3;
	v20 =	vadd.s32 $0x2, v11;
	v17 =	vbroadcast v9, $0x0;
	v4 =	vld.idx.msk [tilespmem:v4+s20+$0x0], $0xffff  }
0x3c9: {  	v21 =	vadd.s32 $0x3, v13;
	v8 =	vshll.u32 v8, v1;
	v9 =	vshrl.u32 v14, $0x3;
	v18 =	vld.idx.msk [tilespmem:v5+s20+$0x0], $0xffff  }
0x3ca: {  	v14 =	vshrl.u32 v15, $0x3;
	v15 =	vshrl.u32 v16, $0x3;
	v16 =	vshrl.u32 v62, $0x3;
	v5 =	vld.idx.msk [tilespmem:v6+s20+$0x0], $0xffff  }
0x3cb: {  	v19 =	vadd.s32 $0x1, v8;
	v9 =	vshll.u32 v9, v1;
	v14 =	vshll.u32 v14, v1;
	v8 =	vld.idx.msk [tilespmem:v7+s20+$0x0], $0xffff  }
0x3cc: {  	v15 =	vshll.u32 v15, v1;
	v13 =	vshll.u32 v16, v1;
	v11 =	vbroadcast v19, $0x0;
	v6 =	vld.idx.msk [tilespmem:v10+s20+$0x0], $0xffff  }
0x3cd: {  	s7 =	simm.s32 $0x167A0;
	v22 =	vadd.s32 $0x4, v9;
	v14 =	vadd.s32 $0x5, v14;
	v10 =	vld.idx.msk [tilespmem:v12+s20+$0x0], $0xffff;
	v2 =	vnsel vm0, $0x0, v2  }
0x3ce: {  	v15 =	vadd.s32 $0x6, v15;
	v9 =	vbroadcast v20, $0x0;
	v12 =	vld.idx.msk [tilespmem:v17+s20+$0x0], $0xffff;
	v63 =	vnsel vm0, $0x0, v4;
	[tilespmem:s7+$0x30] =	vst v2  }
0x3cf: {  	v7 =	vbroadcast v21, $0x0;
	v4 =	vbroadcast v14, $0x0;
	v2 =	vnsel vm0, $0x0, v3;
	[tilespmem:s7+$0xFFFFFFE0] =	vst v63  }
0x3d0: {  	s8 =	simm.s32 $0x8;
	s0 =	simm.s32 $0x167A0;
	v14 =	vnsel vm0, $0x0, v18;
	v3 =	vbroadcast v22, $0x0;
	[tilespmem:s7+$0xFFFFFFD0] =	vst v2;
	v2 =	vbroadcast v15, $0x0  }
.LBB2_28:
0x3d1: {  	s5 =	sadd.s32 s8, s30;
	s8 =	sadd.s32 $0x8, s8;
	v13 =	vbroadcast v13, $0x0;
	[tilespmem:s7+$0xFFFFFFF0] =	vst v14;
	v5 =	vnsel vm0, $0x0, v5;
	v8 =	vnsel vm0, $0x0, v8  }
0x3d2: {  	v10 =	vnsel vm0, $0x0, v10;
	s6 =	sadd.s32 $0x199, s5;
	s9 =	sadd.s32 $0x19F, s5;
	p2 =	slt.u32 s8, $0x188;
	[tilespmem:s7+$0x0] =	vst v5;
	v5 =	vnsel vm0, $0x0, v6  }
0x3d3: {  	s14 =	sadd.s32 $0x19B, s5;
	v12 =	vnsel vm0, $0x0, v12;
	s7 =	sadd.s32 $0x80, s7;
	v6 =	vmov s6;
	s6 =	sadd.s32 $0x19A, s5;
	v14 =	vmov s9;
	[tilespmem:s0+$0x10] =	vst v8  }
0x3d4: {  	v15 =	vmov s14;
	s9 =	sadd.s32 $0x19D, s5;
	s14 =	sadd.s32 $0x19E, s5;
	v8 =	vmov s6;
	s6 =	sadd.s32 $0x19C, s5;
	v14 =	vshrl.u32 v14, $0x3;
	v16 =	vld.idx.msk [tilespmem:v11+s20+$0x0], $0xffff;
	[tilespmem:s7+$0x30] =	vst v12  }
0x3d5: {  	s5 =	sadd.s32 $0x198, s5;
	v12 =	vmov s9;
	v11 =	vmov s6;
	v14 =	vshll.u32 v14, v1;
	v17 =	vld.idx.msk [tilespmem:v9+s20+$0x0], $0xffff;
	[tilespmem:s0+$0x20] =	vst v5  }
0x3d6: {  	v6 =	vshrl.u32 v6, $0x3;
	v9 =	vmov s14;
	v5 =	vadd.s32 $0x7, v14;
	v14 =	vld.idx.msk [tilespmem:v7+s20+$0x0], $0xffff;
	[tilespmem:s0+$0xFFFFFFC0] =	vst v10;
	s0 =	smov.u32 s7  }
0x3d7: {  	v7 =	vshrl.u32 v8, $0x3;
	v10 =	vshrl.u32 v15, $0x3;
	v15 =	vbroadcast v5, $0x0;
	v5 =	vld.idx.msk [tilespmem:v3+s20+$0x0], $0xffff  }
0x3d8: {  	v9 =	vshrl.u32 v9, $0x3;
	v3 =	vshrl.u32 v11, $0x3;
	v11 =	vshrl.u32 v12, $0x3;
	v8 =	vld.idx.msk [tilespmem:v4+s20+$0x0], $0xffff  }
0x3d9: {  	v12 =	vshll.u32 v6, v1;
	v7 =	vshll.u32 v7, v1;
	v4 =	vmov s5;
	v6 =	vld.idx.msk [tilespmem:v2+s20+$0x0], $0xffff  }
0x3da: {  	v3 =	vshll.u32 v3, v1;
	v11 =	vshll.u32 v11, v1;
	v2 =	vshll.u32 v10, v1;
	v10 =	vld.idx.msk [tilespmem:v13+s20+$0x0], $0xffff  }
0x3db: {  	v9 =	vshll.u32 v9, v1;
	v18 =	vadd.s32 $0x1, v12;
	v4 =	vshrl.u32 v4, $0x3  }
.Ltmp20:
0x3dc: {  	v7 =	vadd.s32 $0x2, v7;
	v3 =	vadd.s32 $0x4, v3;
	v2 =	vadd.s32 $0x3, v2;
	(pc) =	sbr.rel @p2 .LBB2_28-.Ltmp20, $4  }
0x3dd: {  	v19 =	vadd.s32 $0x6, v9;
	v13 =	vshll.u32 v4, v1;
	v4 =	vadd.s32 $0x5, v11;
	v12 =	vld.idx.msk [tilespmem:v15+s20+$0x0], $0xffff  }
0x3de: {  	v9 =	vbroadcast v7, $0x0;
	v11 =	vbroadcast v18, $0x0;
	v15 =	vnsel vm0, $0x0, v16  }
0x3df: {  	v3 =	vbroadcast v3, $0x0;
	v7 =	vbroadcast v2, $0x0;
	[tilespmem:s7+$0xFFFFFFD0] =	vst v15;
	v15 =	vnsel vm0, $0x0, v17  }
0x3e0: {  	v4 =	vbroadcast v4, $0x0;
	v2 =	vbroadcast v19, $0x0;
	v14 =	vnsel vm0, $0x0, v14;
	[tilespmem:s7+$0xFFFFFFE0] =	vst v15  }
0x3e1: {  	_ =	sdelay $0x3  }
0x3e2: {  	v13 =	vbroadcast v13, $0x0;
	[tilespmem:s7+$0xFFFFFFF0] =	vst v14;
	v5 =	vnsel vm0, $0x0, v5;
	v11 =	vld.idx.msk [tilespmem:v11+s20+$0x0], $0xffff  }
0x3e3: {  	v8 =	vnsel vm0, $0x0, v8;
	v58 =	vld.idx.msk [tilespmem:v9+s20+$0x0], $0xffff;
	[tilespmem:s7+$0x0] =	vst v5  }
0x3e4: {  	v7 =	vld.idx.msk [tilespmem:v7+s20+$0x0], $0xffff;
	v6 =	vnsel vm0, $0x0, v6;
	[tilespmem:s0+$0x10] =	vst v8  }
0x3e5: {  	v3 =	vld.idx.msk [tilespmem:v3+s20+$0x0], $0xffff;
	v60 =	vnsel vm0, $0x0, v10;
	[tilespmem:s0+$0x20] =	vst v6  }
0x3e6: {  	s5 =	sadd.s32 $0x80, s7;
	v59 =	vnsel vm0, $0x0, v12;
	v4 =	vld.idx.msk [tilespmem:v4+s20+$0x0], $0xffff;
	[tilespmem:s0+$0xFFFFFFC0] =	vst v60  }
0x3e7: {  	v2 =	vld.idx.msk [tilespmem:v2+s20+$0x0], $0xffff;
	[tilespmem:s5+$0x30] =	vst v59;
	v61 =	vnsel vm0, $0x0, v11  }
0x3e8: {  	v5 =	vnsel vm0, $0x0, v58;
	v62 =	vld.idx.msk [tilespmem:v13+s20+$0x0], $0xffff;
	[tilespmem:s5+$0xFFFFFFD0] =	vst v61  }
0x3e9: {  	v63 =	vnsel vm0, $0x0, v7;
	[tilespmem:s5+$0xFFFFFFE0] =	vst v5  }
.Ltmp21:
0x3ea: {  	v3 =	vnsel vm0, $0x0, v3;
	[tilespmem:s5+$0xFFFFFFF0] =	vst v63;
	(pc) =	sbr.rel .LBB2_33-.Ltmp21, $4  }
0x3eb: {  	v4 =	vnsel vm0, $0x0, v4;
	[tilespmem:s5+$0x0] =	vst v3  }
0x3ec: {  	v2 =	vnsel vm0, $0x0, v2;
	[tilespmem:s5+$0x10] =	vst v4  }
0x3ed: {  	[tilespmem:s5+$0x20] =	vst v2;
	v3 =	vnsel vm0, $0x0, v62  }
0x3ee: {  	[tilespmem:s5+$0xFFFFFFC0] =	vst v3  }
.LBB2_35:
0x3ef: {  	s0 =	stileid.u32  }
0x3f0: {  	[bflag:$0x0] =	sbarrier.arrive $0xFFFF;
	s0 =	sshll.u32 @!p1 s0, $0x6  }
0x3f1: {  	s30 =	sor.u32 @!p1 $0x1C03, s0;
	s0 =	rddreg [dreg:$0xd]  }
0x3f2: {  	s31 =	sshrl.u32 @!p1 s0, $0x3;
	s0 =	rddreg [dreg:$0x9]  }
0x3f3: {  	[hbm:s0], [sflag:s30] =	dma.local @!p1 [spmem:s31], $0xFA0  }
0x3f4: {  	s0 =	simm.s32 @!p1 $0x3  }
0x3f5: {  	_ =	swait.ge @!p1 [sflag:s0], $0xFA0  }
0x3f6: {  	[sflag:s0] =	ssyncset.done @!p1 $0x0;
	s1 =	rddreg [dreg:$0xe]  }
0x3f7: {  	s5 =	rddreg [dreg:$0x1b];
	[sflag:s0] =	ssyncadd.s32 @!p1 $0xFFFFF060  }
0x3f8: {  	[hbm:s1], [sflag:s30] =	dma.local @!p1 [spmem:s5], $0x7D0  }
0x3f9: {  	_ =	swait.ge @!p1 [sflag:s0], $0x7D0  }
0x3fa: {  	[sflag:s0] =	ssyncset.done @!p1 $0x0  }
0x3fb: {  	[sflag:s0] =	ssyncadd.s32 @!p1 $0xFFFFF830  }
0x3fc: {  	s0 =	simm.s32 $0x103E0;
	[bflag:$0x0] =	sbarrier.arrive $0xFFFF  }
0x3fd: {  	[tilespmem:s0+$0xFFFFFF80] =	vst v0  }
0x3fe: {  	[tilespmem:s0+$0x70] =	vst v0  }
0x3ff: {  	[tilespmem:s0+$0x60] =	vst v0  }
0x400: {  	[tilespmem:s0+$0x50] =	vst v0  }
0x401: {  	[tilespmem:s0+$0x40] =	vst v0  }
0x402: {  	[tilespmem:s0+$0x30] =	vst v0  }
0x403: {  	[tilespmem:s0+$0x20] =	vst v0  }
0x404: {  	[tilespmem:s0+$0x10] =	vst v0  }
0x405: {  	[tilespmem:s0+$0x0] =	vst v0  }
0x406: {  	[tilespmem:s0+$0xFFFFFFF0] =	vst v0  }
0x407: {  	[tilespmem:s0+$0xFFFFFFE0] =	vst v0  }
0x408: {  	[tilespmem:s0+$0xFFFFFFD0] =	vst v0  }
0x409: {  	[tilespmem:s0+$0xFFFFFFC0] =	vst v0  }
0x40a: {  	[tilespmem:s0+$0xFFFFFFB0] =	vst v0  }
0x40b: {  	s1 =	simm.s32 $0x0;
	[tilespmem:s0+$0xFFFFFFA0] =	vst v0  }
.LBB2_36:
0x40c: {  	s1 =	sadd.s32 $0x8, s1;
	[tilespmem:s0+$0xFFFFFF90] =	vst v0;
	s0 =	sadd.s32 $0x100, s0  }
0x40d: {  	[tilespmem:s0+$0xFFFFFF80] =	vst v0;
	p2 =	slt.u32 s1, $0x188  }
0x40e: {  	[tilespmem:s0+$0x70] =	vst v0  }
0x40f: {  	[tilespmem:s0+$0x60] =	vst v0  }
0x410: {  	[tilespmem:s0+$0x50] =	vst v0  }
0x411: {  	[tilespmem:s0+$0x40] =	vst v0  }
0x412: {  	[tilespmem:s0+$0x30] =	vst v0  }
0x413: {  	[tilespmem:s0+$0x20] =	vst v0  }
0x414: {  	[tilespmem:s0+$0x10] =	vst v0  }
0x415: {  	[tilespmem:s0+$0x0] =	vst v0  }
0x416: {  	[tilespmem:s0+$0xFFFFFFF0] =	vst v0  }
.Ltmp22:
0x417: {  	[tilespmem:s0+$0xFFFFFFE0] =	vst v0;
	(pc) =	sbr.rel @p2 .LBB2_36-.Ltmp22, $4  }
0x418: {  	[tilespmem:s0+$0xFFFFFFD0] =	vst v0  }
0x419: {  	[tilespmem:s0+$0xFFFFFFC0] =	vst v0  }
0x41a: {  	[tilespmem:s0+$0xFFFFFFB0] =	vst v0  }
0x41b: {  	[tilespmem:s0+$0xFFFFFFA0] =	vst v0  }
0x41c: {  	[tilespmem:s0+$0xFFFFFF90] =	vst v0  }
0x41d: {  	s0 =	simm.s32 @!p1 $0x10360;
	s1 =	rddreg [dreg:$0x10]  }
0x41e: {  	[spmem:s1] =	stream.linear.scatter @!p1 [tilespmem:s0], [sflag:$0x2], $0x1900, $0x38;
	[tilespmem:$0x1F590] =	vst v63  }
0x41f: {  	s1 =	rddreg [dreg:$0x1c]  }
0x420: {  	[spmem:s1] =	stream.linear.scatter @!p1 [tilespmem:s0], [sflag:$0x2], $0x1900, $0x38;
	[tilespmem:$0x1F590] =	vst v63  }
0x421: {  	s1 =	rddreg [dreg:$0x1d]  }
0x422: {  	[spmem:s1] =	stream.linear.scatter @!p1 [tilespmem:s0], [sflag:$0x2], $0x1900, $0x38;
	[tilespmem:$0x1F590] =	vst v63  }
0x423: {  	s1 =	rddreg [dreg:$0x1e]  }
0x424: {  	[spmem:s1] =	stream.linear.scatter @!p1 [tilespmem:s0], [sflag:$0x2], $0x1900, $0x38;
	[tilespmem:$0x1F590] =	vst v63  }
0x425: {  	s1 =	rddreg [dreg:$0x1f]  }
0x426: {  	[spmem:s1] =	stream.linear.scatter @!p1 [tilespmem:s0], [sflag:$0x2], $0x1900, $0x38;
	[tilespmem:$0x1F590] =	vst v63  }
0x427: {  	s0 =	simm.s32 @!p1 $0x2  }
0x428: {  	_ =	swait.ge @!p1 [sflag:s0], $0x1900  }
0x429: {  	[sflag:s0] =	ssyncset.done @!p1 $0x0  }
0x42a: {  	[sflag:s0] =	ssyncadd.s32 @!p1 $0xFFFFE700  }
0x42b: {  	_ =	swait.ge @!p1 [sflag:s0], $0x1900  }
0x42c: {  	[sflag:s0] =	ssyncset.done @!p1 $0x0  }
0x42d: {  	[sflag:s0] =	ssyncadd.s32 @!p1 $0xFFFFE700  }
0x42e: {  	_ =	swait.ge @!p1 [sflag:s0], $0x1900  }
0x42f: {  	[sflag:s0] =	ssyncset.done @!p1 $0x0  }
0x430: {  	[sflag:s0] =	ssyncadd.s32 @!p1 $0xFFFFE700  }
0x431: {  	_ =	swait.ge @!p1 [sflag:s0], $0x1900  }
0x432: {  	[sflag:s0] =	ssyncset.done @!p1 $0x0  }
0x433: {  	[sflag:s0] =	ssyncadd.s32 @!p1 $0xFFFFE700  }
.Ltmp23:
0x434: {  	_ =	swait.ge @!p1 [sflag:s0], $0x1900;
	(pc) =	sbr.rel .LBB2_38-.Ltmp23, $4  }
0x435: {  	[sflag:s0] =	ssyncset.done @!p1 $0x0  }
0x436: {  	s29 =	simm.s32 $0x4E20;
	[sflag:s0] =	ssyncadd.s32 @!p1 $0xFFFFE700  }
0x437: {  	s18 =	simm.s32 $0x0;
	s1 =	simm.s32 $0x0;
	[bflag:$0x0] =	sbarrier.arrive $0xFFFF  }
0x438: {  	[tilespmem:s19], [sflag:$0x1] =	stream.indirect.gather [hbm4b:s11+s17], $0x20, s29, s17, $0xb8;
	[tilespmem:$0x1F590] =	vst v63  }
.LBB2_44:
0x439: {  	_ =	swait.ge [sflag:s16], $0x3200;
	p3 =	seq.s32 s18, $0xC;
	s18 =	sadd.s32 $0x1, s18  }
0x43a: {  	[sflag:s16] =	ssyncset.done $0x0;
	s0 =	sshra.s32 @!p3 s8, $0x2;
	s5 =	simm.s32 @!p3 $0x190  }
0x43b: {  	s6 =	simm.s32 @!p3 $0x10360;
	[sflag:s16] =	ssyncadd.s32 $0xFFFFCE00;
	s0 =	sadd.s32 @!p3 $0x5140, s0  }
0x43c: {  	[tilespmem:s6], [sflag:$0x1] =	stream.indirect.gather @!p3 [hbm4b:s11+s5], $0x20, s0, s5, $0xb8;
	[tilespmem:$0x1F590] =	vst v63  }
0x43d: {  	s0 =	sadd.s32 @!p2 $0x7530, s7;
	s5 =	simm.s32 @!p2 $0x190;
	s6 =	simm.s32 @!p2 $0x13560  }
0x43e: {  	[spmem:s2] =	stream.indirect.scatter.add.f32 @!p2 [tilespmem:s6], [sflag:$0x2], $0x20, s0, s5, $0xb8;
	[tilespmem:$0x1F590] =	vst v63  }
0x43f: {  	p2 =	sne.s32 s18, $0xD  }
.Ltmp24:
0x440: {  	_ = 	snop;
	(pc) =	sbr.rel @!p2 .LBB2_45-.Ltmp24, $2  }
0x441: {  	_ =	sdelay $0x2  }
0x442: {  	s1 =	sadd.s32 $0x320, s1  }
.LBB2_38:
0x443: {  	s0 =	sshllo.u32 s18, $0x1  }
0x444: {  	p3 =	seq.s32 s18, $0x0;
	p2 =	sgt.u32 s0, $0x18  }
0x445: {  	s6 =	sadd.s32 $0xFFFFFFF8, s1;
	s5 =	simm.s32 @!p3 $0x2;
	s0 =	smul.u32 @!p2 $0x640, s0  }
0x446: {  	s7 =	sadd.s32 $0xF, s6;
	_ =	swait.ge @!p3 [sflag:s5], $0x3200  }
0x447: {  	v2 =	vmov s7;
	s8 =	simm.s32 @!p2 $0x13560;
	[sflag:s5] =	ssyncset.done @!p3 $0x0;
	s7 =	sshra.s32 @!p2 s0, $0x2  }
0x448: {  	[sflag:s5] =	ssyncadd.s32 @!p3 $0xFFFFCE00;
	s5 =	simm.s32 @!p2 $0x190;
	s0 =	sadd.s32 @!p2 $0x4E20, s7  }
0x449: {  	[tilespmem:s8], [sflag:$0x2] =	stream.indirect.gather @!p2 [hbm4b:s11+s5], $0x20, s0, s5, $0xb8;
	[tilespmem:$0x1F590] =	vst v63  }
0x44a: {  	_ =	swait.ge [sflag:s16], $0x3200  }
0x44b: {  	s9 =	sadd.s32 $0x9, s6;
	[sflag:s16] =	ssyncset.done $0x0  }
0x44c: {  	s14 =	sadd.s32 $0xA, s6;
	s8 =	simm.s32 $0x103E0;
	[sflag:s16] =	ssyncadd.s32 $0xFFFFCE00  }
0x44d: {  	s21 =	sadd.s32 $0xB, s6;
	s22 =	sadd.s32 $0xC, s6;
	v3 =	vmov s9;
	v4 =	vmov s14;
	v12 =	vld [tilespmem:s8+$0xFFFFFF80]  }
0x44e: {  	s26 =	sadd.s32 $0xD, s6;
	s29 =	sadd.s32 $0xE, s6;
	v5 =	vmov s21;
	v6 =	vmov s22;
	v2 =	vshrl.u32 v2, $0x3;
	v22 =	vld [tilespmem:s8+$0xFFFFFF90]  }
0x44f: {  	s6 =	sadd.s32 $0x8, s6;
	v7 =	vmov s26;
	v8 =	vmov s29;
	v2 =	vshll.u32 v2, v1;
	v11 =	vld [tilespmem:s8+$0xFFFFFFA0]  }
0x450: {  	v9 =	vmov s6;
	v3 =	vshrl.u32 v3, $0x3;
	v2 =	vadd.s32 $0x7, v2;
	v13 =	vld [tilespmem:s8+$0xFFFFFFB0]  }
0x451: {  	v4 =	vshrl.u32 v4, $0x3;
	v9 =	vshrl.u32 v9, $0x3;
	v2 =	vbroadcast v2, $0x0;
	v14 =	vld [tilespmem:s8+$0xFFFFFFC0]  }
0x452: {  	v5 =	vshrl.u32 v5, $0x3;
	v6 =	vshrl.u32 v6, $0x3;
	v9 =	vshll.u32 v9, v1;
	v20 =	vld [tilespmem:s8+$0x10]  }
0x453: {  	v7 =	vshrl.u32 v7, $0x3;
	v3 =	vshll.u32 v3, v1;
	v9 =	vbroadcast v9, $0x0;
	v26 =	vld [tilespmem:s8+$0x20]  }
0x454: {  	v8 =	vshrl.u32 v8, $0x3;
	v4 =	vshll.u32 v4, v1;
	v3 =	vadd.s32 $0x1, v3;
	v28 =	vld [tilespmem:s8+$0x30]  }
0x455: {  	v6 =	vshll.u32 v6, v1;
	v4 =	vadd.s32 $0x2, v4;
	v3 =	vbroadcast v3, $0x0;
	v29 =	vld [tilespmem:s8+$0x40]  }
0x456: {  	v7 =	vshll.u32 v7, v1;
	v6 =	vadd.s32 $0x4, v6;
	v4 =	vbroadcast v4, $0x0;
	v30 =	vld [tilespmem:s8+$0x50]  }
0x457: {  	v7 =	vadd.s32 $0x5, v7;
	v6 =	vbroadcast v6, $0x0;
	v10 =	vld.idx.msk [tilespmem:v2+s20+$0x0], $0xffff;
	v2 =	vshll.u32 v5, v1  }
0x458: {  	v8 =	vshll.u32 v8, v1;
	v7 =	vbroadcast v7, $0x0;
	v31 =	vld [tilespmem:s8+$0x60];
	v2 =	vadd.s32 $0x3, v2  }
0x459: {  	v8 =	vadd.s32 $0x6, v8;
	v24 =	vld.idx.msk [tilespmem:v9+s20+$0x0], $0xffff;
	v2 =	vbroadcast v2, $0x0  }
0x45a: {  	v8 =	vbroadcast v8, $0x0;
	s0 =	sadd.s32 $0x0, s1;
	v5 =	vld [tilespmem:s8+$0x70]  }
0x45b: {  	s22 =	sadd.s32 $0xB, s0;
	s26 =	sadd.s32 $0xD, s0;
	v3 =	vld.idx.msk [tilespmem:v3+s20+$0x0], $0xffff  }
0x45c: {  	v17 =	vmov s22;
	v25 =	vmov s26;
	v15 =	vld.idx.msk [tilespmem:v4+s20+$0x0], $0xffff  }
0x45d: {  	s29 =	sadd.s32 $0xE, s0;
	v17 =	vshrl.u32 v17, $0x3;
	v25 =	vshrl.u32 v25, $0x3;
	v6 =	vld.idx.msk [tilespmem:v6+s20+$0x0], $0xffff  }
0x45e: {  	s9 =	sadd.s32 $0xF, s0;
	v27 =	vmov s29;
	v17 =	vshll.u32 v17, v1;
	v25 =	vshll.u32 v25, v1;
	v19 =	vld.idx.msk [tilespmem:v7+s20+$0x0], $0xffff  }
0x45f: {  	v12 =	vmul.f32 v12, v24;
	v4 =	vmul.f32 v5, v10;
	v18 =	vld.idx.msk [tilespmem:v2+s20+$0x0], $0xffff;
	v2 =	vmov s9  }
0x460: {  	s14 =	sadd.s32 $0x9, s0;
	v23 =	vld.idx.msk [tilespmem:v8+s20+$0x0], $0xffff;
	v5 =	vmul.f32 v11, v3;
	v9 =	vmul.f32 v13, v3;
	v2 =	vshrl.u32 v2, $0x3  }
0x461: {  	s21 =	sadd.s32 $0xA, s0;
	v7 =	vld [tilespmem:s8+$0xFFFFFFD0];
	v3 =	vmov s14;
	v16 =	vmul.f32 v14, v15;
	v2 =	vshll.u32 v2, v1  }
0x462: {  	v8 =	vld [tilespmem:s8+$0xFFFFFFE0];
	v14 =	vmov s21;
	v3 =	vshrl.u32 v3, $0x3;
	v2 =	vadd.s32 $0x7, v2  }
0x463: {  	v11 =	vld [tilespmem:s8+$0xFFFFFFF0];
	v14 =	vshrl.u32 v14, $0x3;
	[tilespmem:s8+$0x70] =	vst v4;
	v4 =	vshrl.u32 v27, $0x3;
	s9 =	sadd.s32 $0xC, s0;
	v2 =	vbroadcast v2, $0x0  }
0x464: {  	v13 =	vld [tilespmem:s8+$0x0];
	v3 =	vshll.u32 v3, v1;
	v14 =	vshll.u32 v14, v1;
	v21 =	vmov s9;
	s9 =	simm.s32 $0x104E0  }
0x465: {  	[tilespmem:s8+$0xFFFFFFA0] =	vst v5;
	v5 =	vadd.s32 $0x5, v25;
	v3 =	vadd.s32 $0x1, v3;
	v32 =	vshll.u32 v4, v1;
	v34 =	vld [tilespmem:s9+$0x70]  }
0x466: {  	v4 =	vadd.s32 $0x2, v14;
	v61 =	vbroadcast v5, $0x0;
	v33 =	vbroadcast v3, $0x0;
	v3 =	vld [tilespmem:s9+$0xFFFFFF80]  }
0x467: {  	v14 =	vadd.s32 $0x3, v17;
	v35 =	vbroadcast v4, $0x0;
	v21 =	vshrl.u32 v21, $0x3;
	v4 =	vld [tilespmem:s9+$0xFFFFFF90]  }
0x468: {  	v63 =	vmul.f32 v20, v6;
	s0 =	sadd.s32 $0x8, s0;
	v60 =	vbroadcast v14, $0x0;
	v14 =	vld [tilespmem:s9+$0xFFFFFFA0];
	v21 =	vshll.u32 v21, v1  }
0x469: {  	[tilespmem:s8+$0xFFFFFFB0] =	vst v9;
	v5 =	vmul.f32 v7, v15;
	v59 =	vmov s0;
	v17 =	vadd.s32 $0x4, v21;
	v2 =	vld.idx.msk [tilespmem:v2+s20+$0x0], $0xffff  }
0x46a: {  	[tilespmem:s8+$0xFFFFFFC0] =	vst v16;
	v9 =	vadd.s32 $0x6, v32;
	v27 =	vshrl.u32 v59, $0x3;
	v16 =	vld [tilespmem:s9+$0xFFFFFFB0];
	v36 =	vbroadcast v17, $0x0  }
0x46b: {  	[tilespmem:s8+$0x10] =	vst v63;
	v15 =	vld [tilespmem:s9+$0xFFFFFFC0];
	v62 =	vmul.f32 v13, v6;
	v7 =	vshll.u32 v27, v1;
	v17 =	vbroadcast v9, $0x0  }
0x46c: {  	[tilespmem:s8+$0xFFFFFFD0] =	vst v5;
	v8 =	vmul.f32 v8, v18;
	v9 =	vbroadcast v7, $0x0;
	v6 =	vld.idx.msk [tilespmem:v61+s20+$0x0], $0xffff  }
0x46d: {  	v20 =	vmul.f32 v28, v19;
	[tilespmem:s8+$0x0] =	vst v62;
	v11 =	vmul.f32 v11, v18;
	v18 =	vld.idx.msk [tilespmem:v33+s20+$0x0], $0xffff  }
0x46e: {  	v13 =	vmul.f32 v30, v23;
	[tilespmem:s8+$0xFFFFFFE0] =	vst v8;
	v7 =	vld.idx.msk [tilespmem:v35+s20+$0x0], $0xffff;
	v5 =	vmul.f32 v34, v2  }
0x46f: {  	v21 =	vmul.f32 v26, v19;
	v19 =	vmul.f32 v29, v23;
	v8 =	vld.idx.msk [tilespmem:v60+s20+$0x0], $0xffff;
	[tilespmem:s8+$0xFFFFFFF0] =	vst v11  }
0x470: {  	s14 =	simm.s32 $0x8;
	v11 =	vmul.f32 v31, v10;
	v10 =	vmul.f32 v22, v24;
	[tilespmem:s9+$0x70] =	vst v5;
	v5 =	vld.idx.msk [tilespmem:v36+s20+$0x0], $0xffff  }
.LBB2_39:
0x471: {  	s0 =	sadd.s32 s14, s1;
	s14 =	sadd.s32 $0x8, s14;
	v22 =	vld.idx.msk [tilespmem:v17+s20+$0x0], $0xffff;
	[tilespmem:s8+$0x20] =	vst v21  }
0x472: {  	s5 =	sadd.s32 $0x9, s0;
	s6 =	sadd.s32 $0xF, s0;
	p3 =	slt.u32 s14, $0x188;
	v23 =	vld.idx.msk [tilespmem:v9+s20+$0x0], $0xffff;
	v9 =	vmul.f32 v14, v18;
	v14 =	vmul.f32 v16, v18;
	[tilespmem:s8+$0x30] =	vst v20  }
0x473: {  	s21 =	sadd.s32 $0xB, s0;
	s22 =	sadd.s32 $0xC, s0;
	v15 =	vmul.f32 v15, v7;
	v16 =	vmov s5;
	s5 =	sadd.s32 $0xA, s0;
	v17 =	vmov s6;
	v18 =	vld [tilespmem:s9+$0xFFFFFFD0];
	[tilespmem:s8+$0x40] =	vst v19  }
0x474: {  	s6 =	sadd.s32 $0x8, s0;
	v20 =	vmov s21;
	v19 =	vmov s5;
	s5 =	sadd.s32 $0xD, s0;
	s0 =	sadd.s32 $0xE, s0;
	v17 =	vshrl.u32 v17, $0x3;
	[tilespmem:s9+$0xFFFFFFA0] =	vst v9;
	v21 =	vld [tilespmem:s9+$0xFFFFFFE0]  }
0x475: {  	v9 =	vmov s22;
	v24 =	vmov s5;
	v17 =	vshll.u32 v17, v1;
	[tilespmem:s9+$0xFFFFFFB0] =	vst v14;
	v25 =	vld [tilespmem:s9+$0xFFFFFFF0]  }
0x476: {  	v14 =	vshrl.u32 v16, $0x3;
	v16 =	vmov s0;
	v17 =	vadd.s32 $0x7, v17;
	[tilespmem:s9+$0xFFFFFFC0] =	vst v15;
	v26 =	vld [tilespmem:s9+$0x0]  }
0x477: {  	v15 =	vshrl.u32 v19, $0x3;
	v19 =	vshrl.u32 v20, $0x3;
	v17 =	vbroadcast v17, $0x0;
	v20 =	vld [tilespmem:s9+$0x10];
	[tilespmem:s8+$0x50] =	vst v13  }
0x478: {  	v9 =	vshrl.u32 v9, $0x3;
	v16 =	vshrl.u32 v16, $0x3;
	v13 =	vshrl.u32 v24, $0x3;
	v24 =	vld [tilespmem:s9+$0x20];
	[tilespmem:s8+$0x60] =	vst v11  }
0x479: {  	v14 =	vshll.u32 v14, v1;
	v15 =	vshll.u32 v15, v1;
	v11 =	vmov s6;
	v27 =	vld [tilespmem:s9+$0x30];
	[tilespmem:s8+$0xFFFFFF80] =	vst v12  }
0x47a: {  	v9 =	vshll.u32 v9, v1;
	v13 =	vshll.u32 v13, v1;
	v12 =	vshll.u32 v19, v1;
	v19 =	vld [tilespmem:s9+$0x40];
	[tilespmem:s8+$0xFFFFFF90] =	vst v10;
	s8 =	smov.u32 s9  }
0x47b: {  	v10 =	vshrl.u32 v11, $0x3;
	v11 =	vadd.s32 $0x1, v14;
	v14 =	vshll.u32 v16, v1;
	v28 =	vld [tilespmem:s9+$0x50]  }
0x47c: {  	v9 =	vadd.s32 $0x4, v9;
	v15 =	vadd.s32 $0x2, v15;
	v12 =	vadd.s32 $0x3, v12;
	v29 =	vld [tilespmem:s9+$0x60]  }
0x47d: {  	v13 =	vadd.s32 $0x5, v13;
	v10 =	vshll.u32 v10, v1;
	v14 =	vadd.s32 $0x6, v14;
	s9 =	sadd.s32 $0x100, s9;
	v30 =	vld.idx.msk [tilespmem:v17+s20+$0x0], $0xffff  }
0x47e: {  	v31 =	vbroadcast v15, $0x0;
	v11 =	vbroadcast v11, $0x0;
	v32 =	vld [tilespmem:s9+$0x70]  }
0x47f: {  	v34 =	vbroadcast v9, $0x0;
	v12 =	vbroadcast v12, $0x0;
	v33 =	vld [tilespmem:s9+$0xFFFFFF80]  }
0x480: {  	v36 =	vbroadcast v13, $0x0;
	v17 =	vbroadcast v14, $0x0;
	v35 =	vld [tilespmem:s9+$0xFFFFFF90]  }
0x481: {  	v7 =	vmul.f32 v18, v7;
	v9 =	vbroadcast v10, $0x0;
	v14 =	vld [tilespmem:s9+$0xFFFFFFA0]  }
0x482: {  	v13 =	vmul.f32 v25, v8;
	v10 =	vmul.f32 v21, v8;
	v16 =	vld [tilespmem:s9+$0xFFFFFFB0]  }
0x483: {  	v25 =	vmul.f32 v26, v5;
	v15 =	vld [tilespmem:s9+$0xFFFFFFC0];
	v8 =	vmul.f32 v32, v30;
	[tilespmem:s8+$0xFFFFFFD0] =	vst v7  }
.Ltmp25:
0x484: {  	v26 =	vmul.f32 v20, v5;
	v21 =	vmul.f32 v24, v6;
	v18 =	vld.idx.msk [tilespmem:v11+s20+$0x0], $0xffff;
	[tilespmem:s8+$0xFFFFFFE0] =	vst v10;
	(pc) =	sbr.rel @p3 .LBB2_39-.Ltmp25, $4  }
0x485: {  	v20 =	vmul.f32 v27, v6;
	v19 =	vmul.f32 v19, v22;
	v7 =	vld.idx.msk [tilespmem:v31+s20+$0x0], $0xffff;
	[tilespmem:s9+$0x70] =	vst v8  }
0x486: {  	v11 =	vmul.f32 v29, v2;
	v2 =	vmov v30;
	v8 =	vld.idx.msk [tilespmem:v12+s20+$0x0], $0xffff;
	[tilespmem:s8+$0xFFFFFFF0] =	vst v13;
	v13 =	vmul.f32 v28, v22  }
0x487: {  	v10 =	vmul.f32 v4, v23;
	v12 =	vmul.f32 v3, v23;
	v3 =	vmov v33;
	v5 =	vld.idx.msk [tilespmem:v34+s20+$0x0], $0xffff;
	[tilespmem:s8+$0x0] =	vst v25  }
0x488: {  	v4 =	vmov v35;
	v6 =	vld.idx.msk [tilespmem:v36+s20+$0x0], $0xffff;
	[tilespmem:s8+$0x10] =	vst v26  }
0x489: {  	_ =	sdelay $0x1  }
0x48a: {  	[tilespmem:s8+$0x20] =	vst v21  }
0x48b: {  	[tilespmem:s8+$0x30] =	vst v20  }
0x48c: {  	v17 =	vld.idx.msk [tilespmem:v17+s20+$0x0], $0xffff;
	[tilespmem:s8+$0x40] =	vst v19  }
0x48d: {  	v46 =	vld [tilespmem:s9+$0xFFFFFFD0];
	[tilespmem:s8+$0x50] =	vst v13  }
0x48e: {  	v47 =	vld [tilespmem:s9+$0xFFFFFFE0];
	[tilespmem:s8+$0x60] =	vst v11  }
0x48f: {  	v14 =	vmul.f32 v14, v18;
	v48 =	vld [tilespmem:s9+$0xFFFFFFF0];
	[tilespmem:s8+$0xFFFFFF80] =	vst v12  }
0x490: {  	v16 =	vmul.f32 v16, v18;
	v49 =	vld [tilespmem:s9+$0x0];
	[tilespmem:s8+$0xFFFFFF90] =	vst v10  }
0x491: {  	v50 =	vld [tilespmem:s9+$0x10];
	v15 =	vmul.f32 v15, v7;
	[tilespmem:s9+$0xFFFFFFA0] =	vst v14  }
0x492: {  	v51 =	vld [tilespmem:s9+$0x20];
	[tilespmem:s9+$0xFFFFFFB0] =	vst v16;
	v52 =	vmul.f32 v46, v7  }
0x493: {  	v53 =	vld [tilespmem:s9+$0x30];
	[tilespmem:s9+$0xFFFFFFC0] =	vst v15;
	v54 =	vmul.f32 v47, v8  }
0x494: {  	v55 =	vld [tilespmem:s9+$0x40];
	v56 =	vmul.f32 v48, v8;
	[tilespmem:s9+$0xFFFFFFD0] =	vst v52  }
0x495: {  	v57 =	vld [tilespmem:s9+$0x50];
	v15 =	vmul.f32 v49, v5;
	[tilespmem:s9+$0xFFFFFFE0] =	vst v54  }
0x496: {  	v58 =	vld [tilespmem:s9+$0x60];
	v59 =	vmul.f32 v50, v5;
	[tilespmem:s9+$0xFFFFFFF0] =	vst v56  }
0x497: {  	v60 =	vld.idx.msk [tilespmem:v9+s20+$0x0], $0xffff;
	v61 =	vmul.f32 v51, v6;
	[tilespmem:s9+$0x0] =	vst v15  }
0x498: {  	v62 =	vmul.f32 v53, v6;
	[tilespmem:s9+$0x10] =	vst v59  }
0x499: {  	v63 =	vmul.f32 v55, v17;
	[tilespmem:s9+$0x20] =	vst v61  }
0x49a: {  	v7 =	vmul.f32 v57, v17;
	[tilespmem:s9+$0x30] =	vst v62  }
0x49b: {  	s8 =	smul.u32 $0xC80, s18;
	v2 =	vmul.f32 v58, v2;
	[tilespmem:s9+$0x40] =	vst v63  }
.Ltmp26:
0x49c: {  	v3 =	vmul.f32 v3, v60;
	[tilespmem:s9+$0x50] =	vst v7;
	(pc) =	sbr.rel @p2 .LBB2_44-.Ltmp26, $4  }
0x49d: {  	v4 =	vmul.f32 v4, v60;
	[tilespmem:s9+$0x60] =	vst v2  }
0x49e: {  	s0 =	sshra.s32 s8, $0x2;
	[tilespmem:s9+$0xFFFFFF80] =	vst v3  }
0x49f: {  	s0 =	sadd.s32 $0x7530, s0;
	[tilespmem:s9+$0xFFFFFF90] =	vst v4  }
0x4a0: {  	[spmem:s2] =	stream.indirect.scatter.add.f32 [tilespmem:s19], [sflag:$0x1], $0x20, s0, s17, $0xb8;
	[tilespmem:$0x1F590] =	vst v63  }
0x4a1: {  	s0 =	sadd.s32 $0xFFFFFFF8, s1;
	_ =	swait.ge [sflag:s25], $0x3200  }
0x4a2: {  	s5 =	sadd.s32 $0x19F, s0;
	s9 =	sadd.s32 $0x19C, s0;
	[sflag:s25] =	ssyncset.done $0x0  }
0x4a3: {  	s21 =	sadd.s32 $0x199, s0;
	v6 =	vmov s9;
	[sflag:s25] =	ssyncadd.s32 $0xFFFFCE00;
	s9 =	simm.s32 $0x135E0  }
0x4a4: {  	s22 =	sadd.s32 $0x19A, s0;
	s6 =	sadd.s32 $0x19B, s0;
	v2 =	vmov s5;
	v3 =	vmov s21;
	v12 =	vld [tilespmem:s9+$0xFFFFFF80]  }
0x4a5: {  	s26 =	sadd.s32 $0x19D, s0;
	s29 =	sadd.s32 $0x19E, s0;
	v4 =	vmov s22;
	v5 =	vmov s6;
	v2 =	vshrl.u32 v2, $0x3;
	v22 =	vld [tilespmem:s9+$0xFFFFFF90]  }
0x4a6: {  	s0 =	sadd.s32 $0x198, s0;
	v7 =	vmov s26;
	v8 =	vmov s29;
	v11 =	vld [tilespmem:s9+$0xFFFFFFA0];
	v2 =	vshll.u32 v2, v1  }
0x4a7: {  	v9 =	vmov s0;
	v3 =	vshrl.u32 v3, $0x3;
	v13 =	vld [tilespmem:s9+$0xFFFFFFB0];
	v2 =	vadd.s32 $0x7, v2  }
0x4a8: {  	v4 =	vshrl.u32 v4, $0x3;
	v9 =	vshrl.u32 v9, $0x3;
	v14 =	vld [tilespmem:s9+$0xFFFFFFC0];
	v2 =	vbroadcast v2, $0x0  }
0x4a9: {  	v5 =	vshrl.u32 v5, $0x3;
	v6 =	vshrl.u32 v6, $0x3;
	v20 =	vld [tilespmem:s9+$0x10];
	v9 =	vshll.u32 v9, v1  }
0x4aa: {  	v7 =	vshrl.u32 v7, $0x3;
	v26 =	vld [tilespmem:s9+$0x20];
	v3 =	vshll.u32 v3, v1;
	v9 =	vbroadcast v9, $0x0  }
0x4ab: {  	v8 =	vshrl.u32 v8, $0x3;
	v28 =	vld [tilespmem:s9+$0x30];
	v4 =	vshll.u32 v4, v1;
	v3 =	vadd.s32 $0x1, v3  }
0x4ac: {  	v29 =	vld [tilespmem:s9+$0x40];
	v6 =	vshll.u32 v6, v1;
	v4 =	vadd.s32 $0x2, v4;
	v3 =	vbroadcast v3, $0x0  }
0x4ad: {  	v30 =	vld [tilespmem:s9+$0x50];
	v7 =	vshll.u32 v7, v1;
	v6 =	vadd.s32 $0x4, v6;
	v4 =	vbroadcast v4, $0x0  }
0x4ae: {  	v7 =	vadd.s32 $0x5, v7;
	v6 =	vbroadcast v6, $0x0;
	v10 =	vld.idx.msk [tilespmem:v2+s20+$0x0], $0xffff;
	v2 =	vshll.u32 v5, v1  }
0x4af: {  	v31 =	vld [tilespmem:s9+$0x60];
	v8 =	vshll.u32 v8, v1;
	v7 =	vbroadcast v7, $0x0;
	v2 =	vadd.s32 $0x3, v2  }
0x4b0: {  	v8 =	vadd.s32 $0x6, v8;
	v24 =	vld.idx.msk [tilespmem:v9+s20+$0x0], $0xffff;
	v2 =	vbroadcast v2, $0x0  }
0x4b1: {  	s0 =	sadd.s32 $0x0, s1;
	v8 =	vbroadcast v8, $0x0;
	v5 =	vld [tilespmem:s9+$0x70]  }
0x4b2: {  	s22 =	sadd.s32 $0x19B, s0;
	s26 =	sadd.s32 $0x19D, s0;
	v3 =	vld.idx.msk [tilespmem:v3+s20+$0x0], $0xffff  }
0x4b3: {  	v17 =	vmov s22;
	v25 =	vmov s26;
	v15 =	vld.idx.msk [tilespmem:v4+s20+$0x0], $0xffff  }
0x4b4: {  	s29 =	sadd.s32 $0x19E, s0;
	v17 =	vshrl.u32 v17, $0x3;
	v25 =	vshrl.u32 v25, $0x3;
	v6 =	vld.idx.msk [tilespmem:v6+s20+$0x0], $0xffff  }
0x4b5: {  	s6 =	sadd.s32 $0x19F, s0;
	v27 =	vmov s29;
	v17 =	vshll.u32 v17, v1;
	v25 =	vshll.u32 v25, v1;
	v19 =	vld.idx.msk [tilespmem:v7+s20+$0x0], $0xffff  }
0x4b6: {  	v12 =	vmul.f32 v12, v24;
	v4 =	vmul.f32 v5, v10;
	v18 =	vld.idx.msk [tilespmem:v2+s20+$0x0], $0xffff;
	v2 =	vmov s6  }
0x4b7: {  	s14 =	sadd.s32 $0x199, s0;
	v23 =	vld.idx.msk [tilespmem:v8+s20+$0x0], $0xffff;
	v5 =	vmul.f32 v11, v3;
	v9 =	vmul.f32 v13, v3;
	v2 =	vshrl.u32 v2, $0x3  }
0x4b8: {  	s21 =	sadd.s32 $0x19A, s0;
	v7 =	vld [tilespmem:s9+$0xFFFFFFD0];
	v3 =	vmov s14;
	v16 =	vmul.f32 v14, v15;
	v2 =	vshll.u32 v2, v1  }
0x4b9: {  	v8 =	vld [tilespmem:s9+$0xFFFFFFE0];
	s14 =	sadd.s32 $0x19C, s0;
	v14 =	vmov s21;
	v63 =	vmul.f32 v20, v6;
	v2 =	vadd.s32 $0x7, v2  }
0x4ba: {  	v11 =	vld [tilespmem:s9+$0xFFFFFFF0];
	v21 =	vmov s14;
	v3 =	vshrl.u32 v3, $0x3;
	v2 =	vbroadcast v2, $0x0  }
0x4bb: {  	v13 =	vld [tilespmem:s9+$0x0];
	v14 =	vshrl.u32 v14, $0x3;
	s14 =	simm.s32 $0x136E0;
	v21 =	vshrl.u32 v21, $0x3;
	[tilespmem:s9+$0x70] =	vst v4;
	v4 =	vshrl.u32 v27, $0x3  }
0x4bc: {  	v3 =	vshll.u32 v3, v1;
	v14 =	vshll.u32 v14, v1;
	v34 =	vld [tilespmem:s14+$0x70];
	[tilespmem:s9+$0xFFFFFFA0] =	vst v5;
	v5 =	vadd.s32 $0x5, v25  }
0x4bd: {  	[tilespmem:s9+$0xFFFFFFC0] =	vst v16;
	v16 =	vld [tilespmem:s14+$0xFFFFFFB0];
	v3 =	vadd.s32 $0x1, v3;
	v32 =	vshll.u32 v4, v1;
	v61 =	vbroadcast v5, $0x0  }
0x4be: {  	v4 =	vadd.s32 $0x2, v14;
	v5 =	vmul.f32 v7, v15;
	v15 =	vld [tilespmem:s14+$0xFFFFFFC0];
	v33 =	vbroadcast v3, $0x0  }
0x4bf: {  	s0 =	sadd.s32 $0x198, s0;
	v21 =	vshll.u32 v21, v1;
	v14 =	vadd.s32 $0x3, v17;
	v35 =	vbroadcast v4, $0x0;
	v3 =	vld [tilespmem:s14+$0xFFFFFF80]  }
0x4c0: {  	v59 =	vmov s0;
	v17 =	vadd.s32 $0x4, v21;
	v60 =	vbroadcast v14, $0x0;
	v2 =	vld.idx.msk [tilespmem:v2+s20+$0x0], $0xffff  }
0x4c1: {  	v27 =	vshrl.u32 v59, $0x3;
	[tilespmem:s9+$0xFFFFFFB0] =	vst v9;
	v4 =	vld [tilespmem:s14+$0xFFFFFF90];
	v9 =	vadd.s32 $0x6, v32;
	v36 =	vbroadcast v17, $0x0  }
0x4c2: {  	[tilespmem:s9+$0x10] =	vst v63;
	v7 =	vshll.u32 v27, v1;
	v14 =	vld [tilespmem:s14+$0xFFFFFFA0];
	v17 =	vbroadcast v9, $0x0;
	v62 =	vmul.f32 v13, v6  }
0x4c3: {  	v9 =	vbroadcast v7, $0x0;
	[tilespmem:s9+$0xFFFFFFD0] =	vst v5;
	v8 =	vmul.f32 v8, v18;
	v6 =	vld.idx.msk [tilespmem:v61+s20+$0x0], $0xffff  }
0x4c4: {  	v20 =	vmul.f32 v28, v19;
	[tilespmem:s9+$0x0] =	vst v62;
	v11 =	vmul.f32 v11, v18;
	v18 =	vld.idx.msk [tilespmem:v33+s20+$0x0], $0xffff  }
0x4c5: {  	v21 =	vmul.f32 v26, v19;
	[tilespmem:s9+$0xFFFFFFE0] =	vst v8;
	v7 =	vld.idx.msk [tilespmem:v35+s20+$0x0], $0xffff;
	v5 =	vmul.f32 v34, v2  }
0x4c6: {  	v19 =	vmul.f32 v29, v23;
	v13 =	vmul.f32 v30, v23;
	v8 =	vld.idx.msk [tilespmem:v60+s20+$0x0], $0xffff;
	[tilespmem:s9+$0xFFFFFFF0] =	vst v11  }
0x4c7: {  	s0 =	simm.s32 $0x8;
	v11 =	vmul.f32 v31, v10;
	v10 =	vmul.f32 v22, v24;
	[tilespmem:s14+$0x70] =	vst v5;
	v5 =	vld.idx.msk [tilespmem:v36+s20+$0x0], $0xffff  }
.LBB2_42:
0x4c8: {  	s5 =	sadd.s32 s0, s1;
	s0 =	sadd.s32 $0x8, s0;
	v22 =	vld.idx.msk [tilespmem:v17+s20+$0x0], $0xffff;
	[tilespmem:s9+$0x20] =	vst v21  }
0x4c9: {  	s6 =	sadd.s32 $0x199, s5;
	s21 =	sadd.s32 $0x19F, s5;
	p3 =	slt.u32 s0, $0x188;
	v23 =	vld.idx.msk [tilespmem:v9+s20+$0x0], $0xffff;
	v9 =	vmul.f32 v14, v18;
	v14 =	vmul.f32 v16, v18;
	[tilespmem:s9+$0x30] =	vst v20  }
0x4ca: {  	s22 =	sadd.s32 $0x19B, s5;
	s26 =	sadd.s32 $0x19C, s5;
	v15 =	vmul.f32 v15, v7;
	v16 =	vmov s6;
	s6 =	sadd.s32 $0x19A, s5;
	v17 =	vmov s21;
	v18 =	vld [tilespmem:s14+$0xFFFFFFD0];
	[tilespmem:s9+$0x40] =	vst v19  }
0x4cb: {  	s21 =	sadd.s32 $0x198, s5;
	v20 =	vmov s22;
	v19 =	vmov s6;
	s6 =	sadd.s32 $0x19D, s5;
	s5 =	sadd.s32 $0x19E, s5;
	v17 =	vshrl.u32 v17, $0x3;
	[tilespmem:s14+$0xFFFFFFA0] =	vst v9;
	v21 =	vld [tilespmem:s14+$0xFFFFFFE0]  }
0x4cc: {  	v9 =	vmov s26;
	v24 =	vmov s6;
	v17 =	vshll.u32 v17, v1;
	[tilespmem:s14+$0xFFFFFFB0] =	vst v14;
	v25 =	vld [tilespmem:s14+$0xFFFFFFF0]  }
0x4cd: {  	v14 =	vshrl.u32 v16, $0x3;
	v16 =	vmov s5;
	v17 =	vadd.s32 $0x7, v17;
	[tilespmem:s14+$0xFFFFFFC0] =	vst v15;
	v26 =	vld [tilespmem:s14+$0x0]  }
0x4ce: {  	v15 =	vshrl.u32 v19, $0x3;
	v19 =	vshrl.u32 v20, $0x3;
	v17 =	vbroadcast v17, $0x0;
	v20 =	vld [tilespmem:s14+$0x10];
	[tilespmem:s9+$0x50] =	vst v13  }
0x4cf: {  	v9 =	vshrl.u32 v9, $0x3;
	v16 =	vshrl.u32 v16, $0x3;
	v13 =	vshrl.u32 v24, $0x3;
	v24 =	vld [tilespmem:s14+$0x20];
	[tilespmem:s9+$0x60] =	vst v11  }
0x4d0: {  	v14 =	vshll.u32 v14, v1;
	v15 =	vshll.u32 v15, v1;
	v11 =	vmov s21;
	v27 =	vld [tilespmem:s14+$0x30];
	[tilespmem:s9+$0xFFFFFF80] =	vst v12  }
0x4d1: {  	v9 =	vshll.u32 v9, v1;
	v13 =	vshll.u32 v13, v1;
	v12 =	vshll.u32 v19, v1;
	v19 =	vld [tilespmem:s14+$0x40];
	[tilespmem:s9+$0xFFFFFF90] =	vst v10;
	s9 =	smov.u32 s14  }
0x4d2: {  	v10 =	vshrl.u32 v11, $0x3;
	v11 =	vadd.s32 $0x1, v14;
	v14 =	vshll.u32 v16, v1;
	v28 =	vld [tilespmem:s14+$0x50]  }
0x4d3: {  	v9 =	vadd.s32 $0x4, v9;
	v15 =	vadd.s32 $0x2, v15;
	v12 =	vadd.s32 $0x3, v12;
	v29 =	vld [tilespmem:s14+$0x60]  }
0x4d4: {  	v13 =	vadd.s32 $0x5, v13;
	v10 =	vshll.u32 v10, v1;
	v14 =	vadd.s32 $0x6, v14;
	s14 =	sadd.s32 $0x100, s14;
	v30 =	vld.idx.msk [tilespmem:v17+s20+$0x0], $0xffff  }
0x4d5: {  	v31 =	vbroadcast v15, $0x0;
	v11 =	vbroadcast v11, $0x0;
	v32 =	vld [tilespmem:s14+$0x70]  }
0x4d6: {  	v34 =	vbroadcast v9, $0x0;
	v12 =	vbroadcast v12, $0x0;
	v33 =	vld [tilespmem:s14+$0xFFFFFF80]  }
0x4d7: {  	v36 =	vbroadcast v13, $0x0;
	v17 =	vbroadcast v14, $0x0;
	v35 =	vld [tilespmem:s14+$0xFFFFFF90]  }
0x4d8: {  	v7 =	vmul.f32 v18, v7;
	v9 =	vbroadcast v10, $0x0;
	v14 =	vld [tilespmem:s14+$0xFFFFFFA0]  }
0x4d9: {  	v13 =	vmul.f32 v25, v8;
	v10 =	vmul.f32 v21, v8;
	v16 =	vld [tilespmem:s14+$0xFFFFFFB0]  }
0x4da: {  	v25 =	vmul.f32 v26, v5;
	v15 =	vld [tilespmem:s14+$0xFFFFFFC0];
	v8 =	vmul.f32 v32, v30;
	[tilespmem:s9+$0xFFFFFFD0] =	vst v7  }
.Ltmp27:
0x4db: {  	v26 =	vmul.f32 v20, v5;
	v21 =	vmul.f32 v24, v6;
	v18 =	vld.idx.msk [tilespmem:v11+s20+$0x0], $0xffff;
	[tilespmem:s9+$0xFFFFFFE0] =	vst v10;
	(pc) =	sbr.rel @p3 .LBB2_42-.Ltmp27, $4  }
0x4dc: {  	v20 =	vmul.f32 v27, v6;
	v19 =	vmul.f32 v19, v22;
	v7 =	vld.idx.msk [tilespmem:v31+s20+$0x0], $0xffff;
	[tilespmem:s14+$0x70] =	vst v8  }
0x4dd: {  	v11 =	vmul.f32 v29, v2;
	v2 =	vmov v30;
	v8 =	vld.idx.msk [tilespmem:v12+s20+$0x0], $0xffff;
	[tilespmem:s9+$0xFFFFFFF0] =	vst v13;
	v13 =	vmul.f32 v28, v22  }
0x4de: {  	v10 =	vmul.f32 v4, v23;
	v12 =	vmul.f32 v3, v23;
	v3 =	vmov v33;
	v5 =	vld.idx.msk [tilespmem:v34+s20+$0x0], $0xffff;
	[tilespmem:s9+$0x0] =	vst v25  }
0x4df: {  	v4 =	vmov v35;
	v6 =	vld.idx.msk [tilespmem:v36+s20+$0x0], $0xffff;
	[tilespmem:s9+$0x10] =	vst v26  }
0x4e0: {  	_ =	sdelay $0x1  }
0x4e1: {  	[tilespmem:s9+$0x20] =	vst v21  }
0x4e2: {  	[tilespmem:s9+$0x30] =	vst v20  }
0x4e3: {  	v17 =	vld.idx.msk [tilespmem:v17+s20+$0x0], $0xffff;
	[tilespmem:s9+$0x40] =	vst v19  }
0x4e4: {  	v46 =	vld [tilespmem:s14+$0xFFFFFFD0];
	[tilespmem:s9+$0x50] =	vst v13  }
0x4e5: {  	v47 =	vld [tilespmem:s14+$0xFFFFFFE0];
	[tilespmem:s9+$0x60] =	vst v11  }
0x4e6: {  	v14 =	vmul.f32 v14, v18;
	v48 =	vld [tilespmem:s14+$0xFFFFFFF0];
	[tilespmem:s9+$0xFFFFFF80] =	vst v12  }
0x4e7: {  	v16 =	vmul.f32 v16, v18;
	v49 =	vld [tilespmem:s14+$0x0];
	[tilespmem:s9+$0xFFFFFF90] =	vst v10  }
0x4e8: {  	v50 =	vld [tilespmem:s14+$0x10];
	v15 =	vmul.f32 v15, v7;
	[tilespmem:s14+$0xFFFFFFA0] =	vst v14  }
0x4e9: {  	v51 =	vld [tilespmem:s14+$0x20];
	[tilespmem:s14+$0xFFFFFFB0] =	vst v16;
	v52 =	vmul.f32 v46, v7  }
0x4ea: {  	v53 =	vld [tilespmem:s14+$0x30];
	[tilespmem:s14+$0xFFFFFFC0] =	vst v15;
	v54 =	vmul.f32 v47, v8  }
0x4eb: {  	v55 =	vld [tilespmem:s14+$0x40];
	v56 =	vmul.f32 v48, v8;
	[tilespmem:s14+$0xFFFFFFD0] =	vst v52  }
0x4ec: {  	v57 =	vld [tilespmem:s14+$0x50];
	v15 =	vmul.f32 v49, v5;
	[tilespmem:s14+$0xFFFFFFE0] =	vst v54  }
0x4ed: {  	v58 =	vld [tilespmem:s14+$0x60];
	v59 =	vmul.f32 v50, v5;
	[tilespmem:s14+$0xFFFFFFF0] =	vst v56  }
0x4ee: {  	v60 =	vld.idx.msk [tilespmem:v9+s20+$0x0], $0xffff;
	v61 =	vmul.f32 v51, v6;
	[tilespmem:s14+$0x0] =	vst v15  }
0x4ef: {  	v62 =	vmul.f32 v53, v6;
	[tilespmem:s14+$0x10] =	vst v59  }
0x4f0: {  	v63 =	vmul.f32 v55, v17;
	[tilespmem:s14+$0x20] =	vst v61  }
0x4f1: {  	v7 =	vmul.f32 v57, v17;
	[tilespmem:s14+$0x30] =	vst v62  }
.Ltmp28:
0x4f2: {  	v2 =	vmul.f32 v58, v2;
	[tilespmem:s14+$0x40] =	vst v63;
	(pc) =	sbr.rel .LBB2_44-.Ltmp28, $4  }
0x4f3: {  	v3 =	vmul.f32 v3, v60;
	[tilespmem:s14+$0x50] =	vst v7  }
0x4f4: {  	v4 =	vmul.f32 v4, v60;
	[tilespmem:s14+$0x60] =	vst v2  }
0x4f5: {  	[tilespmem:s14+$0xFFFFFF80] =	vst v3  }
0x4f6: {  	[tilespmem:s14+$0xFFFFFF90] =	vst v4  }
.LBB2_45:
0x4f7: {  	[bflag:$0x0] =	sbarrier.arrive $0xFFFF  }
0x4f8: {  	s0 =	rddreg [dreg:$0xa]  }
0x4f9: {  	[hbm:s0], [sflag:s30] =	dma.local @!p1 [spmem:s31], $0xFA0  }
0x4fa: {  	s0 =	simm.s32 @!p1 $0x3  }
0x4fb: {  	_ =	swait.ge @!p1 [sflag:s0], $0xFA0  }
0x4fc: {  	[sflag:s0] =	ssyncset.done @!p1 $0x0  }
0x4fd: {  	[sflag:s0] =	ssyncadd.s32 @!p1 $0xFFFFF060  }
0x4fe: {  	s0 =	simm.s32 $0x103E0;
	[bflag:$0x0] =	sbarrier.arrive $0xFFFF  }
0x4ff: {  	[tilespmem:s0+$0xFFFFFF80] =	vst v0  }
0x500: {  	[tilespmem:s0+$0x70] =	vst v0  }
0x501: {  	[tilespmem:s0+$0x60] =	vst v0  }
0x502: {  	[tilespmem:s0+$0x50] =	vst v0  }
0x503: {  	[tilespmem:s0+$0x40] =	vst v0  }
0x504: {  	[tilespmem:s0+$0x30] =	vst v0  }
0x505: {  	[tilespmem:s0+$0x20] =	vst v0  }
0x506: {  	[tilespmem:s0+$0x10] =	vst v0  }
0x507: {  	[tilespmem:s0+$0x0] =	vst v0  }
0x508: {  	[tilespmem:s0+$0xFFFFFFF0] =	vst v0  }
0x509: {  	[tilespmem:s0+$0xFFFFFFE0] =	vst v0  }
0x50a: {  	[tilespmem:s0+$0xFFFFFFD0] =	vst v0  }
0x50b: {  	[tilespmem:s0+$0xFFFFFFC0] =	vst v0  }
0x50c: {  	[tilespmem:s0+$0xFFFFFFB0] =	vst v0  }
0x50d: {  	s1 =	simm.s32 $0x0;
	[tilespmem:s0+$0xFFFFFFA0] =	vst v0  }
.LBB2_46:
0x50e: {  	s1 =	sadd.s32 $0x8, s1;
	[tilespmem:s0+$0xFFFFFF90] =	vst v0;
	s0 =	sadd.s32 $0x100, s0  }
0x50f: {  	[tilespmem:s0+$0xFFFFFF80] =	vst v0;
	p2 =	slt.u32 s1, $0x188  }
0x510: {  	[tilespmem:s0+$0x70] =	vst v0  }
0x511: {  	[tilespmem:s0+$0x60] =	vst v0  }
0x512: {  	[tilespmem:s0+$0x50] =	vst v0  }
0x513: {  	[tilespmem:s0+$0x40] =	vst v0  }
0x514: {  	[tilespmem:s0+$0x30] =	vst v0  }
0x515: {  	[tilespmem:s0+$0x20] =	vst v0  }
0x516: {  	[tilespmem:s0+$0x10] =	vst v0  }
0x517: {  	[tilespmem:s0+$0x0] =	vst v0  }
0x518: {  	[tilespmem:s0+$0xFFFFFFF0] =	vst v0  }
.Ltmp29:
0x519: {  	[tilespmem:s0+$0xFFFFFFE0] =	vst v0;
	(pc) =	sbr.rel @p2 .LBB2_46-.Ltmp29, $4  }
0x51a: {  	[tilespmem:s0+$0xFFFFFFD0] =	vst v0  }
0x51b: {  	[tilespmem:s0+$0xFFFFFFC0] =	vst v0  }
0x51c: {  	[tilespmem:s0+$0xFFFFFFB0] =	vst v0  }
0x51d: {  	[tilespmem:s0+$0xFFFFFFA0] =	vst v0  }
0x51e: {  	[tilespmem:s0+$0xFFFFFF90] =	vst v0  }
0x51f: {  	s0 =	simm.s32 @!p1 $0x10360;
	s1 =	rddreg [dreg:$0x10]  }
0x520: {  	[spmem:s1] =	stream.linear.scatter @!p1 [tilespmem:s0], [sflag:$0x2], $0x1900, $0x38;
	[tilespmem:$0x1F590] =	vst v63  }
0x521: {  	s1 =	rddreg [dreg:$0x1c]  }
0x522: {  	[spmem:s1] =	stream.linear.scatter @!p1 [tilespmem:s0], [sflag:$0x2], $0x1900, $0x38;
	[tilespmem:$0x1F590] =	vst v63  }
0x523: {  	s1 =	rddreg [dreg:$0x1d]  }
0x524: {  	[spmem:s1] =	stream.linear.scatter @!p1 [tilespmem:s0], [sflag:$0x2], $0x1900, $0x38;
	[tilespmem:$0x1F590] =	vst v63  }
0x525: {  	s1 =	rddreg [dreg:$0x1e]  }
0x526: {  	[spmem:s1] =	stream.linear.scatter @!p1 [tilespmem:s0], [sflag:$0x2], $0x1900, $0x38;
	[tilespmem:$0x1F590] =	vst v63  }
0x527: {  	s1 =	rddreg [dreg:$0x1f]  }
0x528: {  	[spmem:s1] =	stream.linear.scatter @!p1 [tilespmem:s0], [sflag:$0x2], $0x1900, $0x38;
	[tilespmem:$0x1F590] =	vst v63  }
0x529: {  	s0 =	simm.s32 @!p1 $0x2  }
0x52a: {  	_ =	swait.ge @!p1 [sflag:s0], $0x1900  }
0x52b: {  	[sflag:s0] =	ssyncset.done @!p1 $0x0  }
0x52c: {  	[sflag:s0] =	ssyncadd.s32 @!p1 $0xFFFFE700  }
0x52d: {  	_ =	swait.ge @!p1 [sflag:s0], $0x1900  }
0x52e: {  	[sflag:s0] =	ssyncset.done @!p1 $0x0  }
0x52f: {  	[sflag:s0] =	ssyncadd.s32 @!p1 $0xFFFFE700  }
0x530: {  	_ =	swait.ge @!p1 [sflag:s0], $0x1900  }
0x531: {  	[sflag:s0] =	ssyncset.done @!p1 $0x0  }
0x532: {  	[sflag:s0] =	ssyncadd.s32 @!p1 $0xFFFFE700  }
0x533: {  	_ =	swait.ge @!p1 [sflag:s0], $0x1900  }
0x534: {  	[sflag:s0] =	ssyncset.done @!p1 $0x0  }
0x535: {  	[sflag:s0] =	ssyncadd.s32 @!p1 $0xFFFFE700  }
.Ltmp30:
0x536: {  	_ =	swait.ge @!p1 [sflag:s0], $0x1900;
	(pc) =	sbr.rel .LBB2_48-.Ltmp30, $4  }
0x537: {  	[sflag:s0] =	ssyncset.done @!p1 $0x0  }
0x538: {  	s29 =	simm.s32 $0x4E20;
	[sflag:s0] =	ssyncadd.s32 @!p1 $0xFFFFE700  }
0x539: {  	s18 =	simm.s32 $0x0;
	s1 =	simm.s32 $0x0;
	[bflag:$0x0] =	sbarrier.arrive $0xFFFF  }
0x53a: {  	[tilespmem:s19], [sflag:$0x1] =	stream.indirect.gather [hbm4b:s12+s17], $0x20, s29, s17, $0xb8;
	[tilespmem:$0x1F590] =	vst v63  }
.LBB2_54:
0x53b: {  	_ =	swait.ge [sflag:s16], $0x3200;
	p3 =	seq.s32 s18, $0xC;
	s18 =	sadd.s32 $0x1, s18  }
0x53c: {  	[sflag:s16] =	ssyncset.done $0x0;
	s0 =	sshra.s32 @!p3 s8, $0x2;
	s5 =	simm.s32 @!p3 $0x190  }
0x53d: {  	s6 =	simm.s32 @!p3 $0x10360;
	[sflag:s16] =	ssyncadd.s32 $0xFFFFCE00;
	s0 =	sadd.s32 @!p3 $0x5140, s0  }
0x53e: {  	[tilespmem:s6], [sflag:$0x1] =	stream.indirect.gather @!p3 [hbm4b:s12+s5], $0x20, s0, s5, $0xb8;
	[tilespmem:$0x1F590] =	vst v63  }
0x53f: {  	s0 =	sadd.s32 @!p2 $0x7530, s7;
	s5 =	simm.s32 @!p2 $0x190;
	s6 =	simm.s32 @!p2 $0x13560  }
0x540: {  	[spmem:s2] =	stream.indirect.scatter.add.f32 @!p2 [tilespmem:s6], [sflag:$0x2], $0x20, s0, s5, $0xb8;
	[tilespmem:$0x1F590] =	vst v63  }
0x541: {  	p2 =	sne.s32 s18, $0xD  }
.Ltmp31:
0x542: {  	_ = 	snop;
	(pc) =	sbr.rel @!p2 .LBB2_55-.Ltmp31, $2  }
0x543: {  	_ =	sdelay $0x2  }
0x544: {  	s1 =	sadd.s32 $0x320, s1  }
.LBB2_48:
0x545: {  	s0 =	sshllo.u32 s18, $0x1  }
0x546: {  	p3 =	seq.s32 s18, $0x0;
	p2 =	sgt.u32 s0, $0x18  }
0x547: {  	s6 =	sadd.s32 $0xFFFFFFF8, s1;
	s5 =	simm.s32 @!p3 $0x2;
	s0 =	smul.u32 @!p2 $0x640, s0  }
0x548: {  	s7 =	sadd.s32 $0xF, s6;
	_ =	swait.ge @!p3 [sflag:s5], $0x3200  }
0x549: {  	v2 =	vmov s7;
	s8 =	simm.s32 @!p2 $0x13560;
	[sflag:s5] =	ssyncset.done @!p3 $0x0;
	s7 =	sshra.s32 @!p2 s0, $0x2  }
0x54a: {  	[sflag:s5] =	ssyncadd.s32 @!p3 $0xFFFFCE00;
	s5 =	simm.s32 @!p2 $0x190;
	s0 =	sadd.s32 @!p2 $0x4E20, s7  }
0x54b: {  	[tilespmem:s8], [sflag:$0x2] =	stream.indirect.gather @!p2 [hbm4b:s12+s5], $0x20, s0, s5, $0xb8;
	[tilespmem:$0x1F590] =	vst v63  }
0x54c: {  	_ =	swait.ge [sflag:s16], $0x3200  }
0x54d: {  	s9 =	sadd.s32 $0x9, s6;
	[sflag:s16] =	ssyncset.done $0x0  }
0x54e: {  	s14 =	sadd.s32 $0xA, s6;
	s8 =	simm.s32 $0x103E0;
	[sflag:s16] =	ssyncadd.s32 $0xFFFFCE00  }
0x54f: {  	s21 =	sadd.s32 $0xB, s6;
	s22 =	sadd.s32 $0xC, s6;
	v3 =	vmov s9;
	v4 =	vmov s14;
	v12 =	vld [tilespmem:s8+$0xFFFFFF80]  }
0x550: {  	s26 =	sadd.s32 $0xD, s6;
	s29 =	sadd.s32 $0xE, s6;
	v5 =	vmov s21;
	v6 =	vmov s22;
	v2 =	vshrl.u32 v2, $0x3;
	v22 =	vld [tilespmem:s8+$0xFFFFFF90]  }
0x551: {  	s6 =	sadd.s32 $0x8, s6;
	v7 =	vmov s26;
	v8 =	vmov s29;
	v2 =	vshll.u32 v2, v1;
	v11 =	vld [tilespmem:s8+$0xFFFFFFA0]  }
0x552: {  	v9 =	vmov s6;
	v3 =	vshrl.u32 v3, $0x3;
	v2 =	vadd.s32 $0x7, v2;
	v13 =	vld [tilespmem:s8+$0xFFFFFFB0]  }
0x553: {  	v4 =	vshrl.u32 v4, $0x3;
	v9 =	vshrl.u32 v9, $0x3;
	v2 =	vbroadcast v2, $0x0;
	v14 =	vld [tilespmem:s8+$0xFFFFFFC0]  }
0x554: {  	v5 =	vshrl.u32 v5, $0x3;
	v6 =	vshrl.u32 v6, $0x3;
	v9 =	vshll.u32 v9, v1;
	v20 =	vld [tilespmem:s8+$0x10]  }
0x555: {  	v7 =	vshrl.u32 v7, $0x3;
	v3 =	vshll.u32 v3, v1;
	v9 =	vbroadcast v9, $0x0;
	v26 =	vld [tilespmem:s8+$0x20]  }
0x556: {  	v8 =	vshrl.u32 v8, $0x3;
	v4 =	vshll.u32 v4, v1;
	v3 =	vadd.s32 $0x1, v3;
	v28 =	vld [tilespmem:s8+$0x30]  }
0x557: {  	v6 =	vshll.u32 v6, v1;
	v4 =	vadd.s32 $0x2, v4;
	v3 =	vbroadcast v3, $0x0;
	v29 =	vld [tilespmem:s8+$0x40]  }
0x558: {  	v7 =	vshll.u32 v7, v1;
	v6 =	vadd.s32 $0x4, v6;
	v4 =	vbroadcast v4, $0x0;
	v30 =	vld [tilespmem:s8+$0x50]  }
0x559: {  	v7 =	vadd.s32 $0x5, v7;
	v6 =	vbroadcast v6, $0x0;
	v10 =	vld.idx.msk [tilespmem:v2+s20+$0x0], $0xffff;
	v2 =	vshll.u32 v5, v1  }
0x55a: {  	v8 =	vshll.u32 v8, v1;
	v7 =	vbroadcast v7, $0x0;
	v31 =	vld [tilespmem:s8+$0x60];
	v2 =	vadd.s32 $0x3, v2  }
0x55b: {  	v8 =	vadd.s32 $0x6, v8;
	v24 =	vld.idx.msk [tilespmem:v9+s20+$0x0], $0xffff;
	v2 =	vbroadcast v2, $0x0  }
0x55c: {  	v8 =	vbroadcast v8, $0x0;
	s0 =	sadd.s32 $0x0, s1;
	v5 =	vld [tilespmem:s8+$0x70]  }
0x55d: {  	s22 =	sadd.s32 $0xB, s0;
	s26 =	sadd.s32 $0xD, s0;
	v3 =	vld.idx.msk [tilespmem:v3+s20+$0x0], $0xffff  }
0x55e: {  	v17 =	vmov s22;
	v25 =	vmov s26;
	v15 =	vld.idx.msk [tilespmem:v4+s20+$0x0], $0xffff  }
0x55f: {  	s29 =	sadd.s32 $0xE, s0;
	v17 =	vshrl.u32 v17, $0x3;
	v25 =	vshrl.u32 v25, $0x3;
	v6 =	vld.idx.msk [tilespmem:v6+s20+$0x0], $0xffff  }
0x560: {  	s9 =	sadd.s32 $0xF, s0;
	v27 =	vmov s29;
	v17 =	vshll.u32 v17, v1;
	v25 =	vshll.u32 v25, v1;
	v19 =	vld.idx.msk [tilespmem:v7+s20+$0x0], $0xffff  }
0x561: {  	v12 =	vmul.f32 v12, v24;
	v4 =	vmul.f32 v5, v10;
	v18 =	vld.idx.msk [tilespmem:v2+s20+$0x0], $0xffff;
	v2 =	vmov s9  }
0x562: {  	s14 =	sadd.s32 $0x9, s0;
	v23 =	vld.idx.msk [tilespmem:v8+s20+$0x0], $0xffff;
	v5 =	vmul.f32 v11, v3;
	v9 =	vmul.f32 v13, v3;
	v2 =	vshrl.u32 v2, $0x3  }
0x563: {  	s21 =	sadd.s32 $0xA, s0;
	v7 =	vld [tilespmem:s8+$0xFFFFFFD0];
	v3 =	vmov s14;
	v16 =	vmul.f32 v14, v15;
	v2 =	vshll.u32 v2, v1  }
0x564: {  	v8 =	vld [tilespmem:s8+$0xFFFFFFE0];
	v14 =	vmov s21;
	v3 =	vshrl.u32 v3, $0x3;
	v2 =	vadd.s32 $0x7, v2  }
0x565: {  	v11 =	vld [tilespmem:s8+$0xFFFFFFF0];
	v14 =	vshrl.u32 v14, $0x3;
	[tilespmem:s8+$0x70] =	vst v4;
	v4 =	vshrl.u32 v27, $0x3;
	s9 =	sadd.s32 $0xC, s0;
	v2 =	vbroadcast v2, $0x0  }
0x566: {  	v13 =	vld [tilespmem:s8+$0x0];
	v3 =	vshll.u32 v3, v1;
	v14 =	vshll.u32 v14, v1;
	v21 =	vmov s9;
	s9 =	simm.s32 $0x104E0  }
0x567: {  	[tilespmem:s8+$0xFFFFFFA0] =	vst v5;
	v5 =	vadd.s32 $0x5, v25;
	v3 =	vadd.s32 $0x1, v3;
	v32 =	vshll.u32 v4, v1;
	v34 =	vld [tilespmem:s9+$0x70]  }
0x568: {  	v4 =	vadd.s32 $0x2, v14;
	v61 =	vbroadcast v5, $0x0;
	v33 =	vbroadcast v3, $0x0;
	v3 =	vld [tilespmem:s9+$0xFFFFFF80]  }
0x569: {  	v14 =	vadd.s32 $0x3, v17;
	v35 =	vbroadcast v4, $0x0;
	v21 =	vshrl.u32 v21, $0x3;
	v4 =	vld [tilespmem:s9+$0xFFFFFF90]  }
0x56a: {  	v63 =	vmul.f32 v20, v6;
	s0 =	sadd.s32 $0x8, s0;
	v60 =	vbroadcast v14, $0x0;
	v14 =	vld [tilespmem:s9+$0xFFFFFFA0];
	v21 =	vshll.u32 v21, v1  }
0x56b: {  	[tilespmem:s8+$0xFFFFFFB0] =	vst v9;
	v5 =	vmul.f32 v7, v15;
	v59 =	vmov s0;
	v17 =	vadd.s32 $0x4, v21;
	v2 =	vld.idx.msk [tilespmem:v2+s20+$0x0], $0xffff  }
0x56c: {  	[tilespmem:s8+$0xFFFFFFC0] =	vst v16;
	v9 =	vadd.s32 $0x6, v32;
	v27 =	vshrl.u32 v59, $0x3;
	v16 =	vld [tilespmem:s9+$0xFFFFFFB0];
	v36 =	vbroadcast v17, $0x0  }
0x56d: {  	[tilespmem:s8+$0x10] =	vst v63;
	v15 =	vld [tilespmem:s9+$0xFFFFFFC0];
	v62 =	vmul.f32 v13, v6;
	v7 =	vshll.u32 v27, v1;
	v17 =	vbroadcast v9, $0x0  }
0x56e: {  	[tilespmem:s8+$0xFFFFFFD0] =	vst v5;
	v8 =	vmul.f32 v8, v18;
	v9 =	vbroadcast v7, $0x0;
	v6 =	vld.idx.msk [tilespmem:v61+s20+$0x0], $0xffff  }
0x56f: {  	v20 =	vmul.f32 v28, v19;
	[tilespmem:s8+$0x0] =	vst v62;
	v11 =	vmul.f32 v11, v18;
	v18 =	vld.idx.msk [tilespmem:v33+s20+$0x0], $0xffff  }
0x570: {  	v13 =	vmul.f32 v30, v23;
	[tilespmem:s8+$0xFFFFFFE0] =	vst v8;
	v7 =	vld.idx.msk [tilespmem:v35+s20+$0x0], $0xffff;
	v5 =	vmul.f32 v34, v2  }
0x571: {  	v21 =	vmul.f32 v26, v19;
	v19 =	vmul.f32 v29, v23;
	v8 =	vld.idx.msk [tilespmem:v60+s20+$0x0], $0xffff;
	[tilespmem:s8+$0xFFFFFFF0] =	vst v11  }
0x572: {  	s0 =	simm.s32 $0x8;
	v11 =	vmul.f32 v31, v10;
	v10 =	vmul.f32 v22, v24;
	[tilespmem:s9+$0x70] =	vst v5;
	v5 =	vld.idx.msk [tilespmem:v36+s20+$0x0], $0xffff  }
.LBB2_49:
0x573: {  	s5 =	sadd.s32 s0, s1;
	s0 =	sadd.s32 $0x8, s0;
	v22 =	vld.idx.msk [tilespmem:v17+s20+$0x0], $0xffff;
	[tilespmem:s8+$0x20] =	vst v21  }
0x574: {  	s6 =	sadd.s32 $0x9, s5;
	s14 =	sadd.s32 $0xF, s5;
	p3 =	slt.u32 s0, $0x188;
	v23 =	vld.idx.msk [tilespmem:v9+s20+$0x0], $0xffff;
	v9 =	vmul.f32 v14, v18;
	v14 =	vmul.f32 v16, v18;
	[tilespmem:s8+$0x30] =	vst v20  }
0x575: {  	s21 =	sadd.s32 $0xB, s5;
	s22 =	sadd.s32 $0xC, s5;
	v15 =	vmul.f32 v15, v7;
	v16 =	vmov s6;
	s6 =	sadd.s32 $0xA, s5;
	v17 =	vmov s14;
	v18 =	vld [tilespmem:s9+$0xFFFFFFD0];
	[tilespmem:s8+$0x40] =	vst v19  }
0x576: {  	s14 =	sadd.s32 $0x8, s5;
	v20 =	vmov s21;
	v19 =	vmov s6;
	s6 =	sadd.s32 $0xD, s5;
	s5 =	sadd.s32 $0xE, s5;
	v17 =	vshrl.u32 v17, $0x3;
	[tilespmem:s9+$0xFFFFFFA0] =	vst v9;
	v21 =	vld [tilespmem:s9+$0xFFFFFFE0]  }
0x577: {  	v9 =	vmov s22;
	v24 =	vmov s6;
	v17 =	vshll.u32 v17, v1;
	[tilespmem:s9+$0xFFFFFFB0] =	vst v14;
	v25 =	vld [tilespmem:s9+$0xFFFFFFF0]  }
0x578: {  	v14 =	vshrl.u32 v16, $0x3;
	v16 =	vmov s5;
	v17 =	vadd.s32 $0x7, v17;
	[tilespmem:s9+$0xFFFFFFC0] =	vst v15;
	v26 =	vld [tilespmem:s9+$0x0]  }
0x579: {  	v15 =	vshrl.u32 v19, $0x3;
	v19 =	vshrl.u32 v20, $0x3;
	v17 =	vbroadcast v17, $0x0;
	v20 =	vld [tilespmem:s9+$0x10];
	[tilespmem:s8+$0x50] =	vst v13  }
0x57a: {  	v9 =	vshrl.u32 v9, $0x3;
	v16 =	vshrl.u32 v16, $0x3;
	v13 =	vshrl.u32 v24, $0x3;
	v24 =	vld [tilespmem:s9+$0x20];
	[tilespmem:s8+$0x60] =	vst v11  }
0x57b: {  	v14 =	vshll.u32 v14, v1;
	v15 =	vshll.u32 v15, v1;
	v11 =	vmov s14;
	v27 =	vld [tilespmem:s9+$0x30];
	[tilespmem:s8+$0xFFFFFF80] =	vst v12  }
0x57c: {  	v9 =	vshll.u32 v9, v1;
	v13 =	vshll.u32 v13, v1;
	v12 =	vshll.u32 v19, v1;
	v19 =	vld [tilespmem:s9+$0x40];
	[tilespmem:s8+$0xFFFFFF90] =	vst v10;
	s8 =	smov.u32 s9  }
0x57d: {  	v10 =	vshrl.u32 v11, $0x3;
	v11 =	vadd.s32 $0x1, v14;
	v14 =	vshll.u32 v16, v1;
	v28 =	vld [tilespmem:s9+$0x50]  }
0x57e: {  	v9 =	vadd.s32 $0x4, v9;
	v15 =	vadd.s32 $0x2, v15;
	v12 =	vadd.s32 $0x3, v12;
	v29 =	vld [tilespmem:s9+$0x60]  }
0x57f: {  	v13 =	vadd.s32 $0x5, v13;
	v10 =	vshll.u32 v10, v1;
	v14 =	vadd.s32 $0x6, v14;
	s9 =	sadd.s32 $0x100, s9;
	v30 =	vld.idx.msk [tilespmem:v17+s20+$0x0], $0xffff  }
0x580: {  	v31 =	vbroadcast v15, $0x0;
	v11 =	vbroadcast v11, $0x0;
	v32 =	vld [tilespmem:s9+$0x70]  }
0x581: {  	v34 =	vbroadcast v9, $0x0;
	v12 =	vbroadcast v12, $0x0;
	v33 =	vld [tilespmem:s9+$0xFFFFFF80]  }
0x582: {  	v36 =	vbroadcast v13, $0x0;
	v17 =	vbroadcast v14, $0x0;
	v35 =	vld [tilespmem:s9+$0xFFFFFF90]  }
0x583: {  	v7 =	vmul.f32 v18, v7;
	v9 =	vbroadcast v10, $0x0;
	v14 =	vld [tilespmem:s9+$0xFFFFFFA0]  }
0x584: {  	v13 =	vmul.f32 v25, v8;
	v10 =	vmul.f32 v21, v8;
	v16 =	vld [tilespmem:s9+$0xFFFFFFB0]  }
0x585: {  	v25 =	vmul.f32 v26, v5;
	v15 =	vld [tilespmem:s9+$0xFFFFFFC0];
	v8 =	vmul.f32 v32, v30;
	[tilespmem:s8+$0xFFFFFFD0] =	vst v7  }
.Ltmp32:
0x586: {  	v26 =	vmul.f32 v20, v5;
	v21 =	vmul.f32 v24, v6;
	v18 =	vld.idx.msk [tilespmem:v11+s20+$0x0], $0xffff;
	[tilespmem:s8+$0xFFFFFFE0] =	vst v10;
	(pc) =	sbr.rel @p3 .LBB2_49-.Ltmp32, $4  }
0x587: {  	v20 =	vmul.f32 v27, v6;
	v19 =	vmul.f32 v19, v22;
	v7 =	vld.idx.msk [tilespmem:v31+s20+$0x0], $0xffff;
	[tilespmem:s9+$0x70] =	vst v8  }
0x588: {  	v11 =	vmul.f32 v29, v2;
	v2 =	vmov v30;
	v8 =	vld.idx.msk [tilespmem:v12+s20+$0x0], $0xffff;
	[tilespmem:s8+$0xFFFFFFF0] =	vst v13;
	v13 =	vmul.f32 v28, v22  }
0x589: {  	v10 =	vmul.f32 v4, v23;
	v12 =	vmul.f32 v3, v23;
	v3 =	vmov v33;
	v5 =	vld.idx.msk [tilespmem:v34+s20+$0x0], $0xffff;
	[tilespmem:s8+$0x0] =	vst v25  }
0x58a: {  	v4 =	vmov v35;
	v6 =	vld.idx.msk [tilespmem:v36+s20+$0x0], $0xffff;
	[tilespmem:s8+$0x10] =	vst v26  }
0x58b: {  	_ =	sdelay $0x1  }
0x58c: {  	[tilespmem:s8+$0x20] =	vst v21  }
0x58d: {  	[tilespmem:s8+$0x30] =	vst v20  }
0x58e: {  	v17 =	vld.idx.msk [tilespmem:v17+s20+$0x0], $0xffff;
	[tilespmem:s8+$0x40] =	vst v19  }
0x58f: {  	v46 =	vld [tilespmem:s9+$0xFFFFFFD0];
	[tilespmem:s8+$0x50] =	vst v13  }
0x590: {  	v47 =	vld [tilespmem:s9+$0xFFFFFFE0];
	[tilespmem:s8+$0x60] =	vst v11  }
0x591: {  	v14 =	vmul.f32 v14, v18;
	v48 =	vld [tilespmem:s9+$0xFFFFFFF0];
	[tilespmem:s8+$0xFFFFFF80] =	vst v12  }
0x592: {  	v16 =	vmul.f32 v16, v18;
	v49 =	vld [tilespmem:s9+$0x0];
	[tilespmem:s8+$0xFFFFFF90] =	vst v10  }
0x593: {  	v50 =	vld [tilespmem:s9+$0x10];
	v15 =	vmul.f32 v15, v7;
	[tilespmem:s9+$0xFFFFFFA0] =	vst v14  }
0x594: {  	v51 =	vld [tilespmem:s9+$0x20];
	[tilespmem:s9+$0xFFFFFFB0] =	vst v16;
	v52 =	vmul.f32 v46, v7  }
0x595: {  	v53 =	vld [tilespmem:s9+$0x30];
	[tilespmem:s9+$0xFFFFFFC0] =	vst v15;
	v54 =	vmul.f32 v47, v8  }
0x596: {  	v55 =	vld [tilespmem:s9+$0x40];
	v56 =	vmul.f32 v48, v8;
	[tilespmem:s9+$0xFFFFFFD0] =	vst v52  }
0x597: {  	v57 =	vld [tilespmem:s9+$0x50];
	v15 =	vmul.f32 v49, v5;
	[tilespmem:s9+$0xFFFFFFE0] =	vst v54  }
0x598: {  	v58 =	vld [tilespmem:s9+$0x60];
	v59 =	vmul.f32 v50, v5;
	[tilespmem:s9+$0xFFFFFFF0] =	vst v56  }
0x599: {  	v60 =	vld.idx.msk [tilespmem:v9+s20+$0x0], $0xffff;
	v61 =	vmul.f32 v51, v6;
	[tilespmem:s9+$0x0] =	vst v15  }
0x59a: {  	v62 =	vmul.f32 v53, v6;
	[tilespmem:s9+$0x10] =	vst v59  }
0x59b: {  	v63 =	vmul.f32 v55, v17;
	[tilespmem:s9+$0x20] =	vst v61  }
0x59c: {  	v7 =	vmul.f32 v57, v17;
	[tilespmem:s9+$0x30] =	vst v62  }
0x59d: {  	s8 =	smul.u32 $0xC80, s18;
	v2 =	vmul.f32 v58, v2;
	[tilespmem:s9+$0x40] =	vst v63  }
.Ltmp33:
0x59e: {  	v3 =	vmul.f32 v3, v60;
	[tilespmem:s9+$0x50] =	vst v7;
	(pc) =	sbr.rel @p2 .LBB2_54-.Ltmp33, $4  }
0x59f: {  	v4 =	vmul.f32 v4, v60;
	[tilespmem:s9+$0x60] =	vst v2  }
0x5a0: {  	s0 =	sshra.s32 s8, $0x2;
	[tilespmem:s9+$0xFFFFFF80] =	vst v3  }
0x5a1: {  	s0 =	sadd.s32 $0x7530, s0;
	[tilespmem:s9+$0xFFFFFF90] =	vst v4  }
0x5a2: {  	[spmem:s2] =	stream.indirect.scatter.add.f32 [tilespmem:s19], [sflag:$0x1], $0x20, s0, s17, $0xb8;
	[tilespmem:$0x1F590] =	vst v63  }
0x5a3: {  	s0 =	sadd.s32 $0xFFFFFFF8, s1;
	_ =	swait.ge [sflag:s25], $0x3200  }
0x5a4: {  	s5 =	sadd.s32 $0x19F, s0;
	s9 =	sadd.s32 $0x19C, s0;
	[sflag:s25] =	ssyncset.done $0x0  }
0x5a5: {  	s21 =	sadd.s32 $0x199, s0;
	v6 =	vmov s9;
	[sflag:s25] =	ssyncadd.s32 $0xFFFFCE00;
	s9 =	simm.s32 $0x135E0  }
0x5a6: {  	s22 =	sadd.s32 $0x19A, s0;
	s6 =	sadd.s32 $0x19B, s0;
	v2 =	vmov s5;
	v3 =	vmov s21;
	v12 =	vld [tilespmem:s9+$0xFFFFFF80]  }
0x5a7: {  	s26 =	sadd.s32 $0x19D, s0;
	s29 =	sadd.s32 $0x19E, s0;
	v4 =	vmov s22;
	v5 =	vmov s6;
	v2 =	vshrl.u32 v2, $0x3;
	v22 =	vld [tilespmem:s9+$0xFFFFFF90]  }
0x5a8: {  	s0 =	sadd.s32 $0x198, s0;
	v7 =	vmov s26;
	v8 =	vmov s29;
	v11 =	vld [tilespmem:s9+$0xFFFFFFA0];
	v2 =	vshll.u32 v2, v1  }
0x5a9: {  	v9 =	vmov s0;
	v3 =	vshrl.u32 v3, $0x3;
	v13 =	vld [tilespmem:s9+$0xFFFFFFB0];
	v2 =	vadd.s32 $0x7, v2  }
0x5aa: {  	v4 =	vshrl.u32 v4, $0x3;
	v9 =	vshrl.u32 v9, $0x3;
	v14 =	vld [tilespmem:s9+$0xFFFFFFC0];
	v2 =	vbroadcast v2, $0x0  }
0x5ab: {  	v5 =	vshrl.u32 v5, $0x3;
	v6 =	vshrl.u32 v6, $0x3;
	v20 =	vld [tilespmem:s9+$0x10];
	v9 =	vshll.u32 v9, v1  }
0x5ac: {  	v7 =	vshrl.u32 v7, $0x3;
	v26 =	vld [tilespmem:s9+$0x20];
	v3 =	vshll.u32 v3, v1;
	v9 =	vbroadcast v9, $0x0  }
0x5ad: {  	v8 =	vshrl.u32 v8, $0x3;
	v28 =	vld [tilespmem:s9+$0x30];
	v4 =	vshll.u32 v4, v1;
	v3 =	vadd.s32 $0x1, v3  }
0x5ae: {  	v29 =	vld [tilespmem:s9+$0x40];
	v6 =	vshll.u32 v6, v1;
	v4 =	vadd.s32 $0x2, v4;
	v3 =	vbroadcast v3, $0x0  }
0x5af: {  	v30 =	vld [tilespmem:s9+$0x50];
	v7 =	vshll.u32 v7, v1;
	v6 =	vadd.s32 $0x4, v6;
	v4 =	vbroadcast v4, $0x0  }
0x5b0: {  	v7 =	vadd.s32 $0x5, v7;
	v6 =	vbroadcast v6, $0x0;
	v10 =	vld.idx.msk [tilespmem:v2+s20+$0x0], $0xffff;
	v2 =	vshll.u32 v5, v1  }
0x5b1: {  	v31 =	vld [tilespmem:s9+$0x60];
	v8 =	vshll.u32 v8, v1;
	v7 =	vbroadcast v7, $0x0;
	v2 =	vadd.s32 $0x3, v2  }
0x5b2: {  	v8 =	vadd.s32 $0x6, v8;
	v24 =	vld.idx.msk [tilespmem:v9+s20+$0x0], $0xffff;
	v2 =	vbroadcast v2, $0x0  }
0x5b3: {  	s0 =	sadd.s32 $0x0, s1;
	v8 =	vbroadcast v8, $0x0;
	v5 =	vld [tilespmem:s9+$0x70]  }
0x5b4: {  	s22 =	sadd.s32 $0x19B, s0;
	s26 =	sadd.s32 $0x19D, s0;
	v3 =	vld.idx.msk [tilespmem:v3+s20+$0x0], $0xffff  }
0x5b5: {  	v17 =	vmov s22;
	v25 =	vmov s26;
	v15 =	vld.idx.msk [tilespmem:v4+s20+$0x0], $0xffff  }
0x5b6: {  	s29 =	sadd.s32 $0x19E, s0;
	v17 =	vshrl.u32 v17, $0x3;
	v25 =	vshrl.u32 v25, $0x3;
	v6 =	vld.idx.msk [tilespmem:v6+s20+$0x0], $0xffff  }
0x5b7: {  	s6 =	sadd.s32 $0x19F, s0;
	v27 =	vmov s29;
	v17 =	vshll.u32 v17, v1;
	v25 =	vshll.u32 v25, v1;
	v19 =	vld.idx.msk [tilespmem:v7+s20+$0x0], $0xffff  }
0x5b8: {  	v12 =	vmul.f32 v12, v24;
	v4 =	vmul.f32 v5, v10;
	v18 =	vld.idx.msk [tilespmem:v2+s20+$0x0], $0xffff;
	v2 =	vmov s6  }
0x5b9: {  	s14 =	sadd.s32 $0x199, s0;
	v23 =	vld.idx.msk [tilespmem:v8+s20+$0x0], $0xffff;
	v5 =	vmul.f32 v11, v3;
	v9 =	vmul.f32 v13, v3;
	v2 =	vshrl.u32 v2, $0x3  }
0x5ba: {  	s21 =	sadd.s32 $0x19A, s0;
	v7 =	vld [tilespmem:s9+$0xFFFFFFD0];
	v3 =	vmov s14;
	v16 =	vmul.f32 v14, v15;
	v2 =	vshll.u32 v2, v1  }
0x5bb: {  	v8 =	vld [tilespmem:s9+$0xFFFFFFE0];
	s14 =	sadd.s32 $0x19C, s0;
	v14 =	vmov s21;
	v63 =	vmul.f32 v20, v6;
	v2 =	vadd.s32 $0x7, v2  }
0x5bc: {  	v11 =	vld [tilespmem:s9+$0xFFFFFFF0];
	v21 =	vmov s14;
	v3 =	vshrl.u32 v3, $0x3;
	v2 =	vbroadcast v2, $0x0  }
0x5bd: {  	v13 =	vld [tilespmem:s9+$0x0];
	v14 =	vshrl.u32 v14, $0x3;
	s14 =	simm.s32 $0x136E0;
	v21 =	vshrl.u32 v21, $0x3;
	[tilespmem:s9+$0x70] =	vst v4;
	v4 =	vshrl.u32 v27, $0x3  }
0x5be: {  	v3 =	vshll.u32 v3, v1;
	v14 =	vshll.u32 v14, v1;
	v34 =	vld [tilespmem:s14+$0x70];
	[tilespmem:s9+$0xFFFFFFA0] =	vst v5;
	v5 =	vadd.s32 $0x5, v25  }
0x5bf: {  	[tilespmem:s9+$0xFFFFFFC0] =	vst v16;
	v16 =	vld [tilespmem:s14+$0xFFFFFFB0];
	v3 =	vadd.s32 $0x1, v3;
	v32 =	vshll.u32 v4, v1;
	v61 =	vbroadcast v5, $0x0  }
0x5c0: {  	v4 =	vadd.s32 $0x2, v14;
	v5 =	vmul.f32 v7, v15;
	v15 =	vld [tilespmem:s14+$0xFFFFFFC0];
	v33 =	vbroadcast v3, $0x0  }
0x5c1: {  	s0 =	sadd.s32 $0x198, s0;
	v21 =	vshll.u32 v21, v1;
	v14 =	vadd.s32 $0x3, v17;
	v35 =	vbroadcast v4, $0x0;
	v3 =	vld [tilespmem:s14+$0xFFFFFF80]  }
0x5c2: {  	v59 =	vmov s0;
	v17 =	vadd.s32 $0x4, v21;
	v60 =	vbroadcast v14, $0x0;
	v2 =	vld.idx.msk [tilespmem:v2+s20+$0x0], $0xffff  }
0x5c3: {  	v27 =	vshrl.u32 v59, $0x3;
	[tilespmem:s9+$0xFFFFFFB0] =	vst v9;
	v4 =	vld [tilespmem:s14+$0xFFFFFF90];
	v9 =	vadd.s32 $0x6, v32;
	v36 =	vbroadcast v17, $0x0  }
0x5c4: {  	[tilespmem:s9+$0x10] =	vst v63;
	v7 =	vshll.u32 v27, v1;
	v14 =	vld [tilespmem:s14+$0xFFFFFFA0];
	v17 =	vbroadcast v9, $0x0;
	v62 =	vmul.f32 v13, v6  }
0x5c5: {  	v9 =	vbroadcast v7, $0x0;
	[tilespmem:s9+$0xFFFFFFD0] =	vst v5;
	v8 =	vmul.f32 v8, v18;
	v6 =	vld.idx.msk [tilespmem:v61+s20+$0x0], $0xffff  }
0x5c6: {  	v20 =	vmul.f32 v28, v19;
	[tilespmem:s9+$0x0] =	vst v62;
	v11 =	vmul.f32 v11, v18;
	v18 =	vld.idx.msk [tilespmem:v33+s20+$0x0], $0xffff  }
0x5c7: {  	v21 =	vmul.f32 v26, v19;
	[tilespmem:s9+$0xFFFFFFE0] =	vst v8;
	v7 =	vld.idx.msk [tilespmem:v35+s20+$0x0], $0xffff;
	v5 =	vmul.f32 v34, v2  }
0x5c8: {  	v19 =	vmul.f32 v29, v23;
	v13 =	vmul.f32 v30, v23;
	v8 =	vld.idx.msk [tilespmem:v60+s20+$0x0], $0xffff;
	[tilespmem:s9+$0xFFFFFFF0] =	vst v11  }
0x5c9: {  	s0 =	simm.s32 $0x8;
	v11 =	vmul.f32 v31, v10;
	v10 =	vmul.f32 v22, v24;
	[tilespmem:s14+$0x70] =	vst v5;
	v5 =	vld.idx.msk [tilespmem:v36+s20+$0x0], $0xffff  }
.LBB2_52:
0x5ca: {  	s5 =	sadd.s32 s0, s1;
	s0 =	sadd.s32 $0x8, s0;
	v22 =	vld.idx.msk [tilespmem:v17+s20+$0x0], $0xffff;
	[tilespmem:s9+$0x20] =	vst v21  }
0x5cb: {  	s6 =	sadd.s32 $0x199, s5;
	s21 =	sadd.s32 $0x19F, s5;
	p3 =	slt.u32 s0, $0x188;
	v23 =	vld.idx.msk [tilespmem:v9+s20+$0x0], $0xffff;
	v9 =	vmul.f32 v14, v18;
	v14 =	vmul.f32 v16, v18;
	[tilespmem:s9+$0x30] =	vst v20  }
0x5cc: {  	s22 =	sadd.s32 $0x19B, s5;
	s26 =	sadd.s32 $0x19C, s5;
	v15 =	vmul.f32 v15, v7;
	v16 =	vmov s6;
	s6 =	sadd.s32 $0x19A, s5;
	v17 =	vmov s21;
	v18 =	vld [tilespmem:s14+$0xFFFFFFD0];
	[tilespmem:s9+$0x40] =	vst v19  }
0x5cd: {  	s21 =	sadd.s32 $0x198, s5;
	v20 =	vmov s22;
	v19 =	vmov s6;
	s6 =	sadd.s32 $0x19D, s5;
	s5 =	sadd.s32 $0x19E, s5;
	v17 =	vshrl.u32 v17, $0x3;
	[tilespmem:s14+$0xFFFFFFA0] =	vst v9;
	v21 =	vld [tilespmem:s14+$0xFFFFFFE0]  }
0x5ce: {  	v9 =	vmov s26;
	v24 =	vmov s6;
	v17 =	vshll.u32 v17, v1;
	[tilespmem:s14+$0xFFFFFFB0] =	vst v14;
	v25 =	vld [tilespmem:s14+$0xFFFFFFF0]  }
0x5cf: {  	v14 =	vshrl.u32 v16, $0x3;
	v16 =	vmov s5;
	v17 =	vadd.s32 $0x7, v17;
	[tilespmem:s14+$0xFFFFFFC0] =	vst v15;
	v26 =	vld [tilespmem:s14+$0x0]  }
0x5d0: {  	v15 =	vshrl.u32 v19, $0x3;
	v19 =	vshrl.u32 v20, $0x3;
	v17 =	vbroadcast v17, $0x0;
	v20 =	vld [tilespmem:s14+$0x10];
	[tilespmem:s9+$0x50] =	vst v13  }
0x5d1: {  	v9 =	vshrl.u32 v9, $0x3;
	v16 =	vshrl.u32 v16, $0x3;
	v13 =	vshrl.u32 v24, $0x3;
	v24 =	vld [tilespmem:s14+$0x20];
	[tilespmem:s9+$0x60] =	vst v11  }
0x5d2: {  	v14 =	vshll.u32 v14, v1;
	v15 =	vshll.u32 v15, v1;
	v11 =	vmov s21;
	v27 =	vld [tilespmem:s14+$0x30];
	[tilespmem:s9+$0xFFFFFF80] =	vst v12  }
0x5d3: {  	v9 =	vshll.u32 v9, v1;
	v13 =	vshll.u32 v13, v1;
	v12 =	vshll.u32 v19, v1;
	v19 =	vld [tilespmem:s14+$0x40];
	[tilespmem:s9+$0xFFFFFF90] =	vst v10;
	s9 =	smov.u32 s14  }
0x5d4: {  	v10 =	vshrl.u32 v11, $0x3;
	v11 =	vadd.s32 $0x1, v14;
	v14 =	vshll.u32 v16, v1;
	v28 =	vld [tilespmem:s14+$0x50]  }
0x5d5: {  	v9 =	vadd.s32 $0x4, v9;
	v15 =	vadd.s32 $0x2, v15;
	v12 =	vadd.s32 $0x3, v12;
	v29 =	vld [tilespmem:s14+$0x60]  }
0x5d6: {  	v13 =	vadd.s32 $0x5, v13;
	v10 =	vshll.u32 v10, v1;
	v14 =	vadd.s32 $0x6, v14;
	s14 =	sadd.s32 $0x100, s14;
	v30 =	vld.idx.msk [tilespmem:v17+s20+$0x0], $0xffff  }
0x5d7: {  	v31 =	vbroadcast v15, $0x0;
	v11 =	vbroadcast v11, $0x0;
	v32 =	vld [tilespmem:s14+$0x70]  }
0x5d8: {  	v34 =	vbroadcast v9, $0x0;
	v12 =	vbroadcast v12, $0x0;
	v33 =	vld [tilespmem:s14+$0xFFFFFF80]  }
0x5d9: {  	v36 =	vbroadcast v13, $0x0;
	v17 =	vbroadcast v14, $0x0;
	v35 =	vld [tilespmem:s14+$0xFFFFFF90]  }
0x5da: {  	v7 =	vmul.f32 v18, v7;
	v9 =	vbroadcast v10, $0x0;
	v14 =	vld [tilespmem:s14+$0xFFFFFFA0]  }
0x5db: {  	v13 =	vmul.f32 v25, v8;
	v10 =	vmul.f32 v21, v8;
	v16 =	vld [tilespmem:s14+$0xFFFFFFB0]  }
0x5dc: {  	v25 =	vmul.f32 v26, v5;
	v15 =	vld [tilespmem:s14+$0xFFFFFFC0];
	v8 =	vmul.f32 v32, v30;
	[tilespmem:s9+$0xFFFFFFD0] =	vst v7  }
.Ltmp34:
0x5dd: {  	v26 =	vmul.f32 v20, v5;
	v21 =	vmul.f32 v24, v6;
	v18 =	vld.idx.msk [tilespmem:v11+s20+$0x0], $0xffff;
	[tilespmem:s9+$0xFFFFFFE0] =	vst v10;
	(pc) =	sbr.rel @p3 .LBB2_52-.Ltmp34, $4  }
0x5de: {  	v20 =	vmul.f32 v27, v6;
	v19 =	vmul.f32 v19, v22;
	v7 =	vld.idx.msk [tilespmem:v31+s20+$0x0], $0xffff;
	[tilespmem:s14+$0x70] =	vst v8  }
0x5df: {  	v11 =	vmul.f32 v29, v2;
	v2 =	vmov v30;
	v8 =	vld.idx.msk [tilespmem:v12+s20+$0x0], $0xffff;
	[tilespmem:s9+$0xFFFFFFF0] =	vst v13;
	v13 =	vmul.f32 v28, v22  }
0x5e0: {  	v10 =	vmul.f32 v4, v23;
	v12 =	vmul.f32 v3, v23;
	v3 =	vmov v33;
	v5 =	vld.idx.msk [tilespmem:v34+s20+$0x0], $0xffff;
	[tilespmem:s9+$0x0] =	vst v25  }
0x5e1: {  	v4 =	vmov v35;
	v6 =	vld.idx.msk [tilespmem:v36+s20+$0x0], $0xffff;
	[tilespmem:s9+$0x10] =	vst v26  }
0x5e2: {  	_ =	sdelay $0x1  }
0x5e3: {  	[tilespmem:s9+$0x20] =	vst v21  }
0x5e4: {  	[tilespmem:s9+$0x30] =	vst v20  }
0x5e5: {  	v17 =	vld.idx.msk [tilespmem:v17+s20+$0x0], $0xffff;
	[tilespmem:s9+$0x40] =	vst v19  }
0x5e6: {  	v46 =	vld [tilespmem:s14+$0xFFFFFFD0];
	[tilespmem:s9+$0x50] =	vst v13  }
0x5e7: {  	v47 =	vld [tilespmem:s14+$0xFFFFFFE0];
	[tilespmem:s9+$0x60] =	vst v11  }
0x5e8: {  	v14 =	vmul.f32 v14, v18;
	v48 =	vld [tilespmem:s14+$0xFFFFFFF0];
	[tilespmem:s9+$0xFFFFFF80] =	vst v12  }
0x5e9: {  	v16 =	vmul.f32 v16, v18;
	v49 =	vld [tilespmem:s14+$0x0];
	[tilespmem:s9+$0xFFFFFF90] =	vst v10  }
0x5ea: {  	v50 =	vld [tilespmem:s14+$0x10];
	v15 =	vmul.f32 v15, v7;
	[tilespmem:s14+$0xFFFFFFA0] =	vst v14  }
0x5eb: {  	v51 =	vld [tilespmem:s14+$0x20];
	[tilespmem:s14+$0xFFFFFFB0] =	vst v16;
	v52 =	vmul.f32 v46, v7  }
0x5ec: {  	v53 =	vld [tilespmem:s14+$0x30];
	[tilespmem:s14+$0xFFFFFFC0] =	vst v15;
	v54 =	vmul.f32 v47, v8  }
0x5ed: {  	v55 =	vld [tilespmem:s14+$0x40];
	v56 =	vmul.f32 v48, v8;
	[tilespmem:s14+$0xFFFFFFD0] =	vst v52  }
0x5ee: {  	v57 =	vld [tilespmem:s14+$0x50];
	v15 =	vmul.f32 v49, v5;
	[tilespmem:s14+$0xFFFFFFE0] =	vst v54  }
0x5ef: {  	v58 =	vld [tilespmem:s14+$0x60];
	v59 =	vmul.f32 v50, v5;
	[tilespmem:s14+$0xFFFFFFF0] =	vst v56  }
0x5f0: {  	v60 =	vld.idx.msk [tilespmem:v9+s20+$0x0], $0xffff;
	v61 =	vmul.f32 v51, v6;
	[tilespmem:s14+$0x0] =	vst v15  }
0x5f1: {  	v62 =	vmul.f32 v53, v6;
	[tilespmem:s14+$0x10] =	vst v59  }
0x5f2: {  	v63 =	vmul.f32 v55, v17;
	[tilespmem:s14+$0x20] =	vst v61  }
0x5f3: {  	v7 =	vmul.f32 v57, v17;
	[tilespmem:s14+$0x30] =	vst v62  }
.Ltmp35:
0x5f4: {  	v2 =	vmul.f32 v58, v2;
	[tilespmem:s14+$0x40] =	vst v63;
	(pc) =	sbr.rel .LBB2_54-.Ltmp35, $4  }
0x5f5: {  	v3 =	vmul.f32 v3, v60;
	[tilespmem:s14+$0x50] =	vst v7  }
0x5f6: {  	v4 =	vmul.f32 v4, v60;
	[tilespmem:s14+$0x60] =	vst v2  }
0x5f7: {  	[tilespmem:s14+$0xFFFFFF80] =	vst v3  }
0x5f8: {  	[tilespmem:s14+$0xFFFFFF90] =	vst v4  }
.LBB2_55:
0x5f9: {  	[bflag:$0x0] =	sbarrier.arrive $0xFFFF  }
0x5fa: {  	s0 =	rddreg [dreg:$0xb]  }
0x5fb: {  	[hbm:s0], [sflag:s30] =	dma.local @!p1 [spmem:s31], $0xFA0  }
0x5fc: {  	s0 =	simm.s32 @!p1 $0x3  }
0x5fd: {  	_ =	swait.ge @!p1 [sflag:s0], $0xFA0  }
0x5fe: {  	[sflag:s0] =	ssyncset.done @!p1 $0x0  }
0x5ff: {  	[sflag:s0] =	ssyncadd.s32 @!p1 $0xFFFFF060  }
0x600: {  	s0 =	simm.s32 $0x103E0;
	[bflag:$0x0] =	sbarrier.arrive $0xFFFF  }
0x601: {  	[tilespmem:s0+$0xFFFFFF80] =	vst v0  }
0x602: {  	[tilespmem:s0+$0x70] =	vst v0  }
0x603: {  	[tilespmem:s0+$0x60] =	vst v0  }
0x604: {  	[tilespmem:s0+$0x50] =	vst v0  }
0x605: {  	[tilespmem:s0+$0x40] =	vst v0  }
0x606: {  	[tilespmem:s0+$0x30] =	vst v0  }
0x607: {  	[tilespmem:s0+$0x20] =	vst v0  }
0x608: {  	[tilespmem:s0+$0x10] =	vst v0  }
0x609: {  	[tilespmem:s0+$0x0] =	vst v0  }
0x60a: {  	[tilespmem:s0+$0xFFFFFFF0] =	vst v0  }
0x60b: {  	[tilespmem:s0+$0xFFFFFFE0] =	vst v0  }
0x60c: {  	[tilespmem:s0+$0xFFFFFFD0] =	vst v0  }
0x60d: {  	[tilespmem:s0+$0xFFFFFFC0] =	vst v0  }
0x60e: {  	[tilespmem:s0+$0xFFFFFFB0] =	vst v0  }
0x60f: {  	s1 =	simm.s32 $0x0;
	[tilespmem:s0+$0xFFFFFFA0] =	vst v0  }
.LBB2_56:
0x610: {  	s1 =	sadd.s32 $0x8, s1;
	[tilespmem:s0+$0xFFFFFF90] =	vst v0;
	s0 =	sadd.s32 $0x100, s0  }
0x611: {  	[tilespmem:s0+$0xFFFFFF80] =	vst v0;
	p2 =	slt.u32 s1, $0x188  }
0x612: {  	[tilespmem:s0+$0x70] =	vst v0  }
0x613: {  	[tilespmem:s0+$0x60] =	vst v0  }
0x614: {  	[tilespmem:s0+$0x50] =	vst v0  }
0x615: {  	[tilespmem:s0+$0x40] =	vst v0  }
0x616: {  	[tilespmem:s0+$0x30] =	vst v0  }
0x617: {  	[tilespmem:s0+$0x20] =	vst v0  }
0x618: {  	[tilespmem:s0+$0x10] =	vst v0  }
0x619: {  	[tilespmem:s0+$0x0] =	vst v0  }
0x61a: {  	[tilespmem:s0+$0xFFFFFFF0] =	vst v0  }
.Ltmp36:
0x61b: {  	[tilespmem:s0+$0xFFFFFFE0] =	vst v0;
	(pc) =	sbr.rel @p2 .LBB2_56-.Ltmp36, $4  }
0x61c: {  	[tilespmem:s0+$0xFFFFFFD0] =	vst v0  }
0x61d: {  	[tilespmem:s0+$0xFFFFFFC0] =	vst v0  }
0x61e: {  	[tilespmem:s0+$0xFFFFFFB0] =	vst v0  }
0x61f: {  	[tilespmem:s0+$0xFFFFFFA0] =	vst v0  }
0x620: {  	[tilespmem:s0+$0xFFFFFF90] =	vst v0  }
0x621: {  	s0 =	simm.s32 @!p1 $0x10360;
	s1 =	rddreg [dreg:$0x10]  }
0x622: {  	[spmem:s1] =	stream.linear.scatter @!p1 [tilespmem:s0], [sflag:$0x2], $0x1900, $0x38;
	[tilespmem:$0x1F590] =	vst v63  }
0x623: {  	s1 =	rddreg [dreg:$0x1c]  }
0x624: {  	[spmem:s1] =	stream.linear.scatter @!p1 [tilespmem:s0], [sflag:$0x2], $0x1900, $0x38;
	[tilespmem:$0x1F590] =	vst v63  }
0x625: {  	s1 =	rddreg [dreg:$0x1d]  }
0x626: {  	[spmem:s1] =	stream.linear.scatter @!p1 [tilespmem:s0], [sflag:$0x2], $0x1900, $0x38;
	[tilespmem:$0x1F590] =	vst v63  }
0x627: {  	s1 =	rddreg [dreg:$0x1e]  }
0x628: {  	[spmem:s1] =	stream.linear.scatter @!p1 [tilespmem:s0], [sflag:$0x2], $0x1900, $0x38;
	[tilespmem:$0x1F590] =	vst v63  }
0x629: {  	s1 =	rddreg [dreg:$0x1f]  }
0x62a: {  	[spmem:s1] =	stream.linear.scatter @!p1 [tilespmem:s0], [sflag:$0x2], $0x1900, $0x38;
	[tilespmem:$0x1F590] =	vst v63  }
0x62b: {  	s0 =	simm.s32 @!p1 $0x2  }
0x62c: {  	_ =	swait.ge @!p1 [sflag:s0], $0x1900  }
0x62d: {  	[sflag:s0] =	ssyncset.done @!p1 $0x0  }
0x62e: {  	[sflag:s0] =	ssyncadd.s32 @!p1 $0xFFFFE700  }
0x62f: {  	_ =	swait.ge @!p1 [sflag:s0], $0x1900  }
0x630: {  	[sflag:s0] =	ssyncset.done @!p1 $0x0  }
0x631: {  	[sflag:s0] =	ssyncadd.s32 @!p1 $0xFFFFE700  }
0x632: {  	_ =	swait.ge @!p1 [sflag:s0], $0x1900  }
0x633: {  	[sflag:s0] =	ssyncset.done @!p1 $0x0  }
0x634: {  	[sflag:s0] =	ssyncadd.s32 @!p1 $0xFFFFE700  }
0x635: {  	_ =	swait.ge @!p1 [sflag:s0], $0x1900  }
0x636: {  	[sflag:s0] =	ssyncset.done @!p1 $0x0  }
0x637: {  	[sflag:s0] =	ssyncadd.s32 @!p1 $0xFFFFE700  }
.Ltmp37:
0x638: {  	_ =	swait.ge @!p1 [sflag:s0], $0x1900;
	(pc) =	sbr.rel .LBB2_58-.Ltmp37, $4  }
0x639: {  	[sflag:s0] =	ssyncset.done @!p1 $0x0  }
0x63a: {  	s29 =	simm.s32 $0x4E20;
	[sflag:s0] =	ssyncadd.s32 @!p1 $0xFFFFE700  }
0x63b: {  	s18 =	simm.s32 $0x0;
	s1 =	simm.s32 $0x0;
	[bflag:$0x0] =	sbarrier.arrive $0xFFFF  }
0x63c: {  	[tilespmem:s19], [sflag:$0x1] =	stream.indirect.gather [hbm4b:s13+s17], $0x20, s29, s17, $0xb8;
	[tilespmem:$0x1F590] =	vst v63  }
.LBB2_64:
0x63d: {  	_ =	swait.ge [sflag:s16], $0x3200;
	p3 =	seq.s32 s18, $0xC;
	s18 =	sadd.s32 $0x1, s18  }
0x63e: {  	[sflag:s16] =	ssyncset.done $0x0;
	s0 =	sshra.s32 @!p3 s8, $0x2;
	s5 =	simm.s32 @!p3 $0x190  }
0x63f: {  	s6 =	simm.s32 @!p3 $0x10360;
	[sflag:s16] =	ssyncadd.s32 $0xFFFFCE00;
	s0 =	sadd.s32 @!p3 $0x5140, s0  }
0x640: {  	[tilespmem:s6], [sflag:$0x1] =	stream.indirect.gather @!p3 [hbm4b:s13+s5], $0x20, s0, s5, $0xb8;
	[tilespmem:$0x1F590] =	vst v63  }
0x641: {  	s0 =	sadd.s32 @!p2 $0x7530, s7;
	s5 =	simm.s32 @!p2 $0x190;
	s6 =	simm.s32 @!p2 $0x13560  }
0x642: {  	[spmem:s2] =	stream.indirect.scatter.add.f32 @!p2 [tilespmem:s6], [sflag:$0x2], $0x20, s0, s5, $0xb8;
	[tilespmem:$0x1F590] =	vst v63  }
0x643: {  	p2 =	sne.s32 s18, $0xD  }
.Ltmp38:
0x644: {  	_ = 	snop;
	(pc) =	sbr.rel @!p2 .LBB2_65-.Ltmp38, $2  }
0x645: {  	_ =	sdelay $0x2  }
0x646: {  	s1 =	sadd.s32 $0x320, s1  }
.LBB2_58:
0x647: {  	s0 =	sshllo.u32 s18, $0x1  }
0x648: {  	p3 =	seq.s32 s18, $0x0;
	p2 =	sgt.u32 s0, $0x18  }
0x649: {  	s6 =	sadd.s32 $0xFFFFFFF8, s1;
	s5 =	simm.s32 @!p3 $0x2;
	s0 =	smul.u32 @!p2 $0x640, s0  }
0x64a: {  	s7 =	sadd.s32 $0xF, s6;
	_ =	swait.ge @!p3 [sflag:s5], $0x3200  }
0x64b: {  	v2 =	vmov s7;
	s8 =	simm.s32 @!p2 $0x13560;
	[sflag:s5] =	ssyncset.done @!p3 $0x0;
	s7 =	sshra.s32 @!p2 s0, $0x2  }
0x64c: {  	[sflag:s5] =	ssyncadd.s32 @!p3 $0xFFFFCE00;
	s5 =	simm.s32 @!p2 $0x190;
	s0 =	sadd.s32 @!p2 $0x4E20, s7  }
0x64d: {  	[tilespmem:s8], [sflag:$0x2] =	stream.indirect.gather @!p2 [hbm4b:s13+s5], $0x20, s0, s5, $0xb8;
	[tilespmem:$0x1F590] =	vst v63  }
0x64e: {  	_ =	swait.ge [sflag:s16], $0x3200  }
0x64f: {  	s9 =	sadd.s32 $0x9, s6;
	[sflag:s16] =	ssyncset.done $0x0  }
0x650: {  	s14 =	sadd.s32 $0xA, s6;
	s8 =	simm.s32 $0x103E0;
	[sflag:s16] =	ssyncadd.s32 $0xFFFFCE00  }
0x651: {  	s21 =	sadd.s32 $0xB, s6;
	s22 =	sadd.s32 $0xC, s6;
	v3 =	vmov s9;
	v4 =	vmov s14;
	v12 =	vld [tilespmem:s8+$0xFFFFFF80]  }
0x652: {  	s26 =	sadd.s32 $0xD, s6;
	s29 =	sadd.s32 $0xE, s6;
	v5 =	vmov s21;
	v6 =	vmov s22;
	v2 =	vshrl.u32 v2, $0x3;
	v22 =	vld [tilespmem:s8+$0xFFFFFF90]  }
0x653: {  	s6 =	sadd.s32 $0x8, s6;
	v7 =	vmov s26;
	v8 =	vmov s29;
	v2 =	vshll.u32 v2, v1;
	v11 =	vld [tilespmem:s8+$0xFFFFFFA0]  }
0x654: {  	v9 =	vmov s6;
	v3 =	vshrl.u32 v3, $0x3;
	v2 =	vadd.s32 $0x7, v2;
	v13 =	vld [tilespmem:s8+$0xFFFFFFB0]  }
0x655: {  	v4 =	vshrl.u32 v4, $0x3;
	v9 =	vshrl.u32 v9, $0x3;
	v2 =	vbroadcast v2, $0x0;
	v14 =	vld [tilespmem:s8+$0xFFFFFFC0]  }
0x656: {  	v5 =	vshrl.u32 v5, $0x3;
	v6 =	vshrl.u32 v6, $0x3;
	v9 =	vshll.u32 v9, v1;
	v20 =	vld [tilespmem:s8+$0x10]  }
0x657: {  	v7 =	vshrl.u32 v7, $0x3;
	v3 =	vshll.u32 v3, v1;
	v9 =	vbroadcast v9, $0x0;
	v26 =	vld [tilespmem:s8+$0x20]  }
0x658: {  	v8 =	vshrl.u32 v8, $0x3;
	v4 =	vshll.u32 v4, v1;
	v3 =	vadd.s32 $0x1, v3;
	v28 =	vld [tilespmem:s8+$0x30]  }
0x659: {  	v6 =	vshll.u32 v6, v1;
	v4 =	vadd.s32 $0x2, v4;
	v3 =	vbroadcast v3, $0x0;
	v29 =	vld [tilespmem:s8+$0x40]  }
0x65a: {  	v7 =	vshll.u32 v7, v1;
	v6 =	vadd.s32 $0x4, v6;
	v4 =	vbroadcast v4, $0x0;
	v30 =	vld [tilespmem:s8+$0x50]  }
0x65b: {  	v7 =	vadd.s32 $0x5, v7;
	v6 =	vbroadcast v6, $0x0;
	v10 =	vld.idx.msk [tilespmem:v2+s20+$0x0], $0xffff;
	v2 =	vshll.u32 v5, v1  }
0x65c: {  	v8 =	vshll.u32 v8, v1;
	v7 =	vbroadcast v7, $0x0;
	v31 =	vld [tilespmem:s8+$0x60];
	v2 =	vadd.s32 $0x3, v2  }
0x65d: {  	v8 =	vadd.s32 $0x6, v8;
	v24 =	vld.idx.msk [tilespmem:v9+s20+$0x0], $0xffff;
	v2 =	vbroadcast v2, $0x0  }
0x65e: {  	v8 =	vbroadcast v8, $0x0;
	s0 =	sadd.s32 $0x0, s1;
	v5 =	vld [tilespmem:s8+$0x70]  }
0x65f: {  	s22 =	sadd.s32 $0xB, s0;
	s26 =	sadd.s32 $0xD, s0;
	v3 =	vld.idx.msk [tilespmem:v3+s20+$0x0], $0xffff  }
0x660: {  	v17 =	vmov s22;
	v25 =	vmov s26;
	v15 =	vld.idx.msk [tilespmem:v4+s20+$0x0], $0xffff  }
0x661: {  	s29 =	sadd.s32 $0xE, s0;
	v17 =	vshrl.u32 v17, $0x3;
	v25 =	vshrl.u32 v25, $0x3;
	v6 =	vld.idx.msk [tilespmem:v6+s20+$0x0], $0xffff  }
0x662: {  	s9 =	sadd.s32 $0xF, s0;
	v27 =	vmov s29;
	v17 =	vshll.u32 v17, v1;
	v25 =	vshll.u32 v25, v1;
	v19 =	vld.idx.msk [tilespmem:v7+s20+$0x0], $0xffff  }
0x663: {  	v12 =	vmul.f32 v12, v24;
	v4 =	vmul.f32 v5, v10;
	v18 =	vld.idx.msk [tilespmem:v2+s20+$0x0], $0xffff;
	v2 =	vmov s9  }
0x664: {  	s14 =	sadd.s32 $0x9, s0;
	v23 =	vld.idx.msk [tilespmem:v8+s20+$0x0], $0xffff;
	v5 =	vmul.f32 v11, v3;
	v9 =	vmul.f32 v13, v3;
	v2 =	vshrl.u32 v2, $0x3  }
0x665: {  	s21 =	sadd.s32 $0xA, s0;
	v7 =	vld [tilespmem:s8+$0xFFFFFFD0];
	v3 =	vmov s14;
	v16 =	vmul.f32 v14, v15;
	v2 =	vshll.u32 v2, v1  }
0x666: {  	v8 =	vld [tilespmem:s8+$0xFFFFFFE0];
	v14 =	vmov s21;
	v3 =	vshrl.u32 v3, $0x3;
	v2 =	vadd.s32 $0x7, v2  }
0x667: {  	v11 =	vld [tilespmem:s8+$0xFFFFFFF0];
	v14 =	vshrl.u32 v14, $0x3;
	[tilespmem:s8+$0x70] =	vst v4;
	v4 =	vshrl.u32 v27, $0x3;
	s9 =	sadd.s32 $0xC, s0;
	v2 =	vbroadcast v2, $0x0  }
0x668: {  	v13 =	vld [tilespmem:s8+$0x0];
	v3 =	vshll.u32 v3, v1;
	v14 =	vshll.u32 v14, v1;
	v21 =	vmov s9;
	s9 =	simm.s32 $0x104E0  }
0x669: {  	[tilespmem:s8+$0xFFFFFFA0] =	vst v5;
	v5 =	vadd.s32 $0x5, v25;
	v3 =	vadd.s32 $0x1, v3;
	v32 =	vshll.u32 v4, v1;
	v34 =	vld [tilespmem:s9+$0x70]  }
0x66a: {  	v4 =	vadd.s32 $0x2, v14;
	v61 =	vbroadcast v5, $0x0;
	v33 =	vbroadcast v3, $0x0;
	v3 =	vld [tilespmem:s9+$0xFFFFFF80]  }
0x66b: {  	v14 =	vadd.s32 $0x3, v17;
	v35 =	vbroadcast v4, $0x0;
	v21 =	vshrl.u32 v21, $0x3;
	v4 =	vld [tilespmem:s9+$0xFFFFFF90]  }
0x66c: {  	v63 =	vmul.f32 v20, v6;
	s0 =	sadd.s32 $0x8, s0;
	v60 =	vbroadcast v14, $0x0;
	v14 =	vld [tilespmem:s9+$0xFFFFFFA0];
	v21 =	vshll.u32 v21, v1  }
0x66d: {  	[tilespmem:s8+$0xFFFFFFB0] =	vst v9;
	v5 =	vmul.f32 v7, v15;
	v59 =	vmov s0;
	v17 =	vadd.s32 $0x4, v21;
	v2 =	vld.idx.msk [tilespmem:v2+s20+$0x0], $0xffff  }
0x66e: {  	[tilespmem:s8+$0xFFFFFFC0] =	vst v16;
	v9 =	vadd.s32 $0x6, v32;
	v27 =	vshrl.u32 v59, $0x3;
	v16 =	vld [tilespmem:s9+$0xFFFFFFB0];
	v36 =	vbroadcast v17, $0x0  }
0x66f: {  	[tilespmem:s8+$0x10] =	vst v63;
	v15 =	vld [tilespmem:s9+$0xFFFFFFC0];
	v62 =	vmul.f32 v13, v6;
	v7 =	vshll.u32 v27, v1;
	v17 =	vbroadcast v9, $0x0  }
0x670: {  	[tilespmem:s8+$0xFFFFFFD0] =	vst v5;
	v8 =	vmul.f32 v8, v18;
	v9 =	vbroadcast v7, $0x0;
	v6 =	vld.idx.msk [tilespmem:v61+s20+$0x0], $0xffff  }
0x671: {  	v20 =	vmul.f32 v28, v19;
	[tilespmem:s8+$0x0] =	vst v62;
	v11 =	vmul.f32 v11, v18;
	v18 =	vld.idx.msk [tilespmem:v33+s20+$0x0], $0xffff  }
0x672: {  	v13 =	vmul.f32 v30, v23;
	[tilespmem:s8+$0xFFFFFFE0] =	vst v8;
	v7 =	vld.idx.msk [tilespmem:v35+s20+$0x0], $0xffff;
	v5 =	vmul.f32 v34, v2  }
0x673: {  	v21 =	vmul.f32 v26, v19;
	v19 =	vmul.f32 v29, v23;
	v8 =	vld.idx.msk [tilespmem:v60+s20+$0x0], $0xffff;
	[tilespmem:s8+$0xFFFFFFF0] =	vst v11  }
0x674: {  	s0 =	simm.s32 $0x8;
	v11 =	vmul.f32 v31, v10;
	v10 =	vmul.f32 v22, v24;
	[tilespmem:s9+$0x70] =	vst v5;
	v5 =	vld.idx.msk [tilespmem:v36+s20+$0x0], $0xffff  }
.LBB2_59:
0x675: {  	s5 =	sadd.s32 s0, s1;
	s0 =	sadd.s32 $0x8, s0;
	v22 =	vld.idx.msk [tilespmem:v17+s20+$0x0], $0xffff;
	[tilespmem:s8+$0x20] =	vst v21  }
0x676: {  	s6 =	sadd.s32 $0x9, s5;
	s14 =	sadd.s32 $0xF, s5;
	p3 =	slt.u32 s0, $0x188;
	v23 =	vld.idx.msk [tilespmem:v9+s20+$0x0], $0xffff;
	v9 =	vmul.f32 v14, v18;
	v14 =	vmul.f32 v16, v18;
	[tilespmem:s8+$0x30] =	vst v20  }
0x677: {  	s21 =	sadd.s32 $0xB, s5;
	s22 =	sadd.s32 $0xC, s5;
	v15 =	vmul.f32 v15, v7;
	v16 =	vmov s6;
	s6 =	sadd.s32 $0xA, s5;
	v17 =	vmov s14;
	v18 =	vld [tilespmem:s9+$0xFFFFFFD0];
	[tilespmem:s8+$0x40] =	vst v19  }
0x678: {  	s14 =	sadd.s32 $0x8, s5;
	v20 =	vmov s21;
	v19 =	vmov s6;
	s6 =	sadd.s32 $0xD, s5;
	s5 =	sadd.s32 $0xE, s5;
	v17 =	vshrl.u32 v17, $0x3;
	[tilespmem:s9+$0xFFFFFFA0] =	vst v9;
	v21 =	vld [tilespmem:s9+$0xFFFFFFE0]  }
0x679: {  	v9 =	vmov s22;
	v24 =	vmov s6;
	v17 =	vshll.u32 v17, v1;
	[tilespmem:s9+$0xFFFFFFB0] =	vst v14;
	v25 =	vld [tilespmem:s9+$0xFFFFFFF0]  }
0x67a: {  	v14 =	vshrl.u32 v16, $0x3;
	v16 =	vmov s5;
	v17 =	vadd.s32 $0x7, v17;
	[tilespmem:s9+$0xFFFFFFC0] =	vst v15;
	v26 =	vld [tilespmem:s9+$0x0]  }
0x67b: {  	v15 =	vshrl.u32 v19, $0x3;
	v19 =	vshrl.u32 v20, $0x3;
	v17 =	vbroadcast v17, $0x0;
	v20 =	vld [tilespmem:s9+$0x10];
	[tilespmem:s8+$0x50] =	vst v13  }
0x67c: {  	v9 =	vshrl.u32 v9, $0x3;
	v16 =	vshrl.u32 v16, $0x3;
	v13 =	vshrl.u32 v24, $0x3;
	v24 =	vld [tilespmem:s9+$0x20];
	[tilespmem:s8+$0x60] =	vst v11  }
0x67d: {  	v14 =	vshll.u32 v14, v1;
	v15 =	vshll.u32 v15, v1;
	v11 =	vmov s14;
	v27 =	vld [tilespmem:s9+$0x30];
	[tilespmem:s8+$0xFFFFFF80] =	vst v12  }
0x67e: {  	v9 =	vshll.u32 v9, v1;
	v13 =	vshll.u32 v13, v1;
	v12 =	vshll.u32 v19, v1;
	v19 =	vld [tilespmem:s9+$0x40];
	[tilespmem:s8+$0xFFFFFF90] =	vst v10;
	s8 =	smov.u32 s9  }
0x67f: {  	v10 =	vshrl.u32 v11, $0x3;
	v11 =	vadd.s32 $0x1, v14;
	v14 =	vshll.u32 v16, v1;
	v28 =	vld [tilespmem:s9+$0x50]  }
0x680: {  	v9 =	vadd.s32 $0x4, v9;
	v15 =	vadd.s32 $0x2, v15;
	v12 =	vadd.s32 $0x3, v12;
	v29 =	vld [tilespmem:s9+$0x60]  }
0x681: {  	v13 =	vadd.s32 $0x5, v13;
	v10 =	vshll.u32 v10, v1;
	v14 =	vadd.s32 $0x6, v14;
	s9 =	sadd.s32 $0x100, s9;
	v30 =	vld.idx.msk [tilespmem:v17+s20+$0x0], $0xffff  }
0x682: {  	v31 =	vbroadcast v15, $0x0;
	v11 =	vbroadcast v11, $0x0;
	v32 =	vld [tilespmem:s9+$0x70]  }
0x683: {  	v34 =	vbroadcast v9, $0x0;
	v12 =	vbroadcast v12, $0x0;
	v33 =	vld [tilespmem:s9+$0xFFFFFF80]  }
0x684: {  	v36 =	vbroadcast v13, $0x0;
	v17 =	vbroadcast v14, $0x0;
	v35 =	vld [tilespmem:s9+$0xFFFFFF90]  }
0x685: {  	v7 =	vmul.f32 v18, v7;
	v9 =	vbroadcast v10, $0x0;
	v14 =	vld [tilespmem:s9+$0xFFFFFFA0]  }
0x686: {  	v13 =	vmul.f32 v25, v8;
	v10 =	vmul.f32 v21, v8;
	v16 =	vld [tilespmem:s9+$0xFFFFFFB0]  }
0x687: {  	v25 =	vmul.f32 v26, v5;
	v15 =	vld [tilespmem:s9+$0xFFFFFFC0];
	v8 =	vmul.f32 v32, v30;
	[tilespmem:s8+$0xFFFFFFD0] =	vst v7  }
.Ltmp39:
0x688: {  	v26 =	vmul.f32 v20, v5;
	v21 =	vmul.f32 v24, v6;
	v18 =	vld.idx.msk [tilespmem:v11+s20+$0x0], $0xffff;
	[tilespmem:s8+$0xFFFFFFE0] =	vst v10;
	(pc) =	sbr.rel @p3 .LBB2_59-.Ltmp39, $4  }
0x689: {  	v20 =	vmul.f32 v27, v6;
	v19 =	vmul.f32 v19, v22;
	v7 =	vld.idx.msk [tilespmem:v31+s20+$0x0], $0xffff;
	[tilespmem:s9+$0x70] =	vst v8  }
0x68a: {  	v11 =	vmul.f32 v29, v2;
	v2 =	vmov v30;
	v8 =	vld.idx.msk [tilespmem:v12+s20+$0x0], $0xffff;
	[tilespmem:s8+$0xFFFFFFF0] =	vst v13;
	v13 =	vmul.f32 v28, v22  }
0x68b: {  	v10 =	vmul.f32 v4, v23;
	v12 =	vmul.f32 v3, v23;
	v3 =	vmov v33;
	v5 =	vld.idx.msk [tilespmem:v34+s20+$0x0], $0xffff;
	[tilespmem:s8+$0x0] =	vst v25  }
0x68c: {  	v4 =	vmov v35;
	v6 =	vld.idx.msk [tilespmem:v36+s20+$0x0], $0xffff;
	[tilespmem:s8+$0x10] =	vst v26  }
0x68d: {  	_ =	sdelay $0x1  }
0x68e: {  	[tilespmem:s8+$0x20] =	vst v21  }
0x68f: {  	[tilespmem:s8+$0x30] =	vst v20  }
0x690: {  	v17 =	vld.idx.msk [tilespmem:v17+s20+$0x0], $0xffff;
	[tilespmem:s8+$0x40] =	vst v19  }
0x691: {  	v46 =	vld [tilespmem:s9+$0xFFFFFFD0];
	[tilespmem:s8+$0x50] =	vst v13  }
0x692: {  	v47 =	vld [tilespmem:s9+$0xFFFFFFE0];
	[tilespmem:s8+$0x60] =	vst v11  }
0x693: {  	v14 =	vmul.f32 v14, v18;
	v48 =	vld [tilespmem:s9+$0xFFFFFFF0];
	[tilespmem:s8+$0xFFFFFF80] =	vst v12  }
0x694: {  	v16 =	vmul.f32 v16, v18;
	v49 =	vld [tilespmem:s9+$0x0];
	[tilespmem:s8+$0xFFFFFF90] =	vst v10  }
0x695: {  	v50 =	vld [tilespmem:s9+$0x10];
	v15 =	vmul.f32 v15, v7;
	[tilespmem:s9+$0xFFFFFFA0] =	vst v14  }
0x696: {  	v51 =	vld [tilespmem:s9+$0x20];
	[tilespmem:s9+$0xFFFFFFB0] =	vst v16;
	v52 =	vmul.f32 v46, v7  }
0x697: {  	v53 =	vld [tilespmem:s9+$0x30];
	[tilespmem:s9+$0xFFFFFFC0] =	vst v15;
	v54 =	vmul.f32 v47, v8  }
0x698: {  	v55 =	vld [tilespmem:s9+$0x40];
	v56 =	vmul.f32 v48, v8;
	[tilespmem:s9+$0xFFFFFFD0] =	vst v52  }
0x699: {  	v57 =	vld [tilespmem:s9+$0x50];
	v15 =	vmul.f32 v49, v5;
	[tilespmem:s9+$0xFFFFFFE0] =	vst v54  }
0x69a: {  	v58 =	vld [tilespmem:s9+$0x60];
	v59 =	vmul.f32 v50, v5;
	[tilespmem:s9+$0xFFFFFFF0] =	vst v56  }
0x69b: {  	v60 =	vld.idx.msk [tilespmem:v9+s20+$0x0], $0xffff;
	v61 =	vmul.f32 v51, v6;
	[tilespmem:s9+$0x0] =	vst v15  }
0x69c: {  	v62 =	vmul.f32 v53, v6;
	[tilespmem:s9+$0x10] =	vst v59  }
0x69d: {  	v63 =	vmul.f32 v55, v17;
	[tilespmem:s9+$0x20] =	vst v61  }
0x69e: {  	v7 =	vmul.f32 v57, v17;
	[tilespmem:s9+$0x30] =	vst v62  }
0x69f: {  	s8 =	smul.u32 $0xC80, s18;
	v2 =	vmul.f32 v58, v2;
	[tilespmem:s9+$0x40] =	vst v63  }
.Ltmp40:
0x6a0: {  	v3 =	vmul.f32 v3, v60;
	[tilespmem:s9+$0x50] =	vst v7;
	(pc) =	sbr.rel @p2 .LBB2_64-.Ltmp40, $4  }
0x6a1: {  	v4 =	vmul.f32 v4, v60;
	[tilespmem:s9+$0x60] =	vst v2  }
0x6a2: {  	s0 =	sshra.s32 s8, $0x2;
	[tilespmem:s9+$0xFFFFFF80] =	vst v3  }
0x6a3: {  	s0 =	sadd.s32 $0x7530, s0;
	[tilespmem:s9+$0xFFFFFF90] =	vst v4  }
0x6a4: {  	[spmem:s2] =	stream.indirect.scatter.add.f32 [tilespmem:s19], [sflag:$0x1], $0x20, s0, s17, $0xb8;
	[tilespmem:$0x1F590] =	vst v63  }
0x6a5: {  	s0 =	sadd.s32 $0xFFFFFFF8, s1;
	_ =	swait.ge [sflag:s25], $0x3200  }
0x6a6: {  	s5 =	sadd.s32 $0x19F, s0;
	s9 =	sadd.s32 $0x19C, s0;
	[sflag:s25] =	ssyncset.done $0x0  }
0x6a7: {  	s21 =	sadd.s32 $0x199, s0;
	v6 =	vmov s9;
	[sflag:s25] =	ssyncadd.s32 $0xFFFFCE00;
	s9 =	simm.s32 $0x135E0  }
0x6a8: {  	s22 =	sadd.s32 $0x19A, s0;
	s6 =	sadd.s32 $0x19B, s0;
	v2 =	vmov s5;
	v3 =	vmov s21;
	v12 =	vld [tilespmem:s9+$0xFFFFFF80]  }
0x6a9: {  	s26 =	sadd.s32 $0x19D, s0;
	s29 =	sadd.s32 $0x19E, s0;
	v4 =	vmov s22;
	v5 =	vmov s6;
	v2 =	vshrl.u32 v2, $0x3;
	v22 =	vld [tilespmem:s9+$0xFFFFFF90]  }
0x6aa: {  	s0 =	sadd.s32 $0x198, s0;
	v7 =	vmov s26;
	v8 =	vmov s29;
	v11 =	vld [tilespmem:s9+$0xFFFFFFA0];
	v2 =	vshll.u32 v2, v1  }
0x6ab: {  	v9 =	vmov s0;
	v3 =	vshrl.u32 v3, $0x3;
	v13 =	vld [tilespmem:s9+$0xFFFFFFB0];
	v2 =	vadd.s32 $0x7, v2  }
0x6ac: {  	v4 =	vshrl.u32 v4, $0x3;
	v9 =	vshrl.u32 v9, $0x3;
	v14 =	vld [tilespmem:s9+$0xFFFFFFC0];
	v2 =	vbroadcast v2, $0x0  }
0x6ad: {  	v5 =	vshrl.u32 v5, $0x3;
	v6 =	vshrl.u32 v6, $0x3;
	v20 =	vld [tilespmem:s9+$0x10];
	v9 =	vshll.u32 v9, v1  }
0x6ae: {  	v7 =	vshrl.u32 v7, $0x3;
	v26 =	vld [tilespmem:s9+$0x20];
	v3 =	vshll.u32 v3, v1;
	v9 =	vbroadcast v9, $0x0  }
0x6af: {  	v8 =	vshrl.u32 v8, $0x3;
	v28 =	vld [tilespmem:s9+$0x30];
	v4 =	vshll.u32 v4, v1;
	v3 =	vadd.s32 $0x1, v3  }
0x6b0: {  	v29 =	vld [tilespmem:s9+$0x40];
	v6 =	vshll.u32 v6, v1;
	v4 =	vadd.s32 $0x2, v4;
	v3 =	vbroadcast v3, $0x0  }
0x6b1: {  	v30 =	vld [tilespmem:s9+$0x50];
	v7 =	vshll.u32 v7, v1;
	v6 =	vadd.s32 $0x4, v6;
	v4 =	vbroadcast v4, $0x0  }
0x6b2: {  	v7 =	vadd.s32 $0x5, v7;
	v6 =	vbroadcast v6, $0x0;
	v10 =	vld.idx.msk [tilespmem:v2+s20+$0x0], $0xffff;
	v2 =	vshll.u32 v5, v1  }
0x6b3: {  	v31 =	vld [tilespmem:s9+$0x60];
	v8 =	vshll.u32 v8, v1;
	v7 =	vbroadcast v7, $0x0;
	v2 =	vadd.s32 $0x3, v2  }
0x6b4: {  	v8 =	vadd.s32 $0x6, v8;
	v24 =	vld.idx.msk [tilespmem:v9+s20+$0x0], $0xffff;
	v2 =	vbroadcast v2, $0x0  }
0x6b5: {  	s0 =	sadd.s32 $0x0, s1;
	v8 =	vbroadcast v8, $0x0;
	v5 =	vld [tilespmem:s9+$0x70]  }
0x6b6: {  	s22 =	sadd.s32 $0x19B, s0;
	s26 =	sadd.s32 $0x19D, s0;
	v3 =	vld.idx.msk [tilespmem:v3+s20+$0x0], $0xffff  }
0x6b7: {  	v17 =	vmov s22;
	v25 =	vmov s26;
	v15 =	vld.idx.msk [tilespmem:v4+s20+$0x0], $0xffff  }
0x6b8: {  	s29 =	sadd.s32 $0x19E, s0;
	v17 =	vshrl.u32 v17, $0x3;
	v25 =	vshrl.u32 v25, $0x3;
	v6 =	vld.idx.msk [tilespmem:v6+s20+$0x0], $0xffff  }
0x6b9: {  	s6 =	sadd.s32 $0x19F, s0;
	v27 =	vmov s29;
	v17 =	vshll.u32 v17, v1;
	v25 =	vshll.u32 v25, v1;
	v19 =	vld.idx.msk [tilespmem:v7+s20+$0x0], $0xffff  }
0x6ba: {  	v12 =	vmul.f32 v12, v24;
	v4 =	vmul.f32 v5, v10;
	v18 =	vld.idx.msk [tilespmem:v2+s20+$0x0], $0xffff;
	v2 =	vmov s6  }
0x6bb: {  	s14 =	sadd.s32 $0x199, s0;
	v23 =	vld.idx.msk [tilespmem:v8+s20+$0x0], $0xffff;
	v5 =	vmul.f32 v11, v3;
	v9 =	vmul.f32 v13, v3;
	v2 =	vshrl.u32 v2, $0x3  }
0x6bc: {  	s21 =	sadd.s32 $0x19A, s0;
	v7 =	vld [tilespmem:s9+$0xFFFFFFD0];
	v3 =	vmov s14;
	v16 =	vmul.f32 v14, v15;
	v2 =	vshll.u32 v2, v1  }
0x6bd: {  	v8 =	vld [tilespmem:s9+$0xFFFFFFE0];
	s14 =	sadd.s32 $0x19C, s0;
	v14 =	vmov s21;
	v63 =	vmul.f32 v20, v6;
	v2 =	vadd.s32 $0x7, v2  }
0x6be: {  	v11 =	vld [tilespmem:s9+$0xFFFFFFF0];
	v21 =	vmov s14;
	v3 =	vshrl.u32 v3, $0x3;
	v2 =	vbroadcast v2, $0x0  }
0x6bf: {  	v13 =	vld [tilespmem:s9+$0x0];
	v14 =	vshrl.u32 v14, $0x3;
	s14 =	simm.s32 $0x136E0;
	v21 =	vshrl.u32 v21, $0x3;
	[tilespmem:s9+$0x70] =	vst v4;
	v4 =	vshrl.u32 v27, $0x3  }
0x6c0: {  	v3 =	vshll.u32 v3, v1;
	v14 =	vshll.u32 v14, v1;
	v34 =	vld [tilespmem:s14+$0x70];
	[tilespmem:s9+$0xFFFFFFA0] =	vst v5;
	v5 =	vadd.s32 $0x5, v25  }
0x6c1: {  	[tilespmem:s9+$0xFFFFFFC0] =	vst v16;
	v16 =	vld [tilespmem:s14+$0xFFFFFFB0];
	v3 =	vadd.s32 $0x1, v3;
	v32 =	vshll.u32 v4, v1;
	v61 =	vbroadcast v5, $0x0  }
0x6c2: {  	v4 =	vadd.s32 $0x2, v14;
	v5 =	vmul.f32 v7, v15;
	v15 =	vld [tilespmem:s14+$0xFFFFFFC0];
	v33 =	vbroadcast v3, $0x0  }
0x6c3: {  	s0 =	sadd.s32 $0x198, s0;
	v21 =	vshll.u32 v21, v1;
	v14 =	vadd.s32 $0x3, v17;
	v35 =	vbroadcast v4, $0x0;
	v3 =	vld [tilespmem:s14+$0xFFFFFF80]  }
0x6c4: {  	v59 =	vmov s0;
	v17 =	vadd.s32 $0x4, v21;
	v60 =	vbroadcast v14, $0x0;
	v2 =	vld.idx.msk [tilespmem:v2+s20+$0x0], $0xffff  }
0x6c5: {  	v27 =	vshrl.u32 v59, $0x3;
	[tilespmem:s9+$0xFFFFFFB0] =	vst v9;
	v4 =	vld [tilespmem:s14+$0xFFFFFF90];
	v9 =	vadd.s32 $0x6, v32;
	v36 =	vbroadcast v17, $0x0  }
0x6c6: {  	[tilespmem:s9+$0x10] =	vst v63;
	v7 =	vshll.u32 v27, v1;
	v14 =	vld [tilespmem:s14+$0xFFFFFFA0];
	v17 =	vbroadcast v9, $0x0;
	v62 =	vmul.f32 v13, v6  }
0x6c7: {  	v9 =	vbroadcast v7, $0x0;
	[tilespmem:s9+$0xFFFFFFD0] =	vst v5;
	v8 =	vmul.f32 v8, v18;
	v6 =	vld.idx.msk [tilespmem:v61+s20+$0x0], $0xffff  }
0x6c8: {  	v20 =	vmul.f32 v28, v19;
	[tilespmem:s9+$0x0] =	vst v62;
	v11 =	vmul.f32 v11, v18;
	v18 =	vld.idx.msk [tilespmem:v33+s20+$0x0], $0xffff  }
0x6c9: {  	v21 =	vmul.f32 v26, v19;
	[tilespmem:s9+$0xFFFFFFE0] =	vst v8;
	v7 =	vld.idx.msk [tilespmem:v35+s20+$0x0], $0xffff;
	v5 =	vmul.f32 v34, v2  }
0x6ca: {  	v19 =	vmul.f32 v29, v23;
	v13 =	vmul.f32 v30, v23;
	v8 =	vld.idx.msk [tilespmem:v60+s20+$0x0], $0xffff;
	[tilespmem:s9+$0xFFFFFFF0] =	vst v11  }
0x6cb: {  	s0 =	simm.s32 $0x8;
	v11 =	vmul.f32 v31, v10;
	v10 =	vmul.f32 v22, v24;
	[tilespmem:s14+$0x70] =	vst v5;
	v5 =	vld.idx.msk [tilespmem:v36+s20+$0x0], $0xffff  }
.LBB2_62:
0x6cc: {  	s5 =	sadd.s32 s0, s1;
	s0 =	sadd.s32 $0x8, s0;
	v22 =	vld.idx.msk [tilespmem:v17+s20+$0x0], $0xffff;
	[tilespmem:s9+$0x20] =	vst v21  }
0x6cd: {  	s6 =	sadd.s32 $0x199, s5;
	s21 =	sadd.s32 $0x19F, s5;
	p3 =	slt.u32 s0, $0x188;
	v23 =	vld.idx.msk [tilespmem:v9+s20+$0x0], $0xffff;
	v9 =	vmul.f32 v14, v18;
	v14 =	vmul.f32 v16, v18;
	[tilespmem:s9+$0x30] =	vst v20  }
0x6ce: {  	s22 =	sadd.s32 $0x19B, s5;
	s26 =	sadd.s32 $0x19C, s5;
	v15 =	vmul.f32 v15, v7;
	v16 =	vmov s6;
	s6 =	sadd.s32 $0x19A, s5;
	v17 =	vmov s21;
	v18 =	vld [tilespmem:s14+$0xFFFFFFD0];
	[tilespmem:s9+$0x40] =	vst v19  }
0x6cf: {  	s21 =	sadd.s32 $0x198, s5;
	v20 =	vmov s22;
	v19 =	vmov s6;
	s6 =	sadd.s32 $0x19D, s5;
	s5 =	sadd.s32 $0x19E, s5;
	v17 =	vshrl.u32 v17, $0x3;
	[tilespmem:s14+$0xFFFFFFA0] =	vst v9;
	v21 =	vld [tilespmem:s14+$0xFFFFFFE0]  }
0x6d0: {  	v9 =	vmov s26;
	v24 =	vmov s6;
	v17 =	vshll.u32 v17, v1;
	[tilespmem:s14+$0xFFFFFFB0] =	vst v14;
	v25 =	vld [tilespmem:s14+$0xFFFFFFF0]  }
0x6d1: {  	v14 =	vshrl.u32 v16, $0x3;
	v16 =	vmov s5;
	v17 =	vadd.s32 $0x7, v17;
	[tilespmem:s14+$0xFFFFFFC0] =	vst v15;
	v26 =	vld [tilespmem:s14+$0x0]  }
0x6d2: {  	v15 =	vshrl.u32 v19, $0x3;
	v19 =	vshrl.u32 v20, $0x3;
	v17 =	vbroadcast v17, $0x0;
	v20 =	vld [tilespmem:s14+$0x10];
	[tilespmem:s9+$0x50] =	vst v13  }
0x6d3: {  	v9 =	vshrl.u32 v9, $0x3;
	v16 =	vshrl.u32 v16, $0x3;
	v13 =	vshrl.u32 v24, $0x3;
	v24 =	vld [tilespmem:s14+$0x20];
	[tilespmem:s9+$0x60] =	vst v11  }
0x6d4: {  	v14 =	vshll.u32 v14, v1;
	v15 =	vshll.u32 v15, v1;
	v11 =	vmov s21;
	v27 =	vld [tilespmem:s14+$0x30];
	[tilespmem:s9+$0xFFFFFF80] =	vst v12  }
0x6d5: {  	v9 =	vshll.u32 v9, v1;
	v13 =	vshll.u32 v13, v1;
	v12 =	vshll.u32 v19, v1;
	v19 =	vld [tilespmem:s14+$0x40];
	[tilespmem:s9+$0xFFFFFF90] =	vst v10;
	s9 =	smov.u32 s14  }
0x6d6: {  	v10 =	vshrl.u32 v11, $0x3;
	v11 =	vadd.s32 $0x1, v14;
	v14 =	vshll.u32 v16, v1;
	v28 =	vld [tilespmem:s14+$0x50]  }
0x6d7: {  	v9 =	vadd.s32 $0x4, v9;
	v15 =	vadd.s32 $0x2, v15;
	v12 =	vadd.s32 $0x3, v12;
	v29 =	vld [tilespmem:s14+$0x60]  }
0x6d8: {  	v13 =	vadd.s32 $0x5, v13;
	v10 =	vshll.u32 v10, v1;
	v14 =	vadd.s32 $0x6, v14;
	s14 =	sadd.s32 $0x100, s14;
	v30 =	vld.idx.msk [tilespmem:v17+s20+$0x0], $0xffff  }
0x6d9: {  	v31 =	vbroadcast v15, $0x0;
	v11 =	vbroadcast v11, $0x0;
	v32 =	vld [tilespmem:s14+$0x70]  }
0x6da: {  	v34 =	vbroadcast v9, $0x0;
	v12 =	vbroadcast v12, $0x0;
	v33 =	vld [tilespmem:s14+$0xFFFFFF80]  }
0x6db: {  	v36 =	vbroadcast v13, $0x0;
	v17 =	vbroadcast v14, $0x0;
	v35 =	vld [tilespmem:s14+$0xFFFFFF90]  }
0x6dc: {  	v7 =	vmul.f32 v18, v7;
	v9 =	vbroadcast v10, $0x0;
	v14 =	vld [tilespmem:s14+$0xFFFFFFA0]  }
0x6dd: {  	v13 =	vmul.f32 v25, v8;
	v10 =	vmul.f32 v21, v8;
	v16 =	vld [tilespmem:s14+$0xFFFFFFB0]  }
0x6de: {  	v25 =	vmul.f32 v26, v5;
	v15 =	vld [tilespmem:s14+$0xFFFFFFC0];
	v8 =	vmul.f32 v32, v30;
	[tilespmem:s9+$0xFFFFFFD0] =	vst v7  }
.Ltmp41:
0x6df: {  	v26 =	vmul.f32 v20, v5;
	v21 =	vmul.f32 v24, v6;
	v18 =	vld.idx.msk [tilespmem:v11+s20+$0x0], $0xffff;
	[tilespmem:s9+$0xFFFFFFE0] =	vst v10;
	(pc) =	sbr.rel @p3 .LBB2_62-.Ltmp41, $4  }
0x6e0: {  	v20 =	vmul.f32 v27, v6;
	v19 =	vmul.f32 v19, v22;
	v7 =	vld.idx.msk [tilespmem:v31+s20+$0x0], $0xffff;
	[tilespmem:s14+$0x70] =	vst v8  }
0x6e1: {  	v11 =	vmul.f32 v29, v2;
	v2 =	vmov v30;
	v8 =	vld.idx.msk [tilespmem:v12+s20+$0x0], $0xffff;
	[tilespmem:s9+$0xFFFFFFF0] =	vst v13;
	v13 =	vmul.f32 v28, v22  }
0x6e2: {  	v10 =	vmul.f32 v4, v23;
	v12 =	vmul.f32 v3, v23;
	v3 =	vmov v33;
	v5 =	vld.idx.msk [tilespmem:v34+s20+$0x0], $0xffff;
	[tilespmem:s9+$0x0] =	vst v25  }
0x6e3: {  	v4 =	vmov v35;
	v6 =	vld.idx.msk [tilespmem:v36+s20+$0x0], $0xffff;
	[tilespmem:s9+$0x10] =	vst v26  }
0x6e4: {  	_ =	sdelay $0x1  }
0x6e5: {  	[tilespmem:s9+$0x20] =	vst v21  }
0x6e6: {  	[tilespmem:s9+$0x30] =	vst v20  }
0x6e7: {  	v17 =	vld.idx.msk [tilespmem:v17+s20+$0x0], $0xffff;
	[tilespmem:s9+$0x40] =	vst v19  }
0x6e8: {  	v46 =	vld [tilespmem:s14+$0xFFFFFFD0];
	[tilespmem:s9+$0x50] =	vst v13  }
0x6e9: {  	v47 =	vld [tilespmem:s14+$0xFFFFFFE0];
	[tilespmem:s9+$0x60] =	vst v11  }
0x6ea: {  	v14 =	vmul.f32 v14, v18;
	v48 =	vld [tilespmem:s14+$0xFFFFFFF0];
	[tilespmem:s9+$0xFFFFFF80] =	vst v12  }
0x6eb: {  	v16 =	vmul.f32 v16, v18;
	v49 =	vld [tilespmem:s14+$0x0];
	[tilespmem:s9+$0xFFFFFF90] =	vst v10  }
0x6ec: {  	v50 =	vld [tilespmem:s14+$0x10];
	v15 =	vmul.f32 v15, v7;
	[tilespmem:s14+$0xFFFFFFA0] =	vst v14  }
0x6ed: {  	v51 =	vld [tilespmem:s14+$0x20];
	[tilespmem:s14+$0xFFFFFFB0] =	vst v16;
	v52 =	vmul.f32 v46, v7  }
0x6ee: {  	v53 =	vld [tilespmem:s14+$0x30];
	[tilespmem:s14+$0xFFFFFFC0] =	vst v15;
	v54 =	vmul.f32 v47, v8  }
0x6ef: {  	v55 =	vld [tilespmem:s14+$0x40];
	v56 =	vmul.f32 v48, v8;
	[tilespmem:s14+$0xFFFFFFD0] =	vst v52  }
0x6f0: {  	v57 =	vld [tilespmem:s14+$0x50];
	v15 =	vmul.f32 v49, v5;
	[tilespmem:s14+$0xFFFFFFE0] =	vst v54  }
0x6f1: {  	v58 =	vld [tilespmem:s14+$0x60];
	v59 =	vmul.f32 v50, v5;
	[tilespmem:s14+$0xFFFFFFF0] =	vst v56  }
0x6f2: {  	v60 =	vld.idx.msk [tilespmem:v9+s20+$0x0], $0xffff;
	v61 =	vmul.f32 v51, v6;
	[tilespmem:s14+$0x0] =	vst v15  }
0x6f3: {  	v62 =	vmul.f32 v53, v6;
	[tilespmem:s14+$0x10] =	vst v59  }
0x6f4: {  	v63 =	vmul.f32 v55, v17;
	[tilespmem:s14+$0x20] =	vst v61  }
0x6f5: {  	v7 =	vmul.f32 v57, v17;
	[tilespmem:s14+$0x30] =	vst v62  }
.Ltmp42:
0x6f6: {  	v2 =	vmul.f32 v58, v2;
	[tilespmem:s14+$0x40] =	vst v63;
	(pc) =	sbr.rel .LBB2_64-.Ltmp42, $4  }
0x6f7: {  	v3 =	vmul.f32 v3, v60;
	[tilespmem:s14+$0x50] =	vst v7  }
0x6f8: {  	v4 =	vmul.f32 v4, v60;
	[tilespmem:s14+$0x60] =	vst v2  }
0x6f9: {  	[tilespmem:s14+$0xFFFFFF80] =	vst v3  }
0x6fa: {  	[tilespmem:s14+$0xFFFFFF90] =	vst v4  }
.LBB2_66:
0x6fb: {  	_ =	sfence.sel $0x180000  }
0x6fc: {  	[bflag:$0x0] =	sbarrier.arrive $0xFFFF  }
0x6fd: {  	_ =	strace $0x90000047  }
0x6fe: {  	s0 =	stileid.u32;
	[bflag:$0x2] =	sbarrier.arrive $0xFFFF  }
0x6ff: {  	p0 =	sne.s32 s0, $0x0;
	s0 =	rddreg [dreg:$0x3]  }
0x700: {  	s0 =	sadd.s32 @!p0 $0x100000, s0  }
0x701: {  	[sflag:s0] =	ssyncadd.tile.s32 @!p0 $0x1;
	_ =	shalt  }
.Lfunc_end2:
_tile_overlayer_lowered:
.L_overlay_start_2:
0x702: {  	(tag) =	ssettag $0x2  }
0x703: {  	s0 =	rddreg [dreg:$0x0];
	s2 =	stileid.u32  }
0x704: {  	s1 =	rddreg [dreg:$0x1];
	p0 =	sne.s32 s2, $0x0  }
0x705: {  	s3 =	rddreg [dreg:$0x2];
	[bflag:$0x3] =	sbarrier.arrive $0xFFFF;
	s2 =	simm.s32 @!p0 $0x1C03  }
0x706: {  	[timem:s3], [sflag:s2] =	dma.local @!p0 [hbm:s0], s1  }
0x707: {  	s0 =	simm.s32 @!p0 $0x3  }
0x708: {  	_ =	swait.ge @!p0 [sflag:s0], s1  }
0x709: {  	s1 =	ssub.s32 @!p0 $0x0, s1;
	[sflag:s0] =	ssyncset.done @!p0 $0x0  }
0x70a: {  	[sflag:s0] =	ssyncadd.s32 @!p0 s1  }
0x70b: {  	[bflag:$0x3] =	sbarrier.arrive $0xFFFF  }
0x70c: {  	_ =	shalt  }

</sc_bundles>
